<compile_context>
chip_gen: v7x
topology: tpu7x:2x2x1
jax: 0.10.2.dev20260603
libtpu: 0.0.44.dev20260713+nightly
codegen_flags: <defaults>
</compile_context>

<pallas_src>
import functools

import jax
import jax.numpy as jnp
from jax import lax
from jax.experimental import pallas as pl
from jax.experimental.pallas import tpu as pltpu
from jax.experimental.pallas import tpu_sc as plsc

NC = 2
NS = 16
NW = NC * NS
CHUNK = 80


def _f32(v):
    return v.astype(jnp.float32)


def _bf(v):
    return v.astype(jnp.bfloat16)


def _dot(a, b):
    return jnp.dot(_bf(a), _bf(b), preferred_element_type=jnp.float32)


def _pre_body(x_ref, wi_ref, wj_ref, b0_ref, pi_ref, pj_ref):
    xb = x_ref[...]
    pi_ref[...] = _dot(xb, wi_ref[...]) + b0_ref[...]
    pj_ref[...] = _dot(xb, wj_ref[...])


def _precompute(x, w_i, w_j, b0, block):
    n, d = x.shape
    h = w_i.shape[1]
    grid = n // block
    return pl.pallas_call(
        _pre_body,
        grid=(grid,),
        in_specs=[
            pl.BlockSpec((block, d), lambda i: (i, 0)),
            pl.BlockSpec((d, h), lambda i: (0, 0)),
            pl.BlockSpec((d, h), lambda i: (0, 0)),
            pl.BlockSpec((1, h), lambda i: (0, 0)),
        ],
        out_specs=[
            pl.BlockSpec((block, h), lambda i: (i, 0)),
            pl.BlockSpec((block, h), lambda i: (i, 0)),
        ],
        out_shape=[
            jax.ShapeDtypeStruct((n, h), jnp.float32),
            jax.ShapeDtypeStruct((n, h), jnp.float32),
        ],
    )(x, w_i, w_j, b0)


def _gather_add(pi, pj, dst3, src3):
    n, h = pi.shape
    nw, chunks, c = dst3.shape
    assert nw == NW and c == CHUNK
    assert chunks % 2 == 1 and chunks >= 7
    e = nw * chunks * c
    per_w = chunks * c
    mesh = plsc.VectorSubcoreMesh(core_axis_name="c", subcore_axis_name="s")

    @functools.partial(
        pl.kernel,
        out_type=jax.ShapeDtypeStruct((e, h), jnp.float32),
        mesh=mesh,
        scratch_types=[
            pltpu.VMEM((chunks, c), jnp.int32),
            pltpu.VMEM((chunks, c), jnp.int32),
            pltpu.VMEM((2, c, h), jnp.float32),
            pltpu.VMEM((2, c, h), jnp.float32),
            pltpu.VMEM((2, c, h), jnp.float32),
            pltpu.SemaphoreType.DMA,
            pltpu.SemaphoreType.DMA,
            pltpu.SemaphoreType.DMA,
            pltpu.SemaphoreType.DMA,
            pltpu.SemaphoreType.DMA,
        ],
    )
    def k(pi_hbm, pj_hbm, dst_hbm, src_hbm, g_hbm, dst_sl, src_sl,
          a_v, b_v, s_v, gsem0, gsem1, ssem0, ssem1, isem):
        wid = lax.axis_index("s") * NC + lax.axis_index("c")
        base0 = wid * per_w
        gsems = (gsem0, gsem1)
        ssems = (ssem0, ssem1)

        cpi = pltpu.async_copy(dst_hbm.at[wid], dst_sl, isem)
        cps = pltpu.async_copy(src_hbm.at[wid], src_sl, isem)
        cpi.wait()
        cps.wait()

        def issue_gather(kk, si):
            pltpu.async_copy(pi_hbm.at[dst_sl.at[kk]], a_v.at[si], gsems[si])
            pltpu.async_copy(pj_hbm.at[src_sl.at[kk]], b_v.at[si], gsems[si])

        def do_chunk(kk, si, wait_store, issue_next):
            a_r = a_v.at[si]
            b_r = b_v.at[si]
            s_r = s_v.at[si]
            base = base0 + kk * c
            out_slice = g_hbm.at[pl.ds(base, c)]
            pltpu.make_async_copy(pi_hbm.at[dst_sl.at[kk]], a_r,
                                  gsems[si]).wait()
            pltpu.make_async_copy(pj_hbm.at[src_sl.at[kk]], b_r,
                                  gsems[si]).wait()
            if wait_store:
                pltpu.make_async_copy(s_r, out_slice, ssems[si]).wait()

            @plsc.parallel_loop(0, c)
            def _row(i):
                for j in range(h // 16):
                    sl = pl.ds(j * 16, 16)
                    s_r[i, sl] = a_r[i, sl] + b_r[i, sl]

            pltpu.async_copy(s_r, out_slice, ssems[si])
            if issue_next:
                issue_gather(kk + 2, si)

        issue_gather(0, 0)
        issue_gather(1, 1)
        do_chunk(0, 0, False, True)
        do_chunk(1, 1, False, True)

        @pl.loop(1, (chunks - 5) // 2 + 1)
        def _pair(t):
            do_chunk(2 * t, 0, True, True)
            do_chunk(2 * t + 1, 1, True, True)

        do_chunk(chunks - 3, 0, True, True)
        do_chunk(chunks - 2, 1, True, False)
        do_chunk(chunks - 1, 0, True, False)
        pltpu.make_async_copy(
            s_v.at[0], g_hbm.at[pl.ds(base0, c)], ssem0).wait()
        pltpu.make_async_copy(
            s_v.at[1], g_hbm.at[pl.ds(base0, c)], ssem1).wait()

    return k(pi, pj, dst3, src3)


def _edge_body(g_ref, ea_ref, w0e_ref, w1_ref, b1_ref, lng_ref, lnb_ref,
               out_ref):
    ea = ea_ref[...]
    hh = jnp.maximum(g_ref[...] + _dot(ea, w0e_ref[...]), 0.0)
    hh = _dot(hh, w1_ref[...]) + b1_ref[...]
    m = jnp.mean(hh, axis=1, keepdims=True)
    v = jnp.mean((hh - m) ** 2, axis=1, keepdims=True)
    msg = (hh - m) * lax.rsqrt(v + 1e-5) * lng_ref[...] + lnb_ref[...]
    out_ref[...] = ea + msg


def _edge_mlp(g, ea, w0e, w1, b1, lng, lnb, block):
    e, d = ea.shape
    h = w0e.shape[1]
    grid = e // block
    return pl.pallas_call(
        _edge_body,
        grid=(grid,),
        in_specs=[
            pl.BlockSpec((block, h), lambda i: (i, 0)),
            pl.BlockSpec((block, d), lambda i: (i, 0)),
            pl.BlockSpec((d, h), lambda i: (0, 0)),
            pl.BlockSpec((h, d), lambda i: (0, 0)),
            pl.BlockSpec((1, d), lambda i: (0, 0)),
            pl.BlockSpec((1, d), lambda i: (0, 0)),
            pl.BlockSpec((1, d), lambda i: (0, 0)),
        ],
        out_specs=pl.BlockSpec((block, d), lambda i: (i, 0)),
        out_shape=jax.ShapeDtypeStruct((e, d), jnp.float32),
    )(g, ea, w0e, w1, b1, lng, lnb)


def _scatter_add(ne, dst3, n):
    e, h = ne.shape
    nw, chunks, c = dst3.shape
    assert nw == NW and c == CHUNK
    assert chunks % 2 == 1 and chunks >= 7
    per_w = chunks * c
    n_pad = ((n + c * NS - 1) // (c * NS)) * (c * NS)
    rows_per_tile = n_pad // NS
    zreps = rows_per_tile // c
    mesh = plsc.VectorSubcoreMesh(core_axis_name="c", subcore_axis_name="s")

    @functools.partial(
        pl.kernel,
        out_type=jax.ShapeDtypeStruct((NC, n_pad, h), jnp.float32),
        mesh=mesh,
        scratch_types=[
            pltpu.VMEM((chunks, c), jnp.int32),
            pltpu.VMEM((2, c, h), jnp.float32),
            pltpu.VMEM_SHARED((n_pad, h), jnp.float32),
            pltpu.SemaphoreType.DMA,
            pltpu.SemaphoreType.DMA,
            pltpu.SemaphoreType.DMA,
        ],
    )
    def k(ne_hbm, dst_hbm, out_hbm, idx_sl, u_v, acc_sh,
          usem0, usem1, isem):
        cc = lax.axis_index("c")
        ss = lax.axis_index("s")
        wid = ss * NC + cc
        base0 = wid * per_w
        usems = (usem0, usem1)

        cpi = pltpu.async_copy(dst_hbm.at[wid], idx_sl, isem)
        z_v = u_v.at[0]

        @pl.loop(0, c)
        def _zrow(i):
            for j in range(h // 16):
                z_v[i, pl.ds(j * 16, 16)] = jnp.zeros((16,), jnp.float32)

        for r in range(zreps):
            pltpu.sync_copy(
                z_v, acc_sh.at[pl.ds(ss * rows_per_tile + r * c, c)]
            )
        cpi.wait()
        plsc.subcore_barrier()

        def issue_load(kk, si):
            pltpu.async_copy(
                ne_hbm.at[pl.ds(base0 + kk * c, c)], u_v.at[si], usems[si])

        def do_chunk(kk, si, issue_next):
            u_r = u_v.at[si]
            pltpu.make_async_copy(
                ne_hbm.at[pl.ds(base0, c)], u_r, usems[si]).wait()
            pltpu.sync_copy(u_r, acc_sh.at[idx_sl.at[kk]], add=True)
            if issue_next:
                issue_load(kk + 2, si)

        issue_load(0, 0)
        issue_load(1, 1)
        do_chunk(0, 0, True)
        do_chunk(1, 1, True)

        @pl.loop(1, (chunks - 5) // 2 + 1)
        def _pair(t):
            do_chunk(2 * t, 0, True)
            do_chunk(2 * t + 1, 1, True)

        do_chunk(chunks - 3, 0, True)
        do_chunk(chunks - 2, 1, False)
        do_chunk(chunks - 1, 0, False)

        plsc.subcore_barrier()
        pltpu.sync_copy(
            acc_sh.at[pl.ds(ss * rows_per_tile, rows_per_tile)],
            out_hbm.at[cc, pl.ds(ss * rows_per_tile, rows_per_tile)],
        )

    return k(ne, dst3)


def _node_body(x_ref, p0_ref, p1_ref, ux_ref, ua_ref, b0_ref, w1_ref, b1_ref,
               lng_ref, lnb_ref, out_ref):
    xb = x_ref[...]
    agg = p0_ref[...] + p1_ref[...]
    u = jnp.maximum(
        _dot(xb, ux_ref[...]) + _dot(agg, ua_ref[...]) + b0_ref[...], 0.0)
    u = _dot(u, w1_ref[...]) + b1_ref[...]
    m = jnp.mean(u, axis=1, keepdims=True)
    v = jnp.mean((u - m) ** 2, axis=1, keepdims=True)
    out_ref[...] = (
        xb + (u - m) * lax.rsqrt(v + 1e-5) * lng_ref[...] + lnb_ref[...]
    )


def _node_mlp(x, p0, p1, ux, ua, b0, w1, b1, lng, lnb, block):
    n, d = x.shape
    h = ux.shape[1]
    grid = n // block
    return pl.pallas_call(
        _node_body,
        grid=(grid,),
        in_specs=[
            pl.BlockSpec((block, d), lambda i: (i, 0)),
            pl.BlockSpec((block, d), lambda i: (i, 0)),
            pl.BlockSpec((block, d), lambda i: (i, 0)),
            pl.BlockSpec((d, h), lambda i: (0, 0)),
            pl.BlockSpec((d, h), lambda i: (0, 0)),
            pl.BlockSpec((1, h), lambda i: (0, 0)),
            pl.BlockSpec((h, d), lambda i: (0, 0)),
            pl.BlockSpec((1, d), lambda i: (0, 0)),
            pl.BlockSpec((1, d), lambda i: (0, 0)),
            pl.BlockSpec((1, d), lambda i: (0, 0)),
        ],
        out_specs=pl.BlockSpec((block, d), lambda i: (i, 0)),
        out_shape=jax.ShapeDtypeStruct((n, d), jnp.float32),
    )(x, p0, p1, ux, ua, b0, w1, b1, lng, lnb)


def kernel(x, edge_index, edge_attr, msg_W0, msg_b0, msg_W1, msg_b1,
           msg_lng, msg_lnb, upd_W0, upd_b0, upd_W1, upd_b1, upd_lng,
           upd_lnb):
    n, d = x.shape
    e = edge_index.shape[1]
    h = msg_W0.shape[1]
    chunks = e // (NW * CHUNK)
    assert chunks * NW * CHUNK == e
    src3 = edge_index[0].reshape(NW, chunks, CHUNK)
    dst3 = edge_index[1].reshape(NW, chunks, CHUNK)

    w0_i = msg_W0[:d]
    w0_j = msg_W0[d:2 * d]
    w0_e = msg_W0[2 * d:]
    b0 = msg_b0.reshape(1, h)
    b1 = msg_b1.reshape(1, d)
    lng = msg_lng.reshape(1, d)
    lnb = msg_lnb.reshape(1, d)

    pi, pj = _precompute(x, w0_i, w0_j, b0, block=2000)
    g = _gather_add(pi, pj, dst3, src3)
    new_edge_attr = _edge_mlp(g, edge_attr, w0_e, msg_W1, b1, lng, lnb,
                              block=8000)
    partials = _scatter_add(new_edge_attr, dst3, n)

    ux = upd_W0[:d]
    ua = upd_W0[d:]
    new_x = _node_mlp(
        x, partials[0], partials[1], ux, ua, upd_b0.reshape(1, h),
        upd_W1, upd_b1.reshape(1, d), upd_lng.reshape(1, d),
        upd_lnb.reshape(1, d), block=2000,
    )
    return (new_x, new_edge_attr)

# --- scband reference (transcript-rebuilt; emitter-appended) ---
"""Pipeline reference for scband-interaction-network-34668976014082 (READ-ONLY COPY).

The authoritative reference and input builder live on the scoring server;
editing this copy changes nothing except your own understanding.
"""

import jax, jax.numpy as jnp
import numpy as np


def _layer_norm(h, g, b, eps=1e-5):
    m = jnp.mean(h, axis=-1, keepdims=True)
    v = jnp.mean((h - m) ** 2, axis=-1, keepdims=True)
    return (h - m) / jnp.sqrt(v + eps) * g + b


def setup_inputs(seed: int = 0) -> dict:
    key = jax.random.key(seed)
    ks = jax.random.split(key, 8)
    N, E, D, H = 10000, 320000, 128, 128
    inp = {}
    inp["x"] = jax.random.normal(ks[0], (N, D), dtype=jnp.float32)
    inp["edge_index"] = jax.random.randint(ks[1], (2, E), 0, N, dtype=jnp.int32)
    inp["edge_attr"] = jax.random.normal(ks[2], (E, D), dtype=jnp.float32)
    din_msg = 3 * D
    inp["msg_W0"] = jax.random.normal(ks[3], (din_msg, H), dtype=jnp.float32) / np.sqrt(din_msg)
    inp["msg_b0"] = jnp.zeros((H,), dtype=jnp.float32)
    inp["msg_W1"] = jax.random.normal(ks[4], (H, D), dtype=jnp.float32) / np.sqrt(H)
    inp["msg_b1"] = jnp.zeros((D,), dtype=jnp.float32)
    inp["msg_lng"] = jnp.ones((D,), dtype=jnp.float32)
    inp["msg_lnb"] = jnp.zeros((D,), dtype=jnp.float32)
    din_upd = 2 * D
    inp["upd_W0"] = jax.random.normal(ks[5], (din_upd, H), dtype=jnp.float32) / np.sqrt(din_upd)
    inp["upd_b0"] = jnp.zeros((H,), dtype=jnp.float32)
    inp["upd_W1"] = jax.random.normal(ks[6], (H, D), dtype=jnp.float32) / np.sqrt(H)
    inp["upd_b1"] = jnp.zeros((D,), dtype=jnp.float32)
    inp["upd_lng"] = jnp.ones((D,), dtype=jnp.float32)
    inp["upd_lnb"] = jnp.zeros((D,), dtype=jnp.float32)
    return inp


def reference(x, edge_index, edge_attr, msg_W0, msg_b0, msg_W1, msg_b1, msg_lng, msg_lnb, upd_W0, upd_b0, upd_W1, upd_b1, upd_lng, upd_lnb):
    src = edge_index[0]
    dst = edge_index[1]
    # message: gather endpoint features (PyG default flow source_to_target: x_i=dst, x_j=src)
    x_i = jnp.take(x, dst, axis=0)
    x_j = jnp.take(x, src, axis=0)
    h = jnp.concatenate([x_i, x_j, edge_attr], axis=-1)
    h = jax.nn.relu(h @ msg_W0 + msg_b0)
    h = h @ msg_W1 + msg_b1
    msg = _layer_norm(h, msg_lng, msg_lnb)
    new_edge_attr = edge_attr + msg
    # aggregate (aggr='add') at destination nodes
    agg = jax.ops.segment_sum(new_edge_attr, dst, num_segments=x.shape[0])
    # node update MLP with residual
    u = jnp.concatenate([x, agg], axis=-1)
    u = jax.nn.relu(u @ upd_W0 + upd_b0)
    u = u @ upd_W1 + upd_b1
    u = _layer_norm(u, upd_lng, upd_lnb)
    new_x = x + u
    return (new_x, new_edge_attr)

if __name__ == "__main__":
    import jax
    _d = setup_inputs()
    print(jax.jit(kernel)(*tuple(_d.values())))

</pallas_src>

<mosaic_0001>
#map = affine_map<(d0, d1) -> (0, 0)>
#map1 = affine_map<(d0, d1) -> (0, 0, 0)>
module attributes {stable_mosaic.version = 14 : i64} {
  func.func @k(%arg0: i32, %arg1: i32, %arg2: memref<10000x128xf32, #tpu.memory_space<hbm>>, %arg3: memref<10000x128xf32, #tpu.memory_space<hbm>>, %arg4: memref<32x125x80xi32, #tpu.memory_space<hbm>>, %arg5: memref<32x125x80xi32, #tpu.memory_space<hbm>>, %arg6: memref<320000x128xf32, #tpu.memory_space<hbm>>, %arg7: memref<125x80xi32, #tpu.memory_space<vmem>>, %arg8: memref<125x80xi32, #tpu.memory_space<vmem>>, %arg9: memref<2x80x128xf32, #tpu.memory_space<vmem>>, %arg10: memref<2x80x128xf32, #tpu.memory_space<vmem>>, %arg11: memref<2x80x128xf32, #tpu.memory_space<vmem>>, %arg12: memref<!tpu.dma_semaphore, #tpu.memory_space<semaphore_mem>>, %arg13: memref<!tpu.dma_semaphore, #tpu.memory_space<semaphore_mem>>, %arg14: memref<!tpu.dma_semaphore, #tpu.memory_space<semaphore_mem>>, %arg15: memref<!tpu.dma_semaphore, #tpu.memory_space<semaphore_mem>>, %arg16: memref<!tpu.dma_semaphore, #tpu.memory_space<semaphore_mem>>) attributes {dimension_semantics = [#tpu.dimension_semantics<core_parallel>, #tpu.dimension_semantics<subcore_parallel>], iteration_bounds = array<i64: 2, 16>, scalar_prefetch = 0 : i64, scratch_operands = 10 : i64, tpu.core_type = #tpu.core_type<sc_vector_subcore>, window_params = [{transform_indices = #map}, {transform_indices = #map}, {transform_indices = #map1}, {transform_indices = #map1}, {transform_indices = #map}]} {
    %mul3A = arith.constant 2 : i32
    %mul3A_0 = arith.muli %arg1, %mul3A : i32
    %add3A = arith.addi %mul3A_0, %arg0 : i32
    %mul3A_1 = arith.constant 10000 : i32
    %mul3A_2 = arith.muli %add3A, %mul3A_1 : i32
    %dma_start3A = arith.constant 0 : i32
    %dma_start3A_3 = arith.constant 0 : i32
    %dma_start3A_4 = tpu.memref_slice %arg4[%add3A, %dma_start3A, %dma_start3A_3] : memref<32x125x80xi32, #tpu.memory_space<hbm>> -> memref<1x125x80xi32, #tpu.memory_space<hbm>>
    %dma_start3A_5 = tpu.memref_squeeze %dma_start3A_4 : memref<1x125x80xi32, #tpu.memory_space<hbm>> -> memref<125x80xi32, #tpu.memory_space<hbm>>
    %dma_start3A_6 = arith.constant 0 : i32
    %dma_start3A_7 = arith.constant 0 : i32
    %dma_start3A_8 = tpu.memref_slice %arg4[%add3A, %dma_start3A_6, %dma_start3A_7] : memref<32x125x80xi32, #tpu.memory_space<hbm>> -> memref<1x125x80xi32, #tpu.memory_space<hbm>>
    %dma_start3A_9 = tpu.memref_squeeze %dma_start3A_8 : memref<1x125x80xi32, #tpu.memory_space<hbm>> -> memref<125x80xi32, #tpu.memory_space<hbm>>
    tpu.enqueue_dma source(%dma_start3A_9 : memref<125x80xi32, #tpu.memory_space<hbm>>) target(%arg7 : memref<125x80xi32, #tpu.memory_space<vmem>>) target_semaphore(%arg16 : memref<!tpu.dma_semaphore, #tpu.memory_space<semaphore_mem>>)
    %dma_start3A_10 = arith.constant 0 : i32
    %dma_start3A_11 = arith.constant 0 : i32
    %dma_start3A_12 = tpu.memref_slice %arg5[%add3A, %dma_start3A_10, %dma_start3A_11] : memref<32x125x80xi32, #tpu.memory_space<hbm>> -> memref<1x125x80xi32, #tpu.memory_space<hbm>>
    %dma_start3A_13 = tpu.memref_squeeze %dma_start3A_12 : memref<1x125x80xi32, #tpu.memory_space<hbm>> -> memref<125x80xi32, #tpu.memory_space<hbm>>
    %dma_start3A_14 = arith.constant 0 : i32
    %dma_start3A_15 = arith.constant 0 : i32
    %dma_start3A_16 = tpu.memref_slice %arg5[%add3A, %dma_start3A_14, %dma_start3A_15] : memref<32x125x80xi32, #tpu.memory_space<hbm>> -> memref<1x125x80xi32, #tpu.memory_space<hbm>>
    %dma_start3A_17 = tpu.memref_squeeze %dma_start3A_16 : memref<1x125x80xi32, #tpu.memory_space<hbm>> -> memref<125x80xi32, #tpu.memory_space<hbm>>
    tpu.enqueue_dma source(%dma_start3A_17 : memref<125x80xi32, #tpu.memory_space<hbm>>) target(%arg8 : memref<125x80xi32, #tpu.memory_space<vmem>>) target_semaphore(%arg16 : memref<!tpu.dma_semaphore, #tpu.memory_space<semaphore_mem>>)
    %dma_wait3A = arith.constant 0 : i32
    %dma_wait3A_18 = arith.constant 0 : i32
    %dma_wait3A_19 = tpu.memref_slice %arg4[%add3A, %dma_wait3A, %dma_wait3A_18] : memref<32x125x80xi32, #tpu.memory_space<hbm>> -> memref<1x125x80xi32, #tpu.memory_space<hbm>>
    %dma_wait3A_20 = tpu.memref_squeeze %dma_wait3A_19 : memref<1x125x80xi32, #tpu.memory_space<hbm>> -> memref<125x80xi32, #tpu.memory_space<hbm>>
    %dma_wait3A_21 = arith.constant 0 : i32
    %dma_wait3A_22 = arith.constant 0 : i32
    %dma_wait3A_23 = tpu.memref_slice %arg4[%add3A, %dma_wait3A_21, %dma_wait3A_22] : memref<32x125x80xi32, #tpu.memory_space<hbm>> -> memref<1x125x80xi32, #tpu.memory_space<hbm>>
    %dma_wait3A_24 = tpu.memref_squeeze %dma_wait3A_23 : memref<1x125x80xi32, #tpu.memory_space<hbm>> -> memref<125x80xi32, #tpu.memory_space<hbm>>
    tpu.wait_dma2 semaphore(%arg16 : memref<!tpu.dma_semaphore, #tpu.memory_space<semaphore_mem>>) src(%dma_wait3A_24 : memref<125x80xi32, #tpu.memory_space<hbm>>) dst(%arg7 : memref<125x80xi32, #tpu.memory_space<vmem>>)
    %dma_wait3A_25 = arith.constant 0 : i32
    %dma_wait3A_26 = arith.constant 0 : i32
    %dma_wait3A_27 = tpu.memref_slice %arg5[%add3A, %dma_wait3A_25, %dma_wait3A_26] : memref<32x125x80xi32, #tpu.memory_space<hbm>> -> memref<1x125x80xi32, #tpu.memory_space<hbm>>
    %dma_wait3A_28 = tpu.memref_squeeze %dma_wait3A_27 : memref<1x125x80xi32, #tpu.memory_space<hbm>> -> memref<125x80xi32, #tpu.memory_space<hbm>>
    %dma_wait3A_29 = arith.constant 0 : i32
    %dma_wait3A_30 = arith.constant 0 : i32
    %dma_wait3A_31 = tpu.memref_slice %arg5[%add3A, %dma_wait3A_29, %dma_wait3A_30] : memref<32x125x80xi32, #tpu.memory_space<hbm>> -> memref<1x125x80xi32, #tpu.memory_space<hbm>>
    %dma_wait3A_32 = tpu.memref_squeeze %dma_wait3A_31 : memref<1x125x80xi32, #tpu.memory_space<hbm>> -> memref<125x80xi32, #tpu.memory_space<hbm>>
    tpu.wait_dma2 semaphore(%arg16 : memref<!tpu.dma_semaphore, #tpu.memory_space<semaphore_mem>>) src(%dma_wait3A_32 : memref<125x80xi32, #tpu.memory_space<hbm>>) dst(%arg8 : memref<125x80xi32, #tpu.memory_space<vmem>>)
    %dma_start3A_33 = arith.constant 0 : i32
    %dma_start3A_34 = arith.constant 0 : i32
    %dma_start3A_35 = arith.constant 0 : i32
    %dma_start3A_36 = arith.constant 0 : i32
    %dma_start3A_37 = tpu.memref_slice %arg9[%dma_start3A_34, %dma_start3A_35, %dma_start3A_36] : memref<2x80x128xf32, #tpu.memory_space<vmem>> -> memref<1x80x128xf32, #tpu.memory_space<vmem>>
    %dma_start3A_38 = tpu.memref_squeeze %dma_start3A_37 : memref<1x80x128xf32, #tpu.memory_space<vmem>> -> memref<80x128xf32, #tpu.memory_space<vmem>>
    %dma_start3A_39 = arith.constant 0 : i32
    %dma_start3A_40 = tpu.memref_slice %arg7[%dma_start3A_33, %dma_start3A_39] : memref<125x80xi32, #tpu.memory_space<vmem>> -> memref<1x80xi32, #tpu.memory_space<vmem>>
    %dma_start3A_41 = tpu.memref_squeeze %dma_start3A_40 : memref<1x80xi32, #tpu.memory_space<vmem>> -> memref<80xi32, #tpu.memory_space<vmem>>
    %dma_start3A_42 = arith.constant 0 : i32
    %dma_start3A_43 = arith.constant 0 : i32
    %dma_start3A_44 = tpu.memref_slice %arg2[%dma_start3A_42, %dma_start3A_43] : memref<10000x128xf32, #tpu.memory_space<hbm>> -> memref<10000x128xf32, #tpu.memory_space<hbm>>
    tpu.enqueue_indirect_dma source(%dma_start3A_44 : memref<10000x128xf32, #tpu.memory_space<hbm>>) target(%dma_start3A_38 : memref<80x128xf32, #tpu.memory_space<vmem>>) offsets(%dma_start3A_41 : memref<80xi32, #tpu.memory_space<vmem>>) semaphore(%arg12 : memref<!tpu.dma_semaphore, #tpu.memory_space<semaphore_mem>>)
    %dma_start3A_45 = arith.constant 0 : i32
    %dma_start3A_46 = arith.constant 0 : i32
    %dma_start3A_47 = arith.constant 0 : i32
    %dma_start3A_48 = arith.constant 0 : i32
    %dma_start3A_49 = tpu.memref_slice %arg10[%dma_start3A_46, %dma_start3A_47, %dma_start3A_48] : memref<2x80x128xf32, #tpu.memory_space<vmem>> -> memref<1x80x128xf32, #tpu.memory_space<vmem>>
    %dma_start3A_50 = tpu.memref_squeeze %dma_start3A_49 : memref<1x80x128xf32, #tpu.memory_space<vmem>> -> memref<80x128xf32, #tpu.memory_space<vmem>>
    %dma_start3A_51 = arith.constant 0 : i32
    %dma_start3A_52 = tpu.memref_slice %arg8[%dma_start3A_45, %dma_start3A_51] : memref<125x80xi32, #tpu.memory_space<vmem>> -> memref<1x80xi32, #tpu.memory_space<vmem>>
    %dma_start3A_53 = tpu.memref_squeeze %dma_start3A_52 : memref<1x80xi32, #tpu.memory_space<vmem>> -> memref<80xi32, #tpu.memory_space<vmem>>
    %dma_start3A_54 = arith.constant 0 : i32
    %dma_start3A_55 = arith.constant 0 : i32
    %dma_start3A_56 = tpu.memref_slice %arg3[%dma_start3A_54, %dma_start3A_55] : memref<10000x128xf32, #tpu.memory_space<hbm>> -> memref<10000x128xf32, #tpu.memory_space<hbm>>
    tpu.enqueue_indirect_dma source(%dma_start3A_56 : memref<10000x128xf32, #tpu.memory_space<hbm>>) target(%dma_start3A_50 : memref<80x128xf32, #tpu.memory_space<vmem>>) offsets(%dma_start3A_53 : memref<80xi32, #tpu.memory_space<vmem>>) semaphore(%arg12 : memref<!tpu.dma_semaphore, #tpu.memory_space<semaphore_mem>>)
    %dma_start3A_57 = arith.constant 1 : i32
    %dma_start3A_58 = arith.constant 1 : i32
    %dma_start3A_59 = arith.constant 0 : i32
    %dma_start3A_60 = arith.constant 0 : i32
    %dma_start3A_61 = tpu.memref_slice %arg9[%dma_start3A_58, %dma_start3A_59, %dma_start3A_60] : memref<2x80x128xf32, #tpu.memory_space<vmem>> -> memref<1x80x128xf32, #tpu.memory_space<vmem>>
    %dma_start3A_62 = tpu.memref_squeeze %dma_start3A_61 : memref<1x80x128xf32, #tpu.memory_space<vmem>> -> memref<80x128xf32, #tpu.memory_space<vmem>>
    %dma_start3A_63 = arith.constant 0 : i32
    %dma_start3A_64 = tpu.memref_slice %arg7[%dma_start3A_57, %dma_start3A_63] : memref<125x80xi32, #tpu.memory_space<vmem>> -> memref<1x80xi32, #tpu.memory_space<vmem>>
    %dma_start3A_65 = tpu.memref_squeeze %dma_start3A_64 : memref<1x80xi32, #tpu.memory_space<vmem>> -> memref<80xi32, #tpu.memory_space<vmem>>
    %dma_start3A_66 = arith.constant 0 : i32
    %dma_start3A_67 = arith.constant 0 : i32
    %dma_start3A_68 = tpu.memref_slice %arg2[%dma_start3A_66, %dma_start3A_67] : memref<10000x128xf32, #tpu.memory_space<hbm>> -> memref<10000x128xf32, #tpu.memory_space<hbm>>
    tpu.enqueue_indirect_dma source(%dma_start3A_68 : memref<10000x128xf32, #tpu.memory_space<hbm>>) target(%dma_start3A_62 : memref<80x128xf32, #tpu.memory_space<vmem>>) offsets(%dma_start3A_65 : memref<80xi32, #tpu.memory_space<vmem>>) semaphore(%arg13 : memref<!tpu.dma_semaphore, #tpu.memory_space<semaphore_mem>>)
    %dma_start3A_69 = arith.constant 1 : i32
    %dma_start3A_70 = arith.constant 1 : i32
    %dma_start3A_71 = arith.constant 0 : i32
    %dma_start3A_72 = arith.constant 0 : i32
    %dma_start3A_73 = tpu.memref_slice %arg10[%dma_start3A_70, %dma_start3A_71, %dma_start3A_72] : memref<2x80x128xf32, #tpu.memory_space<vmem>> -> memref<1x80x128xf32, #tpu.memory_space<vmem>>
    %dma_start3A_74 = tpu.memref_squeeze %dma_start3A_73 : memref<1x80x128xf32, #tpu.memory_space<vmem>> -> memref<80x128xf32, #tpu.memory_space<vmem>>
    %dma_start3A_75 = arith.constant 0 : i32
    %dma_start3A_76 = tpu.memref_slice %arg8[%dma_start3A_69, %dma_start3A_75] : memref<125x80xi32, #tpu.memory_space<vmem>> -> memref<1x80xi32, #tpu.memory_space<vmem>>
    %dma_start3A_77 = tpu.memref_squeeze %dma_start3A_76 : memref<1x80xi32, #tpu.memory_space<vmem>> -> memref<80xi32, #tpu.memory_space<vmem>>
    %dma_start3A_78 = arith.constant 0 : i32
    %dma_start3A_79 = arith.constant 0 : i32
    %dma_start3A_80 = tpu.memref_slice %arg3[%dma_start3A_78, %dma_start3A_79] : memref<10000x128xf32, #tpu.memory_space<hbm>> -> memref<10000x128xf32, #tpu.memory_space<hbm>>
    tpu.enqueue_indirect_dma source(%dma_start3A_80 : memref<10000x128xf32, #tpu.memory_space<hbm>>) target(%dma_start3A_74 : memref<80x128xf32, #tpu.memory_space<vmem>>) offsets(%dma_start3A_77 : memref<80xi32, #tpu.memory_space<vmem>>) semaphore(%arg13 : memref<!tpu.dma_semaphore, #tpu.memory_space<semaphore_mem>>)
    %add3A_81 = arith.constant 0 : i32
    %add3A_82 = arith.addi %mul3A_2, %add3A_81 : i32
    %dma_wait3A_83 = arith.constant 0 : i32
    %dma_wait3A_84 = arith.constant 0 : i32
    %dma_wait3A_85 = arith.constant 0 : i32
    %dma_wait3A_86 = arith.constant 0 : i32
    %dma_wait3A_87 = tpu.memref_slice %arg9[%dma_wait3A_84, %dma_wait3A_85, %dma_wait3A_86] : memref<2x80x128xf32, #tpu.memory_space<vmem>> -> memref<1x80x128xf32, #tpu.memory_space<vmem>>
    %dma_wait3A_88 = tpu.memref_squeeze %dma_wait3A_87 : memref<1x80x128xf32, #tpu.memory_space<vmem>> -> memref<80x128xf32, #tpu.memory_space<vmem>>
    %dma_wait3A_89 = arith.constant 0 : i32
    %dma_wait3A_90 = tpu.memref_slice %arg7[%dma_wait3A_83, %dma_wait3A_89] : memref<125x80xi32, #tpu.memory_space<vmem>> -> memref<1x80xi32, #tpu.memory_space<vmem>>
    %dma_wait3A_91 = tpu.memref_squeeze %dma_wait3A_90 : memref<1x80xi32, #tpu.memory_space<vmem>> -> memref<80xi32, #tpu.memory_space<vmem>>
    %dma_wait3A_92 = arith.constant 0 : i32
    %dma_wait3A_93 = arith.constant 0 : i32
    %dma_wait3A_94 = tpu.memref_slice %arg2[%dma_wait3A_92, %dma_wait3A_93] : memref<10000x128xf32, #tpu.memory_space<hbm>> -> memref<10000x128xf32, #tpu.memory_space<hbm>>
    tpu.wait_indirect_dma semaphore(%arg12 : memref<!tpu.dma_semaphore, #tpu.memory_space<semaphore_mem>>) src(%dma_wait3A_94 : memref<10000x128xf32, #tpu.memory_space<hbm>>) dst(%dma_wait3A_88 : memref<80x128xf32, #tpu.memory_space<vmem>>)
    %dma_wait3A_95 = arith.constant 0 : i32
    %dma_wait3A_96 = arith.constant 0 : i32
    %dma_wait3A_97 = arith.constant 0 : i32
    %dma_wait3A_98 = arith.constant 0 : i32
    %dma_wait3A_99 = tpu.memref_slice %arg10[%dma_wait3A_96, %dma_wait3A_97, %dma_wait3A_98] : memref<2x80x128xf32, #tpu.memory_space<vmem>> -> memref<1x80x128xf32, #tpu.memory_space<vmem>>
    %dma_wait3A_100 = tpu.memref_squeeze %dma_wait3A_99 : memref<1x80x128xf32, #tpu.memory_space<vmem>> -> memref<80x128xf32, #tpu.memory_space<vmem>>
    %dma_wait3A_101 = arith.constant 0 : i32
    %dma_wait3A_102 = tpu.memref_slice %arg8[%dma_wait3A_95, %dma_wait3A_101] : memref<125x80xi32, #tpu.memory_space<vmem>> -> memref<1x80xi32, #tpu.memory_space<vmem>>
    %dma_wait3A_103 = tpu.memref_squeeze %dma_wait3A_102 : memref<1x80xi32, #tpu.memory_space<vmem>> -> memref<80xi32, #tpu.memory_space<vmem>>
    %dma_wait3A_104 = arith.constant 0 : i32
    %dma_wait3A_105 = arith.constant 0 : i32
    %dma_wait3A_106 = tpu.memref_slice %arg3[%dma_wait3A_104, %dma_wait3A_105] : memref<10000x128xf32, #tpu.memory_space<hbm>> -> memref<10000x128xf32, #tpu.memory_space<hbm>>
    tpu.wait_indirect_dma semaphore(%arg12 : memref<!tpu.dma_semaphore, #tpu.memory_space<semaphore_mem>>) src(%dma_wait3A_106 : memref<10000x128xf32, #tpu.memory_space<hbm>>) dst(%dma_wait3A_100 : memref<80x128xf32, #tpu.memory_space<vmem>>)
    %parallel_loop3A = arith.constant 0 : i32
    %parallel_loop3A_107 = arith.constant 80 : i32
    %parallel_loop3A_108 = arith.constant 1 : i32
    %parallel_loop3A_109 = arith.constant 0 : i32
    %parallel_loop3A_110 = arith.constant 0 : i32
    %parallel_loop3A_111 = arith.constant 0 : i32
    scf.for %parallel_loop3A_446 = %parallel_loop3A to %parallel_loop3A_107 step %parallel_loop3A_108  : i32 {
      %parallel_loop3A_447 = arith.constant 0 : i32
      %parallel_loop3A_448 = arith.constant 0 : i32
      %parallel_loop3A_449 = tpu.memref_slice %arg9[%parallel_loop3A_109, %parallel_loop3A_447, %parallel_loop3A_448] : memref<2x80x128xf32, #tpu.memory_space<vmem>> -> memref<1x80x128xf32, #tpu.memory_space<vmem>>
      %parallel_loop3A_450 = tpu.memref_squeeze %parallel_loop3A_449 : memref<1x80x128xf32, #tpu.memory_space<vmem>> -> memref<80x128xf32, #tpu.memory_space<vmem>>
      %parallel_loop3A_451 = arith.index_cast %parallel_loop3A_446 : i32 to index
      %parallel_loop3A_452 = arith.constant 0 : index
      %parallel_loop3A_453 = tpu.vector_load %parallel_loop3A_450[%parallel_loop3A_451, %parallel_loop3A_452] {strides = array<i32>} : memref<80x128xf32, #tpu.memory_space<vmem>>, vector<1x16xf32>,
      %parallel_loop3A_454 = vector.shape_cast %parallel_loop3A_453 : vector<1x16xf32> to vector<16xf32>
      %parallel_loop3A_455 = arith.constant 0 : i32
      %parallel_loop3A_456 = arith.constant 0 : i32
      %parallel_loop3A_457 = tpu.memref_slice %arg10[%parallel_loop3A_110, %parallel_loop3A_455, %parallel_loop3A_456] : memref<2x80x128xf32, #tpu.memory_space<vmem>> -> memref<1x80x128xf32, #tpu.memory_space<vmem>>
      %parallel_loop3A_458 = tpu.memref_squeeze %parallel_loop3A_457 : memref<1x80x128xf32, #tpu.memory_space<vmem>> -> memref<80x128xf32, #tpu.memory_space<vmem>>
      %parallel_loop3A_459 = arith.index_cast %parallel_loop3A_446 : i32 to index
      %parallel_loop3A_460 = arith.constant 0 : index
      %parallel_loop3A_461 = tpu.vector_load %parallel_loop3A_458[%parallel_loop3A_459, %parallel_loop3A_460] {strides = array<i32>} : memref<80x128xf32, #tpu.memory_space<vmem>>, vector<1x16xf32>,
      %parallel_loop3A_462 = vector.shape_cast %parallel_loop3A_461 : vector<1x16xf32> to vector<16xf32>
      %parallel_loop3A_463 = arith.addf %parallel_loop3A_454, %parallel_loop3A_462 : vector<16xf32>
      %parallel_loop3A_464 = arith.constant 0 : i32
      %parallel_loop3A_465 = arith.constant 0 : i32
      %parallel_loop3A_466 = tpu.memref_slice %arg11[%parallel_loop3A_111, %parallel_loop3A_464, %parallel_loop3A_465] : memref<2x80x128xf32, #tpu.memory_space<vmem>> -> memref<1x80x128xf32, #tpu.memory_space<vmem>>
      %parallel_loop3A_467 = tpu.memref_squeeze %parallel_loop3A_466 : memref<1x80x128xf32, #tpu.memory_space<vmem>> -> memref<80x128xf32, #tpu.memory_space<vmem>>
      %parallel_loop3A_468 = arith.index_cast %parallel_loop3A_446 : i32 to index
      %parallel_loop3A_469 = arith.constant 0 : index
      %parallel_loop3A_470 = tpu.vector_load %parallel_loop3A_467[%parallel_loop3A_468, %parallel_loop3A_469] {strides = array<i32>} : memref<80x128xf32, #tpu.memory_space<vmem>>, vector<1x16xf32>,
      %parallel_loop3A_471 = vector.shape_cast %parallel_loop3A_470 : vector<1x16xf32> to vector<16xf32>
      %parallel_loop3A_472 = vector.shape_cast %parallel_loop3A_463 : vector<16xf32> to vector<1x16xf32>
      tpu.vector_store %parallel_loop3A_467[%parallel_loop3A_468, %parallel_loop3A_469], %parallel_loop3A_472 {strides = array<i32>} : memref<80x128xf32, #tpu.memory_space<vmem>>, vector<1x16xf32>,
      %parallel_loop3A_473 = arith.constant 0 : i32
      %parallel_loop3A_474 = arith.constant 0 : i32
      %parallel_loop3A_475 = tpu.memref_slice %arg9[%parallel_loop3A_109, %parallel_loop3A_473, %parallel_loop3A_474] : memref<2x80x128xf32, #tpu.memory_space<vmem>> -> memref<1x80x128xf32, #tpu.memory_space<vmem>>
      %parallel_loop3A_476 = tpu.memref_squeeze %parallel_loop3A_475 : memref<1x80x128xf32, #tpu.memory_space<vmem>> -> memref<80x128xf32, #tpu.memory_space<vmem>>
      %parallel_loop3A_477 = arith.index_cast %parallel_loop3A_446 : i32 to index
      %parallel_loop3A_478 = arith.constant 16 : index
      %parallel_loop3A_479 = tpu.vector_load %parallel_loop3A_476[%parallel_loop3A_477, %parallel_loop3A_478] {strides = array<i32>} : memref<80x128xf32, #tpu.memory_space<vmem>>, vector<1x16xf32>,
      %parallel_loop3A_480 = vector.shape_cast %parallel_loop3A_479 : vector<1x16xf32> to vector<16xf32>
      %parallel_loop3A_481 = arith.constant 0 : i32
      %parallel_loop3A_482 = arith.constant 0 : i32
      %parallel_loop3A_483 = tpu.memref_slice %arg10[%parallel_loop3A_110, %parallel_loop3A_481, %parallel_loop3A_482] : memref<2x80x128xf32, #tpu.memory_space<vmem>> -> memref<1x80x128xf32, #tpu.memory_space<vmem>>
      %parallel_loop3A_484 = tpu.memref_squeeze %parallel_loop3A_483 : memref<1x80x128xf32, #tpu.memory_space<vmem>> -> memref<80x128xf32, #tpu.memory_space<vmem>>
      %parallel_loop3A_485 = arith.index_cast %parallel_loop3A_446 : i32 to index
      %parallel_loop3A_486 = arith.constant 16 : index
      %parallel_loop3A_487 = tpu.vector_load %parallel_loop3A_484[%parallel_loop3A_485, %parallel_loop3A_486] {strides = array<i32>} : memref<80x128xf32, #tpu.memory_space<vmem>>, vector<1x16xf32>,
      %parallel_loop3A_488 = vector.shape_cast %parallel_loop3A_487 : vector<1x16xf32> to vector<16xf32>
      %parallel_loop3A_489 = arith.addf %parallel_loop3A_480, %parallel_loop3A_488 : vector<16xf32>
      %parallel_loop3A_490 = arith.constant 0 : i32
      %parallel_loop3A_491 = arith.constant 0 : i32
      %parallel_loop3A_492 = tpu.memref_slice %arg11[%parallel_loop3A_111, %parallel_loop3A_490, %parallel_loop3A_491] : memref<2x80x128xf32, #tpu.memory_space<vmem>> -> memref<1x80x128xf32, #tpu.memory_space<vmem>>
      %parallel_loop3A_493 = tpu.memref_squeeze %parallel_loop3A_492 : memref<1x80x128xf32, #tpu.memory_space<vmem>> -> memref<80x128xf32, #tpu.memory_space<vmem>>
      %parallel_loop3A_494 = arith.index_cast %parallel_loop3A_446 : i32 to index
      %parallel_loop3A_495 = arith.constant 16 : index
      %parallel_loop3A_496 = tpu.vector_load %parallel_loop3A_493[%parallel_loop3A_494, %parallel_loop3A_495] {strides = array<i32>} : memref<80x128xf32, #tpu.memory_space<vmem>>, vector<1x16xf32>,
      %parallel_loop3A_497 = vector.shape_cast %parallel_loop3A_496 : vector<1x16xf32> to vector<16xf32>
      %parallel_loop3A_498 = vector.shape_cast %parallel_loop3A_489 : vector<16xf32> to vector<1x16xf32>
      tpu.vector_store %parallel_loop3A_493[%parallel_loop3A_494, %parallel_loop3A_495], %parallel_loop3A_498 {strides = array<i32>} : memref<80x128xf32, #tpu.memory_space<vmem>>, vector<1x16xf32>,
      %parallel_loop3A_499 = arith.constant 0 : i32
      %parallel_loop3A_500 = arith.constant 0 : i32
      %parallel_loop3A_501 = tpu.memref_slice %arg9[%parallel_loop3A_109, %parallel_loop3A_499, %parallel_loop3A_500] : memref<2x80x128xf32, #tpu.memory_space<vmem>> -> memref<1x80x128xf32, #tpu.memory_space<vmem>>
      %parallel_loop3A_502 = tpu.memref_squeeze %parallel_loop3A_501 : memref<1x80x128xf32, #tpu.memory_space<vmem>> -> memref<80x128xf32, #tpu.memory_space<vmem>>
      %parallel_loop3A_503 = arith.index_cast %parallel_loop3A_446 : i32 to index
      %parallel_loop3A_504 = arith.constant 32 : index
      %parallel_loop3A_505 = tpu.vector_load %parallel_loop3A_502[%parallel_loop3A_503, %parallel_loop3A_504] {strides = array<i32>} : memref<80x128xf32, #tpu.memory_space<vmem>>, vector<1x16xf32>,
      %parallel_loop3A_506 = vector.shape_cast %parallel_loop3A_505 : vector<1x16xf32> to vector<16xf32>
      %parallel_loop3A_507 = arith.constant 0 : i32
      %parallel_loop3A_508 = arith.constant 0 : i32
      %parallel_loop3A_509 = tpu.memref_slice %arg10[%parallel_loop3A_110, %parallel_loop3A_507, %parallel_loop3A_508] : memref<2x80x128xf32, #tpu.memory_space<vmem>> -> memref<1x80x128xf32, #tpu.memory_space<vmem>>
      %parallel_loop3A_510 = tpu.memref_squeeze %parallel_loop3A_509 : memref<1x80x128xf32, #tpu.memory_space<vmem>> -> memref<80x128xf32, #tpu.memory_space<vmem>>
      %parallel_loop3A_511 = arith.index_cast %parallel_loop3A_446 : i32 to index
      %parallel_loop3A_512 = arith.constant 32 : index
      %parallel_loop3A_513 = tpu.vector_load %parallel_loop3A_510[%parallel_loop3A_511, %parallel_loop3A_512] {strides = array<i32>} : memref<80x128xf32, #tpu.memory_space<vmem>>, vector<1x16xf32>,
      %parallel_loop3A_514 = vector.shape_cast %parallel_loop3A_513 : vector<1x16xf32> to vector<16xf32>
      %parallel_loop3A_515 = arith.addf %parallel_loop3A_506, %parallel_loop3A_514 : vector<16xf32>
      %parallel_loop3A_516 = arith.constant 0 : i32
      %parallel_loop3A_517 = arith.constant 0 : i32
      %parallel_loop3A_518 = tpu.memref_slice %arg11[%parallel_loop3A_111, %parallel_loop3A_516, %parallel_loop3A_517] : memref<2x80x128xf32, #tpu.memory_space<vmem>> -> memref<1x80x128xf32, #tpu.memory_space<vmem>>
      %parallel_loop3A_519 = tpu.memref_squeeze %parallel_loop3A_518 : memref<1x80x128xf32, #tpu.memory_space<vmem>> -> memref<80x128xf32, #tpu.memory_space<vmem>>
      %parallel_loop3A_520 = arith.index_cast %parallel_loop3A_446 : i32 to index
      %parallel_loop3A_521 = arith.constant 32 : index
      %parallel_loop3A_522 = tpu.vector_load %parallel_loop3A_519[%parallel_loop3A_520, %parallel_loop3A_521] {strides = array<i32>} : memref<80x128xf32, #tpu.memory_space<vmem>>, vector<1x16xf32>,
      %parallel_loop3A_523 = vector.shape_cast %parallel_loop3A_522 : vector<1x16xf32> to vector<16xf32>
      %parallel_loop3A_524 = vector.shape_cast %parallel_loop3A_515 : vector<16xf32> to vector<1x16xf32>
      tpu.vector_store %parallel_loop3A_519[%parallel_loop3A_520, %parallel_loop3A_521], %parallel_loop3A_524 {strides = array<i32>} : memref<80x128xf32, #tpu.memory_space<vmem>>, vector<1x16xf32>,
      %parallel_loop3A_525 = arith.constant 0 : i32
      %parallel_loop3A_526 = arith.constant 0 : i32
      %parallel_loop3A_527 = tpu.memref_slice %arg9[%parallel_loop3A_109, %parallel_loop3A_525, %parallel_loop3A_526] : memref<2x80x128xf32, #tpu.memory_space<vmem>> -> memref<1x80x128xf32, #tpu.memory_space<vmem>>
      %parallel_loop3A_528 = tpu.memref_squeeze %parallel_loop3A_527 : memref<1x80x128xf32, #tpu.memory_space<vmem>> -> memref<80x128xf32, #tpu.memory_space<vmem>>
      %parallel_loop3A_529 = arith.index_cast %parallel_loop3A_446 : i32 to index
      %parallel_loop3A_530 = arith.constant 48 : index
      %parallel_loop3A_531 = tpu.vector_load %parallel_loop3A_528[%parallel_loop3A_529, %parallel_loop3A_530] {strides = array<i32>} : memref<80x128xf32, #tpu.memory_space<vmem>>, vector<1x16xf32>,
      %parallel_loop3A_532 = vector.shape_cast %parallel_loop3A_531 : vector<1x16xf32> to vector<16xf32>
      %parallel_loop3A_533 = arith.constant 0 : i32
      %parallel_loop3A_534 = arith.constant 0 : i32
      %parallel_loop3A_535 = tpu.memref_slice %arg10[%parallel_loop3A_110, %parallel_loop3A_533, %parallel_loop3A_534] : memref<2x80x128xf32, #tpu.memory_space<vmem>> -> memref<1x80x128xf32, #tpu.memory_space<vmem>>
      %parallel_loop3A_536 = tpu.memref_squeeze %parallel_loop3A_535 : memref<1x80x128xf32, #tpu.memory_space<vmem>> -> memref<80x128xf32, #tpu.memory_space<vmem>>
      %parallel_loop3A_537 = arith.index_cast %parallel_loop3A_446 : i32 to index
      %parallel_loop3A_538 = arith.constant 48 : index
      %parallel_loop3A_539 = tpu.vector_load %parallel_loop3A_536[%parallel_loop3A_537, %parallel_loop3A_538] {strides = array<i32>} : memref<80x128xf32, #tpu.memory_space<vmem>>, vector<1x16xf32>,
      %parallel_loop3A_540 = vector.shape_cast %parallel_loop3A_539 : vector<1x16xf32> to vector<16xf32>
      %parallel_loop3A_541 = arith.addf %parallel_loop3A_532, %parallel_loop3A_540 : vector<16xf32>
      %parallel_loop3A_542 = arith.constant 0 : i32
      %parallel_loop3A_543 = arith.constant 0 : i32
      %parallel_loop3A_544 = tpu.memref_slice %arg11[%parallel_loop3A_111, %parallel_loop3A_542, %parallel_loop3A_543] : memref<2x80x128xf32, #tpu.memory_space<vmem>> -> memref<1x80x128xf32, #tpu.memory_space<vmem>>
      %parallel_loop3A_545 = tpu.memref_squeeze %parallel_loop3A_544 : memref<1x80x128xf32, #tpu.memory_space<vmem>> -> memref<80x128xf32, #tpu.memory_space<vmem>>
      %parallel_loop3A_546 = arith.index_cast %parallel_loop3A_446 : i32 to index
      %parallel_loop3A_547 = arith.constant 48 : index
      %parallel_loop3A_548 = tpu.vector_load %parallel_loop3A_545[%parallel_loop3A_546, %parallel_loop3A_547] {strides = array<i32>} : memref<80x128xf32, #tpu.memory_space<vmem>>, vector<1x16xf32>,
      %parallel_loop3A_549 = vector.shape_cast %parallel_loop3A_548 : vector<1x16xf32> to vector<16xf32>
      %parallel_loop3A_550 = vector.shape_cast %parallel_loop3A_541 : vector<16xf32> to vector<1x16xf32>
      tpu.vector_store %parallel_loop3A_545[%parallel_loop3A_546, %parallel_loop3A_547], %parallel_loop3A_550 {strides = array<i32>} : memref<80x128xf32, #tpu.memory_space<vmem>>, vector<1x16xf32>,
      %parallel_loop3A_551 = arith.constant 0 : i32
      %parallel_loop3A_552 = arith.constant 0 : i32
      %parallel_loop3A_553 = tpu.memref_slice %arg9[%parallel_loop3A_109, %parallel_loop3A_551, %parallel_loop3A_552] : memref<2x80x128xf32, #tpu.memory_space<vmem>> -> memref<1x80x128xf32, #tpu.memory_space<vmem>>
      %parallel_loop3A_554 = tpu.memref_squeeze %parallel_loop3A_553 : memref<1x80x128xf32, #tpu.memory_space<vmem>> -> memref<80x128xf32, #tpu.memory_space<vmem>>
      %parallel_loop3A_555 = arith.index_cast %parallel_loop3A_446 : i32 to index
      %parallel_loop3A_556 = arith.constant 64 : index
      %parallel_loop3A_557 = tpu.vector_load %parallel_loop3A_554[%parallel_loop3A_555, %parallel_loop3A_556] {strides = array<i32>} : memref<80x128xf32, #tpu.memory_space<vmem>>, vector<1x16xf32>,
      %parallel_loop3A_558 = vector.shape_cast %parallel_loop3A_557 : vector<1x16xf32> to vector<16xf32>
      %parallel_loop3A_559 = arith.constant 0 : i32
      %parallel_loop3A_560 = arith.constant 0 : i32
      %parallel_loop3A_561 = tpu.memref_slice %arg10[%parallel_loop3A_110, %parallel_loop3A_559, %parallel_loop3A_560] : memref<2x80x128xf32, #tpu.memory_space<vmem>> -> memref<1x80x128xf32, #tpu.memory_space<vmem>>
      %parallel_loop3A_562 = tpu.memref_squeeze %parallel_loop3A_561 : memref<1x80x128xf32, #tpu.memory_space<vmem>> -> memref<80x128xf32, #tpu.memory_space<vmem>>
      %parallel_loop3A_563 = arith.index_cast %parallel_loop3A_446 : i32 to index
      %parallel_loop3A_564 = arith.constant 64 : index
      %parallel_loop3A_565 = tpu.vector_load %parallel_loop3A_562[%parallel_loop3A_563, %parallel_loop3A_564] {strides = array<i32>} : memref<80x128xf32, #tpu.memory_space<vmem>>, vector<1x16xf32>,
      %parallel_loop3A_566 = vector.shape_cast %parallel_loop3A_565 : vector<1x16xf32> to vector<16xf32>
      %parallel_loop3A_567 = arith.addf %parallel_loop3A_558, %parallel_loop3A_566 : vector<16xf32>
      %parallel_loop3A_568 = arith.constant 0 : i32
      %parallel_loop3A_569 = arith.constant 0 : i32
      %parallel_loop3A_570 = tpu.memref_slice %arg11[%parallel_loop3A_111, %parallel_loop3A_568, %parallel_loop3A_569] : memref<2x80x128xf32, #tpu.memory_space<vmem>> -> memref<1x80x128xf32, #tpu.memory_space<vmem>>
      %parallel_loop3A_571 = tpu.memref_squeeze %parallel_loop3A_570 : memref<1x80x128xf32, #tpu.memory_space<vmem>> -> memref<80x128xf32, #tpu.memory_space<vmem>>
      %parallel_loop3A_572 = arith.index_cast %parallel_loop3A_446 : i32 to index
      %parallel_loop3A_573 = arith.constant 64 : index
      %parallel_loop3A_574 = tpu.vector_load %parallel_loop3A_571[%parallel_loop3A_572, %parallel_loop3A_573] {strides = array<i32>} : memref<80x128xf32, #tpu.memory_space<vmem>>, vector<1x16xf32>,
      %parallel_loop3A_575 = vector.shape_cast %parallel_loop3A_574 : vector<1x16xf32> to vector<16xf32>
      %parallel_loop3A_576 = vector.shape_cast %parallel_loop3A_567 : vector<16xf32> to vector<1x16xf32>
      tpu.vector_store %parallel_loop3A_571[%parallel_loop3A_572, %parallel_loop3A_573], %parallel_loop3A_576 {strides = array<i32>} : memref<80x128xf32, #tpu.memory_space<vmem>>, vector<1x16xf32>,
      %parallel_loop3A_577 = arith.constant 0 : i32
      %parallel_loop3A_578 = arith.constant 0 : i32
      %parallel_loop3A_579 = tpu.memref_slice %arg9[%parallel_loop3A_109, %parallel_loop3A_577, %parallel_loop3A_578] : memref<2x80x128xf32, #tpu.memory_space<vmem>> -> memref<1x80x128xf32, #tpu.memory_space<vmem>>
      %parallel_loop3A_580 = tpu.memref_squeeze %parallel_loop3A_579 : memref<1x80x128xf32, #tpu.memory_space<vmem>> -> memref<80x128xf32, #tpu.memory_space<vmem>>
      %parallel_loop3A_581 = arith.index_cast %parallel_loop3A_446 : i32 to index
      %parallel_loop3A_582 = arith.constant 80 : index
      %parallel_loop3A_583 = tpu.vector_load %parallel_loop3A_580[%parallel_loop3A_581, %parallel_loop3A_582] {strides = array<i32>} : memref<80x128xf32, #tpu.memory_space<vmem>>, vector<1x16xf32>,
      %parallel_loop3A_584 = vector.shape_cast %parallel_loop3A_583 : vector<1x16xf32> to vector<16xf32>
      %parallel_loop3A_585 = arith.constant 0 : i32
      %parallel_loop3A_586 = arith.constant 0 : i32
      %parallel_loop3A_587 = tpu.memref_slice %arg10[%parallel_loop3A_110, %parallel_loop3A_585, %parallel_loop3A_586] : memref<2x80x128xf32, #tpu.memory_space<vmem>> -> memref<1x80x128xf32, #tpu.memory_space<vmem>>
      %parallel_loop3A_588 = tpu.memref_squeeze %parallel_loop3A_587 : memref<1x80x128xf32, #tpu.memory_space<vmem>> -> memref<80x128xf32, #tpu.memory_space<vmem>>
      %parallel_loop3A_589 = arith.index_cast %parallel_loop3A_446 : i32 to index
      %parallel_loop3A_590 = arith.constant 80 : index
      %parallel_loop3A_591 = tpu.vector_load %parallel_loop3A_588[%parallel_loop3A_589, %parallel_loop3A_590] {strides = array<i32>} : memref<80x128xf32, #tpu.memory_space<vmem>>, vector<1x16xf32>,
      %parallel_loop3A_592 = vector.shape_cast %parallel_loop3A_591 : vector<1x16xf32> to vector<16xf32>
      %parallel_loop3A_593 = arith.addf %parallel_loop3A_584, %parallel_loop3A_592 : vector<16xf32>
      %parallel_loop3A_594 = arith.constant 0 : i32
      %parallel_loop3A_595 = arith.constant 0 : i32
      %parallel_loop3A_596 = tpu.memref_slice %arg11[%parallel_loop3A_111, %parallel_loop3A_594, %parallel_loop3A_595] : memref<2x80x128xf32, #tpu.memory_space<vmem>> -> memref<1x80x128xf32, #tpu.memory_space<vmem>>
      %parallel_loop3A_597 = tpu.memref_squeeze %parallel_loop3A_596 : memref<1x80x128xf32, #tpu.memory_space<vmem>> -> memref<80x128xf32, #tpu.memory_space<vmem>>
      %parallel_loop3A_598 = arith.index_cast %parallel_loop3A_446 : i32 to index
      %parallel_loop3A_599 = arith.constant 80 : index
      %parallel_loop3A_600 = tpu.vector_load %parallel_loop3A_597[%parallel_loop3A_598, %parallel_loop3A_599] {strides = array<i32>} : memref<80x128xf32, #tpu.memory_space<vmem>>, vector<1x16xf32>,
      %parallel_loop3A_601 = vector.shape_cast %parallel_loop3A_600 : vector<1x16xf32> to vector<16xf32>
      %parallel_loop3A_602 = vector.shape_cast %parallel_loop3A_593 : vector<16xf32> to vector<1x16xf32>
      tpu.vector_store %parallel_loop3A_597[%parallel_loop3A_598, %parallel_loop3A_599], %parallel_loop3A_602 {strides = array<i32>} : memref<80x128xf32, #tpu.memory_space<vmem>>, vector<1x16xf32>,
      %parallel_loop3A_603 = arith.constant 0 : i32
      %parallel_loop3A_604 = arith.constant 0 : i32
      %parallel_loop3A_605 = tpu.memref_slice %arg9[%parallel_loop3A_109, %parallel_loop3A_603, %parallel_loop3A_604] : memref<2x80x128xf32, #tpu.memory_space<vmem>> -> memref<1x80x128xf32, #tpu.memory_space<vmem>>
      %parallel_loop3A_606 = tpu.memref_squeeze %parallel_loop3A_605 : memref<1x80x128xf32, #tpu.memory_space<vmem>> -> memref<80x128xf32, #tpu.memory_space<vmem>>
      %parallel_loop3A_607 = arith.index_cast %parallel_loop3A_446 : i32 to index
      %parallel_loop3A_608 = arith.constant 96 : index
      %parallel_loop3A_609 = tpu.vector_load %parallel_loop3A_606[%parallel_loop3A_607, %parallel_loop3A_608] {strides = array<i32>} : memref<80x128xf32, #tpu.memory_space<vmem>>, vector<1x16xf32>,
      %parallel_loop3A_610 = vector.shape_cast %parallel_loop3A_609 : vector<1x16xf32> to vector<16xf32>
      %parallel_loop3A_611 = arith.constant 0 : i32
      %parallel_loop3A_612 = arith.constant 0 : i32
      %parallel_loop3A_613 = tpu.memref_slice %arg10[%parallel_loop3A_110, %parallel_loop3A_611, %parallel_loop3A_612] : memref<2x80x128xf32, #tpu.memory_space<vmem>> -> memref<1x80x128xf32, #tpu.memory_space<vmem>>
      %parallel_loop3A_614 = tpu.memref_squeeze %parallel_loop3A_613 : memref<1x80x128xf32, #tpu.memory_space<vmem>> -> memref<80x128xf32, #tpu.memory_space<vmem>>
      %parallel_loop3A_615 = arith.index_cast %parallel_loop3A_446 : i32 to index
      %parallel_loop3A_616 = arith.constant 96 : index
      %parallel_loop3A_617 = tpu.vector_load %parallel_loop3A_614[%parallel_loop3A_615, %parallel_loop3A_616] {strides = array<i32>} : memref<80x128xf32, #tpu.memory_space<vmem>>, vector<1x16xf32>,
      %parallel_loop3A_618 = vector.shape_cast %parallel_loop3A_617 : vector<1x16xf32> to vector<16xf32>
      %parallel_loop3A_619 = arith.addf %parallel_loop3A_610, %parallel_loop3A_618 : vector<16xf32>
      %parallel_loop3A_620 = arith.constant 0 : i32
      %parallel_loop3A_621 = arith.constant 0 : i32
      %parallel_loop3A_622 = tpu.memref_slice %arg11[%parallel_loop3A_111, %parallel_loop3A_620, %parallel_loop3A_621] : memref<2x80x128xf32, #tpu.memory_space<vmem>> -> memref<1x80x128xf32, #tpu.memory_space<vmem>>
      %parallel_loop3A_623 = tpu.memref_squeeze %parallel_loop3A_622 : memref<1x80x128xf32, #tpu.memory_space<vmem>> -> memref<80x128xf32, #tpu.memory_space<vmem>>
      %parallel_loop3A_624 = arith.index_cast %parallel_loop3A_446 : i32 to index
      %parallel_loop3A_625 = arith.constant 96 : index
      %parallel_loop3A_626 = tpu.vector_load %parallel_loop3A_623[%parallel_loop3A_624, %parallel_loop3A_625] {strides = array<i32>} : memref<80x128xf32, #tpu.memory_space<vmem>>, vector<1x16xf32>,
      %parallel_loop3A_627 = vector.shape_cast %parallel_loop3A_626 : vector<1x16xf32> to vector<16xf32>
      %parallel_loop3A_628 = vector.shape_cast %parallel_loop3A_619 : vector<16xf32> to vector<1x16xf32>
      tpu.vector_store %parallel_loop3A_623[%parallel_loop3A_624, %parallel_loop3A_625], %parallel_loop3A_628 {strides = array<i32>} : memref<80x128xf32, #tpu.memory_space<vmem>>, vector<1x16xf32>,
      %parallel_loop3A_629 = arith.constant 0 : i32
      %parallel_loop3A_630 = arith.constant 0 : i32
      %parallel_loop3A_631 = tpu.memref_slice %arg9[%parallel_loop3A_109, %parallel_loop3A_629, %parallel_loop3A_630] : memref<2x80x128xf32, #tpu.memory_space<vmem>> -> memref<1x80x128xf32, #tpu.memory_space<vmem>>
      %parallel_loop3A_632 = tpu.memref_squeeze %parallel_loop3A_631 : memref<1x80x128xf32, #tpu.memory_space<vmem>> -> memref<80x128xf32, #tpu.memory_space<vmem>>
      %parallel_loop3A_633 = arith.index_cast %parallel_loop3A_446 : i32 to index
      %parallel_loop3A_634 = arith.constant 112 : index
      %parallel_loop3A_635 = tpu.vector_load %parallel_loop3A_632[%parallel_loop3A_633, %parallel_loop3A_634] {strides = array<i32>} : memref<80x128xf32, #tpu.memory_space<vmem>>, vector<1x16xf32>,
      %parallel_loop3A_636 = vector.shape_cast %parallel_loop3A_635 : vector<1x16xf32> to vector<16xf32>
      %parallel_loop3A_637 = arith.constant 0 : i32
      %parallel_loop3A_638 = arith.constant 0 : i32
      %parallel_loop3A_639 = tpu.memref_slice %arg10[%parallel_loop3A_110, %parallel_loop3A_637, %parallel_loop3A_638] : memref<2x80x128xf32, #tpu.memory_space<vmem>> -> memref<1x80x128xf32, #tpu.memory_space<vmem>>
      %parallel_loop3A_640 = tpu.memref_squeeze %parallel_loop3A_639 : memref<1x80x128xf32, #tpu.memory_space<vmem>> -> memref<80x128xf32, #tpu.memory_space<vmem>>
      %parallel_loop3A_641 = arith.index_cast %parallel_loop3A_446 : i32 to index
      %parallel_loop3A_642 = arith.constant 112 : index
      %parallel_loop3A_643 = tpu.vector_load %parallel_loop3A_640[%parallel_loop3A_641, %parallel_loop3A_642] {strides = array<i32>} : memref<80x128xf32, #tpu.memory_space<vmem>>, vector<1x16xf32>,
      %parallel_loop3A_644 = vector.shape_cast %parallel_loop3A_643 : vector<1x16xf32> to vector<16xf32>
      %parallel_loop3A_645 = arith.addf %parallel_loop3A_636, %parallel_loop3A_644 : vector<16xf32>
      %parallel_loop3A_646 = arith.constant 0 : i32
      %parallel_loop3A_647 = arith.constant 0 : i32
      %parallel_loop3A_648 = tpu.memref_slice %arg11[%parallel_loop3A_111, %parallel_loop3A_646, %parallel_loop3A_647] : memref<2x80x128xf32, #tpu.memory_space<vmem>> -> memref<1x80x128xf32, #tpu.memory_space<vmem>>
      %parallel_loop3A_649 = tpu.memref_squeeze %parallel_loop3A_648 : memref<1x80x128xf32, #tpu.memory_space<vmem>> -> memref<80x128xf32, #tpu.memory_space<vmem>>
      %parallel_loop3A_650 = arith.index_cast %parallel_loop3A_446 : i32 to index
      %parallel_loop3A_651 = arith.constant 112 : index
      %parallel_loop3A_652 = tpu.vector_load %parallel_loop3A_649[%parallel_loop3A_650, %parallel_loop3A_651] {strides = array<i32>} : memref<80x128xf32, #tpu.memory_space<vmem>>, vector<1x16xf32>,
      %parallel_loop3A_653 = vector.shape_cast %parallel_loop3A_652 : vector<1x16xf32> to vector<16xf32>
      %parallel_loop3A_654 = vector.shape_cast %parallel_loop3A_645 : vector<16xf32> to vector<1x16xf32>
      tpu.vector_store %parallel_loop3A_649[%parallel_loop3A_650, %parallel_loop3A_651], %parallel_loop3A_654 {strides = array<i32>} : memref<80x128xf32, #tpu.memory_space<vmem>>, vector<1x16xf32>,
    } {sc.loop_unroll_factor = 1 : i64, sc.parallel_access}
    %dma_start3A_112 = arith.constant 0 : i32
    %dma_start3A_113 = arith.constant 0 : i32
    %dma_start3A_114 = arith.constant 0 : i32
    %dma_start3A_115 = tpu.memref_slice %arg11[%dma_start3A_112, %dma_start3A_113, %dma_start3A_114] : memref<2x80x128xf32, #tpu.memory_space<vmem>> -> memref<1x80x128xf32, #tpu.memory_space<vmem>>
    %dma_start3A_116 = tpu.memref_squeeze %dma_start3A_115 : memref<1x80x128xf32, #tpu.memory_space<vmem>> -> memref<80x128xf32, #tpu.memory_space<vmem>>
    %dma_start3A_117 = arith.constant 0 : i32
    %dma_start3A_118 = tpu.memref_slice %arg6[%add3A_82, %dma_start3A_117] : memref<320000x128xf32, #tpu.memory_space<hbm>> -> memref<80x128xf32, #tpu.memory_space<hbm>>
    %dma_start3A_119 = arith.constant 0 : i32
    %dma_start3A_120 = tpu.memref_slice %arg6[%add3A_82, %dma_start3A_119] : memref<320000x128xf32, #tpu.memory_space<hbm>> -> memref<80x128xf32, #tpu.memory_space<hbm>>
    %dma_start3A_121 = arith.constant 0 : i32
    %dma_start3A_122 = arith.constant 0 : i32
    %dma_start3A_123 = tpu.memref_slice %arg11[%dma_start3A_112, %dma_start3A_121, %dma_start3A_122] : memref<2x80x128xf32, #tpu.memory_space<vmem>> -> memref<1x80x128xf32, #tpu.memory_space<vmem>>
    %dma_start3A_124 = tpu.memref_squeeze %dma_start3A_123 : memref<1x80x128xf32, #tpu.memory_space<vmem>> -> memref<80x128xf32, #tpu.memory_space<vmem>>
    tpu.enqueue_dma source(%dma_start3A_124 : memref<80x128xf32, #tpu.memory_space<vmem>>) target(%dma_start3A_120 : memref<80x128xf32, #tpu.memory_space<hbm>>) target_semaphore(%arg14 : memref<!tpu.dma_semaphore, #tpu.memory_space<semaphore_mem>>)
    %dma_start3A_125 = arith.constant 2 : i32
    %dma_start3A_126 = arith.constant 0 : i32
    %dma_start3A_127 = arith.constant 0 : i32
    %dma_start3A_128 = arith.constant 0 : i32
    %dma_start3A_129 = tpu.memref_slice %arg9[%dma_start3A_126, %dma_start3A_127, %dma_start3A_128] : memref<2x80x128xf32, #tpu.memory_space<vmem>> -> memref<1x80x128xf32, #tpu.memory_space<vmem>>
    %dma_start3A_130 = tpu.memref_squeeze %dma_start3A_129 : memref<1x80x128xf32, #tpu.memory_space<vmem>> -> memref<80x128xf32, #tpu.memory_space<vmem>>
    %dma_start3A_131 = arith.constant 0 : i32
    %dma_start3A_132 = tpu.memref_slice %arg7[%dma_start3A_125, %dma_start3A_131] : memref<125x80xi32, #tpu.memory_space<vmem>> -> memref<1x80xi32, #tpu.memory_space<vmem>>
    %dma_start3A_133 = tpu.memref_squeeze %dma_start3A_132 : memref<1x80xi32, #tpu.memory_space<vmem>> -> memref<80xi32, #tpu.memory_space<vmem>>
    %dma_start3A_134 = arith.constant 0 : i32
    %dma_start3A_135 = arith.constant 0 : i32
    %dma_start3A_136 = tpu.memref_slice %arg2[%dma_start3A_134, %dma_start3A_135] : memref<10000x128xf32, #tpu.memory_space<hbm>> -> memref<10000x128xf32, #tpu.memory_space<hbm>>
    tpu.enqueue_indirect_dma source(%dma_start3A_136 : memref<10000x128xf32, #tpu.memory_space<hbm>>) target(%dma_start3A_130 : memref<80x128xf32, #tpu.memory_space<vmem>>) offsets(%dma_start3A_133 : memref<80xi32, #tpu.memory_space<vmem>>) semaphore(%arg12 : memref<!tpu.dma_semaphore, #tpu.memory_space<semaphore_mem>>)
    %dma_start3A_137 = arith.constant 2 : i32
    %dma_start3A_138 = arith.constant 0 : i32
    %dma_start3A_139 = arith.constant 0 : i32
    %dma_start3A_140 = arith.constant 0 : i32
    %dma_start3A_141 = tpu.memref_slice %arg10[%dma_start3A_138, %dma_start3A_139, %dma_start3A_140] : memref<2x80x128xf32, #tpu.memory_space<vmem>> -> memref<1x80x128xf32, #tpu.memory_space<vmem>>
    %dma_start3A_142 = tpu.memref_squeeze %dma_start3A_141 : memref<1x80x128xf32, #tpu.memory_space<vmem>> -> memref<80x128xf32, #tpu.memory_space<vmem>>
    %dma_start3A_143 = arith.constant 0 : i32
    %dma_start3A_144 = tpu.memref_slice %arg8[%dma_start3A_137, %dma_start3A_143] : memref<125x80xi32, #tpu.memory_space<vmem>> -> memref<1x80xi32, #tpu.memory_space<vmem>>
    %dma_start3A_145 = tpu.memref_squeeze %dma_start3A_144 : memref<1x80xi32, #tpu.memory_space<vmem>> -> memref<80xi32, #tpu.memory_space<vmem>>
    %dma_start3A_146 = arith.constant 0 : i32
    %dma_start3A_147 = arith.constant 0 : i32
    %dma_start3A_148 = tpu.memref_slice %arg3[%dma_start3A_146, %dma_start3A_147] : memref<10000x128xf32, #tpu.memory_space<hbm>> -> memref<10000x128xf32, #tpu.memory_space<hbm>>
    tpu.enqueue_indirect_dma source(%dma_start3A_148 : memref<10000x128xf32, #tpu.memory_space<hbm>>) target(%dma_start3A_142 : memref<80x128xf32, #tpu.memory_space<vmem>>) offsets(%dma_start3A_145 : memref<80xi32, #tpu.memory_space<vmem>>) semaphore(%arg12 : memref<!tpu.dma_semaphore, #tpu.memory_space<semaphore_mem>>)
    %add3A_149 = arith.constant 80 : i32
    %add3A_150 = arith.addi %mul3A_2, %add3A_149 : i32
    %dma_wait3A_151 = arith.constant 1 : i32
    %dma_wait3A_152 = arith.constant 1 : i32
    %dma_wait3A_153 = arith.constant 0 : i32
    %dma_wait3A_154 = arith.constant 0 : i32
    %dma_wait3A_155 = tpu.memref_slice %arg9[%dma_wait3A_152, %dma_wait3A_153, %dma_wait3A_154] : memref<2x80x128xf32, #tpu.memory_space<vmem>> -> memref<1x80x128xf32, #tpu.memory_space<vmem>>
    %dma_wait3A_156 = tpu.memref_squeeze %dma_wait3A_155 : memref<1x80x128xf32, #tpu.memory_space<vmem>> -> memref<80x128xf32, #tpu.memory_space<vmem>>
    %dma_wait3A_157 = arith.constant 0 : i32
    %dma_wait3A_158 = tpu.memref_slice %arg7[%dma_wait3A_151, %dma_wait3A_157] : memref<125x80xi32, #tpu.memory_space<vmem>> -> memref<1x80xi32, #tpu.memory_space<vmem>>
    %dma_wait3A_159 = tpu.memref_squeeze %dma_wait3A_158 : memref<1x80xi32, #tpu.memory_space<vmem>> -> memref<80xi32, #tpu.memory_space<vmem>>
    %dma_wait3A_160 = arith.constant 0 : i32
    %dma_wait3A_161 = arith.constant 0 : i32
    %dma_wait3A_162 = tpu.memref_slice %arg2[%dma_wait3A_160, %dma_wait3A_161] : memref<10000x128xf32, #tpu.memory_space<hbm>> -> memref<10000x128xf32, #tpu.memory_space<hbm>>
    tpu.wait_indirect_dma semaphore(%arg13 : memref<!tpu.dma_semaphore, #tpu.memory_space<semaphore_mem>>) src(%dma_wait3A_162 : memref<10000x128xf32, #tpu.memory_space<hbm>>) dst(%dma_wait3A_156 : memref<80x128xf32, #tpu.memory_space<vmem>>)
    %dma_wait3A_163 = arith.constant 1 : i32
    %dma_wait3A_164 = arith.constant 1 : i32
    %dma_wait3A_165 = arith.constant 0 : i32
    %dma_wait3A_166 = arith.constant 0 : i32
    %dma_wait3A_167 = tpu.memref_slice %arg10[%dma_wait3A_164, %dma_wait3A_165, %dma_wait3A_166] : memref<2x80x128xf32, #tpu.memory_space<vmem>> -> memref<1x80x128xf32, #tpu.memory_space<vmem>>
    %dma_wait3A_168 = tpu.memref_squeeze %dma_wait3A_167 : memref<1x80x128xf32, #tpu.memory_space<vmem>> -> memref<80x128xf32, #tpu.memory_space<vmem>>
    %dma_wait3A_169 = arith.constant 0 : i32
    %dma_wait3A_170 = tpu.memref_slice %arg8[%dma_wait3A_163, %dma_wait3A_169] : memref<125x80xi32, #tpu.memory_space<vmem>> -> memref<1x80xi32, #tpu.memory_space<vmem>>
    %dma_wait3A_171 = tpu.memref_squeeze %dma_wait3A_170 : memref<1x80xi32, #tpu.memory_space<vmem>> -> memref<80xi32, #tpu.memory_space<vmem>>
    %dma_wait3A_172 = arith.constant 0 : i32
    %dma_wait3A_173 = arith.constant 0 : i32
    %dma_wait3A_174 = tpu.memref_slice %arg3[%dma_wait3A_172, %dma_wait3A_173] : memref<10000x128xf32, #tpu.memory_space<hbm>> -> memref<10000x128xf32, #tpu.memory_space<hbm>>
    tpu.wait_indirect_dma semaphore(%arg13 : memref<!tpu.dma_semaphore, #tpu.memory_space<semaphore_mem>>) src(%dma_wait3A_174 : memref<10000x128xf32, #tpu.memory_space<hbm>>) dst(%dma_wait3A_168 : memref<80x128xf32, #tpu.memory_space<vmem>>)
    %parallel_loop3A_175 = arith.constant 0 : i32
    %parallel_loop3A_176 = arith.constant 80 : i32
    %parallel_loop3A_177 = arith.constant 1 : i32
    %parallel_loop3A_178 = arith.constant 1 : i32
    %parallel_loop3A_179 = arith.constant 1 : i32
    %parallel_loop3A_180 = arith.constant 1 : i32
    scf.for %parallel_loop3A_446 = %parallel_loop3A_175 to %parallel_loop3A_176 step %parallel_loop3A_177  : i32 {
      %parallel_loop3A_447 = arith.constant 0 : i32
      %parallel_loop3A_448 = arith.constant 0 : i32
      %parallel_loop3A_449 = tpu.memref_slice %arg9[%parallel_loop3A_178, %parallel_loop3A_447, %parallel_loop3A_448] : memref<2x80x128xf32, #tpu.memory_space<vmem>> -> memref<1x80x128xf32, #tpu.memory_space<vmem>>
      %parallel_loop3A_450 = tpu.memref_squeeze %parallel_loop3A_449 : memref<1x80x128xf32, #tpu.memory_space<vmem>> -> memref<80x128xf32, #tpu.memory_space<vmem>>
      %parallel_loop3A_451 = arith.index_cast %parallel_loop3A_446 : i32 to index
      %parallel_loop3A_452 = arith.constant 0 : index
      %parallel_loop3A_453 = tpu.vector_load %parallel_loop3A_450[%parallel_loop3A_451, %parallel_loop3A_452] {strides = array<i32>} : memref<80x128xf32, #tpu.memory_space<vmem>>, vector<1x16xf32>,
      %parallel_loop3A_454 = vector.shape_cast %parallel_loop3A_453 : vector<1x16xf32> to vector<16xf32>
      %parallel_loop3A_455 = arith.constant 0 : i32
      %parallel_loop3A_456 = arith.constant 0 : i32
      %parallel_loop3A_457 = tpu.memref_slice %arg10[%parallel_loop3A_179, %parallel_loop3A_455, %parallel_loop3A_456] : memref<2x80x128xf32, #tpu.memory_space<vmem>> -> memref<1x80x128xf32, #tpu.memory_space<vmem>>
      %parallel_loop3A_458 = tpu.memref_squeeze %parallel_loop3A_457 : memref<1x80x128xf32, #tpu.memory_space<vmem>> -> memref<80x128xf32, #tpu.memory_space<vmem>>
      %parallel_loop3A_459 = arith.index_cast %parallel_loop3A_446 : i32 to index
      %parallel_loop3A_460 = arith.constant 0 : index
      %parallel_loop3A_461 = tpu.vector_load %parallel_loop3A_458[%parallel_loop3A_459, %parallel_loop3A_460] {strides = array<i32>} : memref<80x128xf32, #tpu.memory_space<vmem>>, vector<1x16xf32>,
      %parallel_loop3A_462 = vector.shape_cast %parallel_loop3A_461 : vector<1x16xf32> to vector<16xf32>
      %parallel_loop3A_463 = arith.addf %parallel_loop3A_454, %parallel_loop3A_462 : vector<16xf32>
      %parallel_loop3A_464 = arith.constant 0 : i32
      %parallel_loop3A_465 = arith.constant 0 : i32
      %parallel_loop3A_466 = tpu.memref_slice %arg11[%parallel_loop3A_180, %parallel_loop3A_464, %parallel_loop3A_465] : memref<2x80x128xf32, #tpu.memory_space<vmem>> -> memref<1x80x128xf32, #tpu.memory_space<vmem>>
      %parallel_loop3A_467 = tpu.memref_squeeze %parallel_loop3A_466 : memref<1x80x128xf32, #tpu.memory_space<vmem>> -> memref<80x128xf32, #tpu.memory_space<vmem>>
      %parallel_loop3A_468 = arith.index_cast %parallel_loop3A_446 : i32 to index
      %parallel_loop3A_469 = arith.constant 0 : index
      %parallel_loop3A_470 = tpu.vector_load %parallel_loop3A_467[%parallel_loop3A_468, %parallel_loop3A_469] {strides = array<i32>} : memref<80x128xf32, #tpu.memory_space<vmem>>, vector<1x16xf32>,
      %parallel_loop3A_471 = vector.shape_cast %parallel_loop3A_470 : vector<1x16xf32> to vector<16xf32>
      %parallel_loop3A_472 = vector.shape_cast %parallel_loop3A_463 : vector<16xf32> to vector<1x16xf32>
      tpu.vector_store %parallel_loop3A_467[%parallel_loop3A_468, %parallel_loop3A_469], %parallel_loop3A_472 {strides = array<i32>} : memref<80x128xf32, #tpu.memory_space<vmem>>, vector<1x16xf32>,
      %parallel_loop3A_473 = arith.constant 0 : i32
      %parallel_loop3A_474 = arith.constant 0 : i32
      %parallel_loop3A_475 = tpu.memref_slice %arg9[%parallel_loop3A_178, %parallel_loop3A_473, %parallel_loop3A_474] : memref<2x80x128xf32, #tpu.memory_space<vmem>> -> memref<1x80x128xf32, #tpu.memory_space<vmem>>
      %parallel_loop3A_476 = tpu.memref_squeeze %parallel_loop3A_475 : memref<1x80x128xf32, #tpu.memory_space<vmem>> -> memref<80x128xf32, #tpu.memory_space<vmem>>
      %parallel_loop3A_477 = arith.index_cast %parallel_loop3A_446 : i32 to index
      %parallel_loop3A_478 = arith.constant 16 : index
      %parallel_loop3A_479 = tpu.vector_load %parallel_loop3A_476[%parallel_loop3A_477, %parallel_loop3A_478] {strides = array<i32>} : memref<80x128xf32, #tpu.memory_space<vmem>>, vector<1x16xf32>,
      %parallel_loop3A_480 = vector.shape_cast %parallel_loop3A_479 : vector<1x16xf32> to vector<16xf32>
      %parallel_loop3A_481 = arith.constant 0 : i32
      %parallel_loop3A_482 = arith.constant 0 : i32
      %parallel_loop3A_483 = tpu.memref_slice %arg10[%parallel_loop3A_179, %parallel_loop3A_481, %parallel_loop3A_482] : memref<2x80x128xf32, #tpu.memory_space<vmem>> -> memref<1x80x128xf32, #tpu.memory_space<vmem>>
      %parallel_loop3A_484 = tpu.memref_squeeze %parallel_loop3A_483 : memref<1x80x128xf32, #tpu.memory_space<vmem>> -> memref<80x128xf32, #tpu.memory_space<vmem>>
      %parallel_loop3A_485 = arith.index_cast %parallel_loop3A_446 : i32 to index
      %parallel_loop3A_486 = arith.constant 16 : index
      %parallel_loop3A_487 = tpu.vector_load %parallel_loop3A_484[%parallel_loop3A_485, %parallel_loop3A_486] {strides = array<i32>} : memref<80x128xf32, #tpu.memory_space<vmem>>, vector<1x16xf32>,
      %parallel_loop3A_488 = vector.shape_cast %parallel_loop3A_487 : vector<1x16xf32> to vector<16xf32>
      %parallel_loop3A_489 = arith.addf %parallel_loop3A_480, %parallel_loop3A_488 : vector<16xf32>
      %parallel_loop3A_490 = arith.constant 0 : i32
      %parallel_loop3A_491 = arith.constant 0 : i32
      %parallel_loop3A_492 = tpu.memref_slice %arg11[%parallel_loop3A_180, %parallel_loop3A_490, %parallel_loop3A_491] : memref<2x80x128xf32, #tpu.memory_space<vmem>> -> memref<1x80x128xf32, #tpu.memory_space<vmem>>
      %parallel_loop3A_493 = tpu.memref_squeeze %parallel_loop3A_492 : memref<1x80x128xf32, #tpu.memory_space<vmem>> -> memref<80x128xf32, #tpu.memory_space<vmem>>
      %parallel_loop3A_494 = arith.index_cast %parallel_loop3A_446 : i32 to index
      %parallel_loop3A_495 = arith.constant 16 : index
      %parallel_loop3A_496 = tpu.vector_load %parallel_loop3A_493[%parallel_loop3A_494, %parallel_loop3A_495] {strides = array<i32>} : memref<80x128xf32, #tpu.memory_space<vmem>>, vector<1x16xf32>,
      %parallel_loop3A_497 = vector.shape_cast %parallel_loop3A_496 : vector<1x16xf32> to vector<16xf32>
      %parallel_loop3A_498 = vector.shape_cast %parallel_loop3A_489 : vector<16xf32> to vector<1x16xf32>
      tpu.vector_store %parallel_loop3A_493[%parallel_loop3A_494, %parallel_loop3A_495], %parallel_loop3A_498 {strides = array<i32>} : memref<80x128xf32, #tpu.memory_space<vmem>>, vector<1x16xf32>,
      %parallel_loop3A_499 = arith.constant 0 : i32
      %parallel_loop3A_500 = arith.constant 0 : i32
      %parallel_loop3A_501 = tpu.memref_slice %arg9[%parallel_loop3A_178, %parallel_loop3A_499, %parallel_loop3A_500] : memref<2x80x128xf32, #tpu.memory_space<vmem>> -> memref<1x80x128xf32, #tpu.memory_space<vmem>>
      %parallel_loop3A_502 = tpu.memref_squeeze %parallel_loop3A_501 : memref<1x80x128xf32, #tpu.memory_space<vmem>> -> memref<80x128xf32, #tpu.memory_space<vmem>>
      %parallel_loop3A_503 = arith.index_cast %parallel_loop3A_446 : i32 to index
      %parallel_loop3A_504 = arith.constant 32 : index
      %parallel_loop3A_505 = tpu.vector_load %parallel_loop3A_502[%parallel_loop3A_503, %parallel_loop3A_504] {strides = array<i32>} : memref<80x128xf32, #tpu.memory_space<vmem>>, vector<1x16xf32>,
      %parallel_loop3A_506 = vector.shape_cast %parallel_loop3A_505 : vector<1x16xf32> to vector<16xf32>
      %parallel_loop3A_507 = arith.constant 0 : i32
      %parallel_loop3A_508 = arith.constant 0 : i32
      %parallel_loop3A_509 = tpu.memref_slice %arg10[%parallel_loop3A_179, %parallel_loop3A_507, %parallel_loop3A_508] : memref<2x80x128xf32, #tpu.memory_space<vmem>> -> memref<1x80x128xf32, #tpu.memory_space<vmem>>
      %parallel_loop3A_510 = tpu.memref_squeeze %parallel_loop3A_509 : memref<1x80x128xf32, #tpu.memory_space<vmem>> -> memref<80x128xf32, #tpu.memory_space<vmem>>
      %parallel_loop3A_511 = arith.index_cast %parallel_loop3A_446 : i32 to index
      %parallel_loop3A_512 = arith.constant 32 : index
      %parallel_loop3A_513 = tpu.vector_load %parallel_loop3A_510[%parallel_loop3A_511, %parallel_loop3A_512] {strides = array<i32>} : memref<80x128xf32, #tpu.memory_space<vmem>>, vector<1x16xf32>,
      %parallel_loop3A_514 = vector.shape_cast %parallel_loop3A_513 : vector<1x16xf32> to vector<16xf32>
      %parallel_loop3A_515 = arith.addf %parallel_loop3A_506, %parallel_loop3A_514 : vector<16xf32>
      %parallel_loop3A_516 = arith.constant 0 : i32
      %parallel_loop3A_517 = arith.constant 0 : i32
      %parallel_loop3A_518 = tpu.memref_slice %arg11[%parallel_loop3A_180, %parallel_loop3A_516, %parallel_loop3A_517] : memref<2x80x128xf32, #tpu.memory_space<vmem>> -> memref<1x80x128xf32, #tpu.memory_space<vmem>>
      %parallel_loop3A_519 = tpu.memref_squeeze %parallel_loop3A_518 : memref<1x80x128xf32, #tpu.memory_space<vmem>> -> memref<80x128xf32, #tpu.memory_space<vmem>>
      %parallel_loop3A_520 = arith.index_cast %parallel_loop3A_446 : i32 to index
      %parallel_loop3A_521 = arith.constant 32 : index
      %parallel_loop3A_522 = tpu.vector_load %parallel_loop3A_519[%parallel_loop3A_520, %parallel_loop3A_521] {strides = array<i32>} : memref<80x128xf32, #tpu.memory_space<vmem>>, vector<1x16xf32>,
      %parallel_loop3A_523 = vector.shape_cast %parallel_loop3A_522 : vector<1x16xf32> to vector<16xf32>
      %parallel_loop3A_524 = vector.shape_cast %parallel_loop3A_515 : vector<16xf32> to vector<1x16xf32>
      tpu.vector_store %parallel_loop3A_519[%parallel_loop3A_520, %parallel_loop3A_521], %parallel_loop3A_524 {strides = array<i32>} : memref<80x128xf32, #tpu.memory_space<vmem>>, vector<1x16xf32>,
      %parallel_loop3A_525 = arith.constant 0 : i32
      %parallel_loop3A_526 = arith.constant 0 : i32
      %parallel_loop3A_527 = tpu.memref_slice %arg9[%parallel_loop3A_178, %parallel_loop3A_525, %parallel_loop3A_526] : memref<2x80x128xf32, #tpu.memory_space<vmem>> -> memref<1x80x128xf32, #tpu.memory_space<vmem>>
      %parallel_loop3A_528 = tpu.memref_squeeze %parallel_loop3A_527 : memref<1x80x128xf32, #tpu.memory_space<vmem>> -> memref<80x128xf32, #tpu.memory_space<vmem>>
      %parallel_loop3A_529 = arith.index_cast %parallel_loop3A_446 : i32 to index
      %parallel_loop3A_530 = arith.constant 48 : index
      %parallel_loop3A_531 = tpu.vector_load %parallel_loop3A_528[%parallel_loop3A_529, %parallel_loop3A_530] {strides = array<i32>} : memref<80x128xf32, #tpu.memory_space<vmem>>, vector<1x16xf32>,
      %parallel_loop3A_532 = vector.shape_cast %parallel_loop3A_531 : vector<1x16xf32> to vector<16xf32>
      %parallel_loop3A_533 = arith.constant 0 : i32
      %parallel_loop3A_534 = arith.constant 0 : i32
      %parallel_loop3A_535 = tpu.memref_slice %arg10[%parallel_loop3A_179, %parallel_loop3A_533, %parallel_loop3A_534] : memref<2x80x128xf32, #tpu.memory_space<vmem>> -> memref<1x80x128xf32, #tpu.memory_space<vmem>>
      %parallel_loop3A_536 = tpu.memref_squeeze %parallel_loop3A_535 : memref<1x80x128xf32, #tpu.memory_space<vmem>> -> memref<80x128xf32, #tpu.memory_space<vmem>>
      %parallel_loop3A_537 = arith.index_cast %parallel_loop3A_446 : i32 to index
      %parallel_loop3A_538 = arith.constant 48 : index
      %parallel_loop3A_539 = tpu.vector_load %parallel_loop3A_536[%parallel_loop3A_537, %parallel_loop3A_538] {strides = array<i32>} : memref<80x128xf32, #tpu.memory_space<vmem>>, vector<1x16xf32>,
      %parallel_loop3A_540 = vector.shape_cast %parallel_loop3A_539 : vector<1x16xf32> to vector<16xf32>
      %parallel_loop3A_541 = arith.addf %parallel_loop3A_532, %parallel_loop3A_540 : vector<16xf32>
      %parallel_loop3A_542 = arith.constant 0 : i32
      %parallel_loop3A_543 = arith.constant 0 : i32
      %parallel_loop3A_544 = tpu.memref_slice %arg11[%parallel_loop3A_180, %parallel_loop3A_542, %parallel_loop3A_543] : memref<2x80x128xf32, #tpu.memory_space<vmem>> -> memref<1x80x128xf32, #tpu.memory_space<vmem>>
      %parallel_loop3A_545 = tpu.memref_squeeze %parallel_loop3A_544 : memref<1x80x128xf32, #tpu.memory_space<vmem>> -> memref<80x128xf32, #tpu.memory_space<vmem>>
      %parallel_loop3A_546 = arith.index_cast %parallel_loop3A_446 : i32 to index
      %parallel_loop3A_547 = arith.constant 48 : index
      %parallel_loop3A_548 = tpu.vector_load %parallel_loop3A_545[%parallel_loop3A_546, %parallel_loop3A_547] {strides = array<i32>} : memref<80x128xf32, #tpu.memory_space<vmem>>, vector<1x16xf32>,
      %parallel_loop3A_549 = vector.shape_cast %parallel_loop3A_548 : vector<1x16xf32> to vector<16xf32>
      %parallel_loop3A_550 = vector.shape_cast %parallel_loop3A_541 : vector<16xf32> to vector<1x16xf32>
      tpu.vector_store %parallel_loop3A_545[%parallel_loop3A_546, %parallel_loop3A_547], %parallel_loop3A_550 {strides = array<i32>} : memref<80x128xf32, #tpu.memory_space<vmem>>, vector<1x16xf32>,
      %parallel_loop3A_551 = arith.constant 0 : i32
      %parallel_loop3A_552 = arith.constant 0 : i32
      %parallel_loop3A_553 = tpu.memref_slice %arg9[%parallel_loop3A_178, %parallel_loop3A_551, %parallel_loop3A_552] : memref<2x80x128xf32, #tpu.memory_space<vmem>> -> memref<1x80x128xf32, #tpu.memory_space<vmem>>
      %parallel_loop3A_554 = tpu.memref_squeeze %parallel_loop3A_553 : memref<1x80x128xf32, #tpu.memory_space<vmem>> -> memref<80x128xf32, #tpu.memory_space<vmem>>
      %parallel_loop3A_555 = arith.index_cast %parallel_loop3A_446 : i32 to index
      %parallel_loop3A_556 = arith.constant 64 : index
      %parallel_loop3A_557 = tpu.vector_load %parallel_loop3A_554[%parallel_loop3A_555, %parallel_loop3A_556] {strides = array<i32>} : memref<80x128xf32, #tpu.memory_space<vmem>>, vector<1x16xf32>,
      %parallel_loop3A_558 = vector.shape_cast %parallel_loop3A_557 : vector<1x16xf32> to vector<16xf32>
      %parallel_loop3A_559 = arith.constant 0 : i32
      %parallel_loop3A_560 = arith.constant 0 : i32
      %parallel_loop3A_561 = tpu.memref_slice %arg10[%parallel_loop3A_179, %parallel_loop3A_559, %parallel_loop3A_560] : memref<2x80x128xf32, #tpu.memory_space<vmem>> -> memref<1x80x128xf32, #tpu.memory_space<vmem>>
      %parallel_loop3A_562 = tpu.memref_squeeze %parallel_loop3A_561 : memref<1x80x128xf32, #tpu.memory_space<vmem>> -> memref<80x128xf32, #tpu.memory_space<vmem>>
      %parallel_loop3A_563 = arith.index_cast %parallel_loop3A_446 : i32 to index
      %parallel_loop3A_564 = arith.constant 64 : index
      %parallel_loop3A_565 = tpu.vector_load %parallel_loop3A_562[%parallel_loop3A_563, %parallel_loop3A_564] {strides = array<i32>} : memref<80x128xf32, #tpu.memory_space<vmem>>, vector<1x16xf32>,
      %parallel_loop3A_566 = vector.shape_cast %parallel_loop3A_565 : vector<1x16xf32> to vector<16xf32>
      %parallel_loop3A_567 = arith.addf %parallel_loop3A_558, %parallel_loop3A_566 : vector<16xf32>
      %parallel_loop3A_568 = arith.constant 0 : i32
      %parallel_loop3A_569 = arith.constant 0 : i32
      %parallel_loop3A_570 = tpu.memref_slice %arg11[%parallel_loop3A_180, %parallel_loop3A_568, %parallel_loop3A_569] : memref<2x80x128xf32, #tpu.memory_space<vmem>> -> memref<1x80x128xf32, #tpu.memory_space<vmem>>
      %parallel_loop3A_571 = tpu.memref_squeeze %parallel_loop3A_570 : memref<1x80x128xf32, #tpu.memory_space<vmem>> -> memref<80x128xf32, #tpu.memory_space<vmem>>
      %parallel_loop3A_572 = arith.index_cast %parallel_loop3A_446 : i32 to index
      %parallel_loop3A_573 = arith.constant 64 : index
      %parallel_loop3A_574 = tpu.vector_load %parallel_loop3A_571[%parallel_loop3A_572, %parallel_loop3A_573] {strides = array<i32>} : memref<80x128xf32, #tpu.memory_space<vmem>>, vector<1x16xf32>,
      %parallel_loop3A_575 = vector.shape_cast %parallel_loop3A_574 : vector<1x16xf32> to vector<16xf32>
      %parallel_loop3A_576 = vector.shape_cast %parallel_loop3A_567 : vector<16xf32> to vector<1x16xf32>
      tpu.vector_store %parallel_loop3A_571[%parallel_loop3A_572, %parallel_loop3A_573], %parallel_loop3A_576 {strides = array<i32>} : memref<80x128xf32, #tpu.memory_space<vmem>>, vector<1x16xf32>,
      %parallel_loop3A_577 = arith.constant 0 : i32
      %parallel_loop3A_578 = arith.constant 0 : i32
      %parallel_loop3A_579 = tpu.memref_slice %arg9[%parallel_loop3A_178, %parallel_loop3A_577, %parallel_loop3A_578] : memref<2x80x128xf32, #tpu.memory_space<vmem>> -> memref<1x80x128xf32, #tpu.memory_space<vmem>>
      %parallel_loop3A_580 = tpu.memref_squeeze %parallel_loop3A_579 : memref<1x80x128xf32, #tpu.memory_space<vmem>> -> memref<80x128xf32, #tpu.memory_space<vmem>>
      %parallel_loop3A_581 = arith.index_cast %parallel_loop3A_446 : i32 to index
      %parallel_loop3A_582 = arith.constant 80 : index
      %parallel_loop3A_583 = tpu.vector_load %parallel_loop3A_580[%parallel_loop3A_581, %parallel_loop3A_582] {strides = array<i32>} : memref<80x128xf32, #tpu.memory_space<vmem>>, vector<1x16xf32>,
      %parallel_loop3A_584 = vector.shape_cast %parallel_loop3A_583 : vector<1x16xf32> to vector<16xf32>
      %parallel_loop3A_585 = arith.constant 0 : i32
      %parallel_loop3A_586 = arith.constant 0 : i32
      %parallel_loop3A_587 = tpu.memref_slice %arg10[%parallel_loop3A_179, %parallel_loop3A_585, %parallel_loop3A_586] : memref<2x80x128xf32, #tpu.memory_space<vmem>> -> memref<1x80x128xf32, #tpu.memory_space<vmem>>
      %parallel_loop3A_588 = tpu.memref_squeeze %parallel_loop3A_587 : memref<1x80x128xf32, #tpu.memory_space<vmem>> -> memref<80x128xf32, #tpu.memory_space<vmem>>
      %parallel_loop3A_589 = arith.index_cast %parallel_loop3A_446 : i32 to index
      %parallel_loop3A_590 = arith.constant 80 : index
      %parallel_loop3A_591 = tpu.vector_load %parallel_loop3A_588[%parallel_loop3A_589, %parallel_loop3A_590] {strides = array<i32>} : memref<80x128xf32, #tpu.memory_space<vmem>>, vector<1x16xf32>,
      %parallel_loop3A_592 = vector.shape_cast %parallel_loop3A_591 : vector<1x16xf32> to vector<16xf32>
      %parallel_loop3A_593 = arith.addf %parallel_loop3A_584, %parallel_loop3A_592 : vector<16xf32>
      %parallel_loop3A_594 = arith.constant 0 : i32
      %parallel_loop3A_595 = arith.constant 0 : i32
      %parallel_loop3A_596 = tpu.memref_slice %arg11[%parallel_loop3A_180, %parallel_loop3A_594, %parallel_loop3A_595] : memref<2x80x128xf32, #tpu.memory_space<vmem>> -> memref<1x80x128xf32, #tpu.memory_space<vmem>>
      %parallel_loop3A_597 = tpu.memref_squeeze %parallel_loop3A_596 : memref<1x80x128xf32, #tpu.memory_space<vmem>> -> memref<80x128xf32, #tpu.memory_space<vmem>>
      %parallel_loop3A_598 = arith.index_cast %parallel_loop3A_446 : i32 to index
      %parallel_loop3A_599 = arith.constant 80 : index
      %parallel_loop3A_600 = tpu.vector_load %parallel_loop3A_597[%parallel_loop3A_598, %parallel_loop3A_599] {strides = array<i32>} : memref<80x128xf32, #tpu.memory_space<vmem>>, vector<1x16xf32>,
      %parallel_loop3A_601 = vector.shape_cast %parallel_loop3A_600 : vector<1x16xf32> to vector<16xf32>
      %parallel_loop3A_602 = vector.shape_cast %parallel_loop3A_593 : vector<16xf32> to vector<1x16xf32>
      tpu.vector_store %parallel_loop3A_597[%parallel_loop3A_598, %parallel_loop3A_599], %parallel_loop3A_602 {strides = array<i32>} : memref<80x128xf32, #tpu.memory_space<vmem>>, vector<1x16xf32>,
      %parallel_loop3A_603 = arith.constant 0 : i32
      %parallel_loop3A_604 = arith.constant 0 : i32
      %parallel_loop3A_605 = tpu.memref_slice %arg9[%parallel_loop3A_178, %parallel_loop3A_603, %parallel_loop3A_604] : memref<2x80x128xf32, #tpu.memory_space<vmem>> -> memref<1x80x128xf32, #tpu.memory_space<vmem>>
      %parallel_loop3A_606 = tpu.memref_squeeze %parallel_loop3A_605 : memref<1x80x128xf32, #tpu.memory_space<vmem>> -> memref<80x128xf32, #tpu.memory_space<vmem>>
      %parallel_loop3A_607 = arith.index_cast %parallel_loop3A_446 : i32 to index
      %parallel_loop3A_608 = arith.constant 96 : index
      %parallel_loop3A_609 = tpu.vector_load %parallel_loop3A_606[%parallel_loop3A_607, %parallel_loop3A_608] {strides = array<i32>} : memref<80x128xf32, #tpu.memory_space<vmem>>, vector<1x16xf32>,
      %parallel_loop3A_610 = vector.shape_cast %parallel_loop3A_609 : vector<1x16xf32> to vector<16xf32>
      %parallel_loop3A_611 = arith.constant 0 : i32
      %parallel_loop3A_612 = arith.constant 0 : i32
      %parallel_loop3A_613 = tpu.memref_slice %arg10[%parallel_loop3A_179, %parallel_loop3A_611, %parallel_loop3A_612] : memref<2x80x128xf32, #tpu.memory_space<vmem>> -> memref<1x80x128xf32, #tpu.memory_space<vmem>>
      %parallel_loop3A_614 = tpu.memref_squeeze %parallel_loop3A_613 : memref<1x80x128xf32, #tpu.memory_space<vmem>> -> memref<80x128xf32, #tpu.memory_space<vmem>>
      %parallel_loop3A_615 = arith.index_cast %parallel_loop3A_446 : i32 to index
      %parallel_loop3A_616 = arith.constant 96 : index
      %parallel_loop3A_617 = tpu.vector_load %parallel_loop3A_614[%parallel_loop3A_615, %parallel_loop3A_616] {strides = array<i32>} : memref<80x128xf32, #tpu.memory_space<vmem>>, vector<1x16xf32>,
      %parallel_loop3A_618 = vector.shape_cast %parallel_loop3A_617 : vector<1x16xf32> to vector<16xf32>
      %parallel_loop3A_619 = arith.addf %parallel_loop3A_610, %parallel_loop3A_618 : vector<16xf32>
      %parallel_loop3A_620 = arith.constant 0 : i32
      %parallel_loop3A_621 = arith.constant 0 : i32
      %parallel_loop3A_622 = tpu.memref_slice %arg11[%parallel_loop3A_180, %parallel_loop3A_620, %parallel_loop3A_621] : memref<2x80x128xf32, #tpu.memory_space<vmem>> -> memref<1x80x128xf32, #tpu.memory_space<vmem>>
      %parallel_loop3A_623 = tpu.memref_squeeze %parallel_loop3A_622 : memref<1x80x128xf32, #tpu.memory_space<vmem>> -> memref<80x128xf32, #tpu.memory_space<vmem>>
      %parallel_loop3A_624 = arith.index_cast %parallel_loop3A_446 : i32 to index
      %parallel_loop3A_625 = arith.constant 96 : index
      %parallel_loop3A_626 = tpu.vector_load %parallel_loop3A_623[%parallel_loop3A_624, %parallel_loop3A_625] {strides = array<i32>} : memref<80x128xf32, #tpu.memory_space<vmem>>, vector<1x16xf32>,
      %parallel_loop3A_627 = vector.shape_cast %parallel_loop3A_626 : vector<1x16xf32> to vector<16xf32>
      %parallel_loop3A_628 = vector.shape_cast %parallel_loop3A_619 : vector<16xf32> to vector<1x16xf32>
      tpu.vector_store %parallel_loop3A_623[%parallel_loop3A_624, %parallel_loop3A_625], %parallel_loop3A_628 {strides = array<i32>} : memref<80x128xf32, #tpu.memory_space<vmem>>, vector<1x16xf32>,
      %parallel_loop3A_629 = arith.constant 0 : i32
      %parallel_loop3A_630 = arith.constant 0 : i32
      %parallel_loop3A_631 = tpu.memref_slice %arg9[%parallel_loop3A_178, %parallel_loop3A_629, %parallel_loop3A_630] : memref<2x80x128xf32, #tpu.memory_space<vmem>> -> memref<1x80x128xf32, #tpu.memory_space<vmem>>
      %parallel_loop3A_632 = tpu.memref_squeeze %parallel_loop3A_631 : memref<1x80x128xf32, #tpu.memory_space<vmem>> -> memref<80x128xf32, #tpu.memory_space<vmem>>
      %parallel_loop3A_633 = arith.index_cast %parallel_loop3A_446 : i32 to index
      %parallel_loop3A_634 = arith.constant 112 : index
      %parallel_loop3A_635 = tpu.vector_load %parallel_loop3A_632[%parallel_loop3A_633, %parallel_loop3A_634] {strides = array<i32>} : memref<80x128xf32, #tpu.memory_space<vmem>>, vector<1x16xf32>,
      %parallel_loop3A_636 = vector.shape_cast %parallel_loop3A_635 : vector<1x16xf32> to vector<16xf32>
      %parallel_loop3A_637 = arith.constant 0 : i32
      %parallel_loop3A_638 = arith.constant 0 : i32
      %parallel_loop3A_639 = tpu.memref_slice %arg10[%parallel_loop3A_179, %parallel_loop3A_637, %parallel_loop3A_638] : memref<2x80x128xf32, #tpu.memory_space<vmem>> -> memref<1x80x128xf32, #tpu.memory_space<vmem>>
      %parallel_loop3A_640 = tpu.memref_squeeze %parallel_loop3A_639 : memref<1x80x128xf32, #tpu.memory_space<vmem>> -> memref<80x128xf32, #tpu.memory_space<vmem>>
      %parallel_loop3A_641 = arith.index_cast %parallel_loop3A_446 : i32 to index
      %parallel_loop3A_642 = arith.constant 112 : index
      %parallel_loop3A_643 = tpu.vector_load %parallel_loop3A_640[%parallel_loop3A_641, %parallel_loop3A_642] {strides = array<i32>} : memref<80x128xf32, #tpu.memory_space<vmem>>, vector<1x16xf32>,
      %parallel_loop3A_644 = vector.shape_cast %parallel_loop3A_643 : vector<1x16xf32> to vector<16xf32>
      %parallel_loop3A_645 = arith.addf %parallel_loop3A_636, %parallel_loop3A_644 : vector<16xf32>
      %parallel_loop3A_646 = arith.constant 0 : i32
      %parallel_loop3A_647 = arith.constant 0 : i32
      %parallel_loop3A_648 = tpu.memref_slice %arg11[%parallel_loop3A_180, %parallel_loop3A_646, %parallel_loop3A_647] : memref<2x80x128xf32, #tpu.memory_space<vmem>> -> memref<1x80x128xf32, #tpu.memory_space<vmem>>
      %parallel_loop3A_649 = tpu.memref_squeeze %parallel_loop3A_648 : memref<1x80x128xf32, #tpu.memory_space<vmem>> -> memref<80x128xf32, #tpu.memory_space<vmem>>
      %parallel_loop3A_650 = arith.index_cast %parallel_loop3A_446 : i32 to index
      %parallel_loop3A_651 = arith.constant 112 : index
      %parallel_loop3A_652 = tpu.vector_load %parallel_loop3A_649[%parallel_loop3A_650, %parallel_loop3A_651] {strides = array<i32>} : memref<80x128xf32, #tpu.memory_space<vmem>>, vector<1x16xf32>,
      %parallel_loop3A_653 = vector.shape_cast %parallel_loop3A_652 : vector<1x16xf32> to vector<16xf32>
      %parallel_loop3A_654 = vector.shape_cast %parallel_loop3A_645 : vector<16xf32> to vector<1x16xf32>
      tpu.vector_store %parallel_loop3A_649[%parallel_loop3A_650, %parallel_loop3A_651], %parallel_loop3A_654 {strides = array<i32>} : memref<80x128xf32, #tpu.memory_space<vmem>>, vector<1x16xf32>,
    } {sc.loop_unroll_factor = 1 : i64, sc.parallel_access}
    %dma_start3A_181 = arith.constant 1 : i32
    %dma_start3A_182 = arith.constant 0 : i32
    %dma_start3A_183 = arith.constant 0 : i32
    %dma_start3A_184 = tpu.memref_slice %arg11[%dma_start3A_181, %dma_start3A_182, %dma_start3A_183] : memref<2x80x128xf32, #tpu.memory_space<vmem>> -> memref<1x80x128xf32, #tpu.memory_space<vmem>>
    %dma_start3A_185 = tpu.memref_squeeze %dma_start3A_184 : memref<1x80x128xf32, #tpu.memory_space<vmem>> -> memref<80x128xf32, #tpu.memory_space<vmem>>
    %dma_start3A_186 = arith.constant 0 : i32
    %dma_start3A_187 = tpu.memref_slice %arg6[%add3A_150, %dma_start3A_186] : memref<320000x128xf32, #tpu.memory_space<hbm>> -> memref<80x128xf32, #tpu.memory_space<hbm>>
    %dma_start3A_188 = arith.constant 0 : i32
    %dma_start3A_189 = tpu.memref_slice %arg6[%add3A_150, %dma_start3A_188] : memref<320000x128xf32, #tpu.memory_space<hbm>> -> memref<80x128xf32, #tpu.memory_space<hbm>>
    %dma_start3A_190 = arith.constant 0 : i32
    %dma_start3A_191 = arith.constant 0 : i32
    %dma_start3A_192 = tpu.memref_slice %arg11[%dma_start3A_181, %dma_start3A_190, %dma_start3A_191] : memref<2x80x128xf32, #tpu.memory_space<vmem>> -> memref<1x80x128xf32, #tpu.memory_space<vmem>>
    %dma_start3A_193 = tpu.memref_squeeze %dma_start3A_192 : memref<1x80x128xf32, #tpu.memory_space<vmem>> -> memref<80x128xf32, #tpu.memory_space<vmem>>
    tpu.enqueue_dma source(%dma_start3A_193 : memref<80x128xf32, #tpu.memory_space<vmem>>) target(%dma_start3A_189 : memref<80x128xf32, #tpu.memory_space<hbm>>) target_semaphore(%arg15 : memref<!tpu.dma_semaphore, #tpu.memory_space<semaphore_mem>>)
    %dma_start3A_194 = arith.constant 3 : i32
    %dma_start3A_195 = arith.constant 1 : i32
    %dma_start3A_196 = arith.constant 0 : i32
    %dma_start3A_197 = arith.constant 0 : i32
    %dma_start3A_198 = tpu.memref_slice %arg9[%dma_start3A_195, %dma_start3A_196, %dma_start3A_197] : memref<2x80x128xf32, #tpu.memory_space<vmem>> -> memref<1x80x128xf32, #tpu.memory_space<vmem>>
    %dma_start3A_199 = tpu.memref_squeeze %dma_start3A_198 : memref<1x80x128xf32, #tpu.memory_space<vmem>> -> memref<80x128xf32, #tpu.memory_space<vmem>>
    %dma_start3A_200 = arith.constant 0 : i32
    %dma_start3A_201 = tpu.memref_slice %arg7[%dma_start3A_194, %dma_start3A_200] : memref<125x80xi32, #tpu.memory_space<vmem>> -> memref<1x80xi32, #tpu.memory_space<vmem>>
    %dma_start3A_202 = tpu.memref_squeeze %dma_start3A_201 : memref<1x80xi32, #tpu.memory_space<vmem>> -> memref<80xi32, #tpu.memory_space<vmem>>
    %dma_start3A_203 = arith.constant 0 : i32
    %dma_start3A_204 = arith.constant 0 : i32
    %dma_start3A_205 = tpu.memref_slice %arg2[%dma_start3A_203, %dma_start3A_204] : memref<10000x128xf32, #tpu.memory_space<hbm>> -> memref<10000x128xf32, #tpu.memory_space<hbm>>
    tpu.enqueue_indirect_dma source(%dma_start3A_205 : memref<10000x128xf32, #tpu.memory_space<hbm>>) target(%dma_start3A_199 : memref<80x128xf32, #tpu.memory_space<vmem>>) offsets(%dma_start3A_202 : memref<80xi32, #tpu.memory_space<vmem>>) semaphore(%arg13 : memref<!tpu.dma_semaphore, #tpu.memory_space<semaphore_mem>>)
    %dma_start3A_206 = arith.constant 3 : i32
    %dma_start3A_207 = arith.constant 1 : i32
    %dma_start3A_208 = arith.constant 0 : i32
    %dma_start3A_209 = arith.constant 0 : i32
    %dma_start3A_210 = tpu.memref_slice %arg10[%dma_start3A_207, %dma_start3A_208, %dma_start3A_209] : memref<2x80x128xf32, #tpu.memory_space<vmem>> -> memref<1x80x128xf32, #tpu.memory_space<vmem>>
    %dma_start3A_211 = tpu.memref_squeeze %dma_start3A_210 : memref<1x80x128xf32, #tpu.memory_space<vmem>> -> memref<80x128xf32, #tpu.memory_space<vmem>>
    %dma_start3A_212 = arith.constant 0 : i32
    %dma_start3A_213 = tpu.memref_slice %arg8[%dma_start3A_206, %dma_start3A_212] : memref<125x80xi32, #tpu.memory_space<vmem>> -> memref<1x80xi32, #tpu.memory_space<vmem>>
    %dma_start3A_214 = tpu.memref_squeeze %dma_start3A_213 : memref<1x80xi32, #tpu.memory_space<vmem>> -> memref<80xi32, #tpu.memory_space<vmem>>
    %dma_start3A_215 = arith.constant 0 : i32
    %dma_start3A_216 = arith.constant 0 : i32
    %dma_start3A_217 = tpu.memref_slice %arg3[%dma_start3A_215, %dma_start3A_216] : memref<10000x128xf32, #tpu.memory_space<hbm>> -> memref<10000x128xf32, #tpu.memory_space<hbm>>
    tpu.enqueue_indirect_dma source(%dma_start3A_217 : memref<10000x128xf32, #tpu.memory_space<hbm>>) target(%dma_start3A_211 : memref<80x128xf32, #tpu.memory_space<vmem>>) offsets(%dma_start3A_214 : memref<80xi32, #tpu.memory_space<vmem>>) semaphore(%arg13 : memref<!tpu.dma_semaphore, #tpu.memory_space<semaphore_mem>>)
    %scan3A = arith.constant 0 : i32
    %scan3A_218 = arith.constant 60 : i32
    %scan3A_219 = arith.addi %scan3A, %scan3A_218 : i32
    %scan3A_220 = arith.constant 1 : i32
    scf.for %scan3A_446 = %scan3A to %scan3A_219 step %scan3A_220  : i32 {
      %mul3A_447 = arith.constant 1 : i32
      %mul3A_448 = arith.muli %scan3A_446, %mul3A_447 : i32
      %add3A_449 = arith.constant 1 : i32
      %add3A_450 = arith.addi %add3A_449, %mul3A_448 : i32
      %mul3A_451 = arith.constant 2 : i32
      %mul3A_452 = arith.muli %mul3A_451, %add3A_450 : i32
      %mul3A_453 = arith.constant 80 : i32
      %mul3A_454 = arith.muli %mul3A_452, %mul3A_453 : i32
      %add3A_455 = arith.addi %mul3A_2, %mul3A_454 : i32
      %dma_wait3A_456 = arith.constant 0 : i32
      %dma_wait3A_457 = arith.constant 0 : i32
      %dma_wait3A_458 = arith.constant 0 : i32
      %dma_wait3A_459 = tpu.memref_slice %arg9[%dma_wait3A_456, %dma_wait3A_457, %dma_wait3A_458] : memref<2x80x128xf32, #tpu.memory_space<vmem>> -> memref<1x80x128xf32, #tpu.memory_space<vmem>>
      %dma_wait3A_460 = tpu.memref_squeeze %dma_wait3A_459 : memref<1x80x128xf32, #tpu.memory_space<vmem>> -> memref<80x128xf32, #tpu.memory_space<vmem>>
      %dma_wait3A_461 = arith.constant 0 : i32
      %dma_wait3A_462 = tpu.memref_slice %arg7[%mul3A_452, %dma_wait3A_461] : memref<125x80xi32, #tpu.memory_space<vmem>> -> memref<1x80xi32, #tpu.memory_space<vmem>>
      %dma_wait3A_463 = tpu.memref_squeeze %dma_wait3A_462 : memref<1x80xi32, #tpu.memory_space<vmem>> -> memref<80xi32, #tpu.memory_space<vmem>>
      %dma_wait3A_464 = arith.constant 0 : i32
      %dma_wait3A_465 = arith.constant 0 : i32
      %dma_wait3A_466 = tpu.memref_slice %arg2[%dma_wait3A_464, %dma_wait3A_465] : memref<10000x128xf32, #tpu.memory_space<hbm>> -> memref<10000x128xf32, #tpu.memory_space<hbm>>
      tpu.wait_indirect_dma semaphore(%arg12 : memref<!tpu.dma_semaphore, #tpu.memory_space<semaphore_mem>>) src(%dma_wait3A_466 : memref<10000x128xf32, #tpu.memory_space<hbm>>) dst(%dma_wait3A_460 : memref<80x128xf32, #tpu.memory_space<vmem>>)
      %dma_wait3A_467 = arith.constant 0 : i32
      %dma_wait3A_468 = arith.constant 0 : i32
      %dma_wait3A_469 = arith.constant 0 : i32
      %dma_wait3A_470 = tpu.memref_slice %arg10[%dma_wait3A_467, %dma_wait3A_468, %dma_wait3A_469] : memref<2x80x128xf32, #tpu.memory_space<vmem>> -> memref<1x80x128xf32, #tpu.memory_space<vmem>>
      %dma_wait3A_471 = tpu.memref_squeeze %dma_wait3A_470 : memref<1x80x128xf32, #tpu.memory_space<vmem>> -> memref<80x128xf32, #tpu.memory_space<vmem>>
      %dma_wait3A_472 = arith.constant 0 : i32
      %dma_wait3A_473 = tpu.memref_slice %arg8[%mul3A_452, %dma_wait3A_472] : memref<125x80xi32, #tpu.memory_space<vmem>> -> memref<1x80xi32, #tpu.memory_space<vmem>>
      %dma_wait3A_474 = tpu.memref_squeeze %dma_wait3A_473 : memref<1x80xi32, #tpu.memory_space<vmem>> -> memref<80xi32, #tpu.memory_space<vmem>>
      %dma_wait3A_475 = arith.constant 0 : i32
      %dma_wait3A_476 = arith.constant 0 : i32
      %dma_wait3A_477 = tpu.memref_slice %arg3[%dma_wait3A_475, %dma_wait3A_476] : memref<10000x128xf32, #tpu.memory_space<hbm>> -> memref<10000x128xf32, #tpu.memory_space<hbm>>
      tpu.wait_indirect_dma semaphore(%arg12 : memref<!tpu.dma_semaphore, #tpu.memory_space<semaphore_mem>>) src(%dma_wait3A_477 : memref<10000x128xf32, #tpu.memory_space<hbm>>) dst(%dma_wait3A_471 : memref<80x128xf32, #tpu.memory_space<vmem>>)
      %dma_wait3A_478 = arith.constant 0 : i32
      %dma_wait3A_479 = arith.constant 0 : i32
      %dma_wait3A_480 = arith.constant 0 : i32
      %dma_wait3A_481 = tpu.memref_slice %arg11[%dma_wait3A_478, %dma_wait3A_479, %dma_wait3A_480] : memref<2x80x128xf32, #tpu.memory_space<vmem>> -> memref<1x80x128xf32, #tpu.memory_space<vmem>>
      %dma_wait3A_482 = tpu.memref_squeeze %dma_wait3A_481 : memref<1x80x128xf32, #tpu.memory_space<vmem>> -> memref<80x128xf32, #tpu.memory_space<vmem>>
      %dma_wait3A_483 = arith.constant 0 : i32
      %dma_wait3A_484 = tpu.memref_slice %arg6[%add3A_455, %dma_wait3A_483] : memref<320000x128xf32, #tpu.memory_space<hbm>> -> memref<80x128xf32, #tpu.memory_space<hbm>>
      %dma_wait3A_485 = arith.constant 0 : i32
      %dma_wait3A_486 = tpu.memref_slice %arg6[%add3A_455, %dma_wait3A_485] : memref<320000x128xf32, #tpu.memory_space<hbm>> -> memref<80x128xf32, #tpu.memory_space<hbm>>
      %dma_wait3A_487 = arith.constant 0 : i32
      %dma_wait3A_488 = arith.constant 0 : i32
      %dma_wait3A_489 = tpu.memref_slice %arg11[%dma_wait3A_478, %dma_wait3A_487, %dma_wait3A_488] : memref<2x80x128xf32, #tpu.memory_space<vmem>> -> memref<1x80x128xf32, #tpu.memory_space<vmem>>
      %dma_wait3A_490 = tpu.memref_squeeze %dma_wait3A_489 : memref<1x80x128xf32, #tpu.memory_space<vmem>> -> memref<80x128xf32, #tpu.memory_space<vmem>>
      tpu.wait_dma2 semaphore(%arg14 : memref<!tpu.dma_semaphore, #tpu.memory_space<semaphore_mem>>) src(%dma_wait3A_490 : memref<80x128xf32, #tpu.memory_space<vmem>>) dst(%dma_wait3A_486 : memref<80x128xf32, #tpu.memory_space<hbm>>)
      %parallel_loop3A_491 = arith.constant 0 : i32
      %parallel_loop3A_492 = arith.constant 80 : i32
      %parallel_loop3A_493 = arith.constant 1 : i32
      %parallel_loop3A_494 = arith.constant 0 : i32
      %parallel_loop3A_495 = arith.constant 0 : i32
      %parallel_loop3A_496 = arith.constant 0 : i32
      scf.for %parallel_loop3A_619 = %parallel_loop3A_491 to %parallel_loop3A_492 step %parallel_loop3A_493  : i32 {
        %parallel_loop3A_620 = arith.constant 0 : i32
        %parallel_loop3A_621 = arith.constant 0 : i32
        %parallel_loop3A_622 = tpu.memref_slice %arg9[%parallel_loop3A_494, %parallel_loop3A_620, %parallel_loop3A_621] : memref<2x80x128xf32, #tpu.memory_space<vmem>> -> memref<1x80x128xf32, #tpu.memory_space<vmem>>
        %parallel_loop3A_623 = tpu.memref_squeeze %parallel_loop3A_622 : memref<1x80x128xf32, #tpu.memory_space<vmem>> -> memref<80x128xf32, #tpu.memory_space<vmem>>
        %parallel_loop3A_624 = arith.index_cast %parallel_loop3A_619 : i32 to index
        %parallel_loop3A_625 = arith.constant 0 : index
        %parallel_loop3A_626 = tpu.vector_load %parallel_loop3A_623[%parallel_loop3A_624, %parallel_loop3A_625] {strides = array<i32>} : memref<80x128xf32, #tpu.memory_space<vmem>>, vector<1x16xf32>,
        %parallel_loop3A_627 = vector.shape_cast %parallel_loop3A_626 : vector<1x16xf32> to vector<16xf32>
        %parallel_loop3A_628 = arith.constant 0 : i32
        %parallel_loop3A_629 = arith.constant 0 : i32
        %parallel_loop3A_630 = tpu.memref_slice %arg10[%parallel_loop3A_495, %parallel_loop3A_628, %parallel_loop3A_629] : memref<2x80x128xf32, #tpu.memory_space<vmem>> -> memref<1x80x128xf32, #tpu.memory_space<vmem>>
        %parallel_loop3A_631 = tpu.memref_squeeze %parallel_loop3A_630 : memref<1x80x128xf32, #tpu.memory_space<vmem>> -> memref<80x128xf32, #tpu.memory_space<vmem>>
        %parallel_loop3A_632 = arith.index_cast %parallel_loop3A_619 : i32 to index
        %parallel_loop3A_633 = arith.constant 0 : index
        %parallel_loop3A_634 = tpu.vector_load %parallel_loop3A_631[%parallel_loop3A_632, %parallel_loop3A_633] {strides = array<i32>} : memref<80x128xf32, #tpu.memory_space<vmem>>, vector<1x16xf32>,
        %parallel_loop3A_635 = vector.shape_cast %parallel_loop3A_634 : vector<1x16xf32> to vector<16xf32>
        %parallel_loop3A_636 = arith.addf %parallel_loop3A_627, %parallel_loop3A_635 : vector<16xf32>
        %parallel_loop3A_637 = arith.constant 0 : i32
        %parallel_loop3A_638 = arith.constant 0 : i32
        %parallel_loop3A_639 = tpu.memref_slice %arg11[%parallel_loop3A_496, %parallel_loop3A_637, %parallel_loop3A_638] : memref<2x80x128xf32, #tpu.memory_space<vmem>> -> memref<1x80x128xf32, #tpu.memory_space<vmem>>
        %parallel_loop3A_640 = tpu.memref_squeeze %parallel_loop3A_639 : memref<1x80x128xf32, #tpu.memory_space<vmem>> -> memref<80x128xf32, #tpu.memory_space<vmem>>
        %parallel_loop3A_641 = arith.index_cast %parallel_loop3A_619 : i32 to index
        %parallel_loop3A_642 = arith.constant 0 : index
        %parallel_loop3A_643 = tpu.vector_load %parallel_loop3A_640[%parallel_loop3A_641, %parallel_loop3A_642] {strides = array<i32>} : memref<80x128xf32, #tpu.memory_space<vmem>>, vector<1x16xf32>,
        %parallel_loop3A_644 = vector.shape_cast %parallel_loop3A_643 : vector<1x16xf32> to vector<16xf32>
        %parallel_loop3A_645 = vector.shape_cast %parallel_loop3A_636 : vector<16xf32> to vector<1x16xf32>
        tpu.vector_store %parallel_loop3A_640[%parallel_loop3A_641, %parallel_loop3A_642], %parallel_loop3A_645 {strides = array<i32>} : memref<80x128xf32, #tpu.memory_space<vmem>>, vector<1x16xf32>,
        %parallel_loop3A_646 = arith.constant 0 : i32
        %parallel_loop3A_647 = arith.constant 0 : i32
        %parallel_loop3A_648 = tpu.memref_slice %arg9[%parallel_loop3A_494, %parallel_loop3A_646, %parallel_loop3A_647] : memref<2x80x128xf32, #tpu.memory_space<vmem>> -> memref<1x80x128xf32, #tpu.memory_space<vmem>>
        %parallel_loop3A_649 = tpu.memref_squeeze %parallel_loop3A_648 : memref<1x80x128xf32, #tpu.memory_space<vmem>> -> memref<80x128xf32, #tpu.memory_space<vmem>>
        %parallel_loop3A_650 = arith.index_cast %parallel_loop3A_619 : i32 to index
        %parallel_loop3A_651 = arith.constant 16 : index
        %parallel_loop3A_652 = tpu.vector_load %parallel_loop3A_649[%parallel_loop3A_650, %parallel_loop3A_651] {strides = array<i32>} : memref<80x128xf32, #tpu.memory_space<vmem>>, vector<1x16xf32>,
        %parallel_loop3A_653 = vector.shape_cast %parallel_loop3A_652 : vector<1x16xf32> to vector<16xf32>
        %parallel_loop3A_654 = arith.constant 0 : i32
        %parallel_loop3A_655 = arith.constant 0 : i32
        %parallel_loop3A_656 = tpu.memref_slice %arg10[%parallel_loop3A_495, %parallel_loop3A_654, %parallel_loop3A_655] : memref<2x80x128xf32, #tpu.memory_space<vmem>> -> memref<1x80x128xf32, #tpu.memory_space<vmem>>
        %parallel_loop3A_657 = tpu.memref_squeeze %parallel_loop3A_656 : memref<1x80x128xf32, #tpu.memory_space<vmem>> -> memref<80x128xf32, #tpu.memory_space<vmem>>
        %parallel_loop3A_658 = arith.index_cast %parallel_loop3A_619 : i32 to index
        %parallel_loop3A_659 = arith.constant 16 : index
        %parallel_loop3A_660 = tpu.vector_load %parallel_loop3A_657[%parallel_loop3A_658, %parallel_loop3A_659] {strides = array<i32>} : memref<80x128xf32, #tpu.memory_space<vmem>>, vector<1x16xf32>,
        %parallel_loop3A_661 = vector.shape_cast %parallel_loop3A_660 : vector<1x16xf32> to vector<16xf32>
        %parallel_loop3A_662 = arith.addf %parallel_loop3A_653, %parallel_loop3A_661 : vector<16xf32>
        %parallel_loop3A_663 = arith.constant 0 : i32
        %parallel_loop3A_664 = arith.constant 0 : i32
        %parallel_loop3A_665 = tpu.memref_slice %arg11[%parallel_loop3A_496, %parallel_loop3A_663, %parallel_loop3A_664] : memref<2x80x128xf32, #tpu.memory_space<vmem>> -> memref<1x80x128xf32, #tpu.memory_space<vmem>>
        %parallel_loop3A_666 = tpu.memref_squeeze %parallel_loop3A_665 : memref<1x80x128xf32, #tpu.memory_space<vmem>> -> memref<80x128xf32, #tpu.memory_space<vmem>>
        %parallel_loop3A_667 = arith.index_cast %parallel_loop3A_619 : i32 to index
        %parallel_loop3A_668 = arith.constant 16 : index
        %parallel_loop3A_669 = tpu.vector_load %parallel_loop3A_666[%parallel_loop3A_667, %parallel_loop3A_668] {strides = array<i32>} : memref<80x128xf32, #tpu.memory_space<vmem>>, vector<1x16xf32>,
        %parallel_loop3A_670 = vector.shape_cast %parallel_loop3A_669 : vector<1x16xf32> to vector<16xf32>
        %parallel_loop3A_671 = vector.shape_cast %parallel_loop3A_662 : vector<16xf32> to vector<1x16xf32>
        tpu.vector_store %parallel_loop3A_666[%parallel_loop3A_667, %parallel_loop3A_668], %parallel_loop3A_671 {strides = array<i32>} : memref<80x128xf32, #tpu.memory_space<vmem>>, vector<1x16xf32>,
        %parallel_loop3A_672 = arith.constant 0 : i32
        %parallel_loop3A_673 = arith.constant 0 : i32
        %parallel_loop3A_674 = tpu.memref_slice %arg9[%parallel_loop3A_494, %parallel_loop3A_672, %parallel_loop3A_673] : memref<2x80x128xf32, #tpu.memory_space<vmem>> -> memref<1x80x128xf32, #tpu.memory_space<vmem>>
        %parallel_loop3A_675 = tpu.memref_squeeze %parallel_loop3A_674 : memref<1x80x128xf32, #tpu.memory_space<vmem>> -> memref<80x128xf32, #tpu.memory_space<vmem>>
        %parallel_loop3A_676 = arith.index_cast %parallel_loop3A_619 : i32 to index
        %parallel_loop3A_677 = arith.constant 32 : index
        %parallel_loop3A_678 = tpu.vector_load %parallel_loop3A_675[%parallel_loop3A_676, %parallel_loop3A_677] {strides = array<i32>} : memref<80x128xf32, #tpu.memory_space<vmem>>, vector<1x16xf32>,
        %parallel_loop3A_679 = vector.shape_cast %parallel_loop3A_678 : vector<1x16xf32> to vector<16xf32>
        %parallel_loop3A_680 = arith.constant 0 : i32
        %parallel_loop3A_681 = arith.constant 0 : i32
        %parallel_loop3A_682 = tpu.memref_slice %arg10[%parallel_loop3A_495, %parallel_loop3A_680, %parallel_loop3A_681] : memref<2x80x128xf32, #tpu.memory_space<vmem>> -> memref<1x80x128xf32, #tpu.memory_space<vmem>>
        %parallel_loop3A_683 = tpu.memref_squeeze %parallel_loop3A_682 : memref<1x80x128xf32, #tpu.memory_space<vmem>> -> memref<80x128xf32, #tpu.memory_space<vmem>>
        %parallel_loop3A_684 = arith.index_cast %parallel_loop3A_619 : i32 to index
        %parallel_loop3A_685 = arith.constant 32 : index
        %parallel_loop3A_686 = tpu.vector_load %parallel_loop3A_683[%parallel_loop3A_684, %parallel_loop3A_685] {strides = array<i32>} : memref<80x128xf32, #tpu.memory_space<vmem>>, vector<1x16xf32>,
        %parallel_loop3A_687 = vector.shape_cast %parallel_loop3A_686 : vector<1x16xf32> to vector<16xf32>
        %parallel_loop3A_688 = arith.addf %parallel_loop3A_679, %parallel_loop3A_687 : vector<16xf32>
        %parallel_loop3A_689 = arith.constant 0 : i32
        %parallel_loop3A_690 = arith.constant 0 : i32
        %parallel_loop3A_691 = tpu.memref_slice %arg11[%parallel_loop3A_496, %parallel_loop3A_689, %parallel_loop3A_690] : memref<2x80x128xf32, #tpu.memory_space<vmem>> -> memref<1x80x128xf32, #tpu.memory_space<vmem>>
        %parallel_loop3A_692 = tpu.memref_squeeze %parallel_loop3A_691 : memref<1x80x128xf32, #tpu.memory_space<vmem>> -> memref<80x128xf32, #tpu.memory_space<vmem>>
        %parallel_loop3A_693 = arith.index_cast %parallel_loop3A_619 : i32 to index
        %parallel_loop3A_694 = arith.constant 32 : index
        %parallel_loop3A_695 = tpu.vector_load %parallel_loop3A_692[%parallel_loop3A_693, %parallel_loop3A_694] {strides = array<i32>} : memref<80x128xf32, #tpu.memory_space<vmem>>, vector<1x16xf32>,
        %parallel_loop3A_696 = vector.shape_cast %parallel_loop3A_695 : vector<1x16xf32> to vector<16xf32>
        %parallel_loop3A_697 = vector.shape_cast %parallel_loop3A_688 : vector<16xf32> to vector<1x16xf32>
        tpu.vector_store %parallel_loop3A_692[%parallel_loop3A_693, %parallel_loop3A_694], %parallel_loop3A_697 {strides = array<i32>} : memref<80x128xf32, #tpu.memory_space<vmem>>, vector<1x16xf32>,
        %parallel_loop3A_698 = arith.constant 0 : i32
        %parallel_loop3A_699 = arith.constant 0 : i32
        %parallel_loop3A_700 = tpu.memref_slice %arg9[%parallel_loop3A_494, %parallel_loop3A_698, %parallel_loop3A_699] : memref<2x80x128xf32, #tpu.memory_space<vmem>> -> memref<1x80x128xf32, #tpu.memory_space<vmem>>
        %parallel_loop3A_701 = tpu.memref_squeeze %parallel_loop3A_700 : memref<1x80x128xf32, #tpu.memory_space<vmem>> -> memref<80x128xf32, #tpu.memory_space<vmem>>
        %parallel_loop3A_702 = arith.index_cast %parallel_loop3A_619 : i32 to index
        %parallel_loop3A_703 = arith.constant 48 : index
        %parallel_loop3A_704 = tpu.vector_load %parallel_loop3A_701[%parallel_loop3A_702, %parallel_loop3A_703] {strides = array<i32>} : memref<80x128xf32, #tpu.memory_space<vmem>>, vector<1x16xf32>,
        %parallel_loop3A_705 = vector.shape_cast %parallel_loop3A_704 : vector<1x16xf32> to vector<16xf32>
        %parallel_loop3A_706 = arith.constant 0 : i32
        %parallel_loop3A_707 = arith.constant 0 : i32
        %parallel_loop3A_708 = tpu.memref_slice %arg10[%parallel_loop3A_495, %parallel_loop3A_706, %parallel_loop3A_707] : memref<2x80x128xf32, #tpu.memory_space<vmem>> -> memref<1x80x128xf32, #tpu.memory_space<vmem>>
        %parallel_loop3A_709 = tpu.memref_squeeze %parallel_loop3A_708 : memref<1x80x128xf32, #tpu.memory_space<vmem>> -> memref<80x128xf32, #tpu.memory_space<vmem>>
        %parallel_loop3A_710 = arith.index_cast %parallel_loop3A_619 : i32 to index
        %parallel_loop3A_711 = arith.constant 48 : index
        %parallel_loop3A_712 = tpu.vector_load %parallel_loop3A_709[%parallel_loop3A_710, %parallel_loop3A_711] {strides = array<i32>} : memref<80x128xf32, #tpu.memory_space<vmem>>, vector<1x16xf32>,
        %parallel_loop3A_713 = vector.shape_cast %parallel_loop3A_712 : vector<1x16xf32> to vector<16xf32>
        %parallel_loop3A_714 = arith.addf %parallel_loop3A_705, %parallel_loop3A_713 : vector<16xf32>
        %parallel_loop3A_715 = arith.constant 0 : i32
        %parallel_loop3A_716 = arith.constant 0 : i32
        %parallel_loop3A_717 = tpu.memref_slice %arg11[%parallel_loop3A_496, %parallel_loop3A_715, %parallel_loop3A_716] : memref<2x80x128xf32, #tpu.memory_space<vmem>> -> memref<1x80x128xf32, #tpu.memory_space<vmem>>
        %parallel_loop3A_718 = tpu.memref_squeeze %parallel_loop3A_717 : memref<1x80x128xf32, #tpu.memory_space<vmem>> -> memref<80x128xf32, #tpu.memory_space<vmem>>
        %parallel_loop3A_719 = arith.index_cast %parallel_loop3A_619 : i32 to index
        %parallel_loop3A_720 = arith.constant 48 : index
        %parallel_loop3A_721 = tpu.vector_load %parallel_loop3A_718[%parallel_loop3A_719, %parallel_loop3A_720] {strides = array<i32>} : memref<80x128xf32, #tpu.memory_space<vmem>>, vector<1x16xf32>,
        %parallel_loop3A_722 = vector.shape_cast %parallel_loop3A_721 : vector<1x16xf32> to vector<16xf32>
        %parallel_loop3A_723 = vector.shape_cast %parallel_loop3A_714 : vector<16xf32> to vector<1x16xf32>
        tpu.vector_store %parallel_loop3A_718[%parallel_loop3A_719, %parallel_loop3A_720], %parallel_loop3A_723 {strides = array<i32>} : memref<80x128xf32, #tpu.memory_space<vmem>>, vector<1x16xf32>,
        %parallel_loop3A_724 = arith.constant 0 : i32
        %parallel_loop3A_725 = arith.constant 0 : i32
        %parallel_loop3A_726 = tpu.memref_slice %arg9[%parallel_loop3A_494, %parallel_loop3A_724, %parallel_loop3A_725] : memref<2x80x128xf32, #tpu.memory_space<vmem>> -> memref<1x80x128xf32, #tpu.memory_space<vmem>>
        %parallel_loop3A_727 = tpu.memref_squeeze %parallel_loop3A_726 : memref<1x80x128xf32, #tpu.memory_space<vmem>> -> memref<80x128xf32, #tpu.memory_space<vmem>>
        %parallel_loop3A_728 = arith.index_cast %parallel_loop3A_619 : i32 to index
        %parallel_loop3A_729 = arith.constant 64 : index
        %parallel_loop3A_730 = tpu.vector_load %parallel_loop3A_727[%parallel_loop3A_728, %parallel_loop3A_729] {strides = array<i32>} : memref<80x128xf32, #tpu.memory_space<vmem>>, vector<1x16xf32>,
        %parallel_loop3A_731 = vector.shape_cast %parallel_loop3A_730 : vector<1x16xf32> to vector<16xf32>
        %parallel_loop3A_732 = arith.constant 0 : i32
        %parallel_loop3A_733 = arith.constant 0 : i32
        %parallel_loop3A_734 = tpu.memref_slice %arg10[%parallel_loop3A_495, %parallel_loop3A_732, %parallel_loop3A_733] : memref<2x80x128xf32, #tpu.memory_space<vmem>> -> memref<1x80x128xf32, #tpu.memory_space<vmem>>
        %parallel_loop3A_735 = tpu.memref_squeeze %parallel_loop3A_734 : memref<1x80x128xf32, #tpu.memory_space<vmem>> -> memref<80x128xf32, #tpu.memory_space<vmem>>
        %parallel_loop3A_736 = arith.index_cast %parallel_loop3A_619 : i32 to index
        %parallel_loop3A_737 = arith.constant 64 : index
        %parallel_loop3A_738 = tpu.vector_load %parallel_loop3A_735[%parallel_loop3A_736, %parallel_loop3A_737] {strides = array<i32>} : memref<80x128xf32, #tpu.memory_space<vmem>>, vector<1x16xf32>,
        %parallel_loop3A_739 = vector.shape_cast %parallel_loop3A_738 : vector<1x16xf32> to vector<16xf32>
        %parallel_loop3A_740 = arith.addf %parallel_loop3A_731, %parallel_loop3A_739 : vector<16xf32>
        %parallel_loop3A_741 = arith.constant 0 : i32
        %parallel_loop3A_742 = arith.constant 0 : i32
        %parallel_loop3A_743 = tpu.memref_slice %arg11[%parallel_loop3A_496, %parallel_loop3A_741, %parallel_loop3A_742] : memref<2x80x128xf32, #tpu.memory_space<vmem>> -> memref<1x80x128xf32, #tpu.memory_space<vmem>>
        %parallel_loop3A_744 = tpu.memref_squeeze %parallel_loop3A_743 : memref<1x80x128xf32, #tpu.memory_space<vmem>> -> memref<80x128xf32, #tpu.memory_space<vmem>>
        %parallel_loop3A_745 = arith.index_cast %parallel_loop3A_619 : i32 to index
        %parallel_loop3A_746 = arith.constant 64 : index
        %parallel_loop3A_747 = tpu.vector_load %parallel_loop3A_744[%parallel_loop3A_745, %parallel_loop3A_746] {strides = array<i32>} : memref<80x128xf32, #tpu.memory_space<vmem>>, vector<1x16xf32>,
        %parallel_loop3A_748 = vector.shape_cast %parallel_loop3A_747 : vector<1x16xf32> to vector<16xf32>
        %parallel_loop3A_749 = vector.shape_cast %parallel_loop3A_740 : vector<16xf32> to vector<1x16xf32>
        tpu.vector_store %parallel_loop3A_744[%parallel_loop3A_745, %parallel_loop3A_746], %parallel_loop3A_749 {strides = array<i32>} : memref<80x128xf32, #tpu.memory_space<vmem>>, vector<1x16xf32>,
        %parallel_loop3A_750 = arith.constant 0 : i32
        %parallel_loop3A_751 = arith.constant 0 : i32
        %parallel_loop3A_752 = tpu.memref_slice %arg9[%parallel_loop3A_494, %parallel_loop3A_750, %parallel_loop3A_751] : memref<2x80x128xf32, #tpu.memory_space<vmem>> -> memref<1x80x128xf32, #tpu.memory_space<vmem>>
        %parallel_loop3A_753 = tpu.memref_squeeze %parallel_loop3A_752 : memref<1x80x128xf32, #tpu.memory_space<vmem>> -> memref<80x128xf32, #tpu.memory_space<vmem>>
        %parallel_loop3A_754 = arith.index_cast %parallel_loop3A_619 : i32 to index
        %parallel_loop3A_755 = arith.constant 80 : index
        %parallel_loop3A_756 = tpu.vector_load %parallel_loop3A_753[%parallel_loop3A_754, %parallel_loop3A_755] {strides = array<i32>} : memref<80x128xf32, #tpu.memory_space<vmem>>, vector<1x16xf32>,
        %parallel_loop3A_757 = vector.shape_cast %parallel_loop3A_756 : vector<1x16xf32> to vector<16xf32>
        %parallel_loop3A_758 = arith.constant 0 : i32
        %parallel_loop3A_759 = arith.constant 0 : i32
        %parallel_loop3A_760 = tpu.memref_slice %arg10[%parallel_loop3A_495, %parallel_loop3A_758, %parallel_loop3A_759] : memref<2x80x128xf32, #tpu.memory_space<vmem>> -> memref<1x80x128xf32, #tpu.memory_space<vmem>>
        %parallel_loop3A_761 = tpu.memref_squeeze %parallel_loop3A_760 : memref<1x80x128xf32, #tpu.memory_space<vmem>> -> memref<80x128xf32, #tpu.memory_space<vmem>>
        %parallel_loop3A_762 = arith.index_cast %parallel_loop3A_619 : i32 to index
        %parallel_loop3A_763 = arith.constant 80 : index
        %parallel_loop3A_764 = tpu.vector_load %parallel_loop3A_761[%parallel_loop3A_762, %parallel_loop3A_763] {strides = array<i32>} : memref<80x128xf32, #tpu.memory_space<vmem>>, vector<1x16xf32>,
        %parallel_loop3A_765 = vector.shape_cast %parallel_loop3A_764 : vector<1x16xf32> to vector<16xf32>
        %parallel_loop3A_766 = arith.addf %parallel_loop3A_757, %parallel_loop3A_765 : vector<16xf32>
        %parallel_loop3A_767 = arith.constant 0 : i32
        %parallel_loop3A_768 = arith.constant 0 : i32
        %parallel_loop3A_769 = tpu.memref_slice %arg11[%parallel_loop3A_496, %parallel_loop3A_767, %parallel_loop3A_768] : memref<2x80x128xf32, #tpu.memory_space<vmem>> -> memref<1x80x128xf32, #tpu.memory_space<vmem>>
        %parallel_loop3A_770 = tpu.memref_squeeze %parallel_loop3A_769 : memref<1x80x128xf32, #tpu.memory_space<vmem>> -> memref<80x128xf32, #tpu.memory_space<vmem>>
        %parallel_loop3A_771 = arith.index_cast %parallel_loop3A_619 : i32 to index
        %parallel_loop3A_772 = arith.constant 80 : index
        %parallel_loop3A_773 = tpu.vector_load %parallel_loop3A_770[%parallel_loop3A_771, %parallel_loop3A_772] {strides = array<i32>} : memref<80x128xf32, #tpu.memory_space<vmem>>, vector<1x16xf32>,
        %parallel_loop3A_774 = vector.shape_cast %parallel_loop3A_773 : vector<1x16xf32> to vector<16xf32>
        %parallel_loop3A_775 = vector.shape_cast %parallel_loop3A_766 : vector<16xf32> to vector<1x16xf32>
        tpu.vector_store %parallel_loop3A_770[%parallel_loop3A_771, %parallel_loop3A_772], %parallel_loop3A_775 {strides = array<i32>} : memref<80x128xf32, #tpu.memory_space<vmem>>, vector<1x16xf32>,
        %parallel_loop3A_776 = arith.constant 0 : i32
        %parallel_loop3A_777 = arith.constant 0 : i32
        %parallel_loop3A_778 = tpu.memref_slice %arg9[%parallel_loop3A_494, %parallel_loop3A_776, %parallel_loop3A_777] : memref<2x80x128xf32, #tpu.memory_space<vmem>> -> memref<1x80x128xf32, #tpu.memory_space<vmem>>
        %parallel_loop3A_779 = tpu.memref_squeeze %parallel_loop3A_778 : memref<1x80x128xf32, #tpu.memory_space<vmem>> -> memref<80x128xf32, #tpu.memory_space<vmem>>
        %parallel_loop3A_780 = arith.index_cast %parallel_loop3A_619 : i32 to index
        %parallel_loop3A_781 = arith.constant 96 : index
        %parallel_loop3A_782 = tpu.vector_load %parallel_loop3A_779[%parallel_loop3A_780, %parallel_loop3A_781] {strides = array<i32>} : memref<80x128xf32, #tpu.memory_space<vmem>>, vector<1x16xf32>,
        %parallel_loop3A_783 = vector.shape_cast %parallel_loop3A_782 : vector<1x16xf32> to vector<16xf32>
        %parallel_loop3A_784 = arith.constant 0 : i32
        %parallel_loop3A_785 = arith.constant 0 : i32
        %parallel_loop3A_786 = tpu.memref_slice %arg10[%parallel_loop3A_495, %parallel_loop3A_784, %parallel_loop3A_785] : memref<2x80x128xf32, #tpu.memory_space<vmem>> -> memref<1x80x128xf32, #tpu.memory_space<vmem>>
        %parallel_loop3A_787 = tpu.memref_squeeze %parallel_loop3A_786 : memref<1x80x128xf32, #tpu.memory_space<vmem>> -> memref<80x128xf32, #tpu.memory_space<vmem>>
        %parallel_loop3A_788 = arith.index_cast %parallel_loop3A_619 : i32 to index
        %parallel_loop3A_789 = arith.constant 96 : index
        %parallel_loop3A_790 = tpu.vector_load %parallel_loop3A_787[%parallel_loop3A_788, %parallel_loop3A_789] {strides = array<i32>} : memref<80x128xf32, #tpu.memory_space<vmem>>, vector<1x16xf32>,
        %parallel_loop3A_791 = vector.shape_cast %parallel_loop3A_790 : vector<1x16xf32> to vector<16xf32>
        %parallel_loop3A_792 = arith.addf %parallel_loop3A_783, %parallel_loop3A_791 : vector<16xf32>
        %parallel_loop3A_793 = arith.constant 0 : i32
        %parallel_loop3A_794 = arith.constant 0 : i32
        %parallel_loop3A_795 = tpu.memref_slice %arg11[%parallel_loop3A_496, %parallel_loop3A_793, %parallel_loop3A_794] : memref<2x80x128xf32, #tpu.memory_space<vmem>> -> memref<1x80x128xf32, #tpu.memory_space<vmem>>
        %parallel_loop3A_796 = tpu.memref_squeeze %parallel_loop3A_795 : memref<1x80x128xf32, #tpu.memory_space<vmem>> -> memref<80x128xf32, #tpu.memory_space<vmem>>
        %parallel_loop3A_797 = arith.index_cast %parallel_loop3A_619 : i32 to index
        %parallel_loop3A_798 = arith.constant 96 : index
        %parallel_loop3A_799 = tpu.vector_load %parallel_loop3A_796[%parallel_loop3A_797, %parallel_loop3A_798] {strides = array<i32>} : memref<80x128xf32, #tpu.memory_space<vmem>>, vector<1x16xf32>,
        %parallel_loop3A_800 = vector.shape_cast %parallel_loop3A_799 : vector<1x16xf32> to vector<16xf32>
        %parallel_loop3A_801 = vector.shape_cast %parallel_loop3A_792 : vector<16xf32> to vector<1x16xf32>
        tpu.vector_store %parallel_loop3A_796[%parallel_loop3A_797, %parallel_loop3A_798], %parallel_loop3A_801 {strides = array<i32>} : memref<80x128xf32, #tpu.memory_space<vmem>>, vector<1x16xf32>,
        %parallel_loop3A_802 = arith.constant 0 : i32
        %parallel_loop3A_803 = arith.constant 0 : i32
        %parallel_loop3A_804 = tpu.memref_slice %arg9[%parallel_loop3A_494, %parallel_loop3A_802, %parallel_loop3A_803] : memref<2x80x128xf32, #tpu.memory_space<vmem>> -> memref<1x80x128xf32, #tpu.memory_space<vmem>>
        %parallel_loop3A_805 = tpu.memref_squeeze %parallel_loop3A_804 : memref<1x80x128xf32, #tpu.memory_space<vmem>> -> memref<80x128xf32, #tpu.memory_space<vmem>>
        %parallel_loop3A_806 = arith.index_cast %parallel_loop3A_619 : i32 to index
        %parallel_loop3A_807 = arith.constant 112 : index
        %parallel_loop3A_808 = tpu.vector_load %parallel_loop3A_805[%parallel_loop3A_806, %parallel_loop3A_807] {strides = array<i32>} : memref<80x128xf32, #tpu.memory_space<vmem>>, vector<1x16xf32>,
        %parallel_loop3A_809 = vector.shape_cast %parallel_loop3A_808 : vector<1x16xf32> to vector<16xf32>
        %parallel_loop3A_810 = arith.constant 0 : i32
        %parallel_loop3A_811 = arith.constant 0 : i32
        %parallel_loop3A_812 = tpu.memref_slice %arg10[%parallel_loop3A_495, %parallel_loop3A_810, %parallel_loop3A_811] : memref<2x80x128xf32, #tpu.memory_space<vmem>> -> memref<1x80x128xf32, #tpu.memory_space<vmem>>
        %parallel_loop3A_813 = tpu.memref_squeeze %parallel_loop3A_812 : memref<1x80x128xf32, #tpu.memory_space<vmem>> -> memref<80x128xf32, #tpu.memory_space<vmem>>
        %parallel_loop3A_814 = arith.index_cast %parallel_loop3A_619 : i32 to index
        %parallel_loop3A_815 = arith.constant 112 : index
        %parallel_loop3A_816 = tpu.vector_load %parallel_loop3A_813[%parallel_loop3A_814, %parallel_loop3A_815] {strides = array<i32>} : memref<80x128xf32, #tpu.memory_space<vmem>>, vector<1x16xf32>,
        %parallel_loop3A_817 = vector.shape_cast %parallel_loop3A_816 : vector<1x16xf32> to vector<16xf32>
        %parallel_loop3A_818 = arith.addf %parallel_loop3A_809, %parallel_loop3A_817 : vector<16xf32>
        %parallel_loop3A_819 = arith.constant 0 : i32
        %parallel_loop3A_820 = arith.constant 0 : i32
        %parallel_loop3A_821 = tpu.memref_slice %arg11[%parallel_loop3A_496, %parallel_loop3A_819, %parallel_loop3A_820] : memref<2x80x128xf32, #tpu.memory_space<vmem>> -> memref<1x80x128xf32, #tpu.memory_space<vmem>>
        %parallel_loop3A_822 = tpu.memref_squeeze %parallel_loop3A_821 : memref<1x80x128xf32, #tpu.memory_space<vmem>> -> memref<80x128xf32, #tpu.memory_space<vmem>>
        %parallel_loop3A_823 = arith.index_cast %parallel_loop3A_619 : i32 to index
        %parallel_loop3A_824 = arith.constant 112 : index
        %parallel_loop3A_825 = tpu.vector_load %parallel_loop3A_822[%parallel_loop3A_823, %parallel_loop3A_824] {strides = array<i32>} : memref<80x128xf32, #tpu.memory_space<vmem>>, vector<1x16xf32>,
        %parallel_loop3A_826 = vector.shape_cast %parallel_loop3A_825 : vector<1x16xf32> to vector<16xf32>
        %parallel_loop3A_827 = vector.shape_cast %parallel_loop3A_818 : vector<16xf32> to vector<1x16xf32>
        tpu.vector_store %parallel_loop3A_822[%parallel_loop3A_823, %parallel_loop3A_824], %parallel_loop3A_827 {strides = array<i32>} : memref<80x128xf32, #tpu.memory_space<vmem>>, vector<1x16xf32>,
      } {sc.loop_unroll_factor = 1 : i64, sc.parallel_access}
      %dma_start3A_497 = arith.constant 0 : i32
      %dma_start3A_498 = arith.constant 0 : i32
      %dma_start3A_499 = arith.constant 0 : i32
      %dma_start3A_500 = tpu.memref_slice %arg11[%dma_start3A_497, %dma_start3A_498, %dma_start3A_499] : memref<2x80x128xf32, #tpu.memory_space<vmem>> -> memref<1x80x128xf32, #tpu.memory_space<vmem>>
      %dma_start3A_501 = tpu.memref_squeeze %dma_start3A_500 : memref<1x80x128xf32, #tpu.memory_space<vmem>> -> memref<80x128xf32, #tpu.memory_space<vmem>>
      %dma_start3A_502 = arith.constant 0 : i32
      %dma_start3A_503 = tpu.memref_slice %arg6[%add3A_455, %dma_start3A_502] : memref<320000x128xf32, #tpu.memory_space<hbm>> -> memref<80x128xf32, #tpu.memory_space<hbm>>
      %dma_start3A_504 = arith.constant 0 : i32
      %dma_start3A_505 = tpu.memref_slice %arg6[%add3A_455, %dma_start3A_504] : memref<320000x128xf32, #tpu.memory_space<hbm>> -> memref<80x128xf32, #tpu.memory_space<hbm>>
      %dma_start3A_506 = arith.constant 0 : i32
      %dma_start3A_507 = arith.constant 0 : i32
      %dma_start3A_508 = tpu.memref_slice %arg11[%dma_start3A_497, %dma_start3A_506, %dma_start3A_507] : memref<2x80x128xf32, #tpu.memory_space<vmem>> -> memref<1x80x128xf32, #tpu.memory_space<vmem>>
      %dma_start3A_509 = tpu.memref_squeeze %dma_start3A_508 : memref<1x80x128xf32, #tpu.memory_space<vmem>> -> memref<80x128xf32, #tpu.memory_space<vmem>>
      tpu.enqueue_dma source(%dma_start3A_509 : memref<80x128xf32, #tpu.memory_space<vmem>>) target(%dma_start3A_505 : memref<80x128xf32, #tpu.memory_space<hbm>>) target_semaphore(%arg14 : memref<!tpu.dma_semaphore, #tpu.memory_space<semaphore_mem>>)
      %add3A_510 = arith.constant 2 : i32
      %add3A_511 = arith.addi %mul3A_452, %add3A_510 : i32
      %dma_start3A_512 = arith.constant 0 : i32
      %dma_start3A_513 = arith.constant 0 : i32
      %dma_start3A_514 = arith.constant 0 : i32
      %dma_start3A_515 = tpu.memref_slice %arg9[%dma_start3A_512, %dma_start3A_513, %dma_start3A_514] : memref<2x80x128xf32, #tpu.memory_space<vmem>> -> memref<1x80x128xf32, #tpu.memory_space<vmem>>
      %dma_start3A_516 = tpu.memref_squeeze %dma_start3A_515 : memref<1x80x128xf32, #tpu.memory_space<vmem>> -> memref<80x128xf32, #tpu.memory_space<vmem>>
      %dma_start3A_517 = arith.constant 0 : i32
      %dma_start3A_518 = tpu.memref_slice %arg7[%add3A_511, %dma_start3A_517] : memref<125x80xi32, #tpu.memory_space<vmem>> -> memref<1x80xi32, #tpu.memory_space<vmem>>
      %dma_start3A_519 = tpu.memref_squeeze %dma_start3A_518 : memref<1x80xi32, #tpu.memory_space<vmem>> -> memref<80xi32, #tpu.memory_space<vmem>>
      %dma_start3A_520 = arith.constant 0 : i32
      %dma_start3A_521 = arith.constant 0 : i32
      %dma_start3A_522 = tpu.memref_slice %arg2[%dma_start3A_520, %dma_start3A_521] : memref<10000x128xf32, #tpu.memory_space<hbm>> -> memref<10000x128xf32, #tpu.memory_space<hbm>>
      tpu.enqueue_indirect_dma source(%dma_start3A_522 : memref<10000x128xf32, #tpu.memory_space<hbm>>) target(%dma_start3A_516 : memref<80x128xf32, #tpu.memory_space<vmem>>) offsets(%dma_start3A_519 : memref<80xi32, #tpu.memory_space<vmem>>) semaphore(%arg12 : memref<!tpu.dma_semaphore, #tpu.memory_space<semaphore_mem>>)
      %dma_start3A_523 = arith.constant 0 : i32
      %dma_start3A_524 = arith.constant 0 : i32
      %dma_start3A_525 = arith.constant 0 : i32
      %dma_start3A_526 = tpu.memref_slice %arg10[%dma_start3A_523, %dma_start3A_524, %dma_start3A_525] : memref<2x80x128xf32, #tpu.memory_space<vmem>> -> memref<1x80x128xf32, #tpu.memory_space<vmem>>
      %dma_start3A_527 = tpu.memref_squeeze %dma_start3A_526 : memref<1x80x128xf32, #tpu.memory_space<vmem>> -> memref<80x128xf32, #tpu.memory_space<vmem>>
      %dma_start3A_528 = arith.constant 0 : i32
      %dma_start3A_529 = tpu.memref_slice %arg8[%add3A_511, %dma_start3A_528] : memref<125x80xi32, #tpu.memory_space<vmem>> -> memref<1x80xi32, #tpu.memory_space<vmem>>
      %dma_start3A_530 = tpu.memref_squeeze %dma_start3A_529 : memref<1x80xi32, #tpu.memory_space<vmem>> -> memref<80xi32, #tpu.memory_space<vmem>>
      %dma_start3A_531 = arith.constant 0 : i32
      %dma_start3A_532 = arith.constant 0 : i32
      %dma_start3A_533 = tpu.memref_slice %arg3[%dma_start3A_531, %dma_start3A_532] : memref<10000x128xf32, #tpu.memory_space<hbm>> -> memref<10000x128xf32, #tpu.memory_space<hbm>>
      tpu.enqueue_indirect_dma source(%dma_start3A_533 : memref<10000x128xf32, #tpu.memory_space<hbm>>) target(%dma_start3A_527 : memref<80x128xf32, #tpu.memory_space<vmem>>) offsets(%dma_start3A_530 : memref<80xi32, #tpu.memory_space<vmem>>) semaphore(%arg12 : memref<!tpu.dma_semaphore, #tpu.memory_space<semaphore_mem>>)
      %mul3A_534 = arith.constant 2 : i32
      %mul3A_535 = arith.muli %mul3A_534, %add3A_450 : i32
      %add3A_536 = arith.constant 1 : i32
      %add3A_537 = arith.addi %mul3A_535, %add3A_536 : i32
      %mul3A_538 = arith.constant 80 : i32
      %mul3A_539 = arith.muli %add3A_537, %mul3A_538 : i32
      %add3A_540 = arith.addi %mul3A_2, %mul3A_539 : i32
      %dma_wait3A_541 = arith.constant 1 : i32
      %dma_wait3A_542 = arith.constant 0 : i32
      %dma_wait3A_543 = arith.constant 0 : i32
      %dma_wait3A_544 = tpu.memref_slice %arg9[%dma_wait3A_541, %dma_wait3A_542, %dma_wait3A_543] : memref<2x80x128xf32, #tpu.memory_space<vmem>> -> memref<1x80x128xf32, #tpu.memory_space<vmem>>
      %dma_wait3A_545 = tpu.memref_squeeze %dma_wait3A_544 : memref<1x80x128xf32, #tpu.memory_space<vmem>> -> memref<80x128xf32, #tpu.memory_space<vmem>>
      %dma_wait3A_546 = arith.constant 0 : i32
      %dma_wait3A_547 = tpu.memref_slice %arg7[%add3A_537, %dma_wait3A_546] : memref<125x80xi32, #tpu.memory_space<vmem>> -> memref<1x80xi32, #tpu.memory_space<vmem>>
      %dma_wait3A_548 = tpu.memref_squeeze %dma_wait3A_547 : memref<1x80xi32, #tpu.memory_space<vmem>> -> memref<80xi32, #tpu.memory_space<vmem>>
      %dma_wait3A_549 = arith.constant 0 : i32
      %dma_wait3A_550 = arith.constant 0 : i32
      %dma_wait3A_551 = tpu.memref_slice %arg2[%dma_wait3A_549, %dma_wait3A_550] : memref<10000x128xf32, #tpu.memory_space<hbm>> -> memref<10000x128xf32, #tpu.memory_space<hbm>>
      tpu.wait_indirect_dma semaphore(%arg13 : memref<!tpu.dma_semaphore, #tpu.memory_space<semaphore_mem>>) src(%dma_wait3A_551 : memref<10000x128xf32, #tpu.memory_space<hbm>>) dst(%dma_wait3A_545 : memref<80x128xf32, #tpu.memory_space<vmem>>)
      %dma_wait3A_552 = arith.constant 1 : i32
      %dma_wait3A_553 = arith.constant 0 : i32
      %dma_wait3A_554 = arith.constant 0 : i32
      %dma_wait3A_555 = tpu.memref_slice %arg10[%dma_wait3A_552, %dma_wait3A_553, %dma_wait3A_554] : memref<2x80x128xf32, #tpu.memory_space<vmem>> -> memref<1x80x128xf32, #tpu.memory_space<vmem>>
      %dma_wait3A_556 = tpu.memref_squeeze %dma_wait3A_555 : memref<1x80x128xf32, #tpu.memory_space<vmem>> -> memref<80x128xf32, #tpu.memory_space<vmem>>
      %dma_wait3A_557 = arith.constant 0 : i32
      %dma_wait3A_558 = tpu.memref_slice %arg8[%add3A_537, %dma_wait3A_557] : memref<125x80xi32, #tpu.memory_space<vmem>> -> memref<1x80xi32, #tpu.memory_space<vmem>>
      %dma_wait3A_559 = tpu.memref_squeeze %dma_wait3A_558 : memref<1x80xi32, #tpu.memory_space<vmem>> -> memref<80xi32, #tpu.memory_space<vmem>>
      %dma_wait3A_560 = arith.constant 0 : i32
      %dma_wait3A_561 = arith.constant 0 : i32
      %dma_wait3A_562 = tpu.memref_slice %arg3[%dma_wait3A_560, %dma_wait3A_561] : memref<10000x128xf32, #tpu.memory_space<hbm>> -> memref<10000x128xf32, #tpu.memory_space<hbm>>
      tpu.wait_indirect_dma semaphore(%arg13 : memref<!tpu.dma_semaphore, #tpu.memory_space<semaphore_mem>>) src(%dma_wait3A_562 : memref<10000x128xf32, #tpu.memory_space<hbm>>) dst(%dma_wait3A_556 : memref<80x128xf32, #tpu.memory_space<vmem>>)
      %dma_wait3A_563 = arith.constant 1 : i32
      %dma_wait3A_564 = arith.constant 0 : i32
      %dma_wait3A_565 = arith.constant 0 : i32
      %dma_wait3A_566 = tpu.memref_slice %arg11[%dma_wait3A_563, %dma_wait3A_564, %dma_wait3A_565] : memref<2x80x128xf32, #tpu.memory_space<vmem>> -> memref<1x80x128xf32, #tpu.memory_space<vmem>>
      %dma_wait3A_567 = tpu.memref_squeeze %dma_wait3A_566 : memref<1x80x128xf32, #tpu.memory_space<vmem>> -> memref<80x128xf32, #tpu.memory_space<vmem>>
      %dma_wait3A_568 = arith.constant 0 : i32
      %dma_wait3A_569 = tpu.memref_slice %arg6[%add3A_540, %dma_wait3A_568] : memref<320000x128xf32, #tpu.memory_space<hbm>> -> memref<80x128xf32, #tpu.memory_space<hbm>>
      %dma_wait3A_570 = arith.constant 0 : i32
      %dma_wait3A_571 = tpu.memref_slice %arg6[%add3A_540, %dma_wait3A_570] : memref<320000x128xf32, #tpu.memory_space<hbm>> -> memref<80x128xf32, #tpu.memory_space<hbm>>
      %dma_wait3A_572 = arith.constant 0 : i32
      %dma_wait3A_573 = arith.constant 0 : i32
      %dma_wait3A_574 = tpu.memref_slice %arg11[%dma_wait3A_563, %dma_wait3A_572, %dma_wait3A_573] : memref<2x80x128xf32, #tpu.memory_space<vmem>> -> memref<1x80x128xf32, #tpu.memory_space<vmem>>
      %dma_wait3A_575 = tpu.memref_squeeze %dma_wait3A_574 : memref<1x80x128xf32, #tpu.memory_space<vmem>> -> memref<80x128xf32, #tpu.memory_space<vmem>>
      tpu.wait_dma2 semaphore(%arg15 : memref<!tpu.dma_semaphore, #tpu.memory_space<semaphore_mem>>) src(%dma_wait3A_575 : memref<80x128xf32, #tpu.memory_space<vmem>>) dst(%dma_wait3A_571 : memref<80x128xf32, #tpu.memory_space<hbm>>)
      %parallel_loop3A_576 = arith.constant 0 : i32
      %parallel_loop3A_577 = arith.constant 80 : i32
      %parallel_loop3A_578 = arith.constant 1 : i32
      %parallel_loop3A_579 = arith.constant 1 : i32
      %parallel_loop3A_580 = arith.constant 1 : i32
      %parallel_loop3A_581 = arith.constant 1 : i32
      scf.for %parallel_loop3A_619 = %parallel_loop3A_576 to %parallel_loop3A_577 step %parallel_loop3A_578  : i32 {
        %parallel_loop3A_620 = arith.constant 0 : i32
        %parallel_loop3A_621 = arith.constant 0 : i32
        %parallel_loop3A_622 = tpu.memref_slice %arg9[%parallel_loop3A_579, %parallel_loop3A_620, %parallel_loop3A_621] : memref<2x80x128xf32, #tpu.memory_space<vmem>> -> memref<1x80x128xf32, #tpu.memory_space<vmem>>
        %parallel_loop3A_623 = tpu.memref_squeeze %parallel_loop3A_622 : memref<1x80x128xf32, #tpu.memory_space<vmem>> -> memref<80x128xf32, #tpu.memory_space<vmem>>
        %parallel_loop3A_624 = arith.index_cast %parallel_loop3A_619 : i32 to index
        %parallel_loop3A_625 = arith.constant 0 : index
        %parallel_loop3A_626 = tpu.vector_load %parallel_loop3A_623[%parallel_loop3A_624, %parallel_loop3A_625] {strides = array<i32>} : memref<80x128xf32, #tpu.memory_space<vmem>>, vector<1x16xf32>,
        %parallel_loop3A_627 = vector.shape_cast %parallel_loop3A_626 : vector<1x16xf32> to vector<16xf32>
        %parallel_loop3A_628 = arith.constant 0 : i32
        %parallel_loop3A_629 = arith.constant 0 : i32
        %parallel_loop3A_630 = tpu.memref_slice %arg10[%parallel_loop3A_580, %parallel_loop3A_628, %parallel_loop3A_629] : memref<2x80x128xf32, #tpu.memory_space<vmem>> -> memref<1x80x128xf32, #tpu.memory_space<vmem>>
        %parallel_loop3A_631 = tpu.memref_squeeze %parallel_loop3A_630 : memref<1x80x128xf32, #tpu.memory_space<vmem>> -> memref<80x128xf32, #tpu.memory_space<vmem>>
        %parallel_loop3A_632 = arith.index_cast %parallel_loop3A_619 : i32 to index
        %parallel_loop3A_633 = arith.constant 0 : index
        %parallel_loop3A_634 = tpu.vector_load %parallel_loop3A_631[%parallel_loop3A_632, %parallel_loop3A_633] {strides = array<i32>} : memref<80x128xf32, #tpu.memory_space<vmem>>, vector<1x16xf32>,
        %parallel_loop3A_635 = vector.shape_cast %parallel_loop3A_634 : vector<1x16xf32> to vector<16xf32>
        %parallel_loop3A_636 = arith.addf %parallel_loop3A_627, %parallel_loop3A_635 : vector<16xf32>
        %parallel_loop3A_637 = arith.constant 0 : i32
        %parallel_loop3A_638 = arith.constant 0 : i32
        %parallel_loop3A_639 = tpu.memref_slice %arg11[%parallel_loop3A_581, %parallel_loop3A_637, %parallel_loop3A_638] : memref<2x80x128xf32, #tpu.memory_space<vmem>> -> memref<1x80x128xf32, #tpu.memory_space<vmem>>
        %parallel_loop3A_640 = tpu.memref_squeeze %parallel_loop3A_639 : memref<1x80x128xf32, #tpu.memory_space<vmem>> -> memref<80x128xf32, #tpu.memory_space<vmem>>
        %parallel_loop3A_641 = arith.index_cast %parallel_loop3A_619 : i32 to index
        %parallel_loop3A_642 = arith.constant 0 : index
        %parallel_loop3A_643 = tpu.vector_load %parallel_loop3A_640[%parallel_loop3A_641, %parallel_loop3A_642] {strides = array<i32>} : memref<80x128xf32, #tpu.memory_space<vmem>>, vector<1x16xf32>,
        %parallel_loop3A_644 = vector.shape_cast %parallel_loop3A_643 : vector<1x16xf32> to vector<16xf32>
        %parallel_loop3A_645 = vector.shape_cast %parallel_loop3A_636 : vector<16xf32> to vector<1x16xf32>
        tpu.vector_store %parallel_loop3A_640[%parallel_loop3A_641, %parallel_loop3A_642], %parallel_loop3A_645 {strides = array<i32>} : memref<80x128xf32, #tpu.memory_space<vmem>>, vector<1x16xf32>,
        %parallel_loop3A_646 = arith.constant 0 : i32
        %parallel_loop3A_647 = arith.constant 0 : i32
        %parallel_loop3A_648 = tpu.memref_slice %arg9[%parallel_loop3A_579, %parallel_loop3A_646, %parallel_loop3A_647] : memref<2x80x128xf32, #tpu.memory_space<vmem>> -> memref<1x80x128xf32, #tpu.memory_space<vmem>>
        %parallel_loop3A_649 = tpu.memref_squeeze %parallel_loop3A_648 : memref<1x80x128xf32, #tpu.memory_space<vmem>> -> memref<80x128xf32, #tpu.memory_space<vmem>>
        %parallel_loop3A_650 = arith.index_cast %parallel_loop3A_619 : i32 to index
        %parallel_loop3A_651 = arith.constant 16 : index
        %parallel_loop3A_652 = tpu.vector_load %parallel_loop3A_649[%parallel_loop3A_650, %parallel_loop3A_651] {strides = array<i32>} : memref<80x128xf32, #tpu.memory_space<vmem>>, vector<1x16xf32>,
        %parallel_loop3A_653 = vector.shape_cast %parallel_loop3A_652 : vector<1x16xf32> to vector<16xf32>
        %parallel_loop3A_654 = arith.constant 0 : i32
        %parallel_loop3A_655 = arith.constant 0 : i32
        %parallel_loop3A_656 = tpu.memref_slice %arg10[%parallel_loop3A_580, %parallel_loop3A_654, %parallel_loop3A_655] : memref<2x80x128xf32, #tpu.memory_space<vmem>> -> memref<1x80x128xf32, #tpu.memory_space<vmem>>
        %parallel_loop3A_657 = tpu.memref_squeeze %parallel_loop3A_656 : memref<1x80x128xf32, #tpu.memory_space<vmem>> -> memref<80x128xf32, #tpu.memory_space<vmem>>
        %parallel_loop3A_658 = arith.index_cast %parallel_loop3A_619 : i32 to index
        %parallel_loop3A_659 = arith.constant 16 : index
        %parallel_loop3A_660 = tpu.vector_load %parallel_loop3A_657[%parallel_loop3A_658, %parallel_loop3A_659] {strides = array<i32>} : memref<80x128xf32, #tpu.memory_space<vmem>>, vector<1x16xf32>,
        %parallel_loop3A_661 = vector.shape_cast %parallel_loop3A_660 : vector<1x16xf32> to vector<16xf32>
        %parallel_loop3A_662 = arith.addf %parallel_loop3A_653, %parallel_loop3A_661 : vector<16xf32>
        %parallel_loop3A_663 = arith.constant 0 : i32
        %parallel_loop3A_664 = arith.constant 0 : i32
        %parallel_loop3A_665 = tpu.memref_slice %arg11[%parallel_loop3A_581, %parallel_loop3A_663, %parallel_loop3A_664] : memref<2x80x128xf32, #tpu.memory_space<vmem>> -> memref<1x80x128xf32, #tpu.memory_space<vmem>>
        %parallel_loop3A_666 = tpu.memref_squeeze %parallel_loop3A_665 : memref<1x80x128xf32, #tpu.memory_space<vmem>> -> memref<80x128xf32, #tpu.memory_space<vmem>>
        %parallel_loop3A_667 = arith.index_cast %parallel_loop3A_619 : i32 to index
        %parallel_loop3A_668 = arith.constant 16 : index
        %parallel_loop3A_669 = tpu.vector_load %parallel_loop3A_666[%parallel_loop3A_667, %parallel_loop3A_668] {strides = array<i32>} : memref<80x128xf32, #tpu.memory_space<vmem>>, vector<1x16xf32>,
        %parallel_loop3A_670 = vector.shape_cast %parallel_loop3A_669 : vector<1x16xf32> to vector<16xf32>
        %parallel_loop3A_671 = vector.shape_cast %parallel_loop3A_662 : vector<16xf32> to vector<1x16xf32>
        tpu.vector_store %parallel_loop3A_666[%parallel_loop3A_667, %parallel_loop3A_668], %parallel_loop3A_671 {strides = array<i32>} : memref<80x128xf32, #tpu.memory_space<vmem>>, vector<1x16xf32>,
        %parallel_loop3A_672 = arith.constant 0 : i32
        %parallel_loop3A_673 = arith.constant 0 : i32
        %parallel_loop3A_674 = tpu.memref_slice %arg9[%parallel_loop3A_579, %parallel_loop3A_672, %parallel_loop3A_673] : memref<2x80x128xf32, #tpu.memory_space<vmem>> -> memref<1x80x128xf32, #tpu.memory_space<vmem>>
        %parallel_loop3A_675 = tpu.memref_squeeze %parallel_loop3A_674 : memref<1x80x128xf32, #tpu.memory_space<vmem>> -> memref<80x128xf32, #tpu.memory_space<vmem>>
        %parallel_loop3A_676 = arith.index_cast %parallel_loop3A_619 : i32 to index
        %parallel_loop3A_677 = arith.constant 32 : index
        %parallel_loop3A_678 = tpu.vector_load %parallel_loop3A_675[%parallel_loop3A_676, %parallel_loop3A_677] {strides = array<i32>} : memref<80x128xf32, #tpu.memory_space<vmem>>, vector<1x16xf32>,
        %parallel_loop3A_679 = vector.shape_cast %parallel_loop3A_678 : vector<1x16xf32> to vector<16xf32>
        %parallel_loop3A_680 = arith.constant 0 : i32
        %parallel_loop3A_681 = arith.constant 0 : i32
        %parallel_loop3A_682 = tpu.memref_slice %arg10[%parallel_loop3A_580, %parallel_loop3A_680, %parallel_loop3A_681] : memref<2x80x128xf32, #tpu.memory_space<vmem>> -> memref<1x80x128xf32, #tpu.memory_space<vmem>>
        %parallel_loop3A_683 = tpu.memref_squeeze %parallel_loop3A_682 : memref<1x80x128xf32, #tpu.memory_space<vmem>> -> memref<80x128xf32, #tpu.memory_space<vmem>>
        %parallel_loop3A_684 = arith.index_cast %parallel_loop3A_619 : i32 to index
        %parallel_loop3A_685 = arith.constant 32 : index
        %parallel_loop3A_686 = tpu.vector_load %parallel_loop3A_683[%parallel_loop3A_684, %parallel_loop3A_685] {strides = array<i32>} : memref<80x128xf32, #tpu.memory_space<vmem>>, vector<1x16xf32>,
        %parallel_loop3A_687 = vector.shape_cast %parallel_loop3A_686 : vector<1x16xf32> to vector<16xf32>
        %parallel_loop3A_688 = arith.addf %parallel_loop3A_679, %parallel_loop3A_687 : vector<16xf32>
        %parallel_loop3A_689 = arith.constant 0 : i32
        %parallel_loop3A_690 = arith.constant 0 : i32
        %parallel_loop3A_691 = tpu.memref_slice %arg11[%parallel_loop3A_581, %parallel_loop3A_689, %parallel_loop3A_690] : memref<2x80x128xf32, #tpu.memory_space<vmem>> -> memref<1x80x128xf32, #tpu.memory_space<vmem>>
        %parallel_loop3A_692 = tpu.memref_squeeze %parallel_loop3A_691 : memref<1x80x128xf32, #tpu.memory_space<vmem>> -> memref<80x128xf32, #tpu.memory_space<vmem>>
        %parallel_loop3A_693 = arith.index_cast %parallel_loop3A_619 : i32 to index
        %parallel_loop3A_694 = arith.constant 32 : index
        %parallel_loop3A_695 = tpu.vector_load %parallel_loop3A_692[%parallel_loop3A_693, %parallel_loop3A_694] {strides = array<i32>} : memref<80x128xf32, #tpu.memory_space<vmem>>, vector<1x16xf32>,
        %parallel_loop3A_696 = vector.shape_cast %parallel_loop3A_695 : vector<1x16xf32> to vector<16xf32>
        %parallel_loop3A_697 = vector.shape_cast %parallel_loop3A_688 : vector<16xf32> to vector<1x16xf32>
        tpu.vector_store %parallel_loop3A_692[%parallel_loop3A_693, %parallel_loop3A_694], %parallel_loop3A_697 {strides = array<i32>} : memref<80x128xf32, #tpu.memory_space<vmem>>, vector<1x16xf32>,
        %parallel_loop3A_698 = arith.constant 0 : i32
        %parallel_loop3A_699 = arith.constant 0 : i32
        %parallel_loop3A_700 = tpu.memref_slice %arg9[%parallel_loop3A_579, %parallel_loop3A_698, %parallel_loop3A_699] : memref<2x80x128xf32, #tpu.memory_space<vmem>> -> memref<1x80x128xf32, #tpu.memory_space<vmem>>
        %parallel_loop3A_701 = tpu.memref_squeeze %parallel_loop3A_700 : memref<1x80x128xf32, #tpu.memory_space<vmem>> -> memref<80x128xf32, #tpu.memory_space<vmem>>
        %parallel_loop3A_702 = arith.index_cast %parallel_loop3A_619 : i32 to index
        %parallel_loop3A_703 = arith.constant 48 : index
        %parallel_loop3A_704 = tpu.vector_load %parallel_loop3A_701[%parallel_loop3A_702, %parallel_loop3A_703] {strides = array<i32>} : memref<80x128xf32, #tpu.memory_space<vmem>>, vector<1x16xf32>,
        %parallel_loop3A_705 = vector.shape_cast %parallel_loop3A_704 : vector<1x16xf32> to vector<16xf32>
        %parallel_loop3A_706 = arith.constant 0 : i32
        %parallel_loop3A_707 = arith.constant 0 : i32
        %parallel_loop3A_708 = tpu.memref_slice %arg10[%parallel_loop3A_580, %parallel_loop3A_706, %parallel_loop3A_707] : memref<2x80x128xf32, #tpu.memory_space<vmem>> -> memref<1x80x128xf32, #tpu.memory_space<vmem>>
        %parallel_loop3A_709 = tpu.memref_squeeze %parallel_loop3A_708 : memref<1x80x128xf32, #tpu.memory_space<vmem>> -> memref<80x128xf32, #tpu.memory_space<vmem>>
        %parallel_loop3A_710 = arith.index_cast %parallel_loop3A_619 : i32 to index
        %parallel_loop3A_711 = arith.constant 48 : index
        %parallel_loop3A_712 = tpu.vector_load %parallel_loop3A_709[%parallel_loop3A_710, %parallel_loop3A_711] {strides = array<i32>} : memref<80x128xf32, #tpu.memory_space<vmem>>, vector<1x16xf32>,
        %parallel_loop3A_713 = vector.shape_cast %parallel_loop3A_712 : vector<1x16xf32> to vector<16xf32>
        %parallel_loop3A_714 = arith.addf %parallel_loop3A_705, %parallel_loop3A_713 : vector<16xf32>
        %parallel_loop3A_715 = arith.constant 0 : i32
        %parallel_loop3A_716 = arith.constant 0 : i32
        %parallel_loop3A_717 = tpu.memref_slice %arg11[%parallel_loop3A_581, %parallel_loop3A_715, %parallel_loop3A_716] : memref<2x80x128xf32, #tpu.memory_space<vmem>> -> memref<1x80x128xf32, #tpu.memory_space<vmem>>
        %parallel_loop3A_718 = tpu.memref_squeeze %parallel_loop3A_717 : memref<1x80x128xf32, #tpu.memory_space<vmem>> -> memref<80x128xf32, #tpu.memory_space<vmem>>
        %parallel_loop3A_719 = arith.index_cast %parallel_loop3A_619 : i32 to index
        %parallel_loop3A_720 = arith.constant 48 : index
        %parallel_loop3A_721 = tpu.vector_load %parallel_loop3A_718[%parallel_loop3A_719, %parallel_loop3A_720] {strides = array<i32>} : memref<80x128xf32, #tpu.memory_space<vmem>>, vector<1x16xf32>,
        %parallel_loop3A_722 = vector.shape_cast %parallel_loop3A_721 : vector<1x16xf32> to vector<16xf32>
        %parallel_loop3A_723 = vector.shape_cast %parallel_loop3A_714 : vector<16xf32> to vector<1x16xf32>
        tpu.vector_store %parallel_loop3A_718[%parallel_loop3A_719, %parallel_loop3A_720], %parallel_loop3A_723 {strides = array<i32>} : memref<80x128xf32, #tpu.memory_space<vmem>>, vector<1x16xf32>,
        %parallel_loop3A_724 = arith.constant 0 : i32
        %parallel_loop3A_725 = arith.constant 0 : i32
        %parallel_loop3A_726 = tpu.memref_slice %arg9[%parallel_loop3A_579, %parallel_loop3A_724, %parallel_loop3A_725] : memref<2x80x128xf32, #tpu.memory_space<vmem>> -> memref<1x80x128xf32, #tpu.memory_space<vmem>>
        %parallel_loop3A_727 = tpu.memref_squeeze %parallel_loop3A_726 : memref<1x80x128xf32, #tpu.memory_space<vmem>> -> memref<80x128xf32, #tpu.memory_space<vmem>>
        %parallel_loop3A_728 = arith.index_cast %parallel_loop3A_619 : i32 to index
        %parallel_loop3A_729 = arith.constant 64 : index
        %parallel_loop3A_730 = tpu.vector_load %parallel_loop3A_727[%parallel_loop3A_728, %parallel_loop3A_729] {strides = array<i32>} : memref<80x128xf32, #tpu.memory_space<vmem>>, vector<1x16xf32>,
        %parallel_loop3A_731 = vector.shape_cast %parallel_loop3A_730 : vector<1x16xf32> to vector<16xf32>
        %parallel_loop3A_732 = arith.constant 0 : i32
        %parallel_loop3A_733 = arith.constant 0 : i32
        %parallel_loop3A_734 = tpu.memref_slice %arg10[%parallel_loop3A_580, %parallel_loop3A_732, %parallel_loop3A_733] : memref<2x80x128xf32, #tpu.memory_space<vmem>> -> memref<1x80x128xf32, #tpu.memory_space<vmem>>
        %parallel_loop3A_735 = tpu.memref_squeeze %parallel_loop3A_734 : memref<1x80x128xf32, #tpu.memory_space<vmem>> -> memref<80x128xf32, #tpu.memory_space<vmem>>
        %parallel_loop3A_736 = arith.index_cast %parallel_loop3A_619 : i32 to index
        %parallel_loop3A_737 = arith.constant 64 : index
        %parallel_loop3A_738 = tpu.vector_load %parallel_loop3A_735[%parallel_loop3A_736, %parallel_loop3A_737] {strides = array<i32>} : memref<80x128xf32, #tpu.memory_space<vmem>>, vector<1x16xf32>,
        %parallel_loop3A_739 = vector.shape_cast %parallel_loop3A_738 : vector<1x16xf32> to vector<16xf32>
        %parallel_loop3A_740 = arith.addf %parallel_loop3A_731, %parallel_loop3A_739 : vector<16xf32>
        %parallel_loop3A_741 = arith.constant 0 : i32
        %parallel_loop3A_742 = arith.constant 0 : i32
        %parallel_loop3A_743 = tpu.memref_slice %arg11[%parallel_loop3A_581, %parallel_loop3A_741, %parallel_loop3A_742] : memref<2x80x128xf32, #tpu.memory_space<vmem>> -> memref<1x80x128xf32, #tpu.memory_space<vmem>>
        %parallel_loop3A_744 = tpu.memref_squeeze %parallel_loop3A_743 : memref<1x80x128xf32, #tpu.memory_space<vmem>> -> memref<80x128xf32, #tpu.memory_space<vmem>>
        %parallel_loop3A_745 = arith.index_cast %parallel_loop3A_619 : i32 to index
        %parallel_loop3A_746 = arith.constant 64 : index
        %parallel_loop3A_747 = tpu.vector_load %parallel_loop3A_744[%parallel_loop3A_745, %parallel_loop3A_746] {strides = array<i32>} : memref<80x128xf32, #tpu.memory_space<vmem>>, vector<1x16xf32>,
        %parallel_loop3A_748 = vector.shape_cast %parallel_loop3A_747 : vector<1x16xf32> to vector<16xf32>
        %parallel_loop3A_749 = vector.shape_cast %parallel_loop3A_740 : vector<16xf32> to vector<1x16xf32>
        tpu.vector_store %parallel_loop3A_744[%parallel_loop3A_745, %parallel_loop3A_746], %parallel_loop3A_749 {strides = array<i32>} : memref<80x128xf32, #tpu.memory_space<vmem>>, vector<1x16xf32>,
        %parallel_loop3A_750 = arith.constant 0 : i32
        %parallel_loop3A_751 = arith.constant 0 : i32
        %parallel_loop3A_752 = tpu.memref_slice %arg9[%parallel_loop3A_579, %parallel_loop3A_750, %parallel_loop3A_751] : memref<2x80x128xf32, #tpu.memory_space<vmem>> -> memref<1x80x128xf32, #tpu.memory_space<vmem>>
        %parallel_loop3A_753 = tpu.memref_squeeze %parallel_loop3A_752 : memref<1x80x128xf32, #tpu.memory_space<vmem>> -> memref<80x128xf32, #tpu.memory_space<vmem>>
        %parallel_loop3A_754 = arith.index_cast %parallel_loop3A_619 : i32 to index
        %parallel_loop3A_755 = arith.constant 80 : index
        %parallel_loop3A_756 = tpu.vector_load %parallel_loop3A_753[%parallel_loop3A_754, %parallel_loop3A_755] {strides = array<i32>} : memref<80x128xf32, #tpu.memory_space<vmem>>, vector<1x16xf32>,
        %parallel_loop3A_757 = vector.shape_cast %parallel_loop3A_756 : vector<1x16xf32> to vector<16xf32>
        %parallel_loop3A_758 = arith.constant 0 : i32
        %parallel_loop3A_759 = arith.constant 0 : i32
        %parallel_loop3A_760 = tpu.memref_slice %arg10[%parallel_loop3A_580, %parallel_loop3A_758, %parallel_loop3A_759] : memref<2x80x128xf32, #tpu.memory_space<vmem>> -> memref<1x80x128xf32, #tpu.memory_space<vmem>>
        %parallel_loop3A_761 = tpu.memref_squeeze %parallel_loop3A_760 : memref<1x80x128xf32, #tpu.memory_space<vmem>> -> memref<80x128xf32, #tpu.memory_space<vmem>>
        %parallel_loop3A_762 = arith.index_cast %parallel_loop3A_619 : i32 to index
        %parallel_loop3A_763 = arith.constant 80 : index
        %parallel_loop3A_764 = tpu.vector_load %parallel_loop3A_761[%parallel_loop3A_762, %parallel_loop3A_763] {strides = array<i32>} : memref<80x128xf32, #tpu.memory_space<vmem>>, vector<1x16xf32>,
        %parallel_loop3A_765 = vector.shape_cast %parallel_loop3A_764 : vector<1x16xf32> to vector<16xf32>
        %parallel_loop3A_766 = arith.addf %parallel_loop3A_757, %parallel_loop3A_765 : vector<16xf32>
        %parallel_loop3A_767 = arith.constant 0 : i32
        %parallel_loop3A_768 = arith.constant 0 : i32
        %parallel_loop3A_769 = tpu.memref_slice %arg11[%parallel_loop3A_581, %parallel_loop3A_767, %parallel_loop3A_768] : memref<2x80x128xf32, #tpu.memory_space<vmem>> -> memref<1x80x128xf32, #tpu.memory_space<vmem>>
        %parallel_loop3A_770 = tpu.memref_squeeze %parallel_loop3A_769 : memref<1x80x128xf32, #tpu.memory_space<vmem>> -> memref<80x128xf32, #tpu.memory_space<vmem>>
        %parallel_loop3A_771 = arith.index_cast %parallel_loop3A_619 : i32 to index
        %parallel_loop3A_772 = arith.constant 80 : index
        %parallel_loop3A_773 = tpu.vector_load %parallel_loop3A_770[%parallel_loop3A_771, %parallel_loop3A_772] {strides = array<i32>} : memref<80x128xf32, #tpu.memory_space<vmem>>, vector<1x16xf32>,
        %parallel_loop3A_774 = vector.shape_cast %parallel_loop3A_773 : vector<1x16xf32> to vector<16xf32>
        %parallel_loop3A_775 = vector.shape_cast %parallel_loop3A_766 : vector<16xf32> to vector<1x16xf32>
        tpu.vector_store %parallel_loop3A_770[%parallel_loop3A_771, %parallel_loop3A_772], %parallel_loop3A_775 {strides = array<i32>} : memref<80x128xf32, #tpu.memory_space<vmem>>, vector<1x16xf32>,
        %parallel_loop3A_776 = arith.constant 0 : i32
        %parallel_loop3A_777 = arith.constant 0 : i32
        %parallel_loop3A_778 = tpu.memref_slice %arg9[%parallel_loop3A_579, %parallel_loop3A_776, %parallel_loop3A_777] : memref<2x80x128xf32, #tpu.memory_space<vmem>> -> memref<1x80x128xf32, #tpu.memory_space<vmem>>
        %parallel_loop3A_779 = tpu.memref_squeeze %parallel_loop3A_778 : memref<1x80x128xf32, #tpu.memory_space<vmem>> -> memref<80x128xf32, #tpu.memory_space<vmem>>
        %parallel_loop3A_780 = arith.index_cast %parallel_loop3A_619 : i32 to index
        %parallel_loop3A_781 = arith.constant 96 : index
        %parallel_loop3A_782 = tpu.vector_load %parallel_loop3A_779[%parallel_loop3A_780, %parallel_loop3A_781] {strides = array<i32>} : memref<80x128xf32, #tpu.memory_space<vmem>>, vector<1x16xf32>,
        %parallel_loop3A_783 = vector.shape_cast %parallel_loop3A_782 : vector<1x16xf32> to vector<16xf32>
        %parallel_loop3A_784 = arith.constant 0 : i32
        %parallel_loop3A_785 = arith.constant 0 : i32
        %parallel_loop3A_786 = tpu.memref_slice %arg10[%parallel_loop3A_580, %parallel_loop3A_784, %parallel_loop3A_785] : memref<2x80x128xf32, #tpu.memory_space<vmem>> -> memref<1x80x128xf32, #tpu.memory_space<vmem>>
        %parallel_loop3A_787 = tpu.memref_squeeze %parallel_loop3A_786 : memref<1x80x128xf32, #tpu.memory_space<vmem>> -> memref<80x128xf32, #tpu.memory_space<vmem>>
        %parallel_loop3A_788 = arith.index_cast %parallel_loop3A_619 : i32 to index
        %parallel_loop3A_789 = arith.constant 96 : index
        %parallel_loop3A_790 = tpu.vector_load %parallel_loop3A_787[%parallel_loop3A_788, %parallel_loop3A_789] {strides = array<i32>} : memref<80x128xf32, #tpu.memory_space<vmem>>, vector<1x16xf32>,
        %parallel_loop3A_791 = vector.shape_cast %parallel_loop3A_790 : vector<1x16xf32> to vector<16xf32>
        %parallel_loop3A_792 = arith.addf %parallel_loop3A_783, %parallel_loop3A_791 : vector<16xf32>
        %parallel_loop3A_793 = arith.constant 0 : i32
        %parallel_loop3A_794 = arith.constant 0 : i32
        %parallel_loop3A_795 = tpu.memref_slice %arg11[%parallel_loop3A_581, %parallel_loop3A_793, %parallel_loop3A_794] : memref<2x80x128xf32, #tpu.memory_space<vmem>> -> memref<1x80x128xf32, #tpu.memory_space<vmem>>
        %parallel_loop3A_796 = tpu.memref_squeeze %parallel_loop3A_795 : memref<1x80x128xf32, #tpu.memory_space<vmem>> -> memref<80x128xf32, #tpu.memory_space<vmem>>
        %parallel_loop3A_797 = arith.index_cast %parallel_loop3A_619 : i32 to index
        %parallel_loop3A_798 = arith.constant 96 : index
        %parallel_loop3A_799 = tpu.vector_load %parallel_loop3A_796[%parallel_loop3A_797, %parallel_loop3A_798] {strides = array<i32>} : memref<80x128xf32, #tpu.memory_space<vmem>>, vector<1x16xf32>,
        %parallel_loop3A_800 = vector.shape_cast %parallel_loop3A_799 : vector<1x16xf32> to vector<16xf32>
        %parallel_loop3A_801 = vector.shape_cast %parallel_loop3A_792 : vector<16xf32> to vector<1x16xf32>
        tpu.vector_store %parallel_loop3A_796[%parallel_loop3A_797, %parallel_loop3A_798], %parallel_loop3A_801 {strides = array<i32>} : memref<80x128xf32, #tpu.memory_space<vmem>>, vector<1x16xf32>,
        %parallel_loop3A_802 = arith.constant 0 : i32
        %parallel_loop3A_803 = arith.constant 0 : i32
        %parallel_loop3A_804 = tpu.memref_slice %arg9[%parallel_loop3A_579, %parallel_loop3A_802, %parallel_loop3A_803] : memref<2x80x128xf32, #tpu.memory_space<vmem>> -> memref<1x80x128xf32, #tpu.memory_space<vmem>>
        %parallel_loop3A_805 = tpu.memref_squeeze %parallel_loop3A_804 : memref<1x80x128xf32, #tpu.memory_space<vmem>> -> memref<80x128xf32, #tpu.memory_space<vmem>>
        %parallel_loop3A_806 = arith.index_cast %parallel_loop3A_619 : i32 to index
        %parallel_loop3A_807 = arith.constant 112 : index
        %parallel_loop3A_808 = tpu.vector_load %parallel_loop3A_805[%parallel_loop3A_806, %parallel_loop3A_807] {strides = array<i32>} : memref<80x128xf32, #tpu.memory_space<vmem>>, vector<1x16xf32>,
        %parallel_loop3A_809 = vector.shape_cast %parallel_loop3A_808 : vector<1x16xf32> to vector<16xf32>
        %parallel_loop3A_810 = arith.constant 0 : i32
        %parallel_loop3A_811 = arith.constant 0 : i32
        %parallel_loop3A_812 = tpu.memref_slice %arg10[%parallel_loop3A_580, %parallel_loop3A_810, %parallel_loop3A_811] : memref<2x80x128xf32, #tpu.memory_space<vmem>> -> memref<1x80x128xf32, #tpu.memory_space<vmem>>
        %parallel_loop3A_813 = tpu.memref_squeeze %parallel_loop3A_812 : memref<1x80x128xf32, #tpu.memory_space<vmem>> -> memref<80x128xf32, #tpu.memory_space<vmem>>
        %parallel_loop3A_814 = arith.index_cast %parallel_loop3A_619 : i32 to index
        %parallel_loop3A_815 = arith.constant 112 : index
        %parallel_loop3A_816 = tpu.vector_load %parallel_loop3A_813[%parallel_loop3A_814, %parallel_loop3A_815] {strides = array<i32>} : memref<80x128xf32, #tpu.memory_space<vmem>>, vector<1x16xf32>,
        %parallel_loop3A_817 = vector.shape_cast %parallel_loop3A_816 : vector<1x16xf32> to vector<16xf32>
        %parallel_loop3A_818 = arith.addf %parallel_loop3A_809, %parallel_loop3A_817 : vector<16xf32>
        %parallel_loop3A_819 = arith.constant 0 : i32
        %parallel_loop3A_820 = arith.constant 0 : i32
        %parallel_loop3A_821 = tpu.memref_slice %arg11[%parallel_loop3A_581, %parallel_loop3A_819, %parallel_loop3A_820] : memref<2x80x128xf32, #tpu.memory_space<vmem>> -> memref<1x80x128xf32, #tpu.memory_space<vmem>>
        %parallel_loop3A_822 = tpu.memref_squeeze %parallel_loop3A_821 : memref<1x80x128xf32, #tpu.memory_space<vmem>> -> memref<80x128xf32, #tpu.memory_space<vmem>>
        %parallel_loop3A_823 = arith.index_cast %parallel_loop3A_619 : i32 to index
        %parallel_loop3A_824 = arith.constant 112 : index
        %parallel_loop3A_825 = tpu.vector_load %parallel_loop3A_822[%parallel_loop3A_823, %parallel_loop3A_824] {strides = array<i32>} : memref<80x128xf32, #tpu.memory_space<vmem>>, vector<1x16xf32>,
        %parallel_loop3A_826 = vector.shape_cast %parallel_loop3A_825 : vector<1x16xf32> to vector<16xf32>
        %parallel_loop3A_827 = vector.shape_cast %parallel_loop3A_818 : vector<16xf32> to vector<1x16xf32>
        tpu.vector_store %parallel_loop3A_822[%parallel_loop3A_823, %parallel_loop3A_824], %parallel_loop3A_827 {strides = array<i32>} : memref<80x128xf32, #tpu.memory_space<vmem>>, vector<1x16xf32>,
      } {sc.loop_unroll_factor = 1 : i64, sc.parallel_access}
      %dma_start3A_582 = arith.constant 1 : i32
      %dma_start3A_583 = arith.constant 0 : i32
      %dma_start3A_584 = arith.constant 0 : i32
      %dma_start3A_585 = tpu.memref_slice %arg11[%dma_start3A_582, %dma_start3A_583, %dma_start3A_584] : memref<2x80x128xf32, #tpu.memory_space<vmem>> -> memref<1x80x128xf32, #tpu.memory_space<vmem>>
      %dma_start3A_586 = tpu.memref_squeeze %dma_start3A_585 : memref<1x80x128xf32, #tpu.memory_space<vmem>> -> memref<80x128xf32, #tpu.memory_space<vmem>>
      %dma_start3A_587 = arith.constant 0 : i32
      %dma_start3A_588 = tpu.memref_slice %arg6[%add3A_540, %dma_start3A_587] : memref<320000x128xf32, #tpu.memory_space<hbm>> -> memref<80x128xf32, #tpu.memory_space<hbm>>
      %dma_start3A_589 = arith.constant 0 : i32
      %dma_start3A_590 = tpu.memref_slice %arg6[%add3A_540, %dma_start3A_589] : memref<320000x128xf32, #tpu.memory_space<hbm>> -> memref<80x128xf32, #tpu.memory_space<hbm>>
      %dma_start3A_591 = arith.constant 0 : i32
      %dma_start3A_592 = arith.constant 0 : i32
      %dma_start3A_593 = tpu.memref_slice %arg11[%dma_start3A_582, %dma_start3A_591, %dma_start3A_592] : memref<2x80x128xf32, #tpu.memory_space<vmem>> -> memref<1x80x128xf32, #tpu.memory_space<vmem>>
      %dma_start3A_594 = tpu.memref_squeeze %dma_start3A_593 : memref<1x80x128xf32, #tpu.memory_space<vmem>> -> memref<80x128xf32, #tpu.memory_space<vmem>>
      tpu.enqueue_dma source(%dma_start3A_594 : memref<80x128xf32, #tpu.memory_space<vmem>>) target(%dma_start3A_590 : memref<80x128xf32, #tpu.memory_space<hbm>>) target_semaphore(%arg15 : memref<!tpu.dma_semaphore, #tpu.memory_space<semaphore_mem>>)
      %add3A_595 = arith.constant 2 : i32
      %add3A_596 = arith.addi %add3A_537, %add3A_595 : i32
      %dma_start3A_597 = arith.constant 1 : i32
      %dma_start3A_598 = arith.constant 0 : i32
      %dma_start3A_599 = arith.constant 0 : i32
      %dma_start3A_600 = tpu.memref_slice %arg9[%dma_start3A_597, %dma_start3A_598, %dma_start3A_599] : memref<2x80x128xf32, #tpu.memory_space<vmem>> -> memref<1x80x128xf32, #tpu.memory_space<vmem>>
      %dma_start3A_601 = tpu.memref_squeeze %dma_start3A_600 : memref<1x80x128xf32, #tpu.memory_space<vmem>> -> memref<80x128xf32, #tpu.memory_space<vmem>>
      %dma_start3A_602 = arith.constant 0 : i32
      %dma_start3A_603 = tpu.memref_slice %arg7[%add3A_596, %dma_start3A_602] : memref<125x80xi32, #tpu.memory_space<vmem>> -> memref<1x80xi32, #tpu.memory_space<vmem>>
      %dma_start3A_604 = tpu.memref_squeeze %dma_start3A_603 : memref<1x80xi32, #tpu.memory_space<vmem>> -> memref<80xi32, #tpu.memory_space<vmem>>
      %dma_start3A_605 = arith.constant 0 : i32
      %dma_start3A_606 = arith.constant 0 : i32
      %dma_start3A_607 = tpu.memref_slice %arg2[%dma_start3A_605, %dma_start3A_606] : memref<10000x128xf32, #tpu.memory_space<hbm>> -> memref<10000x128xf32, #tpu.memory_space<hbm>>
      tpu.enqueue_indirect_dma source(%dma_start3A_607 : memref<10000x128xf32, #tpu.memory_space<hbm>>) target(%dma_start3A_601 : memref<80x128xf32, #tpu.memory_space<vmem>>) offsets(%dma_start3A_604 : memref<80xi32, #tpu.memory_space<vmem>>) semaphore(%arg13 : memref<!tpu.dma_semaphore, #tpu.memory_space<semaphore_mem>>)
      %dma_start3A_608 = arith.constant 1 : i32
      %dma_start3A_609 = arith.constant 0 : i32
      %dma_start3A_610 = arith.constant 0 : i32
      %dma_start3A_611 = tpu.memref_slice %arg10[%dma_start3A_608, %dma_start3A_609, %dma_start3A_610] : memref<2x80x128xf32, #tpu.memory_space<vmem>> -> memref<1x80x128xf32, #tpu.memory_space<vmem>>
      %dma_start3A_612 = tpu.memref_squeeze %dma_start3A_611 : memref<1x80x128xf32, #tpu.memory_space<vmem>> -> memref<80x128xf32, #tpu.memory_space<vmem>>
      %dma_start3A_613 = arith.constant 0 : i32
      %dma_start3A_614 = tpu.memref_slice %arg8[%add3A_596, %dma_start3A_613] : memref<125x80xi32, #tpu.memory_space<vmem>> -> memref<1x80xi32, #tpu.memory_space<vmem>>
      %dma_start3A_615 = tpu.memref_squeeze %dma_start3A_614 : memref<1x80xi32, #tpu.memory_space<vmem>> -> memref<80xi32, #tpu.memory_space<vmem>>
      %dma_start3A_616 = arith.constant 0 : i32
      %dma_start3A_617 = arith.constant 0 : i32
      %dma_start3A_618 = tpu.memref_slice %arg3[%dma_start3A_616, %dma_start3A_617] : memref<10000x128xf32, #tpu.memory_space<hbm>> -> memref<10000x128xf32, #tpu.memory_space<hbm>>
      tpu.enqueue_indirect_dma source(%dma_start3A_618 : memref<10000x128xf32, #tpu.memory_space<hbm>>) target(%dma_start3A_612 : memref<80x128xf32, #tpu.memory_space<vmem>>) offsets(%dma_start3A_615 : memref<80xi32, #tpu.memory_space<vmem>>) semaphore(%arg13 : memref<!tpu.dma_semaphore, #tpu.memory_space<semaphore_mem>>)
    }
    %scan3A_221 = arith.constant 60 : i32
    %add3A_222 = arith.constant 9760 : i32
    %add3A_223 = arith.addi %mul3A_2, %add3A_222 : i32
    %dma_wait3A_224 = arith.constant 122 : i32
    %dma_wait3A_225 = arith.constant 0 : i32
    %dma_wait3A_226 = arith.constant 0 : i32
    %dma_wait3A_227 = arith.constant 0 : i32
    %dma_wait3A_228 = tpu.memref_slice %arg9[%dma_wait3A_225, %dma_wait3A_226, %dma_wait3A_227] : memref<2x80x128xf32, #tpu.memory_space<vmem>> -> memref<1x80x128xf32, #tpu.memory_space<vmem>>
    %dma_wait3A_229 = tpu.memref_squeeze %dma_wait3A_228 : memref<1x80x128xf32, #tpu.memory_space<vmem>> -> memref<80x128xf32, #tpu.memory_space<vmem>>
    %dma_wait3A_230 = arith.constant 0 : i32
    %dma_wait3A_231 = tpu.memref_slice %arg7[%dma_wait3A_224, %dma_wait3A_230] : memref<125x80xi32, #tpu.memory_space<vmem>> -> memref<1x80xi32, #tpu.memory_space<vmem>>
    %dma_wait3A_232 = tpu.memref_squeeze %dma_wait3A_231 : memref<1x80xi32, #tpu.memory_space<vmem>> -> memref<80xi32, #tpu.memory_space<vmem>>
    %dma_wait3A_233 = arith.constant 0 : i32
    %dma_wait3A_234 = arith.constant 0 : i32
    %dma_wait3A_235 = tpu.memref_slice %arg2[%dma_wait3A_233, %dma_wait3A_234] : memref<10000x128xf32, #tpu.memory_space<hbm>> -> memref<10000x128xf32, #tpu.memory_space<hbm>>
    tpu.wait_indirect_dma semaphore(%arg12 : memref<!tpu.dma_semaphore, #tpu.memory_space<semaphore_mem>>) src(%dma_wait3A_235 : memref<10000x128xf32, #tpu.memory_space<hbm>>) dst(%dma_wait3A_229 : memref<80x128xf32, #tpu.memory_space<vmem>>)
    %dma_wait3A_236 = arith.constant 122 : i32
    %dma_wait3A_237 = arith.constant 0 : i32
    %dma_wait3A_238 = arith.constant 0 : i32
    %dma_wait3A_239 = arith.constant 0 : i32
    %dma_wait3A_240 = tpu.memref_slice %arg10[%dma_wait3A_237, %dma_wait3A_238, %dma_wait3A_239] : memref<2x80x128xf32, #tpu.memory_space<vmem>> -> memref<1x80x128xf32, #tpu.memory_space<vmem>>
    %dma_wait3A_241 = tpu.memref_squeeze %dma_wait3A_240 : memref<1x80x128xf32, #tpu.memory_space<vmem>> -> memref<80x128xf32, #tpu.memory_space<vmem>>
    %dma_wait3A_242 = arith.constant 0 : i32
    %dma_wait3A_243 = tpu.memref_slice %arg8[%dma_wait3A_236, %dma_wait3A_242] : memref<125x80xi32, #tpu.memory_space<vmem>> -> memref<1x80xi32, #tpu.memory_space<vmem>>
    %dma_wait3A_244 = tpu.memref_squeeze %dma_wait3A_243 : memref<1x80xi32, #tpu.memory_space<vmem>> -> memref<80xi32, #tpu.memory_space<vmem>>
    %dma_wait3A_245 = arith.constant 0 : i32
    %dma_wait3A_246 = arith.constant 0 : i32
    %dma_wait3A_247 = tpu.memref_slice %arg3[%dma_wait3A_245, %dma_wait3A_246] : memref<10000x128xf32, #tpu.memory_space<hbm>> -> memref<10000x128xf32, #tpu.memory_space<hbm>>
    tpu.wait_indirect_dma semaphore(%arg12 : memref<!tpu.dma_semaphore, #tpu.memory_space<semaphore_mem>>) src(%dma_wait3A_247 : memref<10000x128xf32, #tpu.memory_space<hbm>>) dst(%dma_wait3A_241 : memref<80x128xf32, #tpu.memory_space<vmem>>)
    %dma_wait3A_248 = arith.constant 0 : i32
    %dma_wait3A_249 = arith.constant 0 : i32
    %dma_wait3A_250 = arith.constant 0 : i32
    %dma_wait3A_251 = tpu.memref_slice %arg11[%dma_wait3A_248, %dma_wait3A_249, %dma_wait3A_250] : memref<2x80x128xf32, #tpu.memory_space<vmem>> -> memref<1x80x128xf32, #tpu.memory_space<vmem>>
    %dma_wait3A_252 = tpu.memref_squeeze %dma_wait3A_251 : memref<1x80x128xf32, #tpu.memory_space<vmem>> -> memref<80x128xf32, #tpu.memory_space<vmem>>
    %dma_wait3A_253 = arith.constant 0 : i32
    %dma_wait3A_254 = tpu.memref_slice %arg6[%add3A_223, %dma_wait3A_253] : memref<320000x128xf32, #tpu.memory_space<hbm>> -> memref<80x128xf32, #tpu.memory_space<hbm>>
    %dma_wait3A_255 = arith.constant 0 : i32
    %dma_wait3A_256 = tpu.memref_slice %arg6[%add3A_223, %dma_wait3A_255] : memref<320000x128xf32, #tpu.memory_space<hbm>> -> memref<80x128xf32, #tpu.memory_space<hbm>>
    %dma_wait3A_257 = arith.constant 0 : i32
    %dma_wait3A_258 = arith.constant 0 : i32
    %dma_wait3A_259 = tpu.memref_slice %arg11[%dma_wait3A_248, %dma_wait3A_257, %dma_wait3A_258] : memref<2x80x128xf32, #tpu.memory_space<vmem>> -> memref<1x80x128xf32, #tpu.memory_space<vmem>>
    %dma_wait3A_260 = tpu.memref_squeeze %dma_wait3A_259 : memref<1x80x128xf32, #tpu.memory_space<vmem>> -> memref<80x128xf32, #tpu.memory_space<vmem>>
    tpu.wait_dma2 semaphore(%arg14 : memref<!tpu.dma_semaphore, #tpu.memory_space<semaphore_mem>>) src(%dma_wait3A_260 : memref<80x128xf32, #tpu.memory_space<vmem>>) dst(%dma_wait3A_256 : memref<80x128xf32, #tpu.memory_space<hbm>>)
    %parallel_loop3A_261 = arith.constant 0 : i32
    %parallel_loop3A_262 = arith.constant 80 : i32
    %parallel_loop3A_263 = arith.constant 1 : i32
    %parallel_loop3A_264 = arith.constant 0 : i32
    %parallel_loop3A_265 = arith.constant 0 : i32
    %parallel_loop3A_266 = arith.constant 0 : i32
    scf.for %parallel_loop3A_446 = %parallel_loop3A_261 to %parallel_loop3A_262 step %parallel_loop3A_263  : i32 {
      %parallel_loop3A_447 = arith.constant 0 : i32
      %parallel_loop3A_448 = arith.constant 0 : i32
      %parallel_loop3A_449 = tpu.memref_slice %arg9[%parallel_loop3A_264, %parallel_loop3A_447, %parallel_loop3A_448] : memref<2x80x128xf32, #tpu.memory_space<vmem>> -> memref<1x80x128xf32, #tpu.memory_space<vmem>>
      %parallel_loop3A_450 = tpu.memref_squeeze %parallel_loop3A_449 : memref<1x80x128xf32, #tpu.memory_space<vmem>> -> memref<80x128xf32, #tpu.memory_space<vmem>>
      %parallel_loop3A_451 = arith.index_cast %parallel_loop3A_446 : i32 to index
      %parallel_loop3A_452 = arith.constant 0 : index
      %parallel_loop3A_453 = tpu.vector_load %parallel_loop3A_450[%parallel_loop3A_451, %parallel_loop3A_452] {strides = array<i32>} : memref<80x128xf32, #tpu.memory_space<vmem>>, vector<1x16xf32>,
      %parallel_loop3A_454 = vector.shape_cast %parallel_loop3A_453 : vector<1x16xf32> to vector<16xf32>
      %parallel_loop3A_455 = arith.constant 0 : i32
      %parallel_loop3A_456 = arith.constant 0 : i32
      %parallel_loop3A_457 = tpu.memref_slice %arg10[%parallel_loop3A_265, %parallel_loop3A_455, %parallel_loop3A_456] : memref<2x80x128xf32, #tpu.memory_space<vmem>> -> memref<1x80x128xf32, #tpu.memory_space<vmem>>
      %parallel_loop3A_458 = tpu.memref_squeeze %parallel_loop3A_457 : memref<1x80x128xf32, #tpu.memory_space<vmem>> -> memref<80x128xf32, #tpu.memory_space<vmem>>
      %parallel_loop3A_459 = arith.index_cast %parallel_loop3A_446 : i32 to index
      %parallel_loop3A_460 = arith.constant 0 : index
      %parallel_loop3A_461 = tpu.vector_load %parallel_loop3A_458[%parallel_loop3A_459, %parallel_loop3A_460] {strides = array<i32>} : memref<80x128xf32, #tpu.memory_space<vmem>>, vector<1x16xf32>,
      %parallel_loop3A_462 = vector.shape_cast %parallel_loop3A_461 : vector<1x16xf32> to vector<16xf32>
      %parallel_loop3A_463 = arith.addf %parallel_loop3A_454, %parallel_loop3A_462 : vector<16xf32>
      %parallel_loop3A_464 = arith.constant 0 : i32
      %parallel_loop3A_465 = arith.constant 0 : i32
      %parallel_loop3A_466 = tpu.memref_slice %arg11[%parallel_loop3A_266, %parallel_loop3A_464, %parallel_loop3A_465] : memref<2x80x128xf32, #tpu.memory_space<vmem>> -> memref<1x80x128xf32, #tpu.memory_space<vmem>>
      %parallel_loop3A_467 = tpu.memref_squeeze %parallel_loop3A_466 : memref<1x80x128xf32, #tpu.memory_space<vmem>> -> memref<80x128xf32, #tpu.memory_space<vmem>>
      %parallel_loop3A_468 = arith.index_cast %parallel_loop3A_446 : i32 to index
      %parallel_loop3A_469 = arith.constant 0 : index
      %parallel_loop3A_470 = tpu.vector_load %parallel_loop3A_467[%parallel_loop3A_468, %parallel_loop3A_469] {strides = array<i32>} : memref<80x128xf32, #tpu.memory_space<vmem>>, vector<1x16xf32>,
      %parallel_loop3A_471 = vector.shape_cast %parallel_loop3A_470 : vector<1x16xf32> to vector<16xf32>
      %parallel_loop3A_472 = vector.shape_cast %parallel_loop3A_463 : vector<16xf32> to vector<1x16xf32>
      tpu.vector_store %parallel_loop3A_467[%parallel_loop3A_468, %parallel_loop3A_469], %parallel_loop3A_472 {strides = array<i32>} : memref<80x128xf32, #tpu.memory_space<vmem>>, vector<1x16xf32>,
      %parallel_loop3A_473 = arith.constant 0 : i32
      %parallel_loop3A_474 = arith.constant 0 : i32
      %parallel_loop3A_475 = tpu.memref_slice %arg9[%parallel_loop3A_264, %parallel_loop3A_473, %parallel_loop3A_474] : memref<2x80x128xf32, #tpu.memory_space<vmem>> -> memref<1x80x128xf32, #tpu.memory_space<vmem>>
      %parallel_loop3A_476 = tpu.memref_squeeze %parallel_loop3A_475 : memref<1x80x128xf32, #tpu.memory_space<vmem>> -> memref<80x128xf32, #tpu.memory_space<vmem>>
      %parallel_loop3A_477 = arith.index_cast %parallel_loop3A_446 : i32 to index
      %parallel_loop3A_478 = arith.constant 16 : index
      %parallel_loop3A_479 = tpu.vector_load %parallel_loop3A_476[%parallel_loop3A_477, %parallel_loop3A_478] {strides = array<i32>} : memref<80x128xf32, #tpu.memory_space<vmem>>, vector<1x16xf32>,
      %parallel_loop3A_480 = vector.shape_cast %parallel_loop3A_479 : vector<1x16xf32> to vector<16xf32>
      %parallel_loop3A_481 = arith.constant 0 : i32
      %parallel_loop3A_482 = arith.constant 0 : i32
      %parallel_loop3A_483 = tpu.memref_slice %arg10[%parallel_loop3A_265, %parallel_loop3A_481, %parallel_loop3A_482] : memref<2x80x128xf32, #tpu.memory_space<vmem>> -> memref<1x80x128xf32, #tpu.memory_space<vmem>>
      %parallel_loop3A_484 = tpu.memref_squeeze %parallel_loop3A_483 : memref<1x80x128xf32, #tpu.memory_space<vmem>> -> memref<80x128xf32, #tpu.memory_space<vmem>>
      %parallel_loop3A_485 = arith.index_cast %parallel_loop3A_446 : i32 to index
      %parallel_loop3A_486 = arith.constant 16 : index
      %parallel_loop3A_487 = tpu.vector_load %parallel_loop3A_484[%parallel_loop3A_485, %parallel_loop3A_486] {strides = array<i32>} : memref<80x128xf32, #tpu.memory_space<vmem>>, vector<1x16xf32>,
      %parallel_loop3A_488 = vector.shape_cast %parallel_loop3A_487 : vector<1x16xf32> to vector<16xf32>
      %parallel_loop3A_489 = arith.addf %parallel_loop3A_480, %parallel_loop3A_488 : vector<16xf32>
      %parallel_loop3A_490 = arith.constant 0 : i32
      %parallel_loop3A_491 = arith.constant 0 : i32
      %parallel_loop3A_492 = tpu.memref_slice %arg11[%parallel_loop3A_266, %parallel_loop3A_490, %parallel_loop3A_491] : memref<2x80x128xf32, #tpu.memory_space<vmem>> -> memref<1x80x128xf32, #tpu.memory_space<vmem>>
      %parallel_loop3A_493 = tpu.memref_squeeze %parallel_loop3A_492 : memref<1x80x128xf32, #tpu.memory_space<vmem>> -> memref<80x128xf32, #tpu.memory_space<vmem>>
      %parallel_loop3A_494 = arith.index_cast %parallel_loop3A_446 : i32 to index
      %parallel_loop3A_495 = arith.constant 16 : index
      %parallel_loop3A_496 = tpu.vector_load %parallel_loop3A_493[%parallel_loop3A_494, %parallel_loop3A_495] {strides = array<i32>} : memref<80x128xf32, #tpu.memory_space<vmem>>, vector<1x16xf32>,
      %parallel_loop3A_497 = vector.shape_cast %parallel_loop3A_496 : vector<1x16xf32> to vector<16xf32>
      %parallel_loop3A_498 = vector.shape_cast %parallel_loop3A_489 : vector<16xf32> to vector<1x16xf32>
      tpu.vector_store %parallel_loop3A_493[%parallel_loop3A_494, %parallel_loop3A_495], %parallel_loop3A_498 {strides = array<i32>} : memref<80x128xf32, #tpu.memory_space<vmem>>, vector<1x16xf32>,
      %parallel_loop3A_499 = arith.constant 0 : i32
      %parallel_loop3A_500 = arith.constant 0 : i32
      %parallel_loop3A_501 = tpu.memref_slice %arg9[%parallel_loop3A_264, %parallel_loop3A_499, %parallel_loop3A_500] : memref<2x80x128xf32, #tpu.memory_space<vmem>> -> memref<1x80x128xf32, #tpu.memory_space<vmem>>
      %parallel_loop3A_502 = tpu.memref_squeeze %parallel_loop3A_501 : memref<1x80x128xf32, #tpu.memory_space<vmem>> -> memref<80x128xf32, #tpu.memory_space<vmem>>
      %parallel_loop3A_503 = arith.index_cast %parallel_loop3A_446 : i32 to index
      %parallel_loop3A_504 = arith.constant 32 : index
      %parallel_loop3A_505 = tpu.vector_load %parallel_loop3A_502[%parallel_loop3A_503, %parallel_loop3A_504] {strides = array<i32>} : memref<80x128xf32, #tpu.memory_space<vmem>>, vector<1x16xf32>,
      %parallel_loop3A_506 = vector.shape_cast %parallel_loop3A_505 : vector<1x16xf32> to vector<16xf32>
      %parallel_loop3A_507 = arith.constant 0 : i32
      %parallel_loop3A_508 = arith.constant 0 : i32
      %parallel_loop3A_509 = tpu.memref_slice %arg10[%parallel_loop3A_265, %parallel_loop3A_507, %parallel_loop3A_508] : memref<2x80x128xf32, #tpu.memory_space<vmem>> -> memref<1x80x128xf32, #tpu.memory_space<vmem>>
      %parallel_loop3A_510 = tpu.memref_squeeze %parallel_loop3A_509 : memref<1x80x128xf32, #tpu.memory_space<vmem>> -> memref<80x128xf32, #tpu.memory_space<vmem>>
      %parallel_loop3A_511 = arith.index_cast %parallel_loop3A_446 : i32 to index
      %parallel_loop3A_512 = arith.constant 32 : index
      %parallel_loop3A_513 = tpu.vector_load %parallel_loop3A_510[%parallel_loop3A_511, %parallel_loop3A_512] {strides = array<i32>} : memref<80x128xf32, #tpu.memory_space<vmem>>, vector<1x16xf32>,
      %parallel_loop3A_514 = vector.shape_cast %parallel_loop3A_513 : vector<1x16xf32> to vector<16xf32>
      %parallel_loop3A_515 = arith.addf %parallel_loop3A_506, %parallel_loop3A_514 : vector<16xf32>
      %parallel_loop3A_516 = arith.constant 0 : i32
      %parallel_loop3A_517 = arith.constant 0 : i32
      %parallel_loop3A_518 = tpu.memref_slice %arg11[%parallel_loop3A_266, %parallel_loop3A_516, %parallel_loop3A_517] : memref<2x80x128xf32, #tpu.memory_space<vmem>> -> memref<1x80x128xf32, #tpu.memory_space<vmem>>
      %parallel_loop3A_519 = tpu.memref_squeeze %parallel_loop3A_518 : memref<1x80x128xf32, #tpu.memory_space<vmem>> -> memref<80x128xf32, #tpu.memory_space<vmem>>
      %parallel_loop3A_520 = arith.index_cast %parallel_loop3A_446 : i32 to index
      %parallel_loop3A_521 = arith.constant 32 : index
      %parallel_loop3A_522 = tpu.vector_load %parallel_loop3A_519[%parallel_loop3A_520, %parallel_loop3A_521] {strides = array<i32>} : memref<80x128xf32, #tpu.memory_space<vmem>>, vector<1x16xf32>,
      %parallel_loop3A_523 = vector.shape_cast %parallel_loop3A_522 : vector<1x16xf32> to vector<16xf32>
      %parallel_loop3A_524 = vector.shape_cast %parallel_loop3A_515 : vector<16xf32> to vector<1x16xf32>
      tpu.vector_store %parallel_loop3A_519[%parallel_loop3A_520, %parallel_loop3A_521], %parallel_loop3A_524 {strides = array<i32>} : memref<80x128xf32, #tpu.memory_space<vmem>>, vector<1x16xf32>,
      %parallel_loop3A_525 = arith.constant 0 : i32
      %parallel_loop3A_526 = arith.constant 0 : i32
      %parallel_loop3A_527 = tpu.memref_slice %arg9[%parallel_loop3A_264, %parallel_loop3A_525, %parallel_loop3A_526] : memref<2x80x128xf32, #tpu.memory_space<vmem>> -> memref<1x80x128xf32, #tpu.memory_space<vmem>>
      %parallel_loop3A_528 = tpu.memref_squeeze %parallel_loop3A_527 : memref<1x80x128xf32, #tpu.memory_space<vmem>> -> memref<80x128xf32, #tpu.memory_space<vmem>>
      %parallel_loop3A_529 = arith.index_cast %parallel_loop3A_446 : i32 to index
      %parallel_loop3A_530 = arith.constant 48 : index
      %parallel_loop3A_531 = tpu.vector_load %parallel_loop3A_528[%parallel_loop3A_529, %parallel_loop3A_530] {strides = array<i32>} : memref<80x128xf32, #tpu.memory_space<vmem>>, vector<1x16xf32>,
      %parallel_loop3A_532 = vector.shape_cast %parallel_loop3A_531 : vector<1x16xf32> to vector<16xf32>
      %parallel_loop3A_533 = arith.constant 0 : i32
      %parallel_loop3A_534 = arith.constant 0 : i32
      %parallel_loop3A_535 = tpu.memref_slice %arg10[%parallel_loop3A_265, %parallel_loop3A_533, %parallel_loop3A_534] : memref<2x80x128xf32, #tpu.memory_space<vmem>> -> memref<1x80x128xf32, #tpu.memory_space<vmem>>
      %parallel_loop3A_536 = tpu.memref_squeeze %parallel_loop3A_535 : memref<1x80x128xf32, #tpu.memory_space<vmem>> -> memref<80x128xf32, #tpu.memory_space<vmem>>
      %parallel_loop3A_537 = arith.index_cast %parallel_loop3A_446 : i32 to index
      %parallel_loop3A_538 = arith.constant 48 : index
      %parallel_loop3A_539 = tpu.vector_load %parallel_loop3A_536[%parallel_loop3A_537, %parallel_loop3A_538] {strides = array<i32>} : memref<80x128xf32, #tpu.memory_space<vmem>>, vector<1x16xf32>,
      %parallel_loop3A_540 = vector.shape_cast %parallel_loop3A_539 : vector<1x16xf32> to vector<16xf32>
      %parallel_loop3A_541 = arith.addf %parallel_loop3A_532, %parallel_loop3A_540 : vector<16xf32>
      %parallel_loop3A_542 = arith.constant 0 : i32
      %parallel_loop3A_543 = arith.constant 0 : i32
      %parallel_loop3A_544 = tpu.memref_slice %arg11[%parallel_loop3A_266, %parallel_loop3A_542, %parallel_loop3A_543] : memref<2x80x128xf32, #tpu.memory_space<vmem>> -> memref<1x80x128xf32, #tpu.memory_space<vmem>>
      %parallel_loop3A_545 = tpu.memref_squeeze %parallel_loop3A_544 : memref<1x80x128xf32, #tpu.memory_space<vmem>> -> memref<80x128xf32, #tpu.memory_space<vmem>>
      %parallel_loop3A_546 = arith.index_cast %parallel_loop3A_446 : i32 to index
      %parallel_loop3A_547 = arith.constant 48 : index
      %parallel_loop3A_548 = tpu.vector_load %parallel_loop3A_545[%parallel_loop3A_546, %parallel_loop3A_547] {strides = array<i32>} : memref<80x128xf32, #tpu.memory_space<vmem>>, vector<1x16xf32>,
      %parallel_loop3A_549 = vector.shape_cast %parallel_loop3A_548 : vector<1x16xf32> to vector<16xf32>
      %parallel_loop3A_550 = vector.shape_cast %parallel_loop3A_541 : vector<16xf32> to vector<1x16xf32>
      tpu.vector_store %parallel_loop3A_545[%parallel_loop3A_546, %parallel_loop3A_547], %parallel_loop3A_550 {strides = array<i32>} : memref<80x128xf32, #tpu.memory_space<vmem>>, vector<1x16xf32>,
      %parallel_loop3A_551 = arith.constant 0 : i32
      %parallel_loop3A_552 = arith.constant 0 : i32
      %parallel_loop3A_553 = tpu.memref_slice %arg9[%parallel_loop3A_264, %parallel_loop3A_551, %parallel_loop3A_552] : memref<2x80x128xf32, #tpu.memory_space<vmem>> -> memref<1x80x128xf32, #tpu.memory_space<vmem>>
      %parallel_loop3A_554 = tpu.memref_squeeze %parallel_loop3A_553 : memref<1x80x128xf32, #tpu.memory_space<vmem>> -> memref<80x128xf32, #tpu.memory_space<vmem>>
      %parallel_loop3A_555 = arith.index_cast %parallel_loop3A_446 : i32 to index
      %parallel_loop3A_556 = arith.constant 64 : index
      %parallel_loop3A_557 = tpu.vector_load %parallel_loop3A_554[%parallel_loop3A_555, %parallel_loop3A_556] {strides = array<i32>} : memref<80x128xf32, #tpu.memory_space<vmem>>, vector<1x16xf32>,
      %parallel_loop3A_558 = vector.shape_cast %parallel_loop3A_557 : vector<1x16xf32> to vector<16xf32>
      %parallel_loop3A_559 = arith.constant 0 : i32
      %parallel_loop3A_560 = arith.constant 0 : i32
      %parallel_loop3A_561 = tpu.memref_slice %arg10[%parallel_loop3A_265, %parallel_loop3A_559, %parallel_loop3A_560] : memref<2x80x128xf32, #tpu.memory_space<vmem>> -> memref<1x80x128xf32, #tpu.memory_space<vmem>>
      %parallel_loop3A_562 = tpu.memref_squeeze %parallel_loop3A_561 : memref<1x80x128xf32, #tpu.memory_space<vmem>> -> memref<80x128xf32, #tpu.memory_space<vmem>>
      %parallel_loop3A_563 = arith.index_cast %parallel_loop3A_446 : i32 to index
      %parallel_loop3A_564 = arith.constant 64 : index
      %parallel_loop3A_565 = tpu.vector_load %parallel_loop3A_562[%parallel_loop3A_563, %parallel_loop3A_564] {strides = array<i32>} : memref<80x128xf32, #tpu.memory_space<vmem>>, vector<1x16xf32>,
      %parallel_loop3A_566 = vector.shape_cast %parallel_loop3A_565 : vector<1x16xf32> to vector<16xf32>
      %parallel_loop3A_567 = arith.addf %parallel_loop3A_558, %parallel_loop3A_566 : vector<16xf32>
      %parallel_loop3A_568 = arith.constant 0 : i32
      %parallel_loop3A_569 = arith.constant 0 : i32
      %parallel_loop3A_570 = tpu.memref_slice %arg11[%parallel_loop3A_266, %parallel_loop3A_568, %parallel_loop3A_569] : memref<2x80x128xf32, #tpu.memory_space<vmem>> -> memref<1x80x128xf32, #tpu.memory_space<vmem>>
      %parallel_loop3A_571 = tpu.memref_squeeze %parallel_loop3A_570 : memref<1x80x128xf32, #tpu.memory_space<vmem>> -> memref<80x128xf32, #tpu.memory_space<vmem>>
      %parallel_loop3A_572 = arith.index_cast %parallel_loop3A_446 : i32 to index
      %parallel_loop3A_573 = arith.constant 64 : index
      %parallel_loop3A_574 = tpu.vector_load %parallel_loop3A_571[%parallel_loop3A_572, %parallel_loop3A_573] {strides = array<i32>} : memref<80x128xf32, #tpu.memory_space<vmem>>, vector<1x16xf32>,
      %parallel_loop3A_575 = vector.shape_cast %parallel_loop3A_574 : vector<1x16xf32> to vector<16xf32>
      %parallel_loop3A_576 = vector.shape_cast %parallel_loop3A_567 : vector<16xf32> to vector<1x16xf32>
      tpu.vector_store %parallel_loop3A_571[%parallel_loop3A_572, %parallel_loop3A_573], %parallel_loop3A_576 {strides = array<i32>} : memref<80x128xf32, #tpu.memory_space<vmem>>, vector<1x16xf32>,
      %parallel_loop3A_577 = arith.constant 0 : i32
      %parallel_loop3A_578 = arith.constant 0 : i32
      %parallel_loop3A_579 = tpu.memref_slice %arg9[%parallel_loop3A_264, %parallel_loop3A_577, %parallel_loop3A_578] : memref<2x80x128xf32, #tpu.memory_space<vmem>> -> memref<1x80x128xf32, #tpu.memory_space<vmem>>
      %parallel_loop3A_580 = tpu.memref_squeeze %parallel_loop3A_579 : memref<1x80x128xf32, #tpu.memory_space<vmem>> -> memref<80x128xf32, #tpu.memory_space<vmem>>
      %parallel_loop3A_581 = arith.index_cast %parallel_loop3A_446 : i32 to index
      %parallel_loop3A_582 = arith.constant 80 : index
      %parallel_loop3A_583 = tpu.vector_load %parallel_loop3A_580[%parallel_loop3A_581, %parallel_loop3A_582] {strides = array<i32>} : memref<80x128xf32, #tpu.memory_space<vmem>>, vector<1x16xf32>,
      %parallel_loop3A_584 = vector.shape_cast %parallel_loop3A_583 : vector<1x16xf32> to vector<16xf32>
      %parallel_loop3A_585 = arith.constant 0 : i32
      %parallel_loop3A_586 = arith.constant 0 : i32
      %parallel_loop3A_587 = tpu.memref_slice %arg10[%parallel_loop3A_265, %parallel_loop3A_585, %parallel_loop3A_586] : memref<2x80x128xf32, #tpu.memory_space<vmem>> -> memref<1x80x128xf32, #tpu.memory_space<vmem>>
      %parallel_loop3A_588 = tpu.memref_squeeze %parallel_loop3A_587 : memref<1x80x128xf32, #tpu.memory_space<vmem>> -> memref<80x128xf32, #tpu.memory_space<vmem>>
      %parallel_loop3A_589 = arith.index_cast %parallel_loop3A_446 : i32 to index
      %parallel_loop3A_590 = arith.constant 80 : index
      %parallel_loop3A_591 = tpu.vector_load %parallel_loop3A_588[%parallel_loop3A_589, %parallel_loop3A_590] {strides = array<i32>} : memref<80x128xf32, #tpu.memory_space<vmem>>, vector<1x16xf32>,
      %parallel_loop3A_592 = vector.shape_cast %parallel_loop3A_591 : vector<1x16xf32> to vector<16xf32>
      %parallel_loop3A_593 = arith.addf %parallel_loop3A_584, %parallel_loop3A_592 : vector<16xf32>
      %parallel_loop3A_594 = arith.constant 0 : i32
      %parallel_loop3A_595 = arith.constant 0 : i32
      %parallel_loop3A_596 = tpu.memref_slice %arg11[%parallel_loop3A_266, %parallel_loop3A_594, %parallel_loop3A_595] : memref<2x80x128xf32, #tpu.memory_space<vmem>> -> memref<1x80x128xf32, #tpu.memory_space<vmem>>
      %parallel_loop3A_597 = tpu.memref_squeeze %parallel_loop3A_596 : memref<1x80x128xf32, #tpu.memory_space<vmem>> -> memref<80x128xf32, #tpu.memory_space<vmem>>
      %parallel_loop3A_598 = arith.index_cast %parallel_loop3A_446 : i32 to index
      %parallel_loop3A_599 = arith.constant 80 : index
      %parallel_loop3A_600 = tpu.vector_load %parallel_loop3A_597[%parallel_loop3A_598, %parallel_loop3A_599] {strides = array<i32>} : memref<80x128xf32, #tpu.memory_space<vmem>>, vector<1x16xf32>,
      %parallel_loop3A_601 = vector.shape_cast %parallel_loop3A_600 : vector<1x16xf32> to vector<16xf32>
      %parallel_loop3A_602 = vector.shape_cast %parallel_loop3A_593 : vector<16xf32> to vector<1x16xf32>
      tpu.vector_store %parallel_loop3A_597[%parallel_loop3A_598, %parallel_loop3A_599], %parallel_loop3A_602 {strides = array<i32>} : memref<80x128xf32, #tpu.memory_space<vmem>>, vector<1x16xf32>,
      %parallel_loop3A_603 = arith.constant 0 : i32
      %parallel_loop3A_604 = arith.constant 0 : i32
      %parallel_loop3A_605 = tpu.memref_slice %arg9[%parallel_loop3A_264, %parallel_loop3A_603, %parallel_loop3A_604] : memref<2x80x128xf32, #tpu.memory_space<vmem>> -> memref<1x80x128xf32, #tpu.memory_space<vmem>>
      %parallel_loop3A_606 = tpu.memref_squeeze %parallel_loop3A_605 : memref<1x80x128xf32, #tpu.memory_space<vmem>> -> memref<80x128xf32, #tpu.memory_space<vmem>>
      %parallel_loop3A_607 = arith.index_cast %parallel_loop3A_446 : i32 to index
      %parallel_loop3A_608 = arith.constant 96 : index
      %parallel_loop3A_609 = tpu.vector_load %parallel_loop3A_606[%parallel_loop3A_607, %parallel_loop3A_608] {strides = array<i32>} : memref<80x128xf32, #tpu.memory_space<vmem>>, vector<1x16xf32>,
      %parallel_loop3A_610 = vector.shape_cast %parallel_loop3A_609 : vector<1x16xf32> to vector<16xf32>
      %parallel_loop3A_611 = arith.constant 0 : i32
      %parallel_loop3A_612 = arith.constant 0 : i32
      %parallel_loop3A_613 = tpu.memref_slice %arg10[%parallel_loop3A_265, %parallel_loop3A_611, %parallel_loop3A_612] : memref<2x80x128xf32, #tpu.memory_space<vmem>> -> memref<1x80x128xf32, #tpu.memory_space<vmem>>
      %parallel_loop3A_614 = tpu.memref_squeeze %parallel_loop3A_613 : memref<1x80x128xf32, #tpu.memory_space<vmem>> -> memref<80x128xf32, #tpu.memory_space<vmem>>
      %parallel_loop3A_615 = arith.index_cast %parallel_loop3A_446 : i32 to index
      %parallel_loop3A_616 = arith.constant 96 : index
      %parallel_loop3A_617 = tpu.vector_load %parallel_loop3A_614[%parallel_loop3A_615, %parallel_loop3A_616] {strides = array<i32>} : memref<80x128xf32, #tpu.memory_space<vmem>>, vector<1x16xf32>,
      %parallel_loop3A_618 = vector.shape_cast %parallel_loop3A_617 : vector<1x16xf32> to vector<16xf32>
      %parallel_loop3A_619 = arith.addf %parallel_loop3A_610, %parallel_loop3A_618 : vector<16xf32>
      %parallel_loop3A_620 = arith.constant 0 : i32
      %parallel_loop3A_621 = arith.constant 0 : i32
      %parallel_loop3A_622 = tpu.memref_slice %arg11[%parallel_loop3A_266, %parallel_loop3A_620, %parallel_loop3A_621] : memref<2x80x128xf32, #tpu.memory_space<vmem>> -> memref<1x80x128xf32, #tpu.memory_space<vmem>>
      %parallel_loop3A_623 = tpu.memref_squeeze %parallel_loop3A_622 : memref<1x80x128xf32, #tpu.memory_space<vmem>> -> memref<80x128xf32, #tpu.memory_space<vmem>>
      %parallel_loop3A_624 = arith.index_cast %parallel_loop3A_446 : i32 to index
      %parallel_loop3A_625 = arith.constant 96 : index
      %parallel_loop3A_626 = tpu.vector_load %parallel_loop3A_623[%parallel_loop3A_624, %parallel_loop3A_625] {strides = array<i32>} : memref<80x128xf32, #tpu.memory_space<vmem>>, vector<1x16xf32>,
      %parallel_loop3A_627 = vector.shape_cast %parallel_loop3A_626 : vector<1x16xf32> to vector<16xf32>
      %parallel_loop3A_628 = vector.shape_cast %parallel_loop3A_619 : vector<16xf32> to vector<1x16xf32>
      tpu.vector_store %parallel_loop3A_623[%parallel_loop3A_624, %parallel_loop3A_625], %parallel_loop3A_628 {strides = array<i32>} : memref<80x128xf32, #tpu.memory_space<vmem>>, vector<1x16xf32>,
      %parallel_loop3A_629 = arith.constant 0 : i32
      %parallel_loop3A_630 = arith.constant 0 : i32
      %parallel_loop3A_631 = tpu.memref_slice %arg9[%parallel_loop3A_264, %parallel_loop3A_629, %parallel_loop3A_630] : memref<2x80x128xf32, #tpu.memory_space<vmem>> -> memref<1x80x128xf32, #tpu.memory_space<vmem>>
      %parallel_loop3A_632 = tpu.memref_squeeze %parallel_loop3A_631 : memref<1x80x128xf32, #tpu.memory_space<vmem>> -> memref<80x128xf32, #tpu.memory_space<vmem>>
      %parallel_loop3A_633 = arith.index_cast %parallel_loop3A_446 : i32 to index
      %parallel_loop3A_634 = arith.constant 112 : index
      %parallel_loop3A_635 = tpu.vector_load %parallel_loop3A_632[%parallel_loop3A_633, %parallel_loop3A_634] {strides = array<i32>} : memref<80x128xf32, #tpu.memory_space<vmem>>, vector<1x16xf32>,
      %parallel_loop3A_636 = vector.shape_cast %parallel_loop3A_635 : vector<1x16xf32> to vector<16xf32>
      %parallel_loop3A_637 = arith.constant 0 : i32
      %parallel_loop3A_638 = arith.constant 0 : i32
      %parallel_loop3A_639 = tpu.memref_slice %arg10[%parallel_loop3A_265, %parallel_loop3A_637, %parallel_loop3A_638] : memref<2x80x128xf32, #tpu.memory_space<vmem>> -> memref<1x80x128xf32, #tpu.memory_space<vmem>>
      %parallel_loop3A_640 = tpu.memref_squeeze %parallel_loop3A_639 : memref<1x80x128xf32, #tpu.memory_space<vmem>> -> memref<80x128xf32, #tpu.memory_space<vmem>>
      %parallel_loop3A_641 = arith.index_cast %parallel_loop3A_446 : i32 to index
      %parallel_loop3A_642 = arith.constant 112 : index
      %parallel_loop3A_643 = tpu.vector_load %parallel_loop3A_640[%parallel_loop3A_641, %parallel_loop3A_642] {strides = array<i32>} : memref<80x128xf32, #tpu.memory_space<vmem>>, vector<1x16xf32>,
      %parallel_loop3A_644 = vector.shape_cast %parallel_loop3A_643 : vector<1x16xf32> to vector<16xf32>
      %parallel_loop3A_645 = arith.addf %parallel_loop3A_636, %parallel_loop3A_644 : vector<16xf32>
      %parallel_loop3A_646 = arith.constant 0 : i32
      %parallel_loop3A_647 = arith.constant 0 : i32
      %parallel_loop3A_648 = tpu.memref_slice %arg11[%parallel_loop3A_266, %parallel_loop3A_646, %parallel_loop3A_647] : memref<2x80x128xf32, #tpu.memory_space<vmem>> -> memref<1x80x128xf32, #tpu.memory_space<vmem>>
      %parallel_loop3A_649 = tpu.memref_squeeze %parallel_loop3A_648 : memref<1x80x128xf32, #tpu.memory_space<vmem>> -> memref<80x128xf32, #tpu.memory_space<vmem>>
      %parallel_loop3A_650 = arith.index_cast %parallel_loop3A_446 : i32 to index
      %parallel_loop3A_651 = arith.constant 112 : index
      %parallel_loop3A_652 = tpu.vector_load %parallel_loop3A_649[%parallel_loop3A_650, %parallel_loop3A_651] {strides = array<i32>} : memref<80x128xf32, #tpu.memory_space<vmem>>, vector<1x16xf32>,
      %parallel_loop3A_653 = vector.shape_cast %parallel_loop3A_652 : vector<1x16xf32> to vector<16xf32>
      %parallel_loop3A_654 = vector.shape_cast %parallel_loop3A_645 : vector<16xf32> to vector<1x16xf32>
      tpu.vector_store %parallel_loop3A_649[%parallel_loop3A_650, %parallel_loop3A_651], %parallel_loop3A_654 {strides = array<i32>} : memref<80x128xf32, #tpu.memory_space<vmem>>, vector<1x16xf32>,
    } {sc.loop_unroll_factor = 1 : i64, sc.parallel_access}
    %dma_start3A_267 = arith.constant 0 : i32
    %dma_start3A_268 = arith.constant 0 : i32
    %dma_start3A_269 = arith.constant 0 : i32
    %dma_start3A_270 = tpu.memref_slice %arg11[%dma_start3A_267, %dma_start3A_268, %dma_start3A_269] : memref<2x80x128xf32, #tpu.memory_space<vmem>> -> memref<1x80x128xf32, #tpu.memory_space<vmem>>
    %dma_start3A_271 = tpu.memref_squeeze %dma_start3A_270 : memref<1x80x128xf32, #tpu.memory_space<vmem>> -> memref<80x128xf32, #tpu.memory_space<vmem>>
    %dma_start3A_272 = arith.constant 0 : i32
    %dma_start3A_273 = tpu.memref_slice %arg6[%add3A_223, %dma_start3A_272] : memref<320000x128xf32, #tpu.memory_space<hbm>> -> memref<80x128xf32, #tpu.memory_space<hbm>>
    %dma_start3A_274 = arith.constant 0 : i32
    %dma_start3A_275 = tpu.memref_slice %arg6[%add3A_223, %dma_start3A_274] : memref<320000x128xf32, #tpu.memory_space<hbm>> -> memref<80x128xf32, #tpu.memory_space<hbm>>
    %dma_start3A_276 = arith.constant 0 : i32
    %dma_start3A_277 = arith.constant 0 : i32
    %dma_start3A_278 = tpu.memref_slice %arg11[%dma_start3A_267, %dma_start3A_276, %dma_start3A_277] : memref<2x80x128xf32, #tpu.memory_space<vmem>> -> memref<1x80x128xf32, #tpu.memory_space<vmem>>
    %dma_start3A_279 = tpu.memref_squeeze %dma_start3A_278 : memref<1x80x128xf32, #tpu.memory_space<vmem>> -> memref<80x128xf32, #tpu.memory_space<vmem>>
    tpu.enqueue_dma source(%dma_start3A_279 : memref<80x128xf32, #tpu.memory_space<vmem>>) target(%dma_start3A_275 : memref<80x128xf32, #tpu.memory_space<hbm>>) target_semaphore(%arg14 : memref<!tpu.dma_semaphore, #tpu.memory_space<semaphore_mem>>)
    %dma_start3A_280 = arith.constant 124 : i32
    %dma_start3A_281 = arith.constant 0 : i32
    %dma_start3A_282 = arith.constant 0 : i32
    %dma_start3A_283 = arith.constant 0 : i32
    %dma_start3A_284 = tpu.memref_slice %arg9[%dma_start3A_281, %dma_start3A_282, %dma_start3A_283] : memref<2x80x128xf32, #tpu.memory_space<vmem>> -> memref<1x80x128xf32, #tpu.memory_space<vmem>>
    %dma_start3A_285 = tpu.memref_squeeze %dma_start3A_284 : memref<1x80x128xf32, #tpu.memory_space<vmem>> -> memref<80x128xf32, #tpu.memory_space<vmem>>
    %dma_start3A_286 = arith.constant 0 : i32
    %dma_start3A_287 = tpu.memref_slice %arg7[%dma_start3A_280, %dma_start3A_286] : memref<125x80xi32, #tpu.memory_space<vmem>> -> memref<1x80xi32, #tpu.memory_space<vmem>>
    %dma_start3A_288 = tpu.memref_squeeze %dma_start3A_287 : memref<1x80xi32, #tpu.memory_space<vmem>> -> memref<80xi32, #tpu.memory_space<vmem>>
    %dma_start3A_289 = arith.constant 0 : i32
    %dma_start3A_290 = arith.constant 0 : i32
    %dma_start3A_291 = tpu.memref_slice %arg2[%dma_start3A_289, %dma_start3A_290] : memref<10000x128xf32, #tpu.memory_space<hbm>> -> memref<10000x128xf32, #tpu.memory_space<hbm>>
    tpu.enqueue_indirect_dma source(%dma_start3A_291 : memref<10000x128xf32, #tpu.memory_space<hbm>>) target(%dma_start3A_285 : memref<80x128xf32, #tpu.memory_space<vmem>>) offsets(%dma_start3A_288 : memref<80xi32, #tpu.memory_space<vmem>>) semaphore(%arg12 : memref<!tpu.dma_semaphore, #tpu.memory_space<semaphore_mem>>)
    %dma_start3A_292 = arith.constant 124 : i32
    %dma_start3A_293 = arith.constant 0 : i32
    %dma_start3A_294 = arith.constant 0 : i32
    %dma_start3A_295 = arith.constant 0 : i32
    %dma_start3A_296 = tpu.memref_slice %arg10[%dma_start3A_293, %dma_start3A_294, %dma_start3A_295] : memref<2x80x128xf32, #tpu.memory_space<vmem>> -> memref<1x80x128xf32, #tpu.memory_space<vmem>>
    %dma_start3A_297 = tpu.memref_squeeze %dma_start3A_296 : memref<1x80x128xf32, #tpu.memory_space<vmem>> -> memref<80x128xf32, #tpu.memory_space<vmem>>
    %dma_start3A_298 = arith.constant 0 : i32
    %dma_start3A_299 = tpu.memref_slice %arg8[%dma_start3A_292, %dma_start3A_298] : memref<125x80xi32, #tpu.memory_space<vmem>> -> memref<1x80xi32, #tpu.memory_space<vmem>>
    %dma_start3A_300 = tpu.memref_squeeze %dma_start3A_299 : memref<1x80xi32, #tpu.memory_space<vmem>> -> memref<80xi32, #tpu.memory_space<vmem>>
    %dma_start3A_301 = arith.constant 0 : i32
    %dma_start3A_302 = arith.constant 0 : i32
    %dma_start3A_303 = tpu.memref_slice %arg3[%dma_start3A_301, %dma_start3A_302] : memref<10000x128xf32, #tpu.memory_space<hbm>> -> memref<10000x128xf32, #tpu.memory_space<hbm>>
    tpu.enqueue_indirect_dma source(%dma_start3A_303 : memref<10000x128xf32, #tpu.memory_space<hbm>>) target(%dma_start3A_297 : memref<80x128xf32, #tpu.memory_space<vmem>>) offsets(%dma_start3A_300 : memref<80xi32, #tpu.memory_space<vmem>>) semaphore(%arg12 : memref<!tpu.dma_semaphore, #tpu.memory_space<semaphore_mem>>)
    %add3A_304 = arith.constant 9840 : i32
    %add3A_305 = arith.addi %mul3A_2, %add3A_304 : i32
    %dma_wait3A_306 = arith.constant 123 : i32
    %dma_wait3A_307 = arith.constant 1 : i32
    %dma_wait3A_308 = arith.constant 0 : i32
    %dma_wait3A_309 = arith.constant 0 : i32
    %dma_wait3A_310 = tpu.memref_slice %arg9[%dma_wait3A_307, %dma_wait3A_308, %dma_wait3A_309] : memref<2x80x128xf32, #tpu.memory_space<vmem>> -> memref<1x80x128xf32, #tpu.memory_space<vmem>>
    %dma_wait3A_311 = tpu.memref_squeeze %dma_wait3A_310 : memref<1x80x128xf32, #tpu.memory_space<vmem>> -> memref<80x128xf32, #tpu.memory_space<vmem>>
    %dma_wait3A_312 = arith.constant 0 : i32
    %dma_wait3A_313 = tpu.memref_slice %arg7[%dma_wait3A_306, %dma_wait3A_312] : memref<125x80xi32, #tpu.memory_space<vmem>> -> memref<1x80xi32, #tpu.memory_space<vmem>>
    %dma_wait3A_314 = tpu.memref_squeeze %dma_wait3A_313 : memref<1x80xi32, #tpu.memory_space<vmem>> -> memref<80xi32, #tpu.memory_space<vmem>>
    %dma_wait3A_315 = arith.constant 0 : i32
    %dma_wait3A_316 = arith.constant 0 : i32
    %dma_wait3A_317 = tpu.memref_slice %arg2[%dma_wait3A_315, %dma_wait3A_316] : memref<10000x128xf32, #tpu.memory_space<hbm>> -> memref<10000x128xf32, #tpu.memory_space<hbm>>
    tpu.wait_indirect_dma semaphore(%arg13 : memref<!tpu.dma_semaphore, #tpu.memory_space<semaphore_mem>>) src(%dma_wait3A_317 : memref<10000x128xf32, #tpu.memory_space<hbm>>) dst(%dma_wait3A_311 : memref<80x128xf32, #tpu.memory_space<vmem>>)
    %dma_wait3A_318 = arith.constant 123 : i32
    %dma_wait3A_319 = arith.constant 1 : i32
    %dma_wait3A_320 = arith.constant 0 : i32
    %dma_wait3A_321 = arith.constant 0 : i32
    %dma_wait3A_322 = tpu.memref_slice %arg10[%dma_wait3A_319, %dma_wait3A_320, %dma_wait3A_321] : memref<2x80x128xf32, #tpu.memory_space<vmem>> -> memref<1x80x128xf32, #tpu.memory_space<vmem>>
    %dma_wait3A_323 = tpu.memref_squeeze %dma_wait3A_322 : memref<1x80x128xf32, #tpu.memory_space<vmem>> -> memref<80x128xf32, #tpu.memory_space<vmem>>
    %dma_wait3A_324 = arith.constant 0 : i32
    %dma_wait3A_325 = tpu.memref_slice %arg8[%dma_wait3A_318, %dma_wait3A_324] : memref<125x80xi32, #tpu.memory_space<vmem>> -> memref<1x80xi32, #tpu.memory_space<vmem>>
    %dma_wait3A_326 = tpu.memref_squeeze %dma_wait3A_325 : memref<1x80xi32, #tpu.memory_space<vmem>> -> memref<80xi32, #tpu.memory_space<vmem>>
    %dma_wait3A_327 = arith.constant 0 : i32
    %dma_wait3A_328 = arith.constant 0 : i32
    %dma_wait3A_329 = tpu.memref_slice %arg3[%dma_wait3A_327, %dma_wait3A_328] : memref<10000x128xf32, #tpu.memory_space<hbm>> -> memref<10000x128xf32, #tpu.memory_space<hbm>>
    tpu.wait_indirect_dma semaphore(%arg13 : memref<!tpu.dma_semaphore, #tpu.memory_space<semaphore_mem>>) src(%dma_wait3A_329 : memref<10000x128xf32, #tpu.memory_space<hbm>>) dst(%dma_wait3A_323 : memref<80x128xf32, #tpu.memory_space<vmem>>)
    %dma_wait3A_330 = arith.constant 1 : i32
    %dma_wait3A_331 = arith.constant 0 : i32
    %dma_wait3A_332 = arith.constant 0 : i32
    %dma_wait3A_333 = tpu.memref_slice %arg11[%dma_wait3A_330, %dma_wait3A_331, %dma_wait3A_332] : memref<2x80x128xf32, #tpu.memory_space<vmem>> -> memref<1x80x128xf32, #tpu.memory_space<vmem>>
    %dma_wait3A_334 = tpu.memref_squeeze %dma_wait3A_333 : memref<1x80x128xf32, #tpu.memory_space<vmem>> -> memref<80x128xf32, #tpu.memory_space<vmem>>
    %dma_wait3A_335 = arith.constant 0 : i32
    %dma_wait3A_336 = tpu.memref_slice %arg6[%add3A_305, %dma_wait3A_335] : memref<320000x128xf32, #tpu.memory_space<hbm>> -> memref<80x128xf32, #tpu.memory_space<hbm>>
    %dma_wait3A_337 = arith.constant 0 : i32
    %dma_wait3A_338 = tpu.memref_slice %arg6[%add3A_305, %dma_wait3A_337] : memref<320000x128xf32, #tpu.memory_space<hbm>> -> memref<80x128xf32, #tpu.memory_space<hbm>>
    %dma_wait3A_339 = arith.constant 0 : i32
    %dma_wait3A_340 = arith.constant 0 : i32
    %dma_wait3A_341 = tpu.memref_slice %arg11[%dma_wait3A_330, %dma_wait3A_339, %dma_wait3A_340] : memref<2x80x128xf32, #tpu.memory_space<vmem>> -> memref<1x80x128xf32, #tpu.memory_space<vmem>>
    %dma_wait3A_342 = tpu.memref_squeeze %dma_wait3A_341 : memref<1x80x128xf32, #tpu.memory_space<vmem>> -> memref<80x128xf32, #tpu.memory_space<vmem>>
    tpu.wait_dma2 semaphore(%arg15 : memref<!tpu.dma_semaphore, #tpu.memory_space<semaphore_mem>>) src(%dma_wait3A_342 : memref<80x128xf32, #tpu.memory_space<vmem>>) dst(%dma_wait3A_338 : memref<80x128xf32, #tpu.memory_space<hbm>>)
    %parallel_loop3A_343 = arith.constant 0 : i32
    %parallel_loop3A_344 = arith.constant 80 : i32
    %parallel_loop3A_345 = arith.constant 1 : i32
    %parallel_loop3A_346 = arith.constant 1 : i32
    %parallel_loop3A_347 = arith.constant 1 : i32
    %parallel_loop3A_348 = arith.constant 1 : i32
    scf.for %parallel_loop3A_446 = %parallel_loop3A_343 to %parallel_loop3A_344 step %parallel_loop3A_345  : i32 {
      %parallel_loop3A_447 = arith.constant 0 : i32
      %parallel_loop3A_448 = arith.constant 0 : i32
      %parallel_loop3A_449 = tpu.memref_slice %arg9[%parallel_loop3A_346, %parallel_loop3A_447, %parallel_loop3A_448] : memref<2x80x128xf32, #tpu.memory_space<vmem>> -> memref<1x80x128xf32, #tpu.memory_space<vmem>>
      %parallel_loop3A_450 = tpu.memref_squeeze %parallel_loop3A_449 : memref<1x80x128xf32, #tpu.memory_space<vmem>> -> memref<80x128xf32, #tpu.memory_space<vmem>>
      %parallel_loop3A_451 = arith.index_cast %parallel_loop3A_446 : i32 to index
      %parallel_loop3A_452 = arith.constant 0 : index
      %parallel_loop3A_453 = tpu.vector_load %parallel_loop3A_450[%parallel_loop3A_451, %parallel_loop3A_452] {strides = array<i32>} : memref<80x128xf32, #tpu.memory_space<vmem>>, vector<1x16xf32>,
      %parallel_loop3A_454 = vector.shape_cast %parallel_loop3A_453 : vector<1x16xf32> to vector<16xf32>
      %parallel_loop3A_455 = arith.constant 0 : i32
      %parallel_loop3A_456 = arith.constant 0 : i32
      %parallel_loop3A_457 = tpu.memref_slice %arg10[%parallel_loop3A_347, %parallel_loop3A_455, %parallel_loop3A_456] : memref<2x80x128xf32, #tpu.memory_space<vmem>> -> memref<1x80x128xf32, #tpu.memory_space<vmem>>
      %parallel_loop3A_458 = tpu.memref_squeeze %parallel_loop3A_457 : memref<1x80x128xf32, #tpu.memory_space<vmem>> -> memref<80x128xf32, #tpu.memory_space<vmem>>
      %parallel_loop3A_459 = arith.index_cast %parallel_loop3A_446 : i32 to index
      %parallel_loop3A_460 = arith.constant 0 : index
      %parallel_loop3A_461 = tpu.vector_load %parallel_loop3A_458[%parallel_loop3A_459, %parallel_loop3A_460] {strides = array<i32>} : memref<80x128xf32, #tpu.memory_space<vmem>>, vector<1x16xf32>,
      %parallel_loop3A_462 = vector.shape_cast %parallel_loop3A_461 : vector<1x16xf32> to vector<16xf32>
      %parallel_loop3A_463 = arith.addf %parallel_loop3A_454, %parallel_loop3A_462 : vector<16xf32>
      %parallel_loop3A_464 = arith.constant 0 : i32
      %parallel_loop3A_465 = arith.constant 0 : i32
      %parallel_loop3A_466 = tpu.memref_slice %arg11[%parallel_loop3A_348, %parallel_loop3A_464, %parallel_loop3A_465] : memref<2x80x128xf32, #tpu.memory_space<vmem>> -> memref<1x80x128xf32, #tpu.memory_space<vmem>>
      %parallel_loop3A_467 = tpu.memref_squeeze %parallel_loop3A_466 : memref<1x80x128xf32, #tpu.memory_space<vmem>> -> memref<80x128xf32, #tpu.memory_space<vmem>>
      %parallel_loop3A_468 = arith.index_cast %parallel_loop3A_446 : i32 to index
      %parallel_loop3A_469 = arith.constant 0 : index
      %parallel_loop3A_470 = tpu.vector_load %parallel_loop3A_467[%parallel_loop3A_468, %parallel_loop3A_469] {strides = array<i32>} : memref<80x128xf32, #tpu.memory_space<vmem>>, vector<1x16xf32>,
      %parallel_loop3A_471 = vector.shape_cast %parallel_loop3A_470 : vector<1x16xf32> to vector<16xf32>
      %parallel_loop3A_472 = vector.shape_cast %parallel_loop3A_463 : vector<16xf32> to vector<1x16xf32>
      tpu.vector_store %parallel_loop3A_467[%parallel_loop3A_468, %parallel_loop3A_469], %parallel_loop3A_472 {strides = array<i32>} : memref<80x128xf32, #tpu.memory_space<vmem>>, vector<1x16xf32>,
      %parallel_loop3A_473 = arith.constant 0 : i32
      %parallel_loop3A_474 = arith.constant 0 : i32
      %parallel_loop3A_475 = tpu.memref_slice %arg9[%parallel_loop3A_346, %parallel_loop3A_473, %parallel_loop3A_474] : memref<2x80x128xf32, #tpu.memory_space<vmem>> -> memref<1x80x128xf32, #tpu.memory_space<vmem>>
      %parallel_loop3A_476 = tpu.memref_squeeze %parallel_loop3A_475 : memref<1x80x128xf32, #tpu.memory_space<vmem>> -> memref<80x128xf32, #tpu.memory_space<vmem>>
      %parallel_loop3A_477 = arith.index_cast %parallel_loop3A_446 : i32 to index
      %parallel_loop3A_478 = arith.constant 16 : index
      %parallel_loop3A_479 = tpu.vector_load %parallel_loop3A_476[%parallel_loop3A_477, %parallel_loop3A_478] {strides = array<i32>} : memref<80x128xf32, #tpu.memory_space<vmem>>, vector<1x16xf32>,
      %parallel_loop3A_480 = vector.shape_cast %parallel_loop3A_479 : vector<1x16xf32> to vector<16xf32>
      %parallel_loop3A_481 = arith.constant 0 : i32
      %parallel_loop3A_482 = arith.constant 0 : i32
      %parallel_loop3A_483 = tpu.memref_slice %arg10[%parallel_loop3A_347, %parallel_loop3A_481, %parallel_loop3A_482] : memref<2x80x128xf32, #tpu.memory_space<vmem>> -> memref<1x80x128xf32, #tpu.memory_space<vmem>>
      %parallel_loop3A_484 = tpu.memref_squeeze %parallel_loop3A_483 : memref<1x80x128xf32, #tpu.memory_space<vmem>> -> memref<80x128xf32, #tpu.memory_space<vmem>>
      %parallel_loop3A_485 = arith.index_cast %parallel_loop3A_446 : i32 to index
      %parallel_loop3A_486 = arith.constant 16 : index
      %parallel_loop3A_487 = tpu.vector_load %parallel_loop3A_484[%parallel_loop3A_485, %parallel_loop3A_486] {strides = array<i32>} : memref<80x128xf32, #tpu.memory_space<vmem>>, vector<1x16xf32>,
      %parallel_loop3A_488 = vector.shape_cast %parallel_loop3A_487 : vector<1x16xf32> to vector<16xf32>
      %parallel_loop3A_489 = arith.addf %parallel_loop3A_480, %parallel_loop3A_488 : vector<16xf32>
      %parallel_loop3A_490 = arith.constant 0 : i32
      %parallel_loop3A_491 = arith.constant 0 : i32
      %parallel_loop3A_492 = tpu.memref_slice %arg11[%parallel_loop3A_348, %parallel_loop3A_490, %parallel_loop3A_491] : memref<2x80x128xf32, #tpu.memory_space<vmem>> -> memref<1x80x128xf32, #tpu.memory_space<vmem>>
      %parallel_loop3A_493 = tpu.memref_squeeze %parallel_loop3A_492 : memref<1x80x128xf32, #tpu.memory_space<vmem>> -> memref<80x128xf32, #tpu.memory_space<vmem>>
      %parallel_loop3A_494 = arith.index_cast %parallel_loop3A_446 : i32 to index
      %parallel_loop3A_495 = arith.constant 16 : index
      %parallel_loop3A_496 = tpu.vector_load %parallel_loop3A_493[%parallel_loop3A_494, %parallel_loop3A_495] {strides = array<i32>} : memref<80x128xf32, #tpu.memory_space<vmem>>, vector<1x16xf32>,
      %parallel_loop3A_497 = vector.shape_cast %parallel_loop3A_496 : vector<1x16xf32> to vector<16xf32>
      %parallel_loop3A_498 = vector.shape_cast %parallel_loop3A_489 : vector<16xf32> to vector<1x16xf32>
      tpu.vector_store %parallel_loop3A_493[%parallel_loop3A_494, %parallel_loop3A_495], %parallel_loop3A_498 {strides = array<i32>} : memref<80x128xf32, #tpu.memory_space<vmem>>, vector<1x16xf32>,
      %parallel_loop3A_499 = arith.constant 0 : i32
      %parallel_loop3A_500 = arith.constant 0 : i32
      %parallel_loop3A_501 = tpu.memref_slice %arg9[%parallel_loop3A_346, %parallel_loop3A_499, %parallel_loop3A_500] : memref<2x80x128xf32, #tpu.memory_space<vmem>> -> memref<1x80x128xf32, #tpu.memory_space<vmem>>
      %parallel_loop3A_502 = tpu.memref_squeeze %parallel_loop3A_501 : memref<1x80x128xf32, #tpu.memory_space<vmem>> -> memref<80x128xf32, #tpu.memory_space<vmem>>
      %parallel_loop3A_503 = arith.index_cast %parallel_loop3A_446 : i32 to index
      %parallel_loop3A_504 = arith.constant 32 : index
      %parallel_loop3A_505 = tpu.vector_load %parallel_loop3A_502[%parallel_loop3A_503, %parallel_loop3A_504] {strides = array<i32>} : memref<80x128xf32, #tpu.memory_space<vmem>>, vector<1x16xf32>,
      %parallel_loop3A_506 = vector.shape_cast %parallel_loop3A_505 : vector<1x16xf32> to vector<16xf32>
      %parallel_loop3A_507 = arith.constant 0 : i32
      %parallel_loop3A_508 = arith.constant 0 : i32
      %parallel_loop3A_509 = tpu.memref_slice %arg10[%parallel_loop3A_347, %parallel_loop3A_507, %parallel_loop3A_508] : memref<2x80x128xf32, #tpu.memory_space<vmem>> -> memref<1x80x128xf32, #tpu.memory_space<vmem>>
      %parallel_loop3A_510 = tpu.memref_squeeze %parallel_loop3A_509 : memref<1x80x128xf32, #tpu.memory_space<vmem>> -> memref<80x128xf32, #tpu.memory_space<vmem>>
      %parallel_loop3A_511 = arith.index_cast %parallel_loop3A_446 : i32 to index
      %parallel_loop3A_512 = arith.constant 32 : index
      %parallel_loop3A_513 = tpu.vector_load %parallel_loop3A_510[%parallel_loop3A_511, %parallel_loop3A_512] {strides = array<i32>} : memref<80x128xf32, #tpu.memory_space<vmem>>, vector<1x16xf32>,
      %parallel_loop3A_514 = vector.shape_cast %parallel_loop3A_513 : vector<1x16xf32> to vector<16xf32>
      %parallel_loop3A_515 = arith.addf %parallel_loop3A_506, %parallel_loop3A_514 : vector<16xf32>
      %parallel_loop3A_516 = arith.constant 0 : i32
      %parallel_loop3A_517 = arith.constant 0 : i32
      %parallel_loop3A_518 = tpu.memref_slice %arg11[%parallel_loop3A_348, %parallel_loop3A_516, %parallel_loop3A_517] : memref<2x80x128xf32, #tpu.memory_space<vmem>> -> memref<1x80x128xf32, #tpu.memory_space<vmem>>
      %parallel_loop3A_519 = tpu.memref_squeeze %parallel_loop3A_518 : memref<1x80x128xf32, #tpu.memory_space<vmem>> -> memref<80x128xf32, #tpu.memory_space<vmem>>
      %parallel_loop3A_520 = arith.index_cast %parallel_loop3A_446 : i32 to index
      %parallel_loop3A_521 = arith.constant 32 : index
      %parallel_loop3A_522 = tpu.vector_load %parallel_loop3A_519[%parallel_loop3A_520, %parallel_loop3A_521] {strides = array<i32>} : memref<80x128xf32, #tpu.memory_space<vmem>>, vector<1x16xf32>,
      %parallel_loop3A_523 = vector.shape_cast %parallel_loop3A_522 : vector<1x16xf32> to vector<16xf32>
      %parallel_loop3A_524 = vector.shape_cast %parallel_loop3A_515 : vector<16xf32> to vector<1x16xf32>
      tpu.vector_store %parallel_loop3A_519[%parallel_loop3A_520, %parallel_loop3A_521], %parallel_loop3A_524 {strides = array<i32>} : memref<80x128xf32, #tpu.memory_space<vmem>>, vector<1x16xf32>,
      %parallel_loop3A_525 = arith.constant 0 : i32
      %parallel_loop3A_526 = arith.constant 0 : i32
      %parallel_loop3A_527 = tpu.memref_slice %arg9[%parallel_loop3A_346, %parallel_loop3A_525, %parallel_loop3A_526] : memref<2x80x128xf32, #tpu.memory_space<vmem>> -> memref<1x80x128xf32, #tpu.memory_space<vmem>>
      %parallel_loop3A_528 = tpu.memref_squeeze %parallel_loop3A_527 : memref<1x80x128xf32, #tpu.memory_space<vmem>> -> memref<80x128xf32, #tpu.memory_space<vmem>>
      %parallel_loop3A_529 = arith.index_cast %parallel_loop3A_446 : i32 to index
      %parallel_loop3A_530 = arith.constant 48 : index
      %parallel_loop3A_531 = tpu.vector_load %parallel_loop3A_528[%parallel_loop3A_529, %parallel_loop3A_530] {strides = array<i32>} : memref<80x128xf32, #tpu.memory_space<vmem>>, vector<1x16xf32>,
      %parallel_loop3A_532 = vector.shape_cast %parallel_loop3A_531 : vector<1x16xf32> to vector<16xf32>
      %parallel_loop3A_533 = arith.constant 0 : i32
      %parallel_loop3A_534 = arith.constant 0 : i32
      %parallel_loop3A_535 = tpu.memref_slice %arg10[%parallel_loop3A_347, %parallel_loop3A_533, %parallel_loop3A_534] : memref<2x80x128xf32, #tpu.memory_space<vmem>> -> memref<1x80x128xf32, #tpu.memory_space<vmem>>
      %parallel_loop3A_536 = tpu.memref_squeeze %parallel_loop3A_535 : memref<1x80x128xf32, #tpu.memory_space<vmem>> -> memref<80x128xf32, #tpu.memory_space<vmem>>
      %parallel_loop3A_537 = arith.index_cast %parallel_loop3A_446 : i32 to index
      %parallel_loop3A_538 = arith.constant 48 : index
      %parallel_loop3A_539 = tpu.vector_load %parallel_loop3A_536[%parallel_loop3A_537, %parallel_loop3A_538] {strides = array<i32>} : memref<80x128xf32, #tpu.memory_space<vmem>>, vector<1x16xf32>,
      %parallel_loop3A_540 = vector.shape_cast %parallel_loop3A_539 : vector<1x16xf32> to vector<16xf32>
      %parallel_loop3A_541 = arith.addf %parallel_loop3A_532, %parallel_loop3A_540 : vector<16xf32>
      %parallel_loop3A_542 = arith.constant 0 : i32
      %parallel_loop3A_543 = arith.constant 0 : i32
      %parallel_loop3A_544 = tpu.memref_slice %arg11[%parallel_loop3A_348, %parallel_loop3A_542, %parallel_loop3A_543] : memref<2x80x128xf32, #tpu.memory_space<vmem>> -> memref<1x80x128xf32, #tpu.memory_space<vmem>>
      %parallel_loop3A_545 = tpu.memref_squeeze %parallel_loop3A_544 : memref<1x80x128xf32, #tpu.memory_space<vmem>> -> memref<80x128xf32, #tpu.memory_space<vmem>>
      %parallel_loop3A_546 = arith.index_cast %parallel_loop3A_446 : i32 to index
      %parallel_loop3A_547 = arith.constant 48 : index
      %parallel_loop3A_548 = tpu.vector_load %parallel_loop3A_545[%parallel_loop3A_546, %parallel_loop3A_547] {strides = array<i32>} : memref<80x128xf32, #tpu.memory_space<vmem>>, vector<1x16xf32>,
      %parallel_loop3A_549 = vector.shape_cast %parallel_loop3A_548 : vector<1x16xf32> to vector<16xf32>
      %parallel_loop3A_550 = vector.shape_cast %parallel_loop3A_541 : vector<16xf32> to vector<1x16xf32>
      tpu.vector_store %parallel_loop3A_545[%parallel_loop3A_546, %parallel_loop3A_547], %parallel_loop3A_550 {strides = array<i32>} : memref<80x128xf32, #tpu.memory_space<vmem>>, vector<1x16xf32>,
      %parallel_loop3A_551 = arith.constant 0 : i32
      %parallel_loop3A_552 = arith.constant 0 : i32
      %parallel_loop3A_553 = tpu.memref_slice %arg9[%parallel_loop3A_346, %parallel_loop3A_551, %parallel_loop3A_552] : memref<2x80x128xf32, #tpu.memory_space<vmem>> -> memref<1x80x128xf32, #tpu.memory_space<vmem>>
      %parallel_loop3A_554 = tpu.memref_squeeze %parallel_loop3A_553 : memref<1x80x128xf32, #tpu.memory_space<vmem>> -> memref<80x128xf32, #tpu.memory_space<vmem>>
      %parallel_loop3A_555 = arith.index_cast %parallel_loop3A_446 : i32 to index
      %parallel_loop3A_556 = arith.constant 64 : index
      %parallel_loop3A_557 = tpu.vector_load %parallel_loop3A_554[%parallel_loop3A_555, %parallel_loop3A_556] {strides = array<i32>} : memref<80x128xf32, #tpu.memory_space<vmem>>, vector<1x16xf32>,
      %parallel_loop3A_558 = vector.shape_cast %parallel_loop3A_557 : vector<1x16xf32> to vector<16xf32>
      %parallel_loop3A_559 = arith.constant 0 : i32
      %parallel_loop3A_560 = arith.constant 0 : i32
      %parallel_loop3A_561 = tpu.memref_slice %arg10[%parallel_loop3A_347, %parallel_loop3A_559, %parallel_loop3A_560] : memref<2x80x128xf32, #tpu.memory_space<vmem>> -> memref<1x80x128xf32, #tpu.memory_space<vmem>>
      %parallel_loop3A_562 = tpu.memref_squeeze %parallel_loop3A_561 : memref<1x80x128xf32, #tpu.memory_space<vmem>> -> memref<80x128xf32, #tpu.memory_space<vmem>>
      %parallel_loop3A_563 = arith.index_cast %parallel_loop3A_446 : i32 to index
      %parallel_loop3A_564 = arith.constant 64 : index
      %parallel_loop3A_565 = tpu.vector_load %parallel_loop3A_562[%parallel_loop3A_563, %parallel_loop3A_564] {strides = array<i32>} : memref<80x128xf32, #tpu.memory_space<vmem>>, vector<1x16xf32>,
      %parallel_loop3A_566 = vector.shape_cast %parallel_loop3A_565 : vector<1x16xf32> to vector<16xf32>
      %parallel_loop3A_567 = arith.addf %parallel_loop3A_558, %parallel_loop3A_566 : vector<16xf32>
      %parallel_loop3A_568 = arith.constant 0 : i32
      %parallel_loop3A_569 = arith.constant 0 : i32
      %parallel_loop3A_570 = tpu.memref_slice %arg11[%parallel_loop3A_348, %parallel_loop3A_568, %parallel_loop3A_569] : memref<2x80x128xf32, #tpu.memory_space<vmem>> -> memref<1x80x128xf32, #tpu.memory_space<vmem>>
      %parallel_loop3A_571 = tpu.memref_squeeze %parallel_loop3A_570 : memref<1x80x128xf32, #tpu.memory_space<vmem>> -> memref<80x128xf32, #tpu.memory_space<vmem>>
      %parallel_loop3A_572 = arith.index_cast %parallel_loop3A_446 : i32 to index
      %parallel_loop3A_573 = arith.constant 64 : index
      %parallel_loop3A_574 = tpu.vector_load %parallel_loop3A_571[%parallel_loop3A_572, %parallel_loop3A_573] {strides = array<i32>} : memref<80x128xf32, #tpu.memory_space<vmem>>, vector<1x16xf32>,
      %parallel_loop3A_575 = vector.shape_cast %parallel_loop3A_574 : vector<1x16xf32> to vector<16xf32>
      %parallel_loop3A_576 = vector.shape_cast %parallel_loop3A_567 : vector<16xf32> to vector<1x16xf32>
      tpu.vector_store %parallel_loop3A_571[%parallel_loop3A_572, %parallel_loop3A_573], %parallel_loop3A_576 {strides = array<i32>} : memref<80x128xf32, #tpu.memory_space<vmem>>, vector<1x16xf32>,
      %parallel_loop3A_577 = arith.constant 0 : i32
      %parallel_loop3A_578 = arith.constant 0 : i32
      %parallel_loop3A_579 = tpu.memref_slice %arg9[%parallel_loop3A_346, %parallel_loop3A_577, %parallel_loop3A_578] : memref<2x80x128xf32, #tpu.memory_space<vmem>> -> memref<1x80x128xf32, #tpu.memory_space<vmem>>
      %parallel_loop3A_580 = tpu.memref_squeeze %parallel_loop3A_579 : memref<1x80x128xf32, #tpu.memory_space<vmem>> -> memref<80x128xf32, #tpu.memory_space<vmem>>
      %parallel_loop3A_581 = arith.index_cast %parallel_loop3A_446 : i32 to index
      %parallel_loop3A_582 = arith.constant 80 : index
      %parallel_loop3A_583 = tpu.vector_load %parallel_loop3A_580[%parallel_loop3A_581, %parallel_loop3A_582] {strides = array<i32>} : memref<80x128xf32, #tpu.memory_space<vmem>>, vector<1x16xf32>,
      %parallel_loop3A_584 = vector.shape_cast %parallel_loop3A_583 : vector<1x16xf32> to vector<16xf32>
      %parallel_loop3A_585 = arith.constant 0 : i32
      %parallel_loop3A_586 = arith.constant 0 : i32
      %parallel_loop3A_587 = tpu.memref_slice %arg10[%parallel_loop3A_347, %parallel_loop3A_585, %parallel_loop3A_586] : memref<2x80x128xf32, #tpu.memory_space<vmem>> -> memref<1x80x128xf32, #tpu.memory_space<vmem>>
      %parallel_loop3A_588 = tpu.memref_squeeze %parallel_loop3A_587 : memref<1x80x128xf32, #tpu.memory_space<vmem>> -> memref<80x128xf32, #tpu.memory_space<vmem>>
      %parallel_loop3A_589 = arith.index_cast %parallel_loop3A_446 : i32 to index
      %parallel_loop3A_590 = arith.constant 80 : index
      %parallel_loop3A_591 = tpu.vector_load %parallel_loop3A_588[%parallel_loop3A_589, %parallel_loop3A_590] {strides = array<i32>} : memref<80x128xf32, #tpu.memory_space<vmem>>, vector<1x16xf32>,
      %parallel_loop3A_592 = vector.shape_cast %parallel_loop3A_591 : vector<1x16xf32> to vector<16xf32>
      %parallel_loop3A_593 = arith.addf %parallel_loop3A_584, %parallel_loop3A_592 : vector<16xf32>
      %parallel_loop3A_594 = arith.constant 0 : i32
      %parallel_loop3A_595 = arith.constant 0 : i32
      %parallel_loop3A_596 = tpu.memref_slice %arg11[%parallel_loop3A_348, %parallel_loop3A_594, %parallel_loop3A_595] : memref<2x80x128xf32, #tpu.memory_space<vmem>> -> memref<1x80x128xf32, #tpu.memory_space<vmem>>
      %parallel_loop3A_597 = tpu.memref_squeeze %parallel_loop3A_596 : memref<1x80x128xf32, #tpu.memory_space<vmem>> -> memref<80x128xf32, #tpu.memory_space<vmem>>
      %parallel_loop3A_598 = arith.index_cast %parallel_loop3A_446 : i32 to index
      %parallel_loop3A_599 = arith.constant 80 : index
      %parallel_loop3A_600 = tpu.vector_load %parallel_loop3A_597[%parallel_loop3A_598, %parallel_loop3A_599] {strides = array<i32>} : memref<80x128xf32, #tpu.memory_space<vmem>>, vector<1x16xf32>,
      %parallel_loop3A_601 = vector.shape_cast %parallel_loop3A_600 : vector<1x16xf32> to vector<16xf32>
      %parallel_loop3A_602 = vector.shape_cast %parallel_loop3A_593 : vector<16xf32> to vector<1x16xf32>
      tpu.vector_store %parallel_loop3A_597[%parallel_loop3A_598, %parallel_loop3A_599], %parallel_loop3A_602 {strides = array<i32>} : memref<80x128xf32, #tpu.memory_space<vmem>>, vector<1x16xf32>,
      %parallel_loop3A_603 = arith.constant 0 : i32
      %parallel_loop3A_604 = arith.constant 0 : i32
      %parallel_loop3A_605 = tpu.memref_slice %arg9[%parallel_loop3A_346, %parallel_loop3A_603, %parallel_loop3A_604] : memref<2x80x128xf32, #tpu.memory_space<vmem>> -> memref<1x80x128xf32, #tpu.memory_space<vmem>>
      %parallel_loop3A_606 = tpu.memref_squeeze %parallel_loop3A_605 : memref<1x80x128xf32, #tpu.memory_space<vmem>> -> memref<80x128xf32, #tpu.memory_space<vmem>>
      %parallel_loop3A_607 = arith.index_cast %parallel_loop3A_446 : i32 to index
      %parallel_loop3A_608 = arith.constant 96 : index
      %parallel_loop3A_609 = tpu.vector_load %parallel_loop3A_606[%parallel_loop3A_607, %parallel_loop3A_608] {strides = array<i32>} : memref<80x128xf32, #tpu.memory_space<vmem>>, vector<1x16xf32>,
      %parallel_loop3A_610 = vector.shape_cast %parallel_loop3A_609 : vector<1x16xf32> to vector<16xf32>
      %parallel_loop3A_611 = arith.constant 0 : i32
      %parallel_loop3A_612 = arith.constant 0 : i32
      %parallel_loop3A_613 = tpu.memref_slice %arg10[%parallel_loop3A_347, %parallel_loop3A_611, %parallel_loop3A_612] : memref<2x80x128xf32, #tpu.memory_space<vmem>> -> memref<1x80x128xf32, #tpu.memory_space<vmem>>
      %parallel_loop3A_614 = tpu.memref_squeeze %parallel_loop3A_613 : memref<1x80x128xf32, #tpu.memory_space<vmem>> -> memref<80x128xf32, #tpu.memory_space<vmem>>
      %parallel_loop3A_615 = arith.index_cast %parallel_loop3A_446 : i32 to index
      %parallel_loop3A_616 = arith.constant 96 : index
      %parallel_loop3A_617 = tpu.vector_load %parallel_loop3A_614[%parallel_loop3A_615, %parallel_loop3A_616] {strides = array<i32>} : memref<80x128xf32, #tpu.memory_space<vmem>>, vector<1x16xf32>,
      %parallel_loop3A_618 = vector.shape_cast %parallel_loop3A_617 : vector<1x16xf32> to vector<16xf32>
      %parallel_loop3A_619 = arith.addf %parallel_loop3A_610, %parallel_loop3A_618 : vector<16xf32>
      %parallel_loop3A_620 = arith.constant 0 : i32
      %parallel_loop3A_621 = arith.constant 0 : i32
      %parallel_loop3A_622 = tpu.memref_slice %arg11[%parallel_loop3A_348, %parallel_loop3A_620, %parallel_loop3A_621] : memref<2x80x128xf32, #tpu.memory_space<vmem>> -> memref<1x80x128xf32, #tpu.memory_space<vmem>>
      %parallel_loop3A_623 = tpu.memref_squeeze %parallel_loop3A_622 : memref<1x80x128xf32, #tpu.memory_space<vmem>> -> memref<80x128xf32, #tpu.memory_space<vmem>>
      %parallel_loop3A_624 = arith.index_cast %parallel_loop3A_446 : i32 to index
      %parallel_loop3A_625 = arith.constant 96 : index
      %parallel_loop3A_626 = tpu.vector_load %parallel_loop3A_623[%parallel_loop3A_624, %parallel_loop3A_625] {strides = array<i32>} : memref<80x128xf32, #tpu.memory_space<vmem>>, vector<1x16xf32>,
      %parallel_loop3A_627 = vector.shape_cast %parallel_loop3A_626 : vector<1x16xf32> to vector<16xf32>
      %parallel_loop3A_628 = vector.shape_cast %parallel_loop3A_619 : vector<16xf32> to vector<1x16xf32>
      tpu.vector_store %parallel_loop3A_623[%parallel_loop3A_624, %parallel_loop3A_625], %parallel_loop3A_628 {strides = array<i32>} : memref<80x128xf32, #tpu.memory_space<vmem>>, vector<1x16xf32>,
      %parallel_loop3A_629 = arith.constant 0 : i32
      %parallel_loop3A_630 = arith.constant 0 : i32
      %parallel_loop3A_631 = tpu.memref_slice %arg9[%parallel_loop3A_346, %parallel_loop3A_629, %parallel_loop3A_630] : memref<2x80x128xf32, #tpu.memory_space<vmem>> -> memref<1x80x128xf32, #tpu.memory_space<vmem>>
      %parallel_loop3A_632 = tpu.memref_squeeze %parallel_loop3A_631 : memref<1x80x128xf32, #tpu.memory_space<vmem>> -> memref<80x128xf32, #tpu.memory_space<vmem>>
      %parallel_loop3A_633 = arith.index_cast %parallel_loop3A_446 : i32 to index
      %parallel_loop3A_634 = arith.constant 112 : index
      %parallel_loop3A_635 = tpu.vector_load %parallel_loop3A_632[%parallel_loop3A_633, %parallel_loop3A_634] {strides = array<i32>} : memref<80x128xf32, #tpu.memory_space<vmem>>, vector<1x16xf32>,
      %parallel_loop3A_636 = vector.shape_cast %parallel_loop3A_635 : vector<1x16xf32> to vector<16xf32>
      %parallel_loop3A_637 = arith.constant 0 : i32
      %parallel_loop3A_638 = arith.constant 0 : i32
      %parallel_loop3A_639 = tpu.memref_slice %arg10[%parallel_loop3A_347, %parallel_loop3A_637, %parallel_loop3A_638] : memref<2x80x128xf32, #tpu.memory_space<vmem>> -> memref<1x80x128xf32, #tpu.memory_space<vmem>>
      %parallel_loop3A_640 = tpu.memref_squeeze %parallel_loop3A_639 : memref<1x80x128xf32, #tpu.memory_space<vmem>> -> memref<80x128xf32, #tpu.memory_space<vmem>>
      %parallel_loop3A_641 = arith.index_cast %parallel_loop3A_446 : i32 to index
      %parallel_loop3A_642 = arith.constant 112 : index
      %parallel_loop3A_643 = tpu.vector_load %parallel_loop3A_640[%parallel_loop3A_641, %parallel_loop3A_642] {strides = array<i32>} : memref<80x128xf32, #tpu.memory_space<vmem>>, vector<1x16xf32>,
      %parallel_loop3A_644 = vector.shape_cast %parallel_loop3A_643 : vector<1x16xf32> to vector<16xf32>
      %parallel_loop3A_645 = arith.addf %parallel_loop3A_636, %parallel_loop3A_644 : vector<16xf32>
      %parallel_loop3A_646 = arith.constant 0 : i32
      %parallel_loop3A_647 = arith.constant 0 : i32
      %parallel_loop3A_648 = tpu.memref_slice %arg11[%parallel_loop3A_348, %parallel_loop3A_646, %parallel_loop3A_647] : memref<2x80x128xf32, #tpu.memory_space<vmem>> -> memref<1x80x128xf32, #tpu.memory_space<vmem>>
      %parallel_loop3A_649 = tpu.memref_squeeze %parallel_loop3A_648 : memref<1x80x128xf32, #tpu.memory_space<vmem>> -> memref<80x128xf32, #tpu.memory_space<vmem>>
      %parallel_loop3A_650 = arith.index_cast %parallel_loop3A_446 : i32 to index
      %parallel_loop3A_651 = arith.constant 112 : index
      %parallel_loop3A_652 = tpu.vector_load %parallel_loop3A_649[%parallel_loop3A_650, %parallel_loop3A_651] {strides = array<i32>} : memref<80x128xf32, #tpu.memory_space<vmem>>, vector<1x16xf32>,
      %parallel_loop3A_653 = vector.shape_cast %parallel_loop3A_652 : vector<1x16xf32> to vector<16xf32>
      %parallel_loop3A_654 = vector.shape_cast %parallel_loop3A_645 : vector<16xf32> to vector<1x16xf32>
      tpu.vector_store %parallel_loop3A_649[%parallel_loop3A_650, %parallel_loop3A_651], %parallel_loop3A_654 {strides = array<i32>} : memref<80x128xf32, #tpu.memory_space<vmem>>, vector<1x16xf32>,
    } {sc.loop_unroll_factor = 1 : i64, sc.parallel_access}
    %dma_start3A_349 = arith.constant 1 : i32
    %dma_start3A_350 = arith.constant 0 : i32
    %dma_start3A_351 = arith.constant 0 : i32
    %dma_start3A_352 = tpu.memref_slice %arg11[%dma_start3A_349, %dma_start3A_350, %dma_start3A_351] : memref<2x80x128xf32, #tpu.memory_space<vmem>> -> memref<1x80x128xf32, #tpu.memory_space<vmem>>
    %dma_start3A_353 = tpu.memref_squeeze %dma_start3A_352 : memref<1x80x128xf32, #tpu.memory_space<vmem>> -> memref<80x128xf32, #tpu.memory_space<vmem>>
    %dma_start3A_354 = arith.constant 0 : i32
    %dma_start3A_355 = tpu.memref_slice %arg6[%add3A_305, %dma_start3A_354] : memref<320000x128xf32, #tpu.memory_space<hbm>> -> memref<80x128xf32, #tpu.memory_space<hbm>>
    %dma_start3A_356 = arith.constant 0 : i32
    %dma_start3A_357 = tpu.memref_slice %arg6[%add3A_305, %dma_start3A_356] : memref<320000x128xf32, #tpu.memory_space<hbm>> -> memref<80x128xf32, #tpu.memory_space<hbm>>
    %dma_start3A_358 = arith.constant 0 : i32
    %dma_start3A_359 = arith.constant 0 : i32
    %dma_start3A_360 = tpu.memref_slice %arg11[%dma_start3A_349, %dma_start3A_358, %dma_start3A_359] : memref<2x80x128xf32, #tpu.memory_space<vmem>> -> memref<1x80x128xf32, #tpu.memory_space<vmem>>
    %dma_start3A_361 = tpu.memref_squeeze %dma_start3A_360 : memref<1x80x128xf32, #tpu.memory_space<vmem>> -> memref<80x128xf32, #tpu.memory_space<vmem>>
    tpu.enqueue_dma source(%dma_start3A_361 : memref<80x128xf32, #tpu.memory_space<vmem>>) target(%dma_start3A_357 : memref<80x128xf32, #tpu.memory_space<hbm>>) target_semaphore(%arg15 : memref<!tpu.dma_semaphore, #tpu.memory_space<semaphore_mem>>)
    %add3A_362 = arith.constant 9920 : i32
    %add3A_363 = arith.addi %mul3A_2, %add3A_362 : i32
    %dma_wait3A_364 = arith.constant 124 : i32
    %dma_wait3A_365 = arith.constant 0 : i32
    %dma_wait3A_366 = arith.constant 0 : i32
    %dma_wait3A_367 = arith.constant 0 : i32
    %dma_wait3A_368 = tpu.memref_slice %arg9[%dma_wait3A_365, %dma_wait3A_366, %dma_wait3A_367] : memref<2x80x128xf32, #tpu.memory_space<vmem>> -> memref<1x80x128xf32, #tpu.memory_space<vmem>>
    %dma_wait3A_369 = tpu.memref_squeeze %dma_wait3A_368 : memref<1x80x128xf32, #tpu.memory_space<vmem>> -> memref<80x128xf32, #tpu.memory_space<vmem>>
    %dma_wait3A_370 = arith.constant 0 : i32
    %dma_wait3A_371 = tpu.memref_slice %arg7[%dma_wait3A_364, %dma_wait3A_370] : memref<125x80xi32, #tpu.memory_space<vmem>> -> memref<1x80xi32, #tpu.memory_space<vmem>>
    %dma_wait3A_372 = tpu.memref_squeeze %dma_wait3A_371 : memref<1x80xi32, #tpu.memory_space<vmem>> -> memref<80xi32, #tpu.memory_space<vmem>>
    %dma_wait3A_373 = arith.constant 0 : i32
    %dma_wait3A_374 = arith.constant 0 : i32
    %dma_wait3A_375 = tpu.memref_slice %arg2[%dma_wait3A_373, %dma_wait3A_374] : memref<10000x128xf32, #tpu.memory_space<hbm>> -> memref<10000x128xf32, #tpu.memory_space<hbm>>
    tpu.wait_indirect_dma semaphore(%arg12 : memref<!tpu.dma_semaphore, #tpu.memory_space<semaphore_mem>>) src(%dma_wait3A_375 : memref<10000x128xf32, #tpu.memory_space<hbm>>) dst(%dma_wait3A_369 : memref<80x128xf32, #tpu.memory_space<vmem>>)
    %dma_wait3A_376 = arith.constant 124 : i32
    %dma_wait3A_377 = arith.constant 0 : i32
    %dma_wait3A_378 = arith.constant 0 : i32
    %dma_wait3A_379 = arith.constant 0 : i32
    %dma_wait3A_380 = tpu.memref_slice %arg10[%dma_wait3A_377, %dma_wait3A_378, %dma_wait3A_379] : memref<2x80x128xf32, #tpu.memory_space<vmem>> -> memref<1x80x128xf32, #tpu.memory_space<vmem>>
    %dma_wait3A_381 = tpu.memref_squeeze %dma_wait3A_380 : memref<1x80x128xf32, #tpu.memory_space<vmem>> -> memref<80x128xf32, #tpu.memory_space<vmem>>
    %dma_wait3A_382 = arith.constant 0 : i32
    %dma_wait3A_383 = tpu.memref_slice %arg8[%dma_wait3A_376, %dma_wait3A_382] : memref<125x80xi32, #tpu.memory_space<vmem>> -> memref<1x80xi32, #tpu.memory_space<vmem>>
    %dma_wait3A_384 = tpu.memref_squeeze %dma_wait3A_383 : memref<1x80xi32, #tpu.memory_space<vmem>> -> memref<80xi32, #tpu.memory_space<vmem>>
    %dma_wait3A_385 = arith.constant 0 : i32
    %dma_wait3A_386 = arith.constant 0 : i32
    %dma_wait3A_387 = tpu.memref_slice %arg3[%dma_wait3A_385, %dma_wait3A_386] : memref<10000x128xf32, #tpu.memory_space<hbm>> -> memref<10000x128xf32, #tpu.memory_space<hbm>>
    tpu.wait_indirect_dma semaphore(%arg12 : memref<!tpu.dma_semaphore, #tpu.memory_space<semaphore_mem>>) src(%dma_wait3A_387 : memref<10000x128xf32, #tpu.memory_space<hbm>>) dst(%dma_wait3A_381 : memref<80x128xf32, #tpu.memory_space<vmem>>)
    %dma_wait3A_388 = arith.constant 0 : i32
    %dma_wait3A_389 = arith.constant 0 : i32
    %dma_wait3A_390 = arith.constant 0 : i32
    %dma_wait3A_391 = tpu.memref_slice %arg11[%dma_wait3A_388, %dma_wait3A_389, %dma_wait3A_390] : memref<2x80x128xf32, #tpu.memory_space<vmem>> -> memref<1x80x128xf32, #tpu.memory_space<vmem>>
    %dma_wait3A_392 = tpu.memref_squeeze %dma_wait3A_391 : memref<1x80x128xf32, #tpu.memory_space<vmem>> -> memref<80x128xf32, #tpu.memory_space<vmem>>
    %dma_wait3A_393 = arith.constant 0 : i32
    %dma_wait3A_394 = tpu.memref_slice %arg6[%add3A_363, %dma_wait3A_393] : memref<320000x128xf32, #tpu.memory_space<hbm>> -> memref<80x128xf32, #tpu.memory_space<hbm>>
    %dma_wait3A_395 = arith.constant 0 : i32
    %dma_wait3A_396 = tpu.memref_slice %arg6[%add3A_363, %dma_wait3A_395] : memref<320000x128xf32, #tpu.memory_space<hbm>> -> memref<80x128xf32, #tpu.memory_space<hbm>>
    %dma_wait3A_397 = arith.constant 0 : i32
    %dma_wait3A_398 = arith.constant 0 : i32
    %dma_wait3A_399 = tpu.memref_slice %arg11[%dma_wait3A_388, %dma_wait3A_397, %dma_wait3A_398] : memref<2x80x128xf32, #tpu.memory_space<vmem>> -> memref<1x80x128xf32, #tpu.memory_space<vmem>>
    %dma_wait3A_400 = tpu.memref_squeeze %dma_wait3A_399 : memref<1x80x128xf32, #tpu.memory_space<vmem>> -> memref<80x128xf32, #tpu.memory_space<vmem>>
    tpu.wait_dma2 semaphore(%arg14 : memref<!tpu.dma_semaphore, #tpu.memory_space<semaphore_mem>>) src(%dma_wait3A_400 : memref<80x128xf32, #tpu.memory_space<vmem>>) dst(%dma_wait3A_396 : memref<80x128xf32, #tpu.memory_space<hbm>>)
    %parallel_loop3A_401 = arith.constant 0 : i32
    %parallel_loop3A_402 = arith.constant 80 : i32
    %parallel_loop3A_403 = arith.constant 1 : i32
    %parallel_loop3A_404 = arith.constant 0 : i32
    %parallel_loop3A_405 = arith.constant 0 : i32
    %parallel_loop3A_406 = arith.constant 0 : i32
    scf.for %parallel_loop3A_446 = %parallel_loop3A_401 to %parallel_loop3A_402 step %parallel_loop3A_403  : i32 {
      %parallel_loop3A_447 = arith.constant 0 : i32
      %parallel_loop3A_448 = arith.constant 0 : i32
      %parallel_loop3A_449 = tpu.memref_slice %arg9[%parallel_loop3A_404, %parallel_loop3A_447, %parallel_loop3A_448] : memref<2x80x128xf32, #tpu.memory_space<vmem>> -> memref<1x80x128xf32, #tpu.memory_space<vmem>>
      %parallel_loop3A_450 = tpu.memref_squeeze %parallel_loop3A_449 : memref<1x80x128xf32, #tpu.memory_space<vmem>> -> memref<80x128xf32, #tpu.memory_space<vmem>>
      %parallel_loop3A_451 = arith.index_cast %parallel_loop3A_446 : i32 to index
      %parallel_loop3A_452 = arith.constant 0 : index
      %parallel_loop3A_453 = tpu.vector_load %parallel_loop3A_450[%parallel_loop3A_451, %parallel_loop3A_452] {strides = array<i32>} : memref<80x128xf32, #tpu.memory_space<vmem>>, vector<1x16xf32>,
      %parallel_loop3A_454 = vector.shape_cast %parallel_loop3A_453 : vector<1x16xf32> to vector<16xf32>
      %parallel_loop3A_455 = arith.constant 0 : i32
      %parallel_loop3A_456 = arith.constant 0 : i32
      %parallel_loop3A_457 = tpu.memref_slice %arg10[%parallel_loop3A_405, %parallel_loop3A_455, %parallel_loop3A_456] : memref<2x80x128xf32, #tpu.memory_space<vmem>> -> memref<1x80x128xf32, #tpu.memory_space<vmem>>
      %parallel_loop3A_458 = tpu.memref_squeeze %parallel_loop3A_457 : memref<1x80x128xf32, #tpu.memory_space<vmem>> -> memref<80x128xf32, #tpu.memory_space<vmem>>
      %parallel_loop3A_459 = arith.index_cast %parallel_loop3A_446 : i32 to index
      %parallel_loop3A_460 = arith.constant 0 : index
      %parallel_loop3A_461 = tpu.vector_load %parallel_loop3A_458[%parallel_loop3A_459, %parallel_loop3A_460] {strides = array<i32>} : memref<80x128xf32, #tpu.memory_space<vmem>>, vector<1x16xf32>,
      %parallel_loop3A_462 = vector.shape_cast %parallel_loop3A_461 : vector<1x16xf32> to vector<16xf32>
      %parallel_loop3A_463 = arith.addf %parallel_loop3A_454, %parallel_loop3A_462 : vector<16xf32>
      %parallel_loop3A_464 = arith.constant 0 : i32
      %parallel_loop3A_465 = arith.constant 0 : i32
      %parallel_loop3A_466 = tpu.memref_slice %arg11[%parallel_loop3A_406, %parallel_loop3A_464, %parallel_loop3A_465] : memref<2x80x128xf32, #tpu.memory_space<vmem>> -> memref<1x80x128xf32, #tpu.memory_space<vmem>>
      %parallel_loop3A_467 = tpu.memref_squeeze %parallel_loop3A_466 : memref<1x80x128xf32, #tpu.memory_space<vmem>> -> memref<80x128xf32, #tpu.memory_space<vmem>>
      %parallel_loop3A_468 = arith.index_cast %parallel_loop3A_446 : i32 to index
      %parallel_loop3A_469 = arith.constant 0 : index
      %parallel_loop3A_470 = tpu.vector_load %parallel_loop3A_467[%parallel_loop3A_468, %parallel_loop3A_469] {strides = array<i32>} : memref<80x128xf32, #tpu.memory_space<vmem>>, vector<1x16xf32>,
      %parallel_loop3A_471 = vector.shape_cast %parallel_loop3A_470 : vector<1x16xf32> to vector<16xf32>
      %parallel_loop3A_472 = vector.shape_cast %parallel_loop3A_463 : vector<16xf32> to vector<1x16xf32>
      tpu.vector_store %parallel_loop3A_467[%parallel_loop3A_468, %parallel_loop3A_469], %parallel_loop3A_472 {strides = array<i32>} : memref<80x128xf32, #tpu.memory_space<vmem>>, vector<1x16xf32>,
      %parallel_loop3A_473 = arith.constant 0 : i32
      %parallel_loop3A_474 = arith.constant 0 : i32
      %parallel_loop3A_475 = tpu.memref_slice %arg9[%parallel_loop3A_404, %parallel_loop3A_473, %parallel_loop3A_474] : memref<2x80x128xf32, #tpu.memory_space<vmem>> -> memref<1x80x128xf32, #tpu.memory_space<vmem>>
      %parallel_loop3A_476 = tpu.memref_squeeze %parallel_loop3A_475 : memref<1x80x128xf32, #tpu.memory_space<vmem>> -> memref<80x128xf32, #tpu.memory_space<vmem>>
      %parallel_loop3A_477 = arith.index_cast %parallel_loop3A_446 : i32 to index
      %parallel_loop3A_478 = arith.constant 16 : index
      %parallel_loop3A_479 = tpu.vector_load %parallel_loop3A_476[%parallel_loop3A_477, %parallel_loop3A_478] {strides = array<i32>} : memref<80x128xf32, #tpu.memory_space<vmem>>, vector<1x16xf32>,
      %parallel_loop3A_480 = vector.shape_cast %parallel_loop3A_479 : vector<1x16xf32> to vector<16xf32>
      %parallel_loop3A_481 = arith.constant 0 : i32
      %parallel_loop3A_482 = arith.constant 0 : i32
      %parallel_loop3A_483 = tpu.memref_slice %arg10[%parallel_loop3A_405, %parallel_loop3A_481, %parallel_loop3A_482] : memref<2x80x128xf32, #tpu.memory_space<vmem>> -> memref<1x80x128xf32, #tpu.memory_space<vmem>>
      %parallel_loop3A_484 = tpu.memref_squeeze %parallel_loop3A_483 : memref<1x80x128xf32, #tpu.memory_space<vmem>> -> memref<80x128xf32, #tpu.memory_space<vmem>>
      %parallel_loop3A_485 = arith.index_cast %parallel_loop3A_446 : i32 to index
      %parallel_loop3A_486 = arith.constant 16 : index
      %parallel_loop3A_487 = tpu.vector_load %parallel_loop3A_484[%parallel_loop3A_485, %parallel_loop3A_486] {strides = array<i32>} : memref<80x128xf32, #tpu.memory_space<vmem>>, vector<1x16xf32>,
      %parallel_loop3A_488 = vector.shape_cast %parallel_loop3A_487 : vector<1x16xf32> to vector<16xf32>
      %parallel_loop3A_489 = arith.addf %parallel_loop3A_480, %parallel_loop3A_488 : vector<16xf32>
      %parallel_loop3A_490 = arith.constant 0 : i32
      %parallel_loop3A_491 = arith.constant 0 : i32
      %parallel_loop3A_492 = tpu.memref_slice %arg11[%parallel_loop3A_406, %parallel_loop3A_490, %parallel_loop3A_491] : memref<2x80x128xf32, #tpu.memory_space<vmem>> -> memref<1x80x128xf32, #tpu.memory_space<vmem>>
      %parallel_loop3A_493 = tpu.memref_squeeze %parallel_loop3A_492 : memref<1x80x128xf32, #tpu.memory_space<vmem>> -> memref<80x128xf32, #tpu.memory_space<vmem>>
      %parallel_loop3A_494 = arith.index_cast %parallel_loop3A_446 : i32 to index
      %parallel_loop3A_495 = arith.constant 16 : index
      %parallel_loop3A_496 = tpu.vector_load %parallel_loop3A_493[%parallel_loop3A_494, %parallel_loop3A_495] {strides = array<i32>} : memref<80x128xf32, #tpu.memory_space<vmem>>, vector<1x16xf32>,
      %parallel_loop3A_497 = vector.shape_cast %parallel_loop3A_496 : vector<1x16xf32> to vector<16xf32>
      %parallel_loop3A_498 = vector.shape_cast %parallel_loop3A_489 : vector<16xf32> to vector<1x16xf32>
      tpu.vector_store %parallel_loop3A_493[%parallel_loop3A_494, %parallel_loop3A_495], %parallel_loop3A_498 {strides = array<i32>} : memref<80x128xf32, #tpu.memory_space<vmem>>, vector<1x16xf32>,
      %parallel_loop3A_499 = arith.constant 0 : i32
      %parallel_loop3A_500 = arith.constant 0 : i32
      %parallel_loop3A_501 = tpu.memref_slice %arg9[%parallel_loop3A_404, %parallel_loop3A_499, %parallel_loop3A_500] : memref<2x80x128xf32, #tpu.memory_space<vmem>> -> memref<1x80x128xf32, #tpu.memory_space<vmem>>
      %parallel_loop3A_502 = tpu.memref_squeeze %parallel_loop3A_501 : memref<1x80x128xf32, #tpu.memory_space<vmem>> -> memref<80x128xf32, #tpu.memory_space<vmem>>
      %parallel_loop3A_503 = arith.index_cast %parallel_loop3A_446 : i32 to index
      %parallel_loop3A_504 = arith.constant 32 : index
      %parallel_loop3A_505 = tpu.vector_load %parallel_loop3A_502[%parallel_loop3A_503, %parallel_loop3A_504] {strides = array<i32>} : memref<80x128xf32, #tpu.memory_space<vmem>>, vector<1x16xf32>,
      %parallel_loop3A_506 = vector.shape_cast %parallel_loop3A_505 : vector<1x16xf32> to vector<16xf32>
      %parallel_loop3A_507 = arith.constant 0 : i32
      %parallel_loop3A_508 = arith.constant 0 : i32
      %parallel_loop3A_509 = tpu.memref_slice %arg10[%parallel_loop3A_405, %parallel_loop3A_507, %parallel_loop3A_508] : memref<2x80x128xf32, #tpu.memory_space<vmem>> -> memref<1x80x128xf32, #tpu.memory_space<vmem>>
      %parallel_loop3A_510 = tpu.memref_squeeze %parallel_loop3A_509 : memref<1x80x128xf32, #tpu.memory_space<vmem>> -> memref<80x128xf32, #tpu.memory_space<vmem>>
      %parallel_loop3A_511 = arith.index_cast %parallel_loop3A_446 : i32 to index
      %parallel_loop3A_512 = arith.constant 32 : index
      %parallel_loop3A_513 = tpu.vector_load %parallel_loop3A_510[%parallel_loop3A_511, %parallel_loop3A_512] {strides = array<i32>} : memref<80x128xf32, #tpu.memory_space<vmem>>, vector<1x16xf32>,
      %parallel_loop3A_514 = vector.shape_cast %parallel_loop3A_513 : vector<1x16xf32> to vector<16xf32>
      %parallel_loop3A_515 = arith.addf %parallel_loop3A_506, %parallel_loop3A_514 : vector<16xf32>
      %parallel_loop3A_516 = arith.constant 0 : i32
      %parallel_loop3A_517 = arith.constant 0 : i32
      %parallel_loop3A_518 = tpu.memref_slice %arg11[%parallel_loop3A_406, %parallel_loop3A_516, %parallel_loop3A_517] : memref<2x80x128xf32, #tpu.memory_space<vmem>> -> memref<1x80x128xf32, #tpu.memory_space<vmem>>
      %parallel_loop3A_519 = tpu.memref_squeeze %parallel_loop3A_518 : memref<1x80x128xf32, #tpu.memory_space<vmem>> -> memref<80x128xf32, #tpu.memory_space<vmem>>
      %parallel_loop3A_520 = arith.index_cast %parallel_loop3A_446 : i32 to index
      %parallel_loop3A_521 = arith.constant 32 : index
      %parallel_loop3A_522 = tpu.vector_load %parallel_loop3A_519[%parallel_loop3A_520, %parallel_loop3A_521] {strides = array<i32>} : memref<80x128xf32, #tpu.memory_space<vmem>>, vector<1x16xf32>,
      %parallel_loop3A_523 = vector.shape_cast %parallel_loop3A_522 : vector<1x16xf32> to vector<16xf32>
      %parallel_loop3A_524 = vector.shape_cast %parallel_loop3A_515 : vector<16xf32> to vector<1x16xf32>
      tpu.vector_store %parallel_loop3A_519[%parallel_loop3A_520, %parallel_loop3A_521], %parallel_loop3A_524 {strides = array<i32>} : memref<80x128xf32, #tpu.memory_space<vmem>>, vector<1x16xf32>,
      %parallel_loop3A_525 = arith.constant 0 : i32
      %parallel_loop3A_526 = arith.constant 0 : i32
      %parallel_loop3A_527 = tpu.memref_slice %arg9[%parallel_loop3A_404, %parallel_loop3A_525, %parallel_loop3A_526] : memref<2x80x128xf32, #tpu.memory_space<vmem>> -> memref<1x80x128xf32, #tpu.memory_space<vmem>>
      %parallel_loop3A_528 = tpu.memref_squeeze %parallel_loop3A_527 : memref<1x80x128xf32, #tpu.memory_space<vmem>> -> memref<80x128xf32, #tpu.memory_space<vmem>>
      %parallel_loop3A_529 = arith.index_cast %parallel_loop3A_446 : i32 to index
      %parallel_loop3A_530 = arith.constant 48 : index
      %parallel_loop3A_531 = tpu.vector_load %parallel_loop3A_528[%parallel_loop3A_529, %parallel_loop3A_530] {strides = array<i32>} : memref<80x128xf32, #tpu.memory_space<vmem>>, vector<1x16xf32>,
      %parallel_loop3A_532 = vector.shape_cast %parallel_loop3A_531 : vector<1x16xf32> to vector<16xf32>
      %parallel_loop3A_533 = arith.constant 0 : i32
      %parallel_loop3A_534 = arith.constant 0 : i32
      %parallel_loop3A_535 = tpu.memref_slice %arg10[%parallel_loop3A_405, %parallel_loop3A_533, %parallel_loop3A_534] : memref<2x80x128xf32, #tpu.memory_space<vmem>> -> memref<1x80x128xf32, #tpu.memory_space<vmem>>
      %parallel_loop3A_536 = tpu.memref_squeeze %parallel_loop3A_535 : memref<1x80x128xf32, #tpu.memory_space<vmem>> -> memref<80x128xf32, #tpu.memory_space<vmem>>
      %parallel_loop3A_537 = arith.index_cast %parallel_loop3A_446 : i32 to index
      %parallel_loop3A_538 = arith.constant 48 : index
      %parallel_loop3A_539 = tpu.vector_load %parallel_loop3A_536[%parallel_loop3A_537, %parallel_loop3A_538] {strides = array<i32>} : memref<80x128xf32, #tpu.memory_space<vmem>>, vector<1x16xf32>,
      %parallel_loop3A_540 = vector.shape_cast %parallel_loop3A_539 : vector<1x16xf32> to vector<16xf32>
      %parallel_loop3A_541 = arith.addf %parallel_loop3A_532, %parallel_loop3A_540 : vector<16xf32>
      %parallel_loop3A_542 = arith.constant 0 : i32
      %parallel_loop3A_543 = arith.constant 0 : i32
      %parallel_loop3A_544 = tpu.memref_slice %arg11[%parallel_loop3A_406, %parallel_loop3A_542, %parallel_loop3A_543] : memref<2x80x128xf32, #tpu.memory_space<vmem>> -> memref<1x80x128xf32, #tpu.memory_space<vmem>>
      %parallel_loop3A_545 = tpu.memref_squeeze %parallel_loop3A_544 : memref<1x80x128xf32, #tpu.memory_space<vmem>> -> memref<80x128xf32, #tpu.memory_space<vmem>>
      %parallel_loop3A_546 = arith.index_cast %parallel_loop3A_446 : i32 to index
      %parallel_loop3A_547 = arith.constant 48 : index
      %parallel_loop3A_548 = tpu.vector_load %parallel_loop3A_545[%parallel_loop3A_546, %parallel_loop3A_547] {strides = array<i32>} : memref<80x128xf32, #tpu.memory_space<vmem>>, vector<1x16xf32>,
      %parallel_loop3A_549 = vector.shape_cast %parallel_loop3A_548 : vector<1x16xf32> to vector<16xf32>
      %parallel_loop3A_550 = vector.shape_cast %parallel_loop3A_541 : vector<16xf32> to vector<1x16xf32>
      tpu.vector_store %parallel_loop3A_545[%parallel_loop3A_546, %parallel_loop3A_547], %parallel_loop3A_550 {strides = array<i32>} : memref<80x128xf32, #tpu.memory_space<vmem>>, vector<1x16xf32>,
      %parallel_loop3A_551 = arith.constant 0 : i32
      %parallel_loop3A_552 = arith.constant 0 : i32
      %parallel_loop3A_553 = tpu.memref_slice %arg9[%parallel_loop3A_404, %parallel_loop3A_551, %parallel_loop3A_552] : memref<2x80x128xf32, #tpu.memory_space<vmem>> -> memref<1x80x128xf32, #tpu.memory_space<vmem>>
      %parallel_loop3A_554 = tpu.memref_squeeze %parallel_loop3A_553 : memref<1x80x128xf32, #tpu.memory_space<vmem>> -> memref<80x128xf32, #tpu.memory_space<vmem>>
      %parallel_loop3A_555 = arith.index_cast %parallel_loop3A_446 : i32 to index
      %parallel_loop3A_556 = arith.constant 64 : index
      %parallel_loop3A_557 = tpu.vector_load %parallel_loop3A_554[%parallel_loop3A_555, %parallel_loop3A_556] {strides = array<i32>} : memref<80x128xf32, #tpu.memory_space<vmem>>, vector<1x16xf32>,
      %parallel_loop3A_558 = vector.shape_cast %parallel_loop3A_557 : vector<1x16xf32> to vector<16xf32>
      %parallel_loop3A_559 = arith.constant 0 : i32
      %parallel_loop3A_560 = arith.constant 0 : i32
      %parallel_loop3A_561 = tpu.memref_slice %arg10[%parallel_loop3A_405, %parallel_loop3A_559, %parallel_loop3A_560] : memref<2x80x128xf32, #tpu.memory_space<vmem>> -> memref<1x80x128xf32, #tpu.memory_space<vmem>>
      %parallel_loop3A_562 = tpu.memref_squeeze %parallel_loop3A_561 : memref<1x80x128xf32, #tpu.memory_space<vmem>> -> memref<80x128xf32, #tpu.memory_space<vmem>>
      %parallel_loop3A_563 = arith.index_cast %parallel_loop3A_446 : i32 to index
      %parallel_loop3A_564 = arith.constant 64 : index
      %parallel_loop3A_565 = tpu.vector_load %parallel_loop3A_562[%parallel_loop3A_563, %parallel_loop3A_564] {strides = array<i32>} : memref<80x128xf32, #tpu.memory_space<vmem>>, vector<1x16xf32>,
      %parallel_loop3A_566 = vector.shape_cast %parallel_loop3A_565 : vector<1x16xf32> to vector<16xf32>
      %parallel_loop3A_567 = arith.addf %parallel_loop3A_558, %parallel_loop3A_566 : vector<16xf32>
      %parallel_loop3A_568 = arith.constant 0 : i32
      %parallel_loop3A_569 = arith.constant 0 : i32
      %parallel_loop3A_570 = tpu.memref_slice %arg11[%parallel_loop3A_406, %parallel_loop3A_568, %parallel_loop3A_569] : memref<2x80x128xf32, #tpu.memory_space<vmem>> -> memref<1x80x128xf32, #tpu.memory_space<vmem>>
      %parallel_loop3A_571 = tpu.memref_squeeze %parallel_loop3A_570 : memref<1x80x128xf32, #tpu.memory_space<vmem>> -> memref<80x128xf32, #tpu.memory_space<vmem>>
      %parallel_loop3A_572 = arith.index_cast %parallel_loop3A_446 : i32 to index
      %parallel_loop3A_573 = arith.constant 64 : index
      %parallel_loop3A_574 = tpu.vector_load %parallel_loop3A_571[%parallel_loop3A_572, %parallel_loop3A_573] {strides = array<i32>} : memref<80x128xf32, #tpu.memory_space<vmem>>, vector<1x16xf32>,
      %parallel_loop3A_575 = vector.shape_cast %parallel_loop3A_574 : vector<1x16xf32> to vector<16xf32>
      %parallel_loop3A_576 = vector.shape_cast %parallel_loop3A_567 : vector<16xf32> to vector<1x16xf32>
      tpu.vector_store %parallel_loop3A_571[%parallel_loop3A_572, %parallel_loop3A_573], %parallel_loop3A_576 {strides = array<i32>} : memref<80x128xf32, #tpu.memory_space<vmem>>, vector<1x16xf32>,
      %parallel_loop3A_577 = arith.constant 0 : i32
      %parallel_loop3A_578 = arith.constant 0 : i32
      %parallel_loop3A_579 = tpu.memref_slice %arg9[%parallel_loop3A_404, %parallel_loop3A_577, %parallel_loop3A_578] : memref<2x80x128xf32, #tpu.memory_space<vmem>> -> memref<1x80x128xf32, #tpu.memory_space<vmem>>
      %parallel_loop3A_580 = tpu.memref_squeeze %parallel_loop3A_579 : memref<1x80x128xf32, #tpu.memory_space<vmem>> -> memref<80x128xf32, #tpu.memory_space<vmem>>
      %parallel_loop3A_581 = arith.index_cast %parallel_loop3A_446 : i32 to index
      %parallel_loop3A_582 = arith.constant 80 : index
      %parallel_loop3A_583 = tpu.vector_load %parallel_loop3A_580[%parallel_loop3A_581, %parallel_loop3A_582] {strides = array<i32>} : memref<80x128xf32, #tpu.memory_space<vmem>>, vector<1x16xf32>,
      %parallel_loop3A_584 = vector.shape_cast %parallel_loop3A_583 : vector<1x16xf32> to vector<16xf32>
      %parallel_loop3A_585 = arith.constant 0 : i32
      %parallel_loop3A_586 = arith.constant 0 : i32
      %parallel_loop3A_587 = tpu.memref_slice %arg10[%parallel_loop3A_405, %parallel_loop3A_585, %parallel_loop3A_586] : memref<2x80x128xf32, #tpu.memory_space<vmem>> -> memref<1x80x128xf32, #tpu.memory_space<vmem>>
      %parallel_loop3A_588 = tpu.memref_squeeze %parallel_loop3A_587 : memref<1x80x128xf32, #tpu.memory_space<vmem>> -> memref<80x128xf32, #tpu.memory_space<vmem>>
      %parallel_loop3A_589 = arith.index_cast %parallel_loop3A_446 : i32 to index
      %parallel_loop3A_590 = arith.constant 80 : index
      %parallel_loop3A_591 = tpu.vector_load %parallel_loop3A_588[%parallel_loop3A_589, %parallel_loop3A_590] {strides = array<i32>} : memref<80x128xf32, #tpu.memory_space<vmem>>, vector<1x16xf32>,
      %parallel_loop3A_592 = vector.shape_cast %parallel_loop3A_591 : vector<1x16xf32> to vector<16xf32>
      %parallel_loop3A_593 = arith.addf %parallel_loop3A_584, %parallel_loop3A_592 : vector<16xf32>
      %parallel_loop3A_594 = arith.constant 0 : i32
      %parallel_loop3A_595 = arith.constant 0 : i32
      %parallel_loop3A_596 = tpu.memref_slice %arg11[%parallel_loop3A_406, %parallel_loop3A_594, %parallel_loop3A_595] : memref<2x80x128xf32, #tpu.memory_space<vmem>> -> memref<1x80x128xf32, #tpu.memory_space<vmem>>
      %parallel_loop3A_597 = tpu.memref_squeeze %parallel_loop3A_596 : memref<1x80x128xf32, #tpu.memory_space<vmem>> -> memref<80x128xf32, #tpu.memory_space<vmem>>
      %parallel_loop3A_598 = arith.index_cast %parallel_loop3A_446 : i32 to index
      %parallel_loop3A_599 = arith.constant 80 : index
      %parallel_loop3A_600 = tpu.vector_load %parallel_loop3A_597[%parallel_loop3A_598, %parallel_loop3A_599] {strides = array<i32>} : memref<80x128xf32, #tpu.memory_space<vmem>>, vector<1x16xf32>,
      %parallel_loop3A_601 = vector.shape_cast %parallel_loop3A_600 : vector<1x16xf32> to vector<16xf32>
      %parallel_loop3A_602 = vector.shape_cast %parallel_loop3A_593 : vector<16xf32> to vector<1x16xf32>
      tpu.vector_store %parallel_loop3A_597[%parallel_loop3A_598, %parallel_loop3A_599], %parallel_loop3A_602 {strides = array<i32>} : memref<80x128xf32, #tpu.memory_space<vmem>>, vector<1x16xf32>,
      %parallel_loop3A_603 = arith.constant 0 : i32
      %parallel_loop3A_604 = arith.constant 0 : i32
      %parallel_loop3A_605 = tpu.memref_slice %arg9[%parallel_loop3A_404, %parallel_loop3A_603, %parallel_loop3A_604] : memref<2x80x128xf32, #tpu.memory_space<vmem>> -> memref<1x80x128xf32, #tpu.memory_space<vmem>>
      %parallel_loop3A_606 = tpu.memref_squeeze %parallel_loop3A_605 : memref<1x80x128xf32, #tpu.memory_space<vmem>> -> memref<80x128xf32, #tpu.memory_space<vmem>>
      %parallel_loop3A_607 = arith.index_cast %parallel_loop3A_446 : i32 to index
      %parallel_loop3A_608 = arith.constant 96 : index
      %parallel_loop3A_609 = tpu.vector_load %parallel_loop3A_606[%parallel_loop3A_607, %parallel_loop3A_608] {strides = array<i32>} : memref<80x128xf32, #tpu.memory_space<vmem>>, vector<1x16xf32>,
      %parallel_loop3A_610 = vector.shape_cast %parallel_loop3A_609 : vector<1x16xf32> to vector<16xf32>
      %parallel_loop3A_611 = arith.constant 0 : i32
      %parallel_loop3A_612 = arith.constant 0 : i32
      %parallel_loop3A_613 = tpu.memref_slice %arg10[%parallel_loop3A_405, %parallel_loop3A_611, %parallel_loop3A_612] : memref<2x80x128xf32, #tpu.memory_space<vmem>> -> memref<1x80x128xf32, #tpu.memory_space<vmem>>
      %parallel_loop3A_614 = tpu.memref_squeeze %parallel_loop3A_613 : memref<1x80x128xf32, #tpu.memory_space<vmem>> -> memref<80x128xf32, #tpu.memory_space<vmem>>
      %parallel_loop3A_615 = arith.index_cast %parallel_loop3A_446 : i32 to index
      %parallel_loop3A_616 = arith.constant 96 : index
      %parallel_loop3A_617 = tpu.vector_load %parallel_loop3A_614[%parallel_loop3A_615, %parallel_loop3A_616] {strides = array<i32>} : memref<80x128xf32, #tpu.memory_space<vmem>>, vector<1x16xf32>,
      %parallel_loop3A_618 = vector.shape_cast %parallel_loop3A_617 : vector<1x16xf32> to vector<16xf32>
      %parallel_loop3A_619 = arith.addf %parallel_loop3A_610, %parallel_loop3A_618 : vector<16xf32>
      %parallel_loop3A_620 = arith.constant 0 : i32
      %parallel_loop3A_621 = arith.constant 0 : i32
      %parallel_loop3A_622 = tpu.memref_slice %arg11[%parallel_loop3A_406, %parallel_loop3A_620, %parallel_loop3A_621] : memref<2x80x128xf32, #tpu.memory_space<vmem>> -> memref<1x80x128xf32, #tpu.memory_space<vmem>>
      %parallel_loop3A_623 = tpu.memref_squeeze %parallel_loop3A_622 : memref<1x80x128xf32, #tpu.memory_space<vmem>> -> memref<80x128xf32, #tpu.memory_space<vmem>>
      %parallel_loop3A_624 = arith.index_cast %parallel_loop3A_446 : i32 to index
      %parallel_loop3A_625 = arith.constant 96 : index
      %parallel_loop3A_626 = tpu.vector_load %parallel_loop3A_623[%parallel_loop3A_624, %parallel_loop3A_625] {strides = array<i32>} : memref<80x128xf32, #tpu.memory_space<vmem>>, vector<1x16xf32>,
      %parallel_loop3A_627 = vector.shape_cast %parallel_loop3A_626 : vector<1x16xf32> to vector<16xf32>
      %parallel_loop3A_628 = vector.shape_cast %parallel_loop3A_619 : vector<16xf32> to vector<1x16xf32>
      tpu.vector_store %parallel_loop3A_623[%parallel_loop3A_624, %parallel_loop3A_625], %parallel_loop3A_628 {strides = array<i32>} : memref<80x128xf32, #tpu.memory_space<vmem>>, vector<1x16xf32>,
      %parallel_loop3A_629 = arith.constant 0 : i32
      %parallel_loop3A_630 = arith.constant 0 : i32
      %parallel_loop3A_631 = tpu.memref_slice %arg9[%parallel_loop3A_404, %parallel_loop3A_629, %parallel_loop3A_630] : memref<2x80x128xf32, #tpu.memory_space<vmem>> -> memref<1x80x128xf32, #tpu.memory_space<vmem>>
      %parallel_loop3A_632 = tpu.memref_squeeze %parallel_loop3A_631 : memref<1x80x128xf32, #tpu.memory_space<vmem>> -> memref<80x128xf32, #tpu.memory_space<vmem>>
      %parallel_loop3A_633 = arith.index_cast %parallel_loop3A_446 : i32 to index
      %parallel_loop3A_634 = arith.constant 112 : index
      %parallel_loop3A_635 = tpu.vector_load %parallel_loop3A_632[%parallel_loop3A_633, %parallel_loop3A_634] {strides = array<i32>} : memref<80x128xf32, #tpu.memory_space<vmem>>, vector<1x16xf32>,
      %parallel_loop3A_636 = vector.shape_cast %parallel_loop3A_635 : vector<1x16xf32> to vector<16xf32>
      %parallel_loop3A_637 = arith.constant 0 : i32
      %parallel_loop3A_638 = arith.constant 0 : i32
      %parallel_loop3A_639 = tpu.memref_slice %arg10[%parallel_loop3A_405, %parallel_loop3A_637, %parallel_loop3A_638] : memref<2x80x128xf32, #tpu.memory_space<vmem>> -> memref<1x80x128xf32, #tpu.memory_space<vmem>>
      %parallel_loop3A_640 = tpu.memref_squeeze %parallel_loop3A_639 : memref<1x80x128xf32, #tpu.memory_space<vmem>> -> memref<80x128xf32, #tpu.memory_space<vmem>>
      %parallel_loop3A_641 = arith.index_cast %parallel_loop3A_446 : i32 to index
      %parallel_loop3A_642 = arith.constant 112 : index
      %parallel_loop3A_643 = tpu.vector_load %parallel_loop3A_640[%parallel_loop3A_641, %parallel_loop3A_642] {strides = array<i32>} : memref<80x128xf32, #tpu.memory_space<vmem>>, vector<1x16xf32>,
      %parallel_loop3A_644 = vector.shape_cast %parallel_loop3A_643 : vector<1x16xf32> to vector<16xf32>
      %parallel_loop3A_645 = arith.addf %parallel_loop3A_636, %parallel_loop3A_644 : vector<16xf32>
      %parallel_loop3A_646 = arith.constant 0 : i32
      %parallel_loop3A_647 = arith.constant 0 : i32
      %parallel_loop3A_648 = tpu.memref_slice %arg11[%parallel_loop3A_406, %parallel_loop3A_646, %parallel_loop3A_647] : memref<2x80x128xf32, #tpu.memory_space<vmem>> -> memref<1x80x128xf32, #tpu.memory_space<vmem>>
      %parallel_loop3A_649 = tpu.memref_squeeze %parallel_loop3A_648 : memref<1x80x128xf32, #tpu.memory_space<vmem>> -> memref<80x128xf32, #tpu.memory_space<vmem>>
      %parallel_loop3A_650 = arith.index_cast %parallel_loop3A_446 : i32 to index
      %parallel_loop3A_651 = arith.constant 112 : index
      %parallel_loop3A_652 = tpu.vector_load %parallel_loop3A_649[%parallel_loop3A_650, %parallel_loop3A_651] {strides = array<i32>} : memref<80x128xf32, #tpu.memory_space<vmem>>, vector<1x16xf32>,
      %parallel_loop3A_653 = vector.shape_cast %parallel_loop3A_652 : vector<1x16xf32> to vector<16xf32>
      %parallel_loop3A_654 = vector.shape_cast %parallel_loop3A_645 : vector<16xf32> to vector<1x16xf32>
      tpu.vector_store %parallel_loop3A_649[%parallel_loop3A_650, %parallel_loop3A_651], %parallel_loop3A_654 {strides = array<i32>} : memref<80x128xf32, #tpu.memory_space<vmem>>, vector<1x16xf32>,
    } {sc.loop_unroll_factor = 1 : i64, sc.parallel_access}
    %dma_start3A_407 = arith.constant 0 : i32
    %dma_start3A_408 = arith.constant 0 : i32
    %dma_start3A_409 = arith.constant 0 : i32
    %dma_start3A_410 = tpu.memref_slice %arg11[%dma_start3A_407, %dma_start3A_408, %dma_start3A_409] : memref<2x80x128xf32, #tpu.memory_space<vmem>> -> memref<1x80x128xf32, #tpu.memory_space<vmem>>
    %dma_start3A_411 = tpu.memref_squeeze %dma_start3A_410 : memref<1x80x128xf32, #tpu.memory_space<vmem>> -> memref<80x128xf32, #tpu.memory_space<vmem>>
    %dma_start3A_412 = arith.constant 0 : i32
    %dma_start3A_413 = tpu.memref_slice %arg6[%add3A_363, %dma_start3A_412] : memref<320000x128xf32, #tpu.memory_space<hbm>> -> memref<80x128xf32, #tpu.memory_space<hbm>>
    %dma_start3A_414 = arith.constant 0 : i32
    %dma_start3A_415 = tpu.memref_slice %arg6[%add3A_363, %dma_start3A_414] : memref<320000x128xf32, #tpu.memory_space<hbm>> -> memref<80x128xf32, #tpu.memory_space<hbm>>
    %dma_start3A_416 = arith.constant 0 : i32
    %dma_start3A_417 = arith.constant 0 : i32
    %dma_start3A_418 = tpu.memref_slice %arg11[%dma_start3A_407, %dma_start3A_416, %dma_start3A_417] : memref<2x80x128xf32, #tpu.memory_space<vmem>> -> memref<1x80x128xf32, #tpu.memory_space<vmem>>
    %dma_start3A_419 = tpu.memref_squeeze %dma_start3A_418 : memref<1x80x128xf32, #tpu.memory_space<vmem>> -> memref<80x128xf32, #tpu.memory_space<vmem>>
    tpu.enqueue_dma source(%dma_start3A_419 : memref<80x128xf32, #tpu.memory_space<vmem>>) target(%dma_start3A_415 : memref<80x128xf32, #tpu.memory_space<hbm>>) target_semaphore(%arg14 : memref<!tpu.dma_semaphore, #tpu.memory_space<semaphore_mem>>)
    %dma_wait3A_420 = arith.constant 0 : i32
    %dma_wait3A_421 = arith.constant 0 : i32
    %dma_wait3A_422 = arith.constant 0 : i32
    %dma_wait3A_423 = tpu.memref_slice %arg11[%dma_wait3A_420, %dma_wait3A_421, %dma_wait3A_422] : memref<2x80x128xf32, #tpu.memory_space<vmem>> -> memref<1x80x128xf32, #tpu.memory_space<vmem>>
    %dma_wait3A_424 = tpu.memref_squeeze %dma_wait3A_423 : memref<1x80x128xf32, #tpu.memory_space<vmem>> -> memref<80x128xf32, #tpu.memory_space<vmem>>
    %dma_wait3A_425 = arith.constant 0 : i32
    %dma_wait3A_426 = tpu.memref_slice %arg6[%mul3A_2, %dma_wait3A_425] : memref<320000x128xf32, #tpu.memory_space<hbm>> -> memref<80x128xf32, #tpu.memory_space<hbm>>
    %dma_wait3A_427 = arith.constant 0 : i32
    %dma_wait3A_428 = tpu.memref_slice %arg6[%mul3A_2, %dma_wait3A_427] : memref<320000x128xf32, #tpu.memory_space<hbm>> -> memref<80x128xf32, #tpu.memory_space<hbm>>
    %dma_wait3A_429 = arith.constant 0 : i32
    %dma_wait3A_430 = arith.constant 0 : i32
    %dma_wait3A_431 = tpu.memref_slice %arg11[%dma_wait3A_420, %dma_wait3A_429, %dma_wait3A_430] : memref<2x80x128xf32, #tpu.memory_space<vmem>> -> memref<1x80x128xf32, #tpu.memory_space<vmem>>
    %dma_wait3A_432 = tpu.memref_squeeze %dma_wait3A_431 : memref<1x80x128xf32, #tpu.memory_space<vmem>> -> memref<80x128xf32, #tpu.memory_space<vmem>>
    tpu.wait_dma2 semaphore(%arg14 : memref<!tpu.dma_semaphore, #tpu.memory_space<semaphore_mem>>) src(%dma_wait3A_432 : memref<80x128xf32, #tpu.memory_space<vmem>>) dst(%dma_wait3A_428 : memref<80x128xf32, #tpu.memory_space<hbm>>)
    %dma_wait3A_433 = arith.constant 1 : i32
    %dma_wait3A_434 = arith.constant 0 : i32
    %dma_wait3A_435 = arith.constant 0 : i32
    %dma_wait3A_436 = tpu.memref_slice %arg11[%dma_wait3A_433, %dma_wait3A_434, %dma_wait3A_435] : memref<2x80x128xf32, #tpu.memory_space<vmem>> -> memref<1x80x128xf32, #tpu.memory_space<vmem>>
    %dma_wait3A_437 = tpu.memref_squeeze %dma_wait3A_436 : memref<1x80x128xf32, #tpu.memory_space<vmem>> -> memref<80x128xf32, #tpu.memory_space<vmem>>
    %dma_wait3A_438 = arith.constant 0 : i32
    %dma_wait3A_439 = tpu.memref_slice %arg6[%mul3A_2, %dma_wait3A_438] : memref<320000x128xf32, #tpu.memory_space<hbm>> -> memref<80x128xf32, #tpu.memory_space<hbm>>
    %dma_wait3A_440 = arith.constant 0 : i32
    %dma_wait3A_441 = tpu.memref_slice %arg6[%mul3A_2, %dma_wait3A_440] : memref<320000x128xf32, #tpu.memory_space<hbm>> -> memref<80x128xf32, #tpu.memory_space<hbm>>
    %dma_wait3A_442 = arith.constant 0 : i32
    %dma_wait3A_443 = arith.constant 0 : i32
    %dma_wait3A_444 = tpu.memref_slice %arg11[%dma_wait3A_433, %dma_wait3A_442, %dma_wait3A_443] : memref<2x80x128xf32, #tpu.memory_space<vmem>> -> memref<1x80x128xf32, #tpu.memory_space<vmem>>
    %dma_wait3A_445 = tpu.memref_squeeze %dma_wait3A_444 : memref<1x80x128xf32, #tpu.memory_space<vmem>> -> memref<80x128xf32, #tpu.memory_space<vmem>>
    tpu.wait_dma2 semaphore(%arg15 : memref<!tpu.dma_semaphore, #tpu.memory_space<semaphore_mem>>) src(%dma_wait3A_445 : memref<80x128xf32, #tpu.memory_space<vmem>>) dst(%dma_wait3A_441 : memref<80x128xf32, #tpu.memory_space<hbm>>)
    return
  }
}

#map = affine_map<(d0, d1) -> (0, 0)>
#map1 = affine_map<(d0, d1) -> (0, 0, 0)>
module attributes {stable_mosaic.version = 14 : i64} {
  func.func @k(%arg0: i32, %arg1: i32, %arg2: memref<320000x128xf32, #tpu.memory_space<hbm>>, %arg3: memref<32x125x80xi32, #tpu.memory_space<hbm>>, %arg4: memref<2x10240x128xf32, #tpu.memory_space<hbm>>, %arg5: memref<125x80xi32, #tpu.memory_space<vmem>>, %arg6: memref<2x80x128xf32, #tpu.memory_space<vmem>>, %arg7: memref<10240x128xf32, #tpu.memory_space<vmem_shared>>, %arg8: memref<!tpu.dma_semaphore, #tpu.memory_space<semaphore_mem>>, %arg9: memref<!tpu.dma_semaphore, #tpu.memory_space<semaphore_mem>>, %arg10: memref<!tpu.dma_semaphore, #tpu.memory_space<semaphore_mem>>) attributes {dimension_semantics = [#tpu.dimension_semantics<core_parallel>, #tpu.dimension_semantics<subcore_parallel>], iteration_bounds = array<i64: 2, 16>, scalar_prefetch = 0 : i64, scratch_operands = 6 : i64, tpu.core_type = #tpu.core_type<sc_vector_subcore>, window_params = [{transform_indices = #map}, {transform_indices = #map1}, {transform_indices = #map1}]} {
    %mul3A = arith.constant 2 : i32
    %mul3A_0 = arith.muli %arg1, %mul3A : i32
    %add3A = arith.addi %mul3A_0, %arg0 : i32
    %mul3A_1 = arith.constant 10000 : i32
    %mul3A_2 = arith.muli %add3A, %mul3A_1 : i32
    %dma_start3A = arith.constant 0 : i32
    %dma_start3A_3 = arith.constant 0 : i32
    %dma_start3A_4 = tpu.memref_slice %arg3[%add3A, %dma_start3A, %dma_start3A_3] : memref<32x125x80xi32, #tpu.memory_space<hbm>> -> memref<1x125x80xi32, #tpu.memory_space<hbm>>
    %dma_start3A_5 = tpu.memref_squeeze %dma_start3A_4 : memref<1x125x80xi32, #tpu.memory_space<hbm>> -> memref<125x80xi32, #tpu.memory_space<hbm>>
    %dma_start3A_6 = arith.constant 0 : i32
    %dma_start3A_7 = arith.constant 0 : i32
    %dma_start3A_8 = tpu.memref_slice %arg3[%add3A, %dma_start3A_6, %dma_start3A_7] : memref<32x125x80xi32, #tpu.memory_space<hbm>> -> memref<1x125x80xi32, #tpu.memory_space<hbm>>
    %dma_start3A_9 = tpu.memref_squeeze %dma_start3A_8 : memref<1x125x80xi32, #tpu.memory_space<hbm>> -> memref<125x80xi32, #tpu.memory_space<hbm>>
    tpu.enqueue_dma source(%dma_start3A_9 : memref<125x80xi32, #tpu.memory_space<hbm>>) target(%arg5 : memref<125x80xi32, #tpu.memory_space<vmem>>) target_semaphore(%arg10 : memref<!tpu.dma_semaphore, #tpu.memory_space<semaphore_mem>>)
    %scan3A = arith.constant 0 : i32
    %scan3A_10 = arith.constant 0 : i32
    %scan3A_11 = arith.constant 80 : i32
    %scan3A_12 = arith.addi %scan3A_10, %scan3A_11 : i32
    %scan3A_13 = arith.constant 1 : i32
    scf.for %scan3A_221 = %scan3A_10 to %scan3A_12 step %scan3A_13  : i32 {
      %mul3A_222 = arith.constant 1 : i32
      %mul3A_223 = arith.muli %scan3A_221, %mul3A_222 : i32
      %add3A_224 = arith.constant 0 : i32
      %add3A_225 = arith.addi %add3A_224, %mul3A_223 : i32
      %broadcast_in_dim3A = arith.constant 0.000000e+00 : f32
      %broadcast_in_dim3A_226 = vector.broadcast %broadcast_in_dim3A : f32 to vector<16xf32>
      %swap3A = arith.constant 0 : i32
      %swap3A_227 = arith.constant 0 : i32
      %swap3A_228 = tpu.memref_slice %arg6[%scan3A, %swap3A, %swap3A_227] : memref<2x80x128xf32, #tpu.memory_space<vmem>> -> memref<1x80x128xf32, #tpu.memory_space<vmem>>
      %swap3A_229 = tpu.memref_squeeze %swap3A_228 : memref<1x80x128xf32, #tpu.memory_space<vmem>> -> memref<80x128xf32, #tpu.memory_space<vmem>>
      %swap3A_230 = arith.index_cast %add3A_225 : i32 to index
      %swap3A_231 = arith.constant 0 : index
      %swap3A_232 = tpu.vector_load %swap3A_229[%swap3A_230, %swap3A_231] {strides = array<i32>} : memref<80x128xf32, #tpu.memory_space<vmem>>, vector<1x16xf32>,
      %swap3A_233 = vector.shape_cast %swap3A_232 : vector<1x16xf32> to vector<16xf32>
      %swap3A_234 = vector.shape_cast %broadcast_in_dim3A_226 : vector<16xf32> to vector<1x16xf32>
      tpu.vector_store %swap3A_229[%swap3A_230, %swap3A_231], %swap3A_234 {strides = array<i32>} : memref<80x128xf32, #tpu.memory_space<vmem>>, vector<1x16xf32>,
      %broadcast_in_dim3A_235 = arith.constant 0.000000e+00 : f32
      %broadcast_in_dim3A_236 = vector.broadcast %broadcast_in_dim3A_235 : f32 to vector<16xf32>
      %swap3A_237 = arith.constant 0 : i32
      %swap3A_238 = arith.constant 0 : i32
      %swap3A_239 = tpu.memref_slice %arg6[%scan3A, %swap3A_237, %swap3A_238] : memref<2x80x128xf32, #tpu.memory_space<vmem>> -> memref<1x80x128xf32, #tpu.memory_space<vmem>>
      %swap3A_240 = tpu.memref_squeeze %swap3A_239 : memref<1x80x128xf32, #tpu.memory_space<vmem>> -> memref<80x128xf32, #tpu.memory_space<vmem>>
      %swap3A_241 = arith.index_cast %add3A_225 : i32 to index
      %swap3A_242 = arith.constant 16 : index
      %swap3A_243 = tpu.vector_load %swap3A_240[%swap3A_241, %swap3A_242] {strides = array<i32>} : memref<80x128xf32, #tpu.memory_space<vmem>>, vector<1x16xf32>,
      %swap3A_244 = vector.shape_cast %swap3A_243 : vector<1x16xf32> to vector<16xf32>
      %swap3A_245 = vector.shape_cast %broadcast_in_dim3A_236 : vector<16xf32> to vector<1x16xf32>
      tpu.vector_store %swap3A_240[%swap3A_241, %swap3A_242], %swap3A_245 {strides = array<i32>} : memref<80x128xf32, #tpu.memory_space<vmem>>, vector<1x16xf32>,
      %broadcast_in_dim3A_246 = arith.constant 0.000000e+00 : f32
      %broadcast_in_dim3A_247 = vector.broadcast %broadcast_in_dim3A_246 : f32 to vector<16xf32>
      %swap3A_248 = arith.constant 0 : i32
      %swap3A_249 = arith.constant 0 : i32
      %swap3A_250 = tpu.memref_slice %arg6[%scan3A, %swap3A_248, %swap3A_249] : memref<2x80x128xf32, #tpu.memory_space<vmem>> -> memref<1x80x128xf32, #tpu.memory_space<vmem>>
      %swap3A_251 = tpu.memref_squeeze %swap3A_250 : memref<1x80x128xf32, #tpu.memory_space<vmem>> -> memref<80x128xf32, #tpu.memory_space<vmem>>
      %swap3A_252 = arith.index_cast %add3A_225 : i32 to index
      %swap3A_253 = arith.constant 32 : index
      %swap3A_254 = tpu.vector_load %swap3A_251[%swap3A_252, %swap3A_253] {strides = array<i32>} : memref<80x128xf32, #tpu.memory_space<vmem>>, vector<1x16xf32>,
      %swap3A_255 = vector.shape_cast %swap3A_254 : vector<1x16xf32> to vector<16xf32>
      %swap3A_256 = vector.shape_cast %broadcast_in_dim3A_247 : vector<16xf32> to vector<1x16xf32>
      tpu.vector_store %swap3A_251[%swap3A_252, %swap3A_253], %swap3A_256 {strides = array<i32>} : memref<80x128xf32, #tpu.memory_space<vmem>>, vector<1x16xf32>,
      %broadcast_in_dim3A_257 = arith.constant 0.000000e+00 : f32
      %broadcast_in_dim3A_258 = vector.broadcast %broadcast_in_dim3A_257 : f32 to vector<16xf32>
      %swap3A_259 = arith.constant 0 : i32
      %swap3A_260 = arith.constant 0 : i32
      %swap3A_261 = tpu.memref_slice %arg6[%scan3A, %swap3A_259, %swap3A_260] : memref<2x80x128xf32, #tpu.memory_space<vmem>> -> memref<1x80x128xf32, #tpu.memory_space<vmem>>
      %swap3A_262 = tpu.memref_squeeze %swap3A_261 : memref<1x80x128xf32, #tpu.memory_space<vmem>> -> memref<80x128xf32, #tpu.memory_space<vmem>>
      %swap3A_263 = arith.index_cast %add3A_225 : i32 to index
      %swap3A_264 = arith.constant 48 : index
      %swap3A_265 = tpu.vector_load %swap3A_262[%swap3A_263, %swap3A_264] {strides = array<i32>} : memref<80x128xf32, #tpu.memory_space<vmem>>, vector<1x16xf32>,
      %swap3A_266 = vector.shape_cast %swap3A_265 : vector<1x16xf32> to vector<16xf32>
      %swap3A_267 = vector.shape_cast %broadcast_in_dim3A_258 : vector<16xf32> to vector<1x16xf32>
      tpu.vector_store %swap3A_262[%swap3A_263, %swap3A_264], %swap3A_267 {strides = array<i32>} : memref<80x128xf32, #tpu.memory_space<vmem>>, vector<1x16xf32>,
      %broadcast_in_dim3A_268 = arith.constant 0.000000e+00 : f32
      %broadcast_in_dim3A_269 = vector.broadcast %broadcast_in_dim3A_268 : f32 to vector<16xf32>
      %swap3A_270 = arith.constant 0 : i32
      %swap3A_271 = arith.constant 0 : i32
      %swap3A_272 = tpu.memref_slice %arg6[%scan3A, %swap3A_270, %swap3A_271] : memref<2x80x128xf32, #tpu.memory_space<vmem>> -> memref<1x80x128xf32, #tpu.memory_space<vmem>>
      %swap3A_273 = tpu.memref_squeeze %swap3A_272 : memref<1x80x128xf32, #tpu.memory_space<vmem>> -> memref<80x128xf32, #tpu.memory_space<vmem>>
      %swap3A_274 = arith.index_cast %add3A_225 : i32 to index
      %swap3A_275 = arith.constant 64 : index
      %swap3A_276 = tpu.vector_load %swap3A_273[%swap3A_274, %swap3A_275] {strides = array<i32>} : memref<80x128xf32, #tpu.memory_space<vmem>>, vector<1x16xf32>,
      %swap3A_277 = vector.shape_cast %swap3A_276 : vector<1x16xf32> to vector<16xf32>
      %swap3A_278 = vector.shape_cast %broadcast_in_dim3A_269 : vector<16xf32> to vector<1x16xf32>
      tpu.vector_store %swap3A_273[%swap3A_274, %swap3A_275], %swap3A_278 {strides = array<i32>} : memref<80x128xf32, #tpu.memory_space<vmem>>, vector<1x16xf32>,
      %broadcast_in_dim3A_279 = arith.constant 0.000000e+00 : f32
      %broadcast_in_dim3A_280 = vector.broadcast %broadcast_in_dim3A_279 : f32 to vector<16xf32>
      %swap3A_281 = arith.constant 0 : i32
      %swap3A_282 = arith.constant 0 : i32
      %swap3A_283 = tpu.memref_slice %arg6[%scan3A, %swap3A_281, %swap3A_282] : memref<2x80x128xf32, #tpu.memory_space<vmem>> -> memref<1x80x128xf32, #tpu.memory_space<vmem>>
      %swap3A_284 = tpu.memref_squeeze %swap3A_283 : memref<1x80x128xf32, #tpu.memory_space<vmem>> -> memref<80x128xf32, #tpu.memory_space<vmem>>
      %swap3A_285 = arith.index_cast %add3A_225 : i32 to index
      %swap3A_286 = arith.constant 80 : index
      %swap3A_287 = tpu.vector_load %swap3A_284[%swap3A_285, %swap3A_286] {strides = array<i32>} : memref<80x128xf32, #tpu.memory_space<vmem>>, vector<1x16xf32>,
      %swap3A_288 = vector.shape_cast %swap3A_287 : vector<1x16xf32> to vector<16xf32>
      %swap3A_289 = vector.shape_cast %broadcast_in_dim3A_280 : vector<16xf32> to vector<1x16xf32>
      tpu.vector_store %swap3A_284[%swap3A_285, %swap3A_286], %swap3A_289 {strides = array<i32>} : memref<80x128xf32, #tpu.memory_space<vmem>>, vector<1x16xf32>,
      %broadcast_in_dim3A_290 = arith.constant 0.000000e+00 : f32
      %broadcast_in_dim3A_291 = vector.broadcast %broadcast_in_dim3A_290 : f32 to vector<16xf32>
      %swap3A_292 = arith.constant 0 : i32
      %swap3A_293 = arith.constant 0 : i32
      %swap3A_294 = tpu.memref_slice %arg6[%scan3A, %swap3A_292, %swap3A_293] : memref<2x80x128xf32, #tpu.memory_space<vmem>> -> memref<1x80x128xf32, #tpu.memory_space<vmem>>
      %swap3A_295 = tpu.memref_squeeze %swap3A_294 : memref<1x80x128xf32, #tpu.memory_space<vmem>> -> memref<80x128xf32, #tpu.memory_space<vmem>>
      %swap3A_296 = arith.index_cast %add3A_225 : i32 to index
      %swap3A_297 = arith.constant 96 : index
      %swap3A_298 = tpu.vector_load %swap3A_295[%swap3A_296, %swap3A_297] {strides = array<i32>} : memref<80x128xf32, #tpu.memory_space<vmem>>, vector<1x16xf32>,
      %swap3A_299 = vector.shape_cast %swap3A_298 : vector<1x16xf32> to vector<16xf32>
      %swap3A_300 = vector.shape_cast %broadcast_in_dim3A_291 : vector<16xf32> to vector<1x16xf32>
      tpu.vector_store %swap3A_295[%swap3A_296, %swap3A_297], %swap3A_300 {strides = array<i32>} : memref<80x128xf32, #tpu.memory_space<vmem>>, vector<1x16xf32>,
      %broadcast_in_dim3A_301 = arith.constant 0.000000e+00 : f32
      %broadcast_in_dim3A_302 = vector.broadcast %broadcast_in_dim3A_301 : f32 to vector<16xf32>
      %swap3A_303 = arith.constant 0 : i32
      %swap3A_304 = arith.constant 0 : i32
      %swap3A_305 = tpu.memref_slice %arg6[%scan3A, %swap3A_303, %swap3A_304] : memref<2x80x128xf32, #tpu.memory_space<vmem>> -> memref<1x80x128xf32, #tpu.memory_space<vmem>>
      %swap3A_306 = tpu.memref_squeeze %swap3A_305 : memref<1x80x128xf32, #tpu.memory_space<vmem>> -> memref<80x128xf32, #tpu.memory_space<vmem>>
      %swap3A_307 = arith.index_cast %add3A_225 : i32 to index
      %swap3A_308 = arith.constant 112 : index
      %swap3A_309 = tpu.vector_load %swap3A_306[%swap3A_307, %swap3A_308] {strides = array<i32>} : memref<80x128xf32, #tpu.memory_space<vmem>>, vector<1x16xf32>,
      %swap3A_310 = vector.shape_cast %swap3A_309 : vector<1x16xf32> to vector<16xf32>
      %swap3A_311 = vector.shape_cast %broadcast_in_dim3A_302 : vector<16xf32> to vector<1x16xf32>
      tpu.vector_store %swap3A_306[%swap3A_307, %swap3A_308], %swap3A_311 {strides = array<i32>} : memref<80x128xf32, #tpu.memory_space<vmem>>, vector<1x16xf32>,
    }
    %scan3A_14 = arith.constant 80 : i32
    %mul3A_15 = arith.constant 640 : i32
    %mul3A_16 = arith.muli %arg1, %mul3A_15 : i32
    %add3A_17 = arith.constant 0 : i32
    %add3A_18 = arith.addi %mul3A_16, %add3A_17 : i32
    %run_scoped3A = arith.constant 0 : i32
    "tpu.region"() ({
      %run_scoped3A_221 = tpu.sem_alloc : memref<!tpu.dma_semaphore, #tpu.memory_space<semaphore_mem>>
      %dma_start3A_222 = arith.constant 0 : i32
      %dma_start3A_223 = arith.constant 0 : i32
      %dma_start3A_224 = tpu.memref_slice %arg6[%run_scoped3A, %dma_start3A_222, %dma_start3A_223] : memref<2x80x128xf32, #tpu.memory_space<vmem>> -> memref<1x80x128xf32, #tpu.memory_space<vmem>>
      %dma_start3A_225 = tpu.memref_squeeze %dma_start3A_224 : memref<1x80x128xf32, #tpu.memory_space<vmem>> -> memref<80x128xf32, #tpu.memory_space<vmem>>
      %dma_start3A_226 = arith.constant 0 : i32
      %dma_start3A_227 = tpu.memref_slice %arg7[%add3A_18, %dma_start3A_226] : memref<10240x128xf32, #tpu.memory_space<vmem_shared>> -> memref<80x128xf32, #tpu.memory_space<vmem_shared>>
      %dma_start3A_228 = arith.constant 0 : i32
      %dma_start3A_229 = tpu.memref_slice %arg7[%add3A_18, %dma_start3A_228] : memref<10240x128xf32, #tpu.memory_space<vmem_shared>> -> memref<80x128xf32, #tpu.memory_space<vmem_shared>>
      %dma_start3A_230 = arith.constant 0 : i32
      %dma_start3A_231 = arith.constant 0 : i32
      %dma_start3A_232 = tpu.memref_slice %arg6[%run_scoped3A, %dma_start3A_230, %dma_start3A_231] : memref<2x80x128xf32, #tpu.memory_space<vmem>> -> memref<1x80x128xf32, #tpu.memory_space<vmem>>
      %dma_start3A_233 = tpu.memref_squeeze %dma_start3A_232 : memref<1x80x128xf32, #tpu.memory_space<vmem>> -> memref<80x128xf32, #tpu.memory_space<vmem>>
      tpu.enqueue_dma source(%dma_start3A_233 : memref<80x128xf32, #tpu.memory_space<vmem>>) target(%dma_start3A_229 : memref<80x128xf32, #tpu.memory_space<vmem_shared>>) target_semaphore(%run_scoped3A_221 : memref<!tpu.dma_semaphore, #tpu.memory_space<semaphore_mem>>)
      %dma_wait3A_234 = arith.constant 0 : i32
      %dma_wait3A_235 = arith.constant 0 : i32
      %dma_wait3A_236 = tpu.memref_slice %arg6[%run_scoped3A, %dma_wait3A_234, %dma_wait3A_235] : memref<2x80x128xf32, #tpu.memory_space<vmem>> -> memref<1x80x128xf32, #tpu.memory_space<vmem>>
      %dma_wait3A_237 = tpu.memref_squeeze %dma_wait3A_236 : memref<1x80x128xf32, #tpu.memory_space<vmem>> -> memref<80x128xf32, #tpu.memory_space<vmem>>
      %dma_wait3A_238 = arith.constant 0 : i32
      %dma_wait3A_239 = tpu.memref_slice %arg7[%add3A_18, %dma_wait3A_238] : memref<10240x128xf32, #tpu.memory_space<vmem_shared>> -> memref<80x128xf32, #tpu.memory_space<vmem_shared>>
      %dma_wait3A_240 = arith.constant 0 : i32
      %dma_wait3A_241 = tpu.memref_slice %arg7[%add3A_18, %dma_wait3A_240] : memref<10240x128xf32, #tpu.memory_space<vmem_shared>> -> memref<80x128xf32, #tpu.memory_space<vmem_shared>>
      %dma_wait3A_242 = arith.constant 0 : i32
      %dma_wait3A_243 = arith.constant 0 : i32
      %dma_wait3A_244 = tpu.memref_slice %arg6[%run_scoped3A, %dma_wait3A_242, %dma_wait3A_243] : memref<2x80x128xf32, #tpu.memory_space<vmem>> -> memref<1x80x128xf32, #tpu.memory_space<vmem>>
      %dma_wait3A_245 = tpu.memref_squeeze %dma_wait3A_244 : memref<1x80x128xf32, #tpu.memory_space<vmem>> -> memref<80x128xf32, #tpu.memory_space<vmem>>
      tpu.wait_dma2 semaphore(%run_scoped3A_221 : memref<!tpu.dma_semaphore, #tpu.memory_space<semaphore_mem>>) src(%dma_wait3A_245 : memref<80x128xf32, #tpu.memory_space<vmem>>) dst(%dma_wait3A_241 : memref<80x128xf32, #tpu.memory_space<vmem_shared>>)
      tpu.yield
    }) : () -> ()
    %mul3A_19 = arith.constant 640 : i32
    %mul3A_20 = arith.muli %arg1, %mul3A_19 : i32
    %add3A_21 = arith.constant 80 : i32
    %add3A_22 = arith.addi %mul3A_20, %add3A_21 : i32
    %run_scoped3A_23 = arith.constant 0 : i32
    "tpu.region"() ({
      %run_scoped3A_221 = tpu.sem_alloc : memref<!tpu.dma_semaphore, #tpu.memory_space<semaphore_mem>>
      %dma_start3A_222 = arith.constant 0 : i32
      %dma_start3A_223 = arith.constant 0 : i32
      %dma_start3A_224 = tpu.memref_slice %arg6[%run_scoped3A_23, %dma_start3A_222, %dma_start3A_223] : memref<2x80x128xf32, #tpu.memory_space<vmem>> -> memref<1x80x128xf32, #tpu.memory_space<vmem>>
      %dma_start3A_225 = tpu.memref_squeeze %dma_start3A_224 : memref<1x80x128xf32, #tpu.memory_space<vmem>> -> memref<80x128xf32, #tpu.memory_space<vmem>>
      %dma_start3A_226 = arith.constant 0 : i32
      %dma_start3A_227 = tpu.memref_slice %arg7[%add3A_22, %dma_start3A_226] : memref<10240x128xf32, #tpu.memory_space<vmem_shared>> -> memref<80x128xf32, #tpu.memory_space<vmem_shared>>
      %dma_start3A_228 = arith.constant 0 : i32
      %dma_start3A_229 = tpu.memref_slice %arg7[%add3A_22, %dma_start3A_228] : memref<10240x128xf32, #tpu.memory_space<vmem_shared>> -> memref<80x128xf32, #tpu.memory_space<vmem_shared>>
      %dma_start3A_230 = arith.constant 0 : i32
      %dma_start3A_231 = arith.constant 0 : i32
      %dma_start3A_232 = tpu.memref_slice %arg6[%run_scoped3A_23, %dma_start3A_230, %dma_start3A_231] : memref<2x80x128xf32, #tpu.memory_space<vmem>> -> memref<1x80x128xf32, #tpu.memory_space<vmem>>
      %dma_start3A_233 = tpu.memref_squeeze %dma_start3A_232 : memref<1x80x128xf32, #tpu.memory_space<vmem>> -> memref<80x128xf32, #tpu.memory_space<vmem>>
      tpu.enqueue_dma source(%dma_start3A_233 : memref<80x128xf32, #tpu.memory_space<vmem>>) target(%dma_start3A_229 : memref<80x128xf32, #tpu.memory_space<vmem_shared>>) target_semaphore(%run_scoped3A_221 : memref<!tpu.dma_semaphore, #tpu.memory_space<semaphore_mem>>)
      %dma_wait3A_234 = arith.constant 0 : i32
      %dma_wait3A_235 = arith.constant 0 : i32
      %dma_wait3A_236 = tpu.memref_slice %arg6[%run_scoped3A_23, %dma_wait3A_234, %dma_wait3A_235] : memref<2x80x128xf32, #tpu.memory_space<vmem>> -> memref<1x80x128xf32, #tpu.memory_space<vmem>>
      %dma_wait3A_237 = tpu.memref_squeeze %dma_wait3A_236 : memref<1x80x128xf32, #tpu.memory_space<vmem>> -> memref<80x128xf32, #tpu.memory_space<vmem>>
      %dma_wait3A_238 = arith.constant 0 : i32
      %dma_wait3A_239 = tpu.memref_slice %arg7[%add3A_22, %dma_wait3A_238] : memref<10240x128xf32, #tpu.memory_space<vmem_shared>> -> memref<80x128xf32, #tpu.memory_space<vmem_shared>>
      %dma_wait3A_240 = arith.constant 0 : i32
      %dma_wait3A_241 = tpu.memref_slice %arg7[%add3A_22, %dma_wait3A_240] : memref<10240x128xf32, #tpu.memory_space<vmem_shared>> -> memref<80x128xf32, #tpu.memory_space<vmem_shared>>
      %dma_wait3A_242 = arith.constant 0 : i32
      %dma_wait3A_243 = arith.constant 0 : i32
      %dma_wait3A_244 = tpu.memref_slice %arg6[%run_scoped3A_23, %dma_wait3A_242, %dma_wait3A_243] : memref<2x80x128xf32, #tpu.memory_space<vmem>> -> memref<1x80x128xf32, #tpu.memory_space<vmem>>
      %dma_wait3A_245 = tpu.memref_squeeze %dma_wait3A_244 : memref<1x80x128xf32, #tpu.memory_space<vmem>> -> memref<80x128xf32, #tpu.memory_space<vmem>>
      tpu.wait_dma2 semaphore(%run_scoped3A_221 : memref<!tpu.dma_semaphore, #tpu.memory_space<semaphore_mem>>) src(%dma_wait3A_245 : memref<80x128xf32, #tpu.memory_space<vmem>>) dst(%dma_wait3A_241 : memref<80x128xf32, #tpu.memory_space<vmem_shared>>)
      tpu.yield
    }) : () -> ()
    %mul3A_24 = arith.constant 640 : i32
    %mul3A_25 = arith.muli %arg1, %mul3A_24 : i32
    %add3A_26 = arith.constant 160 : i32
    %add3A_27 = arith.addi %mul3A_25, %add3A_26 : i32
    %run_scoped3A_28 = arith.constant 0 : i32
    "tpu.region"() ({
      %run_scoped3A_221 = tpu.sem_alloc : memref<!tpu.dma_semaphore, #tpu.memory_space<semaphore_mem>>
      %dma_start3A_222 = arith.constant 0 : i32
      %dma_start3A_223 = arith.constant 0 : i32
      %dma_start3A_224 = tpu.memref_slice %arg6[%run_scoped3A_28, %dma_start3A_222, %dma_start3A_223] : memref<2x80x128xf32, #tpu.memory_space<vmem>> -> memref<1x80x128xf32, #tpu.memory_space<vmem>>
      %dma_start3A_225 = tpu.memref_squeeze %dma_start3A_224 : memref<1x80x128xf32, #tpu.memory_space<vmem>> -> memref<80x128xf32, #tpu.memory_space<vmem>>
      %dma_start3A_226 = arith.constant 0 : i32
      %dma_start3A_227 = tpu.memref_slice %arg7[%add3A_27, %dma_start3A_226] : memref<10240x128xf32, #tpu.memory_space<vmem_shared>> -> memref<80x128xf32, #tpu.memory_space<vmem_shared>>
      %dma_start3A_228 = arith.constant 0 : i32
      %dma_start3A_229 = tpu.memref_slice %arg7[%add3A_27, %dma_start3A_228] : memref<10240x128xf32, #tpu.memory_space<vmem_shared>> -> memref<80x128xf32, #tpu.memory_space<vmem_shared>>
      %dma_start3A_230 = arith.constant 0 : i32
      %dma_start3A_231 = arith.constant 0 : i32
      %dma_start3A_232 = tpu.memref_slice %arg6[%run_scoped3A_28, %dma_start3A_230, %dma_start3A_231] : memref<2x80x128xf32, #tpu.memory_space<vmem>> -> memref<1x80x128xf32, #tpu.memory_space<vmem>>
      %dma_start3A_233 = tpu.memref_squeeze %dma_start3A_232 : memref<1x80x128xf32, #tpu.memory_space<vmem>> -> memref<80x128xf32, #tpu.memory_space<vmem>>
      tpu.enqueue_dma source(%dma_start3A_233 : memref<80x128xf32, #tpu.memory_space<vmem>>) target(%dma_start3A_229 : memref<80x128xf32, #tpu.memory_space<vmem_shared>>) target_semaphore(%run_scoped3A_221 : memref<!tpu.dma_semaphore, #tpu.memory_space<semaphore_mem>>)
      %dma_wait3A_234 = arith.constant 0 : i32
      %dma_wait3A_235 = arith.constant 0 : i32
      %dma_wait3A_236 = tpu.memref_slice %arg6[%run_scoped3A_28, %dma_wait3A_234, %dma_wait3A_235] : memref<2x80x128xf32, #tpu.memory_space<vmem>> -> memref<1x80x128xf32, #tpu.memory_space<vmem>>
      %dma_wait3A_237 = tpu.memref_squeeze %dma_wait3A_236 : memref<1x80x128xf32, #tpu.memory_space<vmem>> -> memref<80x128xf32, #tpu.memory_space<vmem>>
      %dma_wait3A_238 = arith.constant 0 : i32
      %dma_wait3A_239 = tpu.memref_slice %arg7[%add3A_27, %dma_wait3A_238] : memref<10240x128xf32, #tpu.memory_space<vmem_shared>> -> memref<80x128xf32, #tpu.memory_space<vmem_shared>>
      %dma_wait3A_240 = arith.constant 0 : i32
      %dma_wait3A_241 = tpu.memref_slice %arg7[%add3A_27, %dma_wait3A_240] : memref<10240x128xf32, #tpu.memory_space<vmem_shared>> -> memref<80x128xf32, #tpu.memory_space<vmem_shared>>
      %dma_wait3A_242 = arith.constant 0 : i32
      %dma_wait3A_243 = arith.constant 0 : i32
      %dma_wait3A_244 = tpu.memref_slice %arg6[%run_scoped3A_28, %dma_wait3A_242, %dma_wait3A_243] : memref<2x80x128xf32, #tpu.memory_space<vmem>> -> memref<1x80x128xf32, #tpu.memory_space<vmem>>
      %dma_wait3A_245 = tpu.memref_squeeze %dma_wait3A_244 : memref<1x80x128xf32, #tpu.memory_space<vmem>> -> memref<80x128xf32, #tpu.memory_space<vmem>>
      tpu.wait_dma2 semaphore(%run_scoped3A_221 : memref<!tpu.dma_semaphore, #tpu.memory_space<semaphore_mem>>) src(%dma_wait3A_245 : memref<80x128xf32, #tpu.memory_space<vmem>>) dst(%dma_wait3A_241 : memref<80x128xf32, #tpu.memory_space<vmem_shared>>)
      tpu.yield
    }) : () -> ()
    %mul3A_29 = arith.constant 640 : i32
    %mul3A_30 = arith.muli %arg1, %mul3A_29 : i32
    %add3A_31 = arith.constant 240 : i32
    %add3A_32 = arith.addi %mul3A_30, %add3A_31 : i32
    %run_scoped3A_33 = arith.constant 0 : i32
    "tpu.region"() ({
      %run_scoped3A_221 = tpu.sem_alloc : memref<!tpu.dma_semaphore, #tpu.memory_space<semaphore_mem>>
      %dma_start3A_222 = arith.constant 0 : i32
      %dma_start3A_223 = arith.constant 0 : i32
      %dma_start3A_224 = tpu.memref_slice %arg6[%run_scoped3A_33, %dma_start3A_222, %dma_start3A_223] : memref<2x80x128xf32, #tpu.memory_space<vmem>> -> memref<1x80x128xf32, #tpu.memory_space<vmem>>
      %dma_start3A_225 = tpu.memref_squeeze %dma_start3A_224 : memref<1x80x128xf32, #tpu.memory_space<vmem>> -> memref<80x128xf32, #tpu.memory_space<vmem>>
      %dma_start3A_226 = arith.constant 0 : i32
      %dma_start3A_227 = tpu.memref_slice %arg7[%add3A_32, %dma_start3A_226] : memref<10240x128xf32, #tpu.memory_space<vmem_shared>> -> memref<80x128xf32, #tpu.memory_space<vmem_shared>>
      %dma_start3A_228 = arith.constant 0 : i32
      %dma_start3A_229 = tpu.memref_slice %arg7[%add3A_32, %dma_start3A_228] : memref<10240x128xf32, #tpu.memory_space<vmem_shared>> -> memref<80x128xf32, #tpu.memory_space<vmem_shared>>
      %dma_start3A_230 = arith.constant 0 : i32
      %dma_start3A_231 = arith.constant 0 : i32
      %dma_start3A_232 = tpu.memref_slice %arg6[%run_scoped3A_33, %dma_start3A_230, %dma_start3A_231] : memref<2x80x128xf32, #tpu.memory_space<vmem>> -> memref<1x80x128xf32, #tpu.memory_space<vmem>>
      %dma_start3A_233 = tpu.memref_squeeze %dma_start3A_232 : memref<1x80x128xf32, #tpu.memory_space<vmem>> -> memref<80x128xf32, #tpu.memory_space<vmem>>
      tpu.enqueue_dma source(%dma_start3A_233 : memref<80x128xf32, #tpu.memory_space<vmem>>) target(%dma_start3A_229 : memref<80x128xf32, #tpu.memory_space<vmem_shared>>) target_semaphore(%run_scoped3A_221 : memref<!tpu.dma_semaphore, #tpu.memory_space<semaphore_mem>>)
      %dma_wait3A_234 = arith.constant 0 : i32
      %dma_wait3A_235 = arith.constant 0 : i32
      %dma_wait3A_236 = tpu.memref_slice %arg6[%run_scoped3A_33, %dma_wait3A_234, %dma_wait3A_235] : memref<2x80x128xf32, #tpu.memory_space<vmem>> -> memref<1x80x128xf32, #tpu.memory_space<vmem>>
      %dma_wait3A_237 = tpu.memref_squeeze %dma_wait3A_236 : memref<1x80x128xf32, #tpu.memory_space<vmem>> -> memref<80x128xf32, #tpu.memory_space<vmem>>
      %dma_wait3A_238 = arith.constant 0 : i32
      %dma_wait3A_239 = tpu.memref_slice %arg7[%add3A_32, %dma_wait3A_238] : memref<10240x128xf32, #tpu.memory_space<vmem_shared>> -> memref<80x128xf32, #tpu.memory_space<vmem_shared>>
      %dma_wait3A_240 = arith.constant 0 : i32
      %dma_wait3A_241 = tpu.memref_slice %arg7[%add3A_32, %dma_wait3A_240] : memref<10240x128xf32, #tpu.memory_space<vmem_shared>> -> memref<80x128xf32, #tpu.memory_space<vmem_shared>>
      %dma_wait3A_242 = arith.constant 0 : i32
      %dma_wait3A_243 = arith.constant 0 : i32
      %dma_wait3A_244 = tpu.memref_slice %arg6[%run_scoped3A_33, %dma_wait3A_242, %dma_wait3A_243] : memref<2x80x128xf32, #tpu.memory_space<vmem>> -> memref<1x80x128xf32, #tpu.memory_space<vmem>>
      %dma_wait3A_245 = tpu.memref_squeeze %dma_wait3A_244 : memref<1x80x128xf32, #tpu.memory_space<vmem>> -> memref<80x128xf32, #tpu.memory_space<vmem>>
      tpu.wait_dma2 semaphore(%run_scoped3A_221 : memref<!tpu.dma_semaphore, #tpu.memory_space<semaphore_mem>>) src(%dma_wait3A_245 : memref<80x128xf32, #tpu.memory_space<vmem>>) dst(%dma_wait3A_241 : memref<80x128xf32, #tpu.memory_space<vmem_shared>>)
      tpu.yield
    }) : () -> ()
    %mul3A_34 = arith.constant 640 : i32
    %mul3A_35 = arith.muli %arg1, %mul3A_34 : i32
    %add3A_36 = arith.constant 320 : i32
    %add3A_37 = arith.addi %mul3A_35, %add3A_36 : i32
    %run_scoped3A_38 = arith.constant 0 : i32
    "tpu.region"() ({
      %run_scoped3A_221 = tpu.sem_alloc : memref<!tpu.dma_semaphore, #tpu.memory_space<semaphore_mem>>
      %dma_start3A_222 = arith.constant 0 : i32
      %dma_start3A_223 = arith.constant 0 : i32
      %dma_start3A_224 = tpu.memref_slice %arg6[%run_scoped3A_38, %dma_start3A_222, %dma_start3A_223] : memref<2x80x128xf32, #tpu.memory_space<vmem>> -> memref<1x80x128xf32, #tpu.memory_space<vmem>>
      %dma_start3A_225 = tpu.memref_squeeze %dma_start3A_224 : memref<1x80x128xf32, #tpu.memory_space<vmem>> -> memref<80x128xf32, #tpu.memory_space<vmem>>
      %dma_start3A_226 = arith.constant 0 : i32
      %dma_start3A_227 = tpu.memref_slice %arg7[%add3A_37, %dma_start3A_226] : memref<10240x128xf32, #tpu.memory_space<vmem_shared>> -> memref<80x128xf32, #tpu.memory_space<vmem_shared>>
      %dma_start3A_228 = arith.constant 0 : i32
      %dma_start3A_229 = tpu.memref_slice %arg7[%add3A_37, %dma_start3A_228] : memref<10240x128xf32, #tpu.memory_space<vmem_shared>> -> memref<80x128xf32, #tpu.memory_space<vmem_shared>>
      %dma_start3A_230 = arith.constant 0 : i32
      %dma_start3A_231 = arith.constant 0 : i32
      %dma_start3A_232 = tpu.memref_slice %arg6[%run_scoped3A_38, %dma_start3A_230, %dma_start3A_231] : memref<2x80x128xf32, #tpu.memory_space<vmem>> -> memref<1x80x128xf32, #tpu.memory_space<vmem>>
      %dma_start3A_233 = tpu.memref_squeeze %dma_start3A_232 : memref<1x80x128xf32, #tpu.memory_space<vmem>> -> memref<80x128xf32, #tpu.memory_space<vmem>>
      tpu.enqueue_dma source(%dma_start3A_233 : memref<80x128xf32, #tpu.memory_space<vmem>>) target(%dma_start3A_229 : memref<80x128xf32, #tpu.memory_space<vmem_shared>>) target_semaphore(%run_scoped3A_221 : memref<!tpu.dma_semaphore, #tpu.memory_space<semaphore_mem>>)
      %dma_wait3A_234 = arith.constant 0 : i32
      %dma_wait3A_235 = arith.constant 0 : i32
      %dma_wait3A_236 = tpu.memref_slice %arg6[%run_scoped3A_38, %dma_wait3A_234, %dma_wait3A_235] : memref<2x80x128xf32, #tpu.memory_space<vmem>> -> memref<1x80x128xf32, #tpu.memory_space<vmem>>
      %dma_wait3A_237 = tpu.memref_squeeze %dma_wait3A_236 : memref<1x80x128xf32, #tpu.memory_space<vmem>> -> memref<80x128xf32, #tpu.memory_space<vmem>>
      %dma_wait3A_238 = arith.constant 0 : i32
      %dma_wait3A_239 = tpu.memref_slice %arg7[%add3A_37, %dma_wait3A_238] : memref<10240x128xf32, #tpu.memory_space<vmem_shared>> -> memref<80x128xf32, #tpu.memory_space<vmem_shared>>
      %dma_wait3A_240 = arith.constant 0 : i32
      %dma_wait3A_241 = tpu.memref_slice %arg7[%add3A_37, %dma_wait3A_240] : memref<10240x128xf32, #tpu.memory_space<vmem_shared>> -> memref<80x128xf32, #tpu.memory_space<vmem_shared>>
      %dma_wait3A_242 = arith.constant 0 : i32
      %dma_wait3A_243 = arith.constant 0 : i32
      %dma_wait3A_244 = tpu.memref_slice %arg6[%run_scoped3A_38, %dma_wait3A_242, %dma_wait3A_243] : memref<2x80x128xf32, #tpu.memory_space<vmem>> -> memref<1x80x128xf32, #tpu.memory_space<vmem>>
      %dma_wait3A_245 = tpu.memref_squeeze %dma_wait3A_244 : memref<1x80x128xf32, #tpu.memory_space<vmem>> -> memref<80x128xf32, #tpu.memory_space<vmem>>
      tpu.wait_dma2 semaphore(%run_scoped3A_221 : memref<!tpu.dma_semaphore, #tpu.memory_space<semaphore_mem>>) src(%dma_wait3A_245 : memref<80x128xf32, #tpu.memory_space<vmem>>) dst(%dma_wait3A_241 : memref<80x128xf32, #tpu.memory_space<vmem_shared>>)
      tpu.yield
    }) : () -> ()
    %mul3A_39 = arith.constant 640 : i32
    %mul3A_40 = arith.muli %arg1, %mul3A_39 : i32
    %add3A_41 = arith.constant 400 : i32
    %add3A_42 = arith.addi %mul3A_40, %add3A_41 : i32
    %run_scoped3A_43 = arith.constant 0 : i32
    "tpu.region"() ({
      %run_scoped3A_221 = tpu.sem_alloc : memref<!tpu.dma_semaphore, #tpu.memory_space<semaphore_mem>>
      %dma_start3A_222 = arith.constant 0 : i32
      %dma_start3A_223 = arith.constant 0 : i32
      %dma_start3A_224 = tpu.memref_slice %arg6[%run_scoped3A_43, %dma_start3A_222, %dma_start3A_223] : memref<2x80x128xf32, #tpu.memory_space<vmem>> -> memref<1x80x128xf32, #tpu.memory_space<vmem>>
      %dma_start3A_225 = tpu.memref_squeeze %dma_start3A_224 : memref<1x80x128xf32, #tpu.memory_space<vmem>> -> memref<80x128xf32, #tpu.memory_space<vmem>>
      %dma_start3A_226 = arith.constant 0 : i32
      %dma_start3A_227 = tpu.memref_slice %arg7[%add3A_42, %dma_start3A_226] : memref<10240x128xf32, #tpu.memory_space<vmem_shared>> -> memref<80x128xf32, #tpu.memory_space<vmem_shared>>
      %dma_start3A_228 = arith.constant 0 : i32
      %dma_start3A_229 = tpu.memref_slice %arg7[%add3A_42, %dma_start3A_228] : memref<10240x128xf32, #tpu.memory_space<vmem_shared>> -> memref<80x128xf32, #tpu.memory_space<vmem_shared>>
      %dma_start3A_230 = arith.constant 0 : i32
      %dma_start3A_231 = arith.constant 0 : i32
      %dma_start3A_232 = tpu.memref_slice %arg6[%run_scoped3A_43, %dma_start3A_230, %dma_start3A_231] : memref<2x80x128xf32, #tpu.memory_space<vmem>> -> memref<1x80x128xf32, #tpu.memory_space<vmem>>
      %dma_start3A_233 = tpu.memref_squeeze %dma_start3A_232 : memref<1x80x128xf32, #tpu.memory_space<vmem>> -> memref<80x128xf32, #tpu.memory_space<vmem>>
      tpu.enqueue_dma source(%dma_start3A_233 : memref<80x128xf32, #tpu.memory_space<vmem>>) target(%dma_start3A_229 : memref<80x128xf32, #tpu.memory_space<vmem_shared>>) target_semaphore(%run_scoped3A_221 : memref<!tpu.dma_semaphore, #tpu.memory_space<semaphore_mem>>)
      %dma_wait3A_234 = arith.constant 0 : i32
      %dma_wait3A_235 = arith.constant 0 : i32
      %dma_wait3A_236 = tpu.memref_slice %arg6[%run_scoped3A_43, %dma_wait3A_234, %dma_wait3A_235] : memref<2x80x128xf32, #tpu.memory_space<vmem>> -> memref<1x80x128xf32, #tpu.memory_space<vmem>>
      %dma_wait3A_237 = tpu.memref_squeeze %dma_wait3A_236 : memref<1x80x128xf32, #tpu.memory_space<vmem>> -> memref<80x128xf32, #tpu.memory_space<vmem>>
      %dma_wait3A_238 = arith.constant 0 : i32
      %dma_wait3A_239 = tpu.memref_slice %arg7[%add3A_42, %dma_wait3A_238] : memref<10240x128xf32, #tpu.memory_space<vmem_shared>> -> memref<80x128xf32, #tpu.memory_space<vmem_shared>>
      %dma_wait3A_240 = arith.constant 0 : i32
      %dma_wait3A_241 = tpu.memref_slice %arg7[%add3A_42, %dma_wait3A_240] : memref<10240x128xf32, #tpu.memory_space<vmem_shared>> -> memref<80x128xf32, #tpu.memory_space<vmem_shared>>
      %dma_wait3A_242 = arith.constant 0 : i32
      %dma_wait3A_243 = arith.constant 0 : i32
      %dma_wait3A_244 = tpu.memref_slice %arg6[%run_scoped3A_43, %dma_wait3A_242, %dma_wait3A_243] : memref<2x80x128xf32, #tpu.memory_space<vmem>> -> memref<1x80x128xf32, #tpu.memory_space<vmem>>
      %dma_wait3A_245 = tpu.memref_squeeze %dma_wait3A_244 : memref<1x80x128xf32, #tpu.memory_space<vmem>> -> memref<80x128xf32, #tpu.memory_space<vmem>>
      tpu.wait_dma2 semaphore(%run_scoped3A_221 : memref<!tpu.dma_semaphore, #tpu.memory_space<semaphore_mem>>) src(%dma_wait3A_245 : memref<80x128xf32, #tpu.memory_space<vmem>>) dst(%dma_wait3A_241 : memref<80x128xf32, #tpu.memory_space<vmem_shared>>)
      tpu.yield
    }) : () -> ()
    %mul3A_44 = arith.constant 640 : i32
    %mul3A_45 = arith.muli %arg1, %mul3A_44 : i32
    %add3A_46 = arith.constant 480 : i32
    %add3A_47 = arith.addi %mul3A_45, %add3A_46 : i32
    %run_scoped3A_48 = arith.constant 0 : i32
    "tpu.region"() ({
      %run_scoped3A_221 = tpu.sem_alloc : memref<!tpu.dma_semaphore, #tpu.memory_space<semaphore_mem>>
      %dma_start3A_222 = arith.constant 0 : i32
      %dma_start3A_223 = arith.constant 0 : i32
      %dma_start3A_224 = tpu.memref_slice %arg6[%run_scoped3A_48, %dma_start3A_222, %dma_start3A_223] : memref<2x80x128xf32, #tpu.memory_space<vmem>> -> memref<1x80x128xf32, #tpu.memory_space<vmem>>
      %dma_start3A_225 = tpu.memref_squeeze %dma_start3A_224 : memref<1x80x128xf32, #tpu.memory_space<vmem>> -> memref<80x128xf32, #tpu.memory_space<vmem>>
      %dma_start3A_226 = arith.constant 0 : i32
      %dma_start3A_227 = tpu.memref_slice %arg7[%add3A_47, %dma_start3A_226] : memref<10240x128xf32, #tpu.memory_space<vmem_shared>> -> memref<80x128xf32, #tpu.memory_space<vmem_shared>>
      %dma_start3A_228 = arith.constant 0 : i32
      %dma_start3A_229 = tpu.memref_slice %arg7[%add3A_47, %dma_start3A_228] : memref<10240x128xf32, #tpu.memory_space<vmem_shared>> -> memref<80x128xf32, #tpu.memory_space<vmem_shared>>
      %dma_start3A_230 = arith.constant 0 : i32
      %dma_start3A_231 = arith.constant 0 : i32
      %dma_start3A_232 = tpu.memref_slice %arg6[%run_scoped3A_48, %dma_start3A_230, %dma_start3A_231] : memref<2x80x128xf32, #tpu.memory_space<vmem>> -> memref<1x80x128xf32, #tpu.memory_space<vmem>>
      %dma_start3A_233 = tpu.memref_squeeze %dma_start3A_232 : memref<1x80x128xf32, #tpu.memory_space<vmem>> -> memref<80x128xf32, #tpu.memory_space<vmem>>
      tpu.enqueue_dma source(%dma_start3A_233 : memref<80x128xf32, #tpu.memory_space<vmem>>) target(%dma_start3A_229 : memref<80x128xf32, #tpu.memory_space<vmem_shared>>) target_semaphore(%run_scoped3A_221 : memref<!tpu.dma_semaphore, #tpu.memory_space<semaphore_mem>>)
      %dma_wait3A_234 = arith.constant 0 : i32
      %dma_wait3A_235 = arith.constant 0 : i32
      %dma_wait3A_236 = tpu.memref_slice %arg6[%run_scoped3A_48, %dma_wait3A_234, %dma_wait3A_235] : memref<2x80x128xf32, #tpu.memory_space<vmem>> -> memref<1x80x128xf32, #tpu.memory_space<vmem>>
      %dma_wait3A_237 = tpu.memref_squeeze %dma_wait3A_236 : memref<1x80x128xf32, #tpu.memory_space<vmem>> -> memref<80x128xf32, #tpu.memory_space<vmem>>
      %dma_wait3A_238 = arith.constant 0 : i32
      %dma_wait3A_239 = tpu.memref_slice %arg7[%add3A_47, %dma_wait3A_238] : memref<10240x128xf32, #tpu.memory_space<vmem_shared>> -> memref<80x128xf32, #tpu.memory_space<vmem_shared>>
      %dma_wait3A_240 = arith.constant 0 : i32
      %dma_wait3A_241 = tpu.memref_slice %arg7[%add3A_47, %dma_wait3A_240] : memref<10240x128xf32, #tpu.memory_space<vmem_shared>> -> memref<80x128xf32, #tpu.memory_space<vmem_shared>>
      %dma_wait3A_242 = arith.constant 0 : i32
      %dma_wait3A_243 = arith.constant 0 : i32
      %dma_wait3A_244 = tpu.memref_slice %arg6[%run_scoped3A_48, %dma_wait3A_242, %dma_wait3A_243] : memref<2x80x128xf32, #tpu.memory_space<vmem>> -> memref<1x80x128xf32, #tpu.memory_space<vmem>>
      %dma_wait3A_245 = tpu.memref_squeeze %dma_wait3A_244 : memref<1x80x128xf32, #tpu.memory_space<vmem>> -> memref<80x128xf32, #tpu.memory_space<vmem>>
      tpu.wait_dma2 semaphore(%run_scoped3A_221 : memref<!tpu.dma_semaphore, #tpu.memory_space<semaphore_mem>>) src(%dma_wait3A_245 : memref<80x128xf32, #tpu.memory_space<vmem>>) dst(%dma_wait3A_241 : memref<80x128xf32, #tpu.memory_space<vmem_shared>>)
      tpu.yield
    }) : () -> ()
    %mul3A_49 = arith.constant 640 : i32
    %mul3A_50 = arith.muli %arg1, %mul3A_49 : i32
    %add3A_51 = arith.constant 560 : i32
    %add3A_52 = arith.addi %mul3A_50, %add3A_51 : i32
    %run_scoped3A_53 = arith.constant 0 : i32
    "tpu.region"() ({
      %run_scoped3A_221 = tpu.sem_alloc : memref<!tpu.dma_semaphore, #tpu.memory_space<semaphore_mem>>
      %dma_start3A_222 = arith.constant 0 : i32
      %dma_start3A_223 = arith.constant 0 : i32
      %dma_start3A_224 = tpu.memref_slice %arg6[%run_scoped3A_53, %dma_start3A_222, %dma_start3A_223] : memref<2x80x128xf32, #tpu.memory_space<vmem>> -> memref<1x80x128xf32, #tpu.memory_space<vmem>>
      %dma_start3A_225 = tpu.memref_squeeze %dma_start3A_224 : memref<1x80x128xf32, #tpu.memory_space<vmem>> -> memref<80x128xf32, #tpu.memory_space<vmem>>
      %dma_start3A_226 = arith.constant 0 : i32
      %dma_start3A_227 = tpu.memref_slice %arg7[%add3A_52, %dma_start3A_226] : memref<10240x128xf32, #tpu.memory_space<vmem_shared>> -> memref<80x128xf32, #tpu.memory_space<vmem_shared>>
      %dma_start3A_228 = arith.constant 0 : i32
      %dma_start3A_229 = tpu.memref_slice %arg7[%add3A_52, %dma_start3A_228] : memref<10240x128xf32, #tpu.memory_space<vmem_shared>> -> memref<80x128xf32, #tpu.memory_space<vmem_shared>>
      %dma_start3A_230 = arith.constant 0 : i32
      %dma_start3A_231 = arith.constant 0 : i32
      %dma_start3A_232 = tpu.memref_slice %arg6[%run_scoped3A_53, %dma_start3A_230, %dma_start3A_231] : memref<2x80x128xf32, #tpu.memory_space<vmem>> -> memref<1x80x128xf32, #tpu.memory_space<vmem>>
      %dma_start3A_233 = tpu.memref_squeeze %dma_start3A_232 : memref<1x80x128xf32, #tpu.memory_space<vmem>> -> memref<80x128xf32, #tpu.memory_space<vmem>>
      tpu.enqueue_dma source(%dma_start3A_233 : memref<80x128xf32, #tpu.memory_space<vmem>>) target(%dma_start3A_229 : memref<80x128xf32, #tpu.memory_space<vmem_shared>>) target_semaphore(%run_scoped3A_221 : memref<!tpu.dma_semaphore, #tpu.memory_space<semaphore_mem>>)
      %dma_wait3A_234 = arith.constant 0 : i32
      %dma_wait3A_235 = arith.constant 0 : i32
      %dma_wait3A_236 = tpu.memref_slice %arg6[%run_scoped3A_53, %dma_wait3A_234, %dma_wait3A_235] : memref<2x80x128xf32, #tpu.memory_space<vmem>> -> memref<1x80x128xf32, #tpu.memory_space<vmem>>
      %dma_wait3A_237 = tpu.memref_squeeze %dma_wait3A_236 : memref<1x80x128xf32, #tpu.memory_space<vmem>> -> memref<80x128xf32, #tpu.memory_space<vmem>>
      %dma_wait3A_238 = arith.constant 0 : i32
      %dma_wait3A_239 = tpu.memref_slice %arg7[%add3A_52, %dma_wait3A_238] : memref<10240x128xf32, #tpu.memory_space<vmem_shared>> -> memref<80x128xf32, #tpu.memory_space<vmem_shared>>
      %dma_wait3A_240 = arith.constant 0 : i32
      %dma_wait3A_241 = tpu.memref_slice %arg7[%add3A_52, %dma_wait3A_240] : memref<10240x128xf32, #tpu.memory_space<vmem_shared>> -> memref<80x128xf32, #tpu.memory_space<vmem_shared>>
      %dma_wait3A_242 = arith.constant 0 : i32
      %dma_wait3A_243 = arith.constant 0 : i32
      %dma_wait3A_244 = tpu.memref_slice %arg6[%run_scoped3A_53, %dma_wait3A_242, %dma_wait3A_243] : memref<2x80x128xf32, #tpu.memory_space<vmem>> -> memref<1x80x128xf32, #tpu.memory_space<vmem>>
      %dma_wait3A_245 = tpu.memref_squeeze %dma_wait3A_244 : memref<1x80x128xf32, #tpu.memory_space<vmem>> -> memref<80x128xf32, #tpu.memory_space<vmem>>
      tpu.wait_dma2 semaphore(%run_scoped3A_221 : memref<!tpu.dma_semaphore, #tpu.memory_space<semaphore_mem>>) src(%dma_wait3A_245 : memref<80x128xf32, #tpu.memory_space<vmem>>) dst(%dma_wait3A_241 : memref<80x128xf32, #tpu.memory_space<vmem_shared>>)
      tpu.yield
    }) : () -> ()
    %dma_wait3A = arith.constant 0 : i32
    %dma_wait3A_54 = arith.constant 0 : i32
    %dma_wait3A_55 = tpu.memref_slice %arg3[%add3A, %dma_wait3A, %dma_wait3A_54] : memref<32x125x80xi32, #tpu.memory_space<hbm>> -> memref<1x125x80xi32, #tpu.memory_space<hbm>>
    %dma_wait3A_56 = tpu.memref_squeeze %dma_wait3A_55 : memref<1x125x80xi32, #tpu.memory_space<hbm>> -> memref<125x80xi32, #tpu.memory_space<hbm>>
    %dma_wait3A_57 = arith.constant 0 : i32
    %dma_wait3A_58 = arith.constant 0 : i32
    %dma_wait3A_59 = tpu.memref_slice %arg3[%add3A, %dma_wait3A_57, %dma_wait3A_58] : memref<32x125x80xi32, #tpu.memory_space<hbm>> -> memref<1x125x80xi32, #tpu.memory_space<hbm>>
    %dma_wait3A_60 = tpu.memref_squeeze %dma_wait3A_59 : memref<1x125x80xi32, #tpu.memory_space<hbm>> -> memref<125x80xi32, #tpu.memory_space<hbm>>
    tpu.wait_dma2 semaphore(%arg10 : memref<!tpu.dma_semaphore, #tpu.memory_space<semaphore_mem>>) src(%dma_wait3A_60 : memref<125x80xi32, #tpu.memory_space<hbm>>) dst(%arg5 : memref<125x80xi32, #tpu.memory_space<vmem>>)
    %barrier3A = arith.constant 0 : index
    tpu.barrier barrier_id(%barrier3A)
    %add3A_61 = arith.constant 0 : i32
    %add3A_62 = arith.addi %mul3A_2, %add3A_61 : i32
    %dma_start3A_63 = arith.constant 0 : i32
    %dma_start3A_64 = arith.constant 0 : i32
    %dma_start3A_65 = arith.constant 0 : i32
    %dma_start3A_66 = tpu.memref_slice %arg6[%dma_start3A_63, %dma_start3A_64, %dma_start3A_65] : memref<2x80x128xf32, #tpu.memory_space<vmem>> -> memref<1x80x128xf32, #tpu.memory_space<vmem>>
    %dma_start3A_67 = tpu.memref_squeeze %dma_start3A_66 : memref<1x80x128xf32, #tpu.memory_space<vmem>> -> memref<80x128xf32, #tpu.memory_space<vmem>>
    %dma_start3A_68 = arith.constant 0 : i32
    %dma_start3A_69 = tpu.memref_slice %arg2[%add3A_62, %dma_start3A_68] : memref<320000x128xf32, #tpu.memory_space<hbm>> -> memref<80x128xf32, #tpu.memory_space<hbm>>
    %dma_start3A_70 = arith.constant 0 : i32
    %dma_start3A_71 = arith.constant 0 : i32
    %dma_start3A_72 = tpu.memref_slice %arg6[%dma_start3A_63, %dma_start3A_70, %dma_start3A_71] : memref<2x80x128xf32, #tpu.memory_space<vmem>> -> memref<1x80x128xf32, #tpu.memory_space<vmem>>
    %dma_start3A_73 = tpu.memref_squeeze %dma_start3A_72 : memref<1x80x128xf32, #tpu.memory_space<vmem>> -> memref<80x128xf32, #tpu.memory_space<vmem>>
    %dma_start3A_74 = arith.constant 0 : i32
    %dma_start3A_75 = tpu.memref_slice %arg2[%add3A_62, %dma_start3A_74] : memref<320000x128xf32, #tpu.memory_space<hbm>> -> memref<80x128xf32, #tpu.memory_space<hbm>>
    tpu.enqueue_dma source(%dma_start3A_75 : memref<80x128xf32, #tpu.memory_space<hbm>>) target(%dma_start3A_73 : memref<80x128xf32, #tpu.memory_space<vmem>>) target_semaphore(%arg8 : memref<!tpu.dma_semaphore, #tpu.memory_space<semaphore_mem>>)
    %add3A_76 = arith.constant 80 : i32
    %add3A_77 = arith.addi %mul3A_2, %add3A_76 : i32
    %dma_start3A_78 = arith.constant 1 : i32
    %dma_start3A_79 = arith.constant 0 : i32
    %dma_start3A_80 = arith.constant 0 : i32
    %dma_start3A_81 = tpu.memref_slice %arg6[%dma_start3A_78, %dma_start3A_79, %dma_start3A_80] : memref<2x80x128xf32, #tpu.memory_space<vmem>> -> memref<1x80x128xf32, #tpu.memory_space<vmem>>
    %dma_start3A_82 = tpu.memref_squeeze %dma_start3A_81 : memref<1x80x128xf32, #tpu.memory_space<vmem>> -> memref<80x128xf32, #tpu.memory_space<vmem>>
    %dma_start3A_83 = arith.constant 0 : i32
    %dma_start3A_84 = tpu.memref_slice %arg2[%add3A_77, %dma_start3A_83] : memref<320000x128xf32, #tpu.memory_space<hbm>> -> memref<80x128xf32, #tpu.memory_space<hbm>>
    %dma_start3A_85 = arith.constant 0 : i32
    %dma_start3A_86 = arith.constant 0 : i32
    %dma_start3A_87 = tpu.memref_slice %arg6[%dma_start3A_78, %dma_start3A_85, %dma_start3A_86] : memref<2x80x128xf32, #tpu.memory_space<vmem>> -> memref<1x80x128xf32, #tpu.memory_space<vmem>>
    %dma_start3A_88 = tpu.memref_squeeze %dma_start3A_87 : memref<1x80x128xf32, #tpu.memory_space<vmem>> -> memref<80x128xf32, #tpu.memory_space<vmem>>
    %dma_start3A_89 = arith.constant 0 : i32
    %dma_start3A_90 = tpu.memref_slice %arg2[%add3A_77, %dma_start3A_89] : memref<320000x128xf32, #tpu.memory_space<hbm>> -> memref<80x128xf32, #tpu.memory_space<hbm>>
    tpu.enqueue_dma source(%dma_start3A_90 : memref<80x128xf32, #tpu.memory_space<hbm>>) target(%dma_start3A_88 : memref<80x128xf32, #tpu.memory_space<vmem>>) target_semaphore(%arg9 : memref<!tpu.dma_semaphore, #tpu.memory_space<semaphore_mem>>)
    %dma_wait3A_91 = arith.constant 0 : i32
    %dma_wait3A_92 = arith.constant 0 : i32
    %dma_wait3A_93 = arith.constant 0 : i32
    %dma_wait3A_94 = tpu.memref_slice %arg6[%dma_wait3A_91, %dma_wait3A_92, %dma_wait3A_93] : memref<2x80x128xf32, #tpu.memory_space<vmem>> -> memref<1x80x128xf32, #tpu.memory_space<vmem>>
    %dma_wait3A_95 = tpu.memref_squeeze %dma_wait3A_94 : memref<1x80x128xf32, #tpu.memory_space<vmem>> -> memref<80x128xf32, #tpu.memory_space<vmem>>
    %dma_wait3A_96 = arith.constant 0 : i32
    %dma_wait3A_97 = tpu.memref_slice %arg2[%mul3A_2, %dma_wait3A_96] : memref<320000x128xf32, #tpu.memory_space<hbm>> -> memref<80x128xf32, #tpu.memory_space<hbm>>
    %dma_wait3A_98 = arith.constant 0 : i32
    %dma_wait3A_99 = arith.constant 0 : i32
    %dma_wait3A_100 = tpu.memref_slice %arg6[%dma_wait3A_91, %dma_wait3A_98, %dma_wait3A_99] : memref<2x80x128xf32, #tpu.memory_space<vmem>> -> memref<1x80x128xf32, #tpu.memory_space<vmem>>
    %dma_wait3A_101 = tpu.memref_squeeze %dma_wait3A_100 : memref<1x80x128xf32, #tpu.memory_space<vmem>> -> memref<80x128xf32, #tpu.memory_space<vmem>>
    %dma_wait3A_102 = arith.constant 0 : i32
    %dma_wait3A_103 = tpu.memref_slice %arg2[%mul3A_2, %dma_wait3A_102] : memref<320000x128xf32, #tpu.memory_space<hbm>> -> memref<80x128xf32, #tpu.memory_space<hbm>>
    tpu.wait_dma2 semaphore(%arg8 : memref<!tpu.dma_semaphore, #tpu.memory_space<semaphore_mem>>) src(%dma_wait3A_103 : memref<80x128xf32, #tpu.memory_space<hbm>>) dst(%dma_wait3A_101 : memref<80x128xf32, #tpu.memory_space<vmem>>)
    %run_scoped3A_104 = arith.constant 0 : i32
    %run_scoped3A_105 = arith.constant 0 : i32
    "tpu.region"() ({
      %run_scoped3A_221 = tpu.sem_alloc : memref<!tpu.dma_semaphore, #tpu.memory_space<semaphore_mem>>
      %dma_start3A_222 = arith.constant 0 : i32
      %dma_start3A_223 = arith.constant 0 : i32
      %dma_start3A_224 = tpu.memref_slice %arg6[%run_scoped3A_104, %dma_start3A_222, %dma_start3A_223] : memref<2x80x128xf32, #tpu.memory_space<vmem>> -> memref<1x80x128xf32, #tpu.memory_space<vmem>>
      %dma_start3A_225 = tpu.memref_squeeze %dma_start3A_224 : memref<1x80x128xf32, #tpu.memory_space<vmem>> -> memref<80x128xf32, #tpu.memory_space<vmem>>
      %dma_start3A_226 = arith.constant 0 : i32
      %dma_start3A_227 = tpu.memref_slice %arg5[%run_scoped3A_105, %dma_start3A_226] : memref<125x80xi32, #tpu.memory_space<vmem>> -> memref<1x80xi32, #tpu.memory_space<vmem>>
      %dma_start3A_228 = tpu.memref_squeeze %dma_start3A_227 : memref<1x80xi32, #tpu.memory_space<vmem>> -> memref<80xi32, #tpu.memory_space<vmem>>
      %dma_start3A_229 = arith.constant 0 : i32
      %dma_start3A_230 = arith.constant 0 : i32
      %dma_start3A_231 = tpu.memref_slice %arg7[%dma_start3A_229, %dma_start3A_230] : memref<10240x128xf32, #tpu.memory_space<vmem_shared>> -> memref<10240x128xf32, #tpu.memory_space<vmem_shared>>
      tpu.enqueue_indirect_dma source(%dma_start3A_225 : memref<80x128xf32, #tpu.memory_space<vmem>>) target(%dma_start3A_231 : memref<10240x128xf32, #tpu.memory_space<vmem_shared>>) offsets(%dma_start3A_228 : memref<80xi32, #tpu.memory_space<vmem>>) semaphore(%run_scoped3A_221 : memref<!tpu.dma_semaphore, #tpu.memory_space<semaphore_mem>>) {add = true}
      %dma_wait3A_232 = arith.constant 0 : i32
      %dma_wait3A_233 = arith.constant 0 : i32
      %dma_wait3A_234 = tpu.memref_slice %arg6[%run_scoped3A_104, %dma_wait3A_232, %dma_wait3A_233] : memref<2x80x128xf32, #tpu.memory_space<vmem>> -> memref<1x80x128xf32, #tpu.memory_space<vmem>>
      %dma_wait3A_235 = tpu.memref_squeeze %dma_wait3A_234 : memref<1x80x128xf32, #tpu.memory_space<vmem>> -> memref<80x128xf32, #tpu.memory_space<vmem>>
      %dma_wait3A_236 = arith.constant 0 : i32
      %dma_wait3A_237 = tpu.memref_slice %arg5[%run_scoped3A_105, %dma_wait3A_236] : memref<125x80xi32, #tpu.memory_space<vmem>> -> memref<1x80xi32, #tpu.memory_space<vmem>>
      %dma_wait3A_238 = tpu.memref_squeeze %dma_wait3A_237 : memref<1x80xi32, #tpu.memory_space<vmem>> -> memref<80xi32, #tpu.memory_space<vmem>>
      %dma_wait3A_239 = arith.constant 0 : i32
      %dma_wait3A_240 = arith.constant 0 : i32
      %dma_wait3A_241 = tpu.memref_slice %arg7[%dma_wait3A_239, %dma_wait3A_240] : memref<10240x128xf32, #tpu.memory_space<vmem_shared>> -> memref<10240x128xf32, #tpu.memory_space<vmem_shared>>
      tpu.wait_indirect_dma semaphore(%run_scoped3A_221 : memref<!tpu.dma_semaphore, #tpu.memory_space<semaphore_mem>>) src(%dma_wait3A_235 : memref<80x128xf32, #tpu.memory_space<vmem>>) dst(%dma_wait3A_241 : memref<10240x128xf32, #tpu.memory_space<vmem_shared>>)
      tpu.yield
    }) : () -> ()
    %add3A_106 = arith.constant 160 : i32
    %add3A_107 = arith.addi %mul3A_2, %add3A_106 : i32
    %dma_start3A_108 = arith.constant 0 : i32
    %dma_start3A_109 = arith.constant 0 : i32
    %dma_start3A_110 = arith.constant 0 : i32
    %dma_start3A_111 = tpu.memref_slice %arg6[%dma_start3A_108, %dma_start3A_109, %dma_start3A_110] : memref<2x80x128xf32, #tpu.memory_space<vmem>> -> memref<1x80x128xf32, #tpu.memory_space<vmem>>
    %dma_start3A_112 = tpu.memref_squeeze %dma_start3A_111 : memref<1x80x128xf32, #tpu.memory_space<vmem>> -> memref<80x128xf32, #tpu.memory_space<vmem>>
    %dma_start3A_113 = arith.constant 0 : i32
    %dma_start3A_114 = tpu.memref_slice %arg2[%add3A_107, %dma_start3A_113] : memref<320000x128xf32, #tpu.memory_space<hbm>> -> memref<80x128xf32, #tpu.memory_space<hbm>>
    %dma_start3A_115 = arith.constant 0 : i32
    %dma_start3A_116 = arith.constant 0 : i32
    %dma_start3A_117 = tpu.memref_slice %arg6[%dma_start3A_108, %dma_start3A_115, %dma_start3A_116] : memref<2x80x128xf32, #tpu.memory_space<vmem>> -> memref<1x80x128xf32, #tpu.memory_space<vmem>>
    %dma_start3A_118 = tpu.memref_squeeze %dma_start3A_117 : memref<1x80x128xf32, #tpu.memory_space<vmem>> -> memref<80x128xf32, #tpu.memory_space<vmem>>
    %dma_start3A_119 = arith.constant 0 : i32
    %dma_start3A_120 = tpu.memref_slice %arg2[%add3A_107, %dma_start3A_119] : memref<320000x128xf32, #tpu.memory_space<hbm>> -> memref<80x128xf32, #tpu.memory_space<hbm>>
    tpu.enqueue_dma source(%dma_start3A_120 : memref<80x128xf32, #tpu.memory_space<hbm>>) target(%dma_start3A_118 : memref<80x128xf32, #tpu.memory_space<vmem>>) target_semaphore(%arg8 : memref<!tpu.dma_semaphore, #tpu.memory_space<semaphore_mem>>)
    %dma_wait3A_121 = arith.constant 1 : i32
    %dma_wait3A_122 = arith.constant 0 : i32
    %dma_wait3A_123 = arith.constant 0 : i32
    %dma_wait3A_124 = tpu.memref_slice %arg6[%dma_wait3A_121, %dma_wait3A_122, %dma_wait3A_123] : memref<2x80x128xf32, #tpu.memory_space<vmem>> -> memref<1x80x128xf32, #tpu.memory_space<vmem>>
    %dma_wait3A_125 = tpu.memref_squeeze %dma_wait3A_124 : memref<1x80x128xf32, #tpu.memory_space<vmem>> -> memref<80x128xf32, #tpu.memory_space<vmem>>
    %dma_wait3A_126 = arith.constant 0 : i32
    %dma_wait3A_127 = tpu.memref_slice %arg2[%mul3A_2, %dma_wait3A_126] : memref<320000x128xf32, #tpu.memory_space<hbm>> -> memref<80x128xf32, #tpu.memory_space<hbm>>
    %dma_wait3A_128 = arith.constant 0 : i32
    %dma_wait3A_129 = arith.constant 0 : i32
    %dma_wait3A_130 = tpu.memref_slice %arg6[%dma_wait3A_121, %dma_wait3A_128, %dma_wait3A_129] : memref<2x80x128xf32, #tpu.memory_space<vmem>> -> memref<1x80x128xf32, #tpu.memory_space<vmem>>
    %dma_wait3A_131 = tpu.memref_squeeze %dma_wait3A_130 : memref<1x80x128xf32, #tpu.memory_space<vmem>> -> memref<80x128xf32, #tpu.memory_space<vmem>>
    %dma_wait3A_132 = arith.constant 0 : i32
    %dma_wait3A_133 = tpu.memref_slice %arg2[%mul3A_2, %dma_wait3A_132] : memref<320000x128xf32, #tpu.memory_space<hbm>> -> memref<80x128xf32, #tpu.memory_space<hbm>>
    tpu.wait_dma2 semaphore(%arg9 : memref<!tpu.dma_semaphore, #tpu.memory_space<semaphore_mem>>) src(%dma_wait3A_133 : memref<80x128xf32, #tpu.memory_space<hbm>>) dst(%dma_wait3A_131 : memref<80x128xf32, #tpu.memory_space<vmem>>)
    %run_scoped3A_134 = arith.constant 1 : i32
    %run_scoped3A_135 = arith.constant 1 : i32
    "tpu.region"() ({
      %run_scoped3A_221 = tpu.sem_alloc : memref<!tpu.dma_semaphore, #tpu.memory_space<semaphore_mem>>
      %dma_start3A_222 = arith.constant 0 : i32
      %dma_start3A_223 = arith.constant 0 : i32
      %dma_start3A_224 = tpu.memref_slice %arg6[%run_scoped3A_134, %dma_start3A_222, %dma_start3A_223] : memref<2x80x128xf32, #tpu.memory_space<vmem>> -> memref<1x80x128xf32, #tpu.memory_space<vmem>>
      %dma_start3A_225 = tpu.memref_squeeze %dma_start3A_224 : memref<1x80x128xf32, #tpu.memory_space<vmem>> -> memref<80x128xf32, #tpu.memory_space<vmem>>
      %dma_start3A_226 = arith.constant 0 : i32
      %dma_start3A_227 = tpu.memref_slice %arg5[%run_scoped3A_135, %dma_start3A_226] : memref<125x80xi32, #tpu.memory_space<vmem>> -> memref<1x80xi32, #tpu.memory_space<vmem>>
      %dma_start3A_228 = tpu.memref_squeeze %dma_start3A_227 : memref<1x80xi32, #tpu.memory_space<vmem>> -> memref<80xi32, #tpu.memory_space<vmem>>
      %dma_start3A_229 = arith.constant 0 : i32
      %dma_start3A_230 = arith.constant 0 : i32
      %dma_start3A_231 = tpu.memref_slice %arg7[%dma_start3A_229, %dma_start3A_230] : memref<10240x128xf32, #tpu.memory_space<vmem_shared>> -> memref<10240x128xf32, #tpu.memory_space<vmem_shared>>
      tpu.enqueue_indirect_dma source(%dma_start3A_225 : memref<80x128xf32, #tpu.memory_space<vmem>>) target(%dma_start3A_231 : memref<10240x128xf32, #tpu.memory_space<vmem_shared>>) offsets(%dma_start3A_228 : memref<80xi32, #tpu.memory_space<vmem>>) semaphore(%run_scoped3A_221 : memref<!tpu.dma_semaphore, #tpu.memory_space<semaphore_mem>>) {add = true}
      %dma_wait3A_232 = arith.constant 0 : i32
      %dma_wait3A_233 = arith.constant 0 : i32
      %dma_wait3A_234 = tpu.memref_slice %arg6[%run_scoped3A_134, %dma_wait3A_232, %dma_wait3A_233] : memref<2x80x128xf32, #tpu.memory_space<vmem>> -> memref<1x80x128xf32, #tpu.memory_space<vmem>>
      %dma_wait3A_235 = tpu.memref_squeeze %dma_wait3A_234 : memref<1x80x128xf32, #tpu.memory_space<vmem>> -> memref<80x128xf32, #tpu.memory_space<vmem>>
      %dma_wait3A_236 = arith.constant 0 : i32
      %dma_wait3A_237 = tpu.memref_slice %arg5[%run_scoped3A_135, %dma_wait3A_236] : memref<125x80xi32, #tpu.memory_space<vmem>> -> memref<1x80xi32, #tpu.memory_space<vmem>>
      %dma_wait3A_238 = tpu.memref_squeeze %dma_wait3A_237 : memref<1x80xi32, #tpu.memory_space<vmem>> -> memref<80xi32, #tpu.memory_space<vmem>>
      %dma_wait3A_239 = arith.constant 0 : i32
      %dma_wait3A_240 = arith.constant 0 : i32
      %dma_wait3A_241 = tpu.memref_slice %arg7[%dma_wait3A_239, %dma_wait3A_240] : memref<10240x128xf32, #tpu.memory_space<vmem_shared>> -> memref<10240x128xf32, #tpu.memory_space<vmem_shared>>
      tpu.wait_indirect_dma semaphore(%run_scoped3A_221 : memref<!tpu.dma_semaphore, #tpu.memory_space<semaphore_mem>>) src(%dma_wait3A_235 : memref<80x128xf32, #tpu.memory_space<vmem>>) dst(%dma_wait3A_241 : memref<10240x128xf32, #tpu.memory_space<vmem_shared>>)
      tpu.yield
    }) : () -> ()
    %add3A_136 = arith.constant 240 : i32
    %add3A_137 = arith.addi %mul3A_2, %add3A_136 : i32
    %dma_start3A_138 = arith.constant 1 : i32
    %dma_start3A_139 = arith.constant 0 : i32
    %dma_start3A_140 = arith.constant 0 : i32
    %dma_start3A_141 = tpu.memref_slice %arg6[%dma_start3A_138, %dma_start3A_139, %dma_start3A_140] : memref<2x80x128xf32, #tpu.memory_space<vmem>> -> memref<1x80x128xf32, #tpu.memory_space<vmem>>
    %dma_start3A_142 = tpu.memref_squeeze %dma_start3A_141 : memref<1x80x128xf32, #tpu.memory_space<vmem>> -> memref<80x128xf32, #tpu.memory_space<vmem>>
    %dma_start3A_143 = arith.constant 0 : i32
    %dma_start3A_144 = tpu.memref_slice %arg2[%add3A_137, %dma_start3A_143] : memref<320000x128xf32, #tpu.memory_space<hbm>> -> memref<80x128xf32, #tpu.memory_space<hbm>>
    %dma_start3A_145 = arith.constant 0 : i32
    %dma_start3A_146 = arith.constant 0 : i32
    %dma_start3A_147 = tpu.memref_slice %arg6[%dma_start3A_138, %dma_start3A_145, %dma_start3A_146] : memref<2x80x128xf32, #tpu.memory_space<vmem>> -> memref<1x80x128xf32, #tpu.memory_space<vmem>>
    %dma_start3A_148 = tpu.memref_squeeze %dma_start3A_147 : memref<1x80x128xf32, #tpu.memory_space<vmem>> -> memref<80x128xf32, #tpu.memory_space<vmem>>
    %dma_start3A_149 = arith.constant 0 : i32
    %dma_start3A_150 = tpu.memref_slice %arg2[%add3A_137, %dma_start3A_149] : memref<320000x128xf32, #tpu.memory_space<hbm>> -> memref<80x128xf32, #tpu.memory_space<hbm>>
    tpu.enqueue_dma source(%dma_start3A_150 : memref<80x128xf32, #tpu.memory_space<hbm>>) target(%dma_start3A_148 : memref<80x128xf32, #tpu.memory_space<vmem>>) target_semaphore(%arg9 : memref<!tpu.dma_semaphore, #tpu.memory_space<semaphore_mem>>)
    %scan3A_151 = arith.constant 0 : i32
    %scan3A_152 = arith.constant 60 : i32
    %scan3A_153 = arith.addi %scan3A_151, %scan3A_152 : i32
    %scan3A_154 = arith.constant 1 : i32
    scf.for %scan3A_221 = %scan3A_151 to %scan3A_153 step %scan3A_154  : i32 {
      %mul3A_222 = arith.constant 1 : i32
      %mul3A_223 = arith.muli %scan3A_221, %mul3A_222 : i32
      %add3A_224 = arith.constant 1 : i32
      %add3A_225 = arith.addi %add3A_224, %mul3A_223 : i32
      %mul3A_226 = arith.constant 2 : i32
      %mul3A_227 = arith.muli %mul3A_226, %add3A_225 : i32
      %dma_wait3A_228 = arith.constant 0 : i32
      %dma_wait3A_229 = arith.constant 0 : i32
      %dma_wait3A_230 = arith.constant 0 : i32
      %dma_wait3A_231 = tpu.memref_slice %arg6[%dma_wait3A_228, %dma_wait3A_229, %dma_wait3A_230] : memref<2x80x128xf32, #tpu.memory_space<vmem>> -> memref<1x80x128xf32, #tpu.memory_space<vmem>>
      %dma_wait3A_232 = tpu.memref_squeeze %dma_wait3A_231 : memref<1x80x128xf32, #tpu.memory_space<vmem>> -> memref<80x128xf32, #tpu.memory_space<vmem>>
      %dma_wait3A_233 = arith.constant 0 : i32
      %dma_wait3A_234 = tpu.memref_slice %arg2[%mul3A_2, %dma_wait3A_233] : memref<320000x128xf32, #tpu.memory_space<hbm>> -> memref<80x128xf32, #tpu.memory_space<hbm>>
      %dma_wait3A_235 = arith.constant 0 : i32
      %dma_wait3A_236 = arith.constant 0 : i32
      %dma_wait3A_237 = tpu.memref_slice %arg6[%dma_wait3A_228, %dma_wait3A_235, %dma_wait3A_236] : memref<2x80x128xf32, #tpu.memory_space<vmem>> -> memref<1x80x128xf32, #tpu.memory_space<vmem>>
      %dma_wait3A_238 = tpu.memref_squeeze %dma_wait3A_237 : memref<1x80x128xf32, #tpu.memory_space<vmem>> -> memref<80x128xf32, #tpu.memory_space<vmem>>
      %dma_wait3A_239 = arith.constant 0 : i32
      %dma_wait3A_240 = tpu.memref_slice %arg2[%mul3A_2, %dma_wait3A_239] : memref<320000x128xf32, #tpu.memory_space<hbm>> -> memref<80x128xf32, #tpu.memory_space<hbm>>
      tpu.wait_dma2 semaphore(%arg8 : memref<!tpu.dma_semaphore, #tpu.memory_space<semaphore_mem>>) src(%dma_wait3A_240 : memref<80x128xf32, #tpu.memory_space<hbm>>) dst(%dma_wait3A_238 : memref<80x128xf32, #tpu.memory_space<vmem>>)
      %run_scoped3A_241 = arith.constant 0 : i32
      "tpu.region"() ({
        %run_scoped3A_296 = tpu.sem_alloc : memref<!tpu.dma_semaphore, #tpu.memory_space<semaphore_mem>>
        %dma_start3A_297 = arith.constant 0 : i32
        %dma_start3A_298 = arith.constant 0 : i32
        %dma_start3A_299 = tpu.memref_slice %arg6[%run_scoped3A_241, %dma_start3A_297, %dma_start3A_298] : memref<2x80x128xf32, #tpu.memory_space<vmem>> -> memref<1x80x128xf32, #tpu.memory_space<vmem>>
        %dma_start3A_300 = tpu.memref_squeeze %dma_start3A_299 : memref<1x80x128xf32, #tpu.memory_space<vmem>> -> memref<80x128xf32, #tpu.memory_space<vmem>>
        %dma_start3A_301 = arith.constant 0 : i32
        %dma_start3A_302 = tpu.memref_slice %arg5[%mul3A_227, %dma_start3A_301] : memref<125x80xi32, #tpu.memory_space<vmem>> -> memref<1x80xi32, #tpu.memory_space<vmem>>
        %dma_start3A_303 = tpu.memref_squeeze %dma_start3A_302 : memref<1x80xi32, #tpu.memory_space<vmem>> -> memref<80xi32, #tpu.memory_space<vmem>>
        %dma_start3A_304 = arith.constant 0 : i32
        %dma_start3A_305 = arith.constant 0 : i32
        %dma_start3A_306 = tpu.memref_slice %arg7[%dma_start3A_304, %dma_start3A_305] : memref<10240x128xf32, #tpu.memory_space<vmem_shared>> -> memref<10240x128xf32, #tpu.memory_space<vmem_shared>>
        tpu.enqueue_indirect_dma source(%dma_start3A_300 : memref<80x128xf32, #tpu.memory_space<vmem>>) target(%dma_start3A_306 : memref<10240x128xf32, #tpu.memory_space<vmem_shared>>) offsets(%dma_start3A_303 : memref<80xi32, #tpu.memory_space<vmem>>) semaphore(%run_scoped3A_296 : memref<!tpu.dma_semaphore, #tpu.memory_space<semaphore_mem>>) {add = true}
        %dma_wait3A_307 = arith.constant 0 : i32
        %dma_wait3A_308 = arith.constant 0 : i32
        %dma_wait3A_309 = tpu.memref_slice %arg6[%run_scoped3A_241, %dma_wait3A_307, %dma_wait3A_308] : memref<2x80x128xf32, #tpu.memory_space<vmem>> -> memref<1x80x128xf32, #tpu.memory_space<vmem>>
        %dma_wait3A_310 = tpu.memref_squeeze %dma_wait3A_309 : memref<1x80x128xf32, #tpu.memory_space<vmem>> -> memref<80x128xf32, #tpu.memory_space<vmem>>
        %dma_wait3A_311 = arith.constant 0 : i32
        %dma_wait3A_312 = tpu.memref_slice %arg5[%mul3A_227, %dma_wait3A_311] : memref<125x80xi32, #tpu.memory_space<vmem>> -> memref<1x80xi32, #tpu.memory_space<vmem>>
        %dma_wait3A_313 = tpu.memref_squeeze %dma_wait3A_312 : memref<1x80xi32, #tpu.memory_space<vmem>> -> memref<80xi32, #tpu.memory_space<vmem>>
        %dma_wait3A_314 = arith.constant 0 : i32
        %dma_wait3A_315 = arith.constant 0 : i32
        %dma_wait3A_316 = tpu.memref_slice %arg7[%dma_wait3A_314, %dma_wait3A_315] : memref<10240x128xf32, #tpu.memory_space<vmem_shared>> -> memref<10240x128xf32, #tpu.memory_space<vmem_shared>>
        tpu.wait_indirect_dma semaphore(%run_scoped3A_296 : memref<!tpu.dma_semaphore, #tpu.memory_space<semaphore_mem>>) src(%dma_wait3A_310 : memref<80x128xf32, #tpu.memory_space<vmem>>) dst(%dma_wait3A_316 : memref<10240x128xf32, #tpu.memory_space<vmem_shared>>)
        tpu.yield
      }) : () -> ()
      %add3A_242 = arith.constant 2 : i32
      %add3A_243 = arith.addi %mul3A_227, %add3A_242 : i32
      %mul3A_244 = arith.constant 80 : i32
      %mul3A_245 = arith.muli %add3A_243, %mul3A_244 : i32
      %add3A_246 = arith.addi %mul3A_2, %mul3A_245 : i32
      %dma_start3A_247 = arith.constant 0 : i32
      %dma_start3A_248 = arith.constant 0 : i32
      %dma_start3A_249 = arith.constant 0 : i32
      %dma_start3A_250 = tpu.memref_slice %arg6[%dma_start3A_247, %dma_start3A_248, %dma_start3A_249] : memref<2x80x128xf32, #tpu.memory_space<vmem>> -> memref<1x80x128xf32, #tpu.memory_space<vmem>>
      %dma_start3A_251 = tpu.memref_squeeze %dma_start3A_250 : memref<1x80x128xf32, #tpu.memory_space<vmem>> -> memref<80x128xf32, #tpu.memory_space<vmem>>
      %dma_start3A_252 = arith.constant 0 : i32
      %dma_start3A_253 = tpu.memref_slice %arg2[%add3A_246, %dma_start3A_252] : memref<320000x128xf32, #tpu.memory_space<hbm>> -> memref<80x128xf32, #tpu.memory_space<hbm>>
      %dma_start3A_254 = arith.constant 0 : i32
      %dma_start3A_255 = arith.constant 0 : i32
      %dma_start3A_256 = tpu.memref_slice %arg6[%dma_start3A_247, %dma_start3A_254, %dma_start3A_255] : memref<2x80x128xf32, #tpu.memory_space<vmem>> -> memref<1x80x128xf32, #tpu.memory_space<vmem>>
      %dma_start3A_257 = tpu.memref_squeeze %dma_start3A_256 : memref<1x80x128xf32, #tpu.memory_space<vmem>> -> memref<80x128xf32, #tpu.memory_space<vmem>>
      %dma_start3A_258 = arith.constant 0 : i32
      %dma_start3A_259 = tpu.memref_slice %arg2[%add3A_246, %dma_start3A_258] : memref<320000x128xf32, #tpu.memory_space<hbm>> -> memref<80x128xf32, #tpu.memory_space<hbm>>
      tpu.enqueue_dma source(%dma_start3A_259 : memref<80x128xf32, #tpu.memory_space<hbm>>) target(%dma_start3A_257 : memref<80x128xf32, #tpu.memory_space<vmem>>) target_semaphore(%arg8 : memref<!tpu.dma_semaphore, #tpu.memory_space<semaphore_mem>>)
      %mul3A_260 = arith.constant 2 : i32
      %mul3A_261 = arith.muli %mul3A_260, %add3A_225 : i32
      %add3A_262 = arith.constant 1 : i32
      %add3A_263 = arith.addi %mul3A_261, %add3A_262 : i32
      %dma_wait3A_264 = arith.constant 1 : i32
      %dma_wait3A_265 = arith.constant 0 : i32
      %dma_wait3A_266 = arith.constant 0 : i32
      %dma_wait3A_267 = tpu.memref_slice %arg6[%dma_wait3A_264, %dma_wait3A_265, %dma_wait3A_266] : memref<2x80x128xf32, #tpu.memory_space<vmem>> -> memref<1x80x128xf32, #tpu.memory_space<vmem>>
      %dma_wait3A_268 = tpu.memref_squeeze %dma_wait3A_267 : memref<1x80x128xf32, #tpu.memory_space<vmem>> -> memref<80x128xf32, #tpu.memory_space<vmem>>
      %dma_wait3A_269 = arith.constant 0 : i32
      %dma_wait3A_270 = tpu.memref_slice %arg2[%mul3A_2, %dma_wait3A_269] : memref<320000x128xf32, #tpu.memory_space<hbm>> -> memref<80x128xf32, #tpu.memory_space<hbm>>
      %dma_wait3A_271 = arith.constant 0 : i32
      %dma_wait3A_272 = arith.constant 0 : i32
      %dma_wait3A_273 = tpu.memref_slice %arg6[%dma_wait3A_264, %dma_wait3A_271, %dma_wait3A_272] : memref<2x80x128xf32, #tpu.memory_space<vmem>> -> memref<1x80x128xf32, #tpu.memory_space<vmem>>
      %dma_wait3A_274 = tpu.memref_squeeze %dma_wait3A_273 : memref<1x80x128xf32, #tpu.memory_space<vmem>> -> memref<80x128xf32, #tpu.memory_space<vmem>>
      %dma_wait3A_275 = arith.constant 0 : i32
      %dma_wait3A_276 = tpu.memref_slice %arg2[%mul3A_2, %dma_wait3A_275] : memref<320000x128xf32, #tpu.memory_space<hbm>> -> memref<80x128xf32, #tpu.memory_space<hbm>>
      tpu.wait_dma2 semaphore(%arg9 : memref<!tpu.dma_semaphore, #tpu.memory_space<semaphore_mem>>) src(%dma_wait3A_276 : memref<80x128xf32, #tpu.memory_space<hbm>>) dst(%dma_wait3A_274 : memref<80x128xf32, #tpu.memory_space<vmem>>)
      %run_scoped3A_277 = arith.constant 1 : i32
      "tpu.region"() ({
        %run_scoped3A_296 = tpu.sem_alloc : memref<!tpu.dma_semaphore, #tpu.memory_space<semaphore_mem>>
        %dma_start3A_297 = arith.constant 0 : i32
        %dma_start3A_298 = arith.constant 0 : i32
        %dma_start3A_299 = tpu.memref_slice %arg6[%run_scoped3A_277, %dma_start3A_297, %dma_start3A_298] : memref<2x80x128xf32, #tpu.memory_space<vmem>> -> memref<1x80x128xf32, #tpu.memory_space<vmem>>
        %dma_start3A_300 = tpu.memref_squeeze %dma_start3A_299 : memref<1x80x128xf32, #tpu.memory_space<vmem>> -> memref<80x128xf32, #tpu.memory_space<vmem>>
        %dma_start3A_301 = arith.constant 0 : i32
        %dma_start3A_302 = tpu.memref_slice %arg5[%add3A_263, %dma_start3A_301] : memref<125x80xi32, #tpu.memory_space<vmem>> -> memref<1x80xi32, #tpu.memory_space<vmem>>
        %dma_start3A_303 = tpu.memref_squeeze %dma_start3A_302 : memref<1x80xi32, #tpu.memory_space<vmem>> -> memref<80xi32, #tpu.memory_space<vmem>>
        %dma_start3A_304 = arith.constant 0 : i32
        %dma_start3A_305 = arith.constant 0 : i32
        %dma_start3A_306 = tpu.memref_slice %arg7[%dma_start3A_304, %dma_start3A_305] : memref<10240x128xf32, #tpu.memory_space<vmem_shared>> -> memref<10240x128xf32, #tpu.memory_space<vmem_shared>>
        tpu.enqueue_indirect_dma source(%dma_start3A_300 : memref<80x128xf32, #tpu.memory_space<vmem>>) target(%dma_start3A_306 : memref<10240x128xf32, #tpu.memory_space<vmem_shared>>) offsets(%dma_start3A_303 : memref<80xi32, #tpu.memory_space<vmem>>) semaphore(%run_scoped3A_296 : memref<!tpu.dma_semaphore, #tpu.memory_space<semaphore_mem>>) {add = true}
        %dma_wait3A_307 = arith.constant 0 : i32
        %dma_wait3A_308 = arith.constant 0 : i32
        %dma_wait3A_309 = tpu.memref_slice %arg6[%run_scoped3A_277, %dma_wait3A_307, %dma_wait3A_308] : memref<2x80x128xf32, #tpu.memory_space<vmem>> -> memref<1x80x128xf32, #tpu.memory_space<vmem>>
        %dma_wait3A_310 = tpu.memref_squeeze %dma_wait3A_309 : memref<1x80x128xf32, #tpu.memory_space<vmem>> -> memref<80x128xf32, #tpu.memory_space<vmem>>
        %dma_wait3A_311 = arith.constant 0 : i32
        %dma_wait3A_312 = tpu.memref_slice %arg5[%add3A_263, %dma_wait3A_311] : memref<125x80xi32, #tpu.memory_space<vmem>> -> memref<1x80xi32, #tpu.memory_space<vmem>>
        %dma_wait3A_313 = tpu.memref_squeeze %dma_wait3A_312 : memref<1x80xi32, #tpu.memory_space<vmem>> -> memref<80xi32, #tpu.memory_space<vmem>>
        %dma_wait3A_314 = arith.constant 0 : i32
        %dma_wait3A_315 = arith.constant 0 : i32
        %dma_wait3A_316 = tpu.memref_slice %arg7[%dma_wait3A_314, %dma_wait3A_315] : memref<10240x128xf32, #tpu.memory_space<vmem_shared>> -> memref<10240x128xf32, #tpu.memory_space<vmem_shared>>
        tpu.wait_indirect_dma semaphore(%run_scoped3A_296 : memref<!tpu.dma_semaphore, #tpu.memory_space<semaphore_mem>>) src(%dma_wait3A_310 : memref<80x128xf32, #tpu.memory_space<vmem>>) dst(%dma_wait3A_316 : memref<10240x128xf32, #tpu.memory_space<vmem_shared>>)
        tpu.yield
      }) : () -> ()
      %add3A_278 = arith.constant 2 : i32
      %add3A_279 = arith.addi %add3A_263, %add3A_278 : i32
      %mul3A_280 = arith.constant 80 : i32
      %mul3A_281 = arith.muli %add3A_279, %mul3A_280 : i32
      %add3A_282 = arith.addi %mul3A_2, %mul3A_281 : i32
      %dma_start3A_283 = arith.constant 1 : i32
      %dma_start3A_284 = arith.constant 0 : i32
      %dma_start3A_285 = arith.constant 0 : i32
      %dma_start3A_286 = tpu.memref_slice %arg6[%dma_start3A_283, %dma_start3A_284, %dma_start3A_285] : memref<2x80x128xf32, #tpu.memory_space<vmem>> -> memref<1x80x128xf32, #tpu.memory_space<vmem>>
      %dma_start3A_287 = tpu.memref_squeeze %dma_start3A_286 : memref<1x80x128xf32, #tpu.memory_space<vmem>> -> memref<80x128xf32, #tpu.memory_space<vmem>>
      %dma_start3A_288 = arith.constant 0 : i32
      %dma_start3A_289 = tpu.memref_slice %arg2[%add3A_282, %dma_start3A_288] : memref<320000x128xf32, #tpu.memory_space<hbm>> -> memref<80x128xf32, #tpu.memory_space<hbm>>
      %dma_start3A_290 = arith.constant 0 : i32
      %dma_start3A_291 = arith.constant 0 : i32
      %dma_start3A_292 = tpu.memref_slice %arg6[%dma_start3A_283, %dma_start3A_290, %dma_start3A_291] : memref<2x80x128xf32, #tpu.memory_space<vmem>> -> memref<1x80x128xf32, #tpu.memory_space<vmem>>
      %dma_start3A_293 = tpu.memref_squeeze %dma_start3A_292 : memref<1x80x128xf32, #tpu.memory_space<vmem>> -> memref<80x128xf32, #tpu.memory_space<vmem>>
      %dma_start3A_294 = arith.constant 0 : i32
      %dma_start3A_295 = tpu.memref_slice %arg2[%add3A_282, %dma_start3A_294] : memref<320000x128xf32, #tpu.memory_space<hbm>> -> memref<80x128xf32, #tpu.memory_space<hbm>>
      tpu.enqueue_dma source(%dma_start3A_295 : memref<80x128xf32, #tpu.memory_space<hbm>>) target(%dma_start3A_293 : memref<80x128xf32, #tpu.memory_space<vmem>>) target_semaphore(%arg9 : memref<!tpu.dma_semaphore, #tpu.memory_space<semaphore_mem>>)
    }
    %scan3A_155 = arith.constant 60 : i32
    %dma_wait3A_156 = arith.constant 0 : i32
    %dma_wait3A_157 = arith.constant 0 : i32
    %dma_wait3A_158 = arith.constant 0 : i32
    %dma_wait3A_159 = tpu.memref_slice %arg6[%dma_wait3A_156, %dma_wait3A_157, %dma_wait3A_158] : memref<2x80x128xf32, #tpu.memory_space<vmem>> -> memref<1x80x128xf32, #tpu.memory_space<vmem>>
    %dma_wait3A_160 = tpu.memref_squeeze %dma_wait3A_159 : memref<1x80x128xf32, #tpu.memory_space<vmem>> -> memref<80x128xf32, #tpu.memory_space<vmem>>
    %dma_wait3A_161 = arith.constant 0 : i32
    %dma_wait3A_162 = tpu.memref_slice %arg2[%mul3A_2, %dma_wait3A_161] : memref<320000x128xf32, #tpu.memory_space<hbm>> -> memref<80x128xf32, #tpu.memory_space<hbm>>
    %dma_wait3A_163 = arith.constant 0 : i32
    %dma_wait3A_164 = arith.constant 0 : i32
    %dma_wait3A_165 = tpu.memref_slice %arg6[%dma_wait3A_156, %dma_wait3A_163, %dma_wait3A_164] : memref<2x80x128xf32, #tpu.memory_space<vmem>> -> memref<1x80x128xf32, #tpu.memory_space<vmem>>
    %dma_wait3A_166 = tpu.memref_squeeze %dma_wait3A_165 : memref<1x80x128xf32, #tpu.memory_space<vmem>> -> memref<80x128xf32, #tpu.memory_space<vmem>>
    %dma_wait3A_167 = arith.constant 0 : i32
    %dma_wait3A_168 = tpu.memref_slice %arg2[%mul3A_2, %dma_wait3A_167] : memref<320000x128xf32, #tpu.memory_space<hbm>> -> memref<80x128xf32, #tpu.memory_space<hbm>>
    tpu.wait_dma2 semaphore(%arg8 : memref<!tpu.dma_semaphore, #tpu.memory_space<semaphore_mem>>) src(%dma_wait3A_168 : memref<80x128xf32, #tpu.memory_space<hbm>>) dst(%dma_wait3A_166 : memref<80x128xf32, #tpu.memory_space<vmem>>)
    %run_scoped3A_169 = arith.constant 0 : i32
    %run_scoped3A_170 = arith.constant 122 : i32
    "tpu.region"() ({
      %run_scoped3A_221 = tpu.sem_alloc : memref<!tpu.dma_semaphore, #tpu.memory_space<semaphore_mem>>
      %dma_start3A_222 = arith.constant 0 : i32
      %dma_start3A_223 = arith.constant 0 : i32
      %dma_start3A_224 = tpu.memref_slice %arg6[%run_scoped3A_169, %dma_start3A_222, %dma_start3A_223] : memref<2x80x128xf32, #tpu.memory_space<vmem>> -> memref<1x80x128xf32, #tpu.memory_space<vmem>>
      %dma_start3A_225 = tpu.memref_squeeze %dma_start3A_224 : memref<1x80x128xf32, #tpu.memory_space<vmem>> -> memref<80x128xf32, #tpu.memory_space<vmem>>
      %dma_start3A_226 = arith.constant 0 : i32
      %dma_start3A_227 = tpu.memref_slice %arg5[%run_scoped3A_170, %dma_start3A_226] : memref<125x80xi32, #tpu.memory_space<vmem>> -> memref<1x80xi32, #tpu.memory_space<vmem>>
      %dma_start3A_228 = tpu.memref_squeeze %dma_start3A_227 : memref<1x80xi32, #tpu.memory_space<vmem>> -> memref<80xi32, #tpu.memory_space<vmem>>
      %dma_start3A_229 = arith.constant 0 : i32
      %dma_start3A_230 = arith.constant 0 : i32
      %dma_start3A_231 = tpu.memref_slice %arg7[%dma_start3A_229, %dma_start3A_230] : memref<10240x128xf32, #tpu.memory_space<vmem_shared>> -> memref<10240x128xf32, #tpu.memory_space<vmem_shared>>
      tpu.enqueue_indirect_dma source(%dma_start3A_225 : memref<80x128xf32, #tpu.memory_space<vmem>>) target(%dma_start3A_231 : memref<10240x128xf32, #tpu.memory_space<vmem_shared>>) offsets(%dma_start3A_228 : memref<80xi32, #tpu.memory_space<vmem>>) semaphore(%run_scoped3A_221 : memref<!tpu.dma_semaphore, #tpu.memory_space<semaphore_mem>>) {add = true}
      %dma_wait3A_232 = arith.constant 0 : i32
      %dma_wait3A_233 = arith.constant 0 : i32
      %dma_wait3A_234 = tpu.memref_slice %arg6[%run_scoped3A_169, %dma_wait3A_232, %dma_wait3A_233] : memref<2x80x128xf32, #tpu.memory_space<vmem>> -> memref<1x80x128xf32, #tpu.memory_space<vmem>>
      %dma_wait3A_235 = tpu.memref_squeeze %dma_wait3A_234 : memref<1x80x128xf32, #tpu.memory_space<vmem>> -> memref<80x128xf32, #tpu.memory_space<vmem>>
      %dma_wait3A_236 = arith.constant 0 : i32
      %dma_wait3A_237 = tpu.memref_slice %arg5[%run_scoped3A_170, %dma_wait3A_236] : memref<125x80xi32, #tpu.memory_space<vmem>> -> memref<1x80xi32, #tpu.memory_space<vmem>>
      %dma_wait3A_238 = tpu.memref_squeeze %dma_wait3A_237 : memref<1x80xi32, #tpu.memory_space<vmem>> -> memref<80xi32, #tpu.memory_space<vmem>>
      %dma_wait3A_239 = arith.constant 0 : i32
      %dma_wait3A_240 = arith.constant 0 : i32
      %dma_wait3A_241 = tpu.memref_slice %arg7[%dma_wait3A_239, %dma_wait3A_240] : memref<10240x128xf32, #tpu.memory_space<vmem_shared>> -> memref<10240x128xf32, #tpu.memory_space<vmem_shared>>
      tpu.wait_indirect_dma semaphore(%run_scoped3A_221 : memref<!tpu.dma_semaphore, #tpu.memory_space<semaphore_mem>>) src(%dma_wait3A_235 : memref<80x128xf32, #tpu.memory_space<vmem>>) dst(%dma_wait3A_241 : memref<10240x128xf32, #tpu.memory_space<vmem_shared>>)
      tpu.yield
    }) : () -> ()
    %add3A_171 = arith.constant 9920 : i32
    %add3A_172 = arith.addi %mul3A_2, %add3A_171 : i32
    %dma_start3A_173 = arith.constant 0 : i32
    %dma_start3A_174 = arith.constant 0 : i32
    %dma_start3A_175 = arith.constant 0 : i32
    %dma_start3A_176 = tpu.memref_slice %arg6[%dma_start3A_173, %dma_start3A_174, %dma_start3A_175] : memref<2x80x128xf32, #tpu.memory_space<vmem>> -> memref<1x80x128xf32, #tpu.memory_space<vmem>>
    %dma_start3A_177 = tpu.memref_squeeze %dma_start3A_176 : memref<1x80x128xf32, #tpu.memory_space<vmem>> -> memref<80x128xf32, #tpu.memory_space<vmem>>
    %dma_start3A_178 = arith.constant 0 : i32
    %dma_start3A_179 = tpu.memref_slice %arg2[%add3A_172, %dma_start3A_178] : memref<320000x128xf32, #tpu.memory_space<hbm>> -> memref<80x128xf32, #tpu.memory_space<hbm>>
    %dma_start3A_180 = arith.constant 0 : i32
    %dma_start3A_181 = arith.constant 0 : i32
    %dma_start3A_182 = tpu.memref_slice %arg6[%dma_start3A_173, %dma_start3A_180, %dma_start3A_181] : memref<2x80x128xf32, #tpu.memory_space<vmem>> -> memref<1x80x128xf32, #tpu.memory_space<vmem>>
    %dma_start3A_183 = tpu.memref_squeeze %dma_start3A_182 : memref<1x80x128xf32, #tpu.memory_space<vmem>> -> memref<80x128xf32, #tpu.memory_space<vmem>>
    %dma_start3A_184 = arith.constant 0 : i32
    %dma_start3A_185 = tpu.memref_slice %arg2[%add3A_172, %dma_start3A_184] : memref<320000x128xf32, #tpu.memory_space<hbm>> -> memref<80x128xf32, #tpu.memory_space<hbm>>
    tpu.enqueue_dma source(%dma_start3A_185 : memref<80x128xf32, #tpu.memory_space<hbm>>) target(%dma_start3A_183 : memref<80x128xf32, #tpu.memory_space<vmem>>) target_semaphore(%arg8 : memref<!tpu.dma_semaphore, #tpu.memory_space<semaphore_mem>>)
    %dma_wait3A_186 = arith.constant 1 : i32
    %dma_wait3A_187 = arith.constant 0 : i32
    %dma_wait3A_188 = arith.constant 0 : i32
    %dma_wait3A_189 = tpu.memref_slice %arg6[%dma_wait3A_186, %dma_wait3A_187, %dma_wait3A_188] : memref<2x80x128xf32, #tpu.memory_space<vmem>> -> memref<1x80x128xf32, #tpu.memory_space<vmem>>
    %dma_wait3A_190 = tpu.memref_squeeze %dma_wait3A_189 : memref<1x80x128xf32, #tpu.memory_space<vmem>> -> memref<80x128xf32, #tpu.memory_space<vmem>>
    %dma_wait3A_191 = arith.constant 0 : i32
    %dma_wait3A_192 = tpu.memref_slice %arg2[%mul3A_2, %dma_wait3A_191] : memref<320000x128xf32, #tpu.memory_space<hbm>> -> memref<80x128xf32, #tpu.memory_space<hbm>>
    %dma_wait3A_193 = arith.constant 0 : i32
    %dma_wait3A_194 = arith.constant 0 : i32
    %dma_wait3A_195 = tpu.memref_slice %arg6[%dma_wait3A_186, %dma_wait3A_193, %dma_wait3A_194] : memref<2x80x128xf32, #tpu.memory_space<vmem>> -> memref<1x80x128xf32, #tpu.memory_space<vmem>>
    %dma_wait3A_196 = tpu.memref_squeeze %dma_wait3A_195 : memref<1x80x128xf32, #tpu.memory_space<vmem>> -> memref<80x128xf32, #tpu.memory_space<vmem>>
    %dma_wait3A_197 = arith.constant 0 : i32
    %dma_wait3A_198 = tpu.memref_slice %arg2[%mul3A_2, %dma_wait3A_197] : memref<320000x128xf32, #tpu.memory_space<hbm>> -> memref<80x128xf32, #tpu.memory_space<hbm>>
    tpu.wait_dma2 semaphore(%arg9 : memref<!tpu.dma_semaphore, #tpu.memory_space<semaphore_mem>>) src(%dma_wait3A_198 : memref<80x128xf32, #tpu.memory_space<hbm>>) dst(%dma_wait3A_196 : memref<80x128xf32, #tpu.memory_space<vmem>>)
    %run_scoped3A_199 = arith.constant 1 : i32
    %run_scoped3A_200 = arith.constant 123 : i32
    "tpu.region"() ({
      %run_scoped3A_221 = tpu.sem_alloc : memref<!tpu.dma_semaphore, #tpu.memory_space<semaphore_mem>>
      %dma_start3A_222 = arith.constant 0 : i32
      %dma_start3A_223 = arith.constant 0 : i32
      %dma_start3A_224 = tpu.memref_slice %arg6[%run_scoped3A_199, %dma_start3A_222, %dma_start3A_223] : memref<2x80x128xf32, #tpu.memory_space<vmem>> -> memref<1x80x128xf32, #tpu.memory_space<vmem>>
      %dma_start3A_225 = tpu.memref_squeeze %dma_start3A_224 : memref<1x80x128xf32, #tpu.memory_space<vmem>> -> memref<80x128xf32, #tpu.memory_space<vmem>>
      %dma_start3A_226 = arith.constant 0 : i32
      %dma_start3A_227 = tpu.memref_slice %arg5[%run_scoped3A_200, %dma_start3A_226] : memref<125x80xi32, #tpu.memory_space<vmem>> -> memref<1x80xi32, #tpu.memory_space<vmem>>
      %dma_start3A_228 = tpu.memref_squeeze %dma_start3A_227 : memref<1x80xi32, #tpu.memory_space<vmem>> -> memref<80xi32, #tpu.memory_space<vmem>>
      %dma_start3A_229 = arith.constant 0 : i32
      %dma_start3A_230 = arith.constant 0 : i32
      %dma_start3A_231 = tpu.memref_slice %arg7[%dma_start3A_229, %dma_start3A_230] : memref<10240x128xf32, #tpu.memory_space<vmem_shared>> -> memref<10240x128xf32, #tpu.memory_space<vmem_shared>>
      tpu.enqueue_indirect_dma source(%dma_start3A_225 : memref<80x128xf32, #tpu.memory_space<vmem>>) target(%dma_start3A_231 : memref<10240x128xf32, #tpu.memory_space<vmem_shared>>) offsets(%dma_start3A_228 : memref<80xi32, #tpu.memory_space<vmem>>) semaphore(%run_scoped3A_221 : memref<!tpu.dma_semaphore, #tpu.memory_space<semaphore_mem>>) {add = true}
      %dma_wait3A_232 = arith.constant 0 : i32
      %dma_wait3A_233 = arith.constant 0 : i32
      %dma_wait3A_234 = tpu.memref_slice %arg6[%run_scoped3A_199, %dma_wait3A_232, %dma_wait3A_233] : memref<2x80x128xf32, #tpu.memory_space<vmem>> -> memref<1x80x128xf32, #tpu.memory_space<vmem>>
      %dma_wait3A_235 = tpu.memref_squeeze %dma_wait3A_234 : memref<1x80x128xf32, #tpu.memory_space<vmem>> -> memref<80x128xf32, #tpu.memory_space<vmem>>
      %dma_wait3A_236 = arith.constant 0 : i32
      %dma_wait3A_237 = tpu.memref_slice %arg5[%run_scoped3A_200, %dma_wait3A_236] : memref<125x80xi32, #tpu.memory_space<vmem>> -> memref<1x80xi32, #tpu.memory_space<vmem>>
      %dma_wait3A_238 = tpu.memref_squeeze %dma_wait3A_237 : memref<1x80xi32, #tpu.memory_space<vmem>> -> memref<80xi32, #tpu.memory_space<vmem>>
      %dma_wait3A_239 = arith.constant 0 : i32
      %dma_wait3A_240 = arith.constant 0 : i32
      %dma_wait3A_241 = tpu.memref_slice %arg7[%dma_wait3A_239, %dma_wait3A_240] : memref<10240x128xf32, #tpu.memory_space<vmem_shared>> -> memref<10240x128xf32, #tpu.memory_space<vmem_shared>>
      tpu.wait_indirect_dma semaphore(%run_scoped3A_221 : memref<!tpu.dma_semaphore, #tpu.memory_space<semaphore_mem>>) src(%dma_wait3A_235 : memref<80x128xf32, #tpu.memory_space<vmem>>) dst(%dma_wait3A_241 : memref<10240x128xf32, #tpu.memory_space<vmem_shared>>)
      tpu.yield
    }) : () -> ()
    %dma_wait3A_201 = arith.constant 0 : i32
    %dma_wait3A_202 = arith.constant 0 : i32
    %dma_wait3A_203 = arith.constant 0 : i32
    %dma_wait3A_204 = tpu.memref_slice %arg6[%dma_wait3A_201, %dma_wait3A_202, %dma_wait3A_203] : memref<2x80x128xf32, #tpu.memory_space<vmem>> -> memref<1x80x128xf32, #tpu.memory_space<vmem>>
    %dma_wait3A_205 = tpu.memref_squeeze %dma_wait3A_204 : memref<1x80x128xf32, #tpu.memory_space<vmem>> -> memref<80x128xf32, #tpu.memory_space<vmem>>
    %dma_wait3A_206 = arith.constant 0 : i32
    %dma_wait3A_207 = tpu.memref_slice %arg2[%mul3A_2, %dma_wait3A_206] : memref<320000x128xf32, #tpu.memory_space<hbm>> -> memref<80x128xf32, #tpu.memory_space<hbm>>
    %dma_wait3A_208 = arith.constant 0 : i32
    %dma_wait3A_209 = arith.constant 0 : i32
    %dma_wait3A_210 = tpu.memref_slice %arg6[%dma_wait3A_201, %dma_wait3A_208, %dma_wait3A_209] : memref<2x80x128xf32, #tpu.memory_space<vmem>> -> memref<1x80x128xf32, #tpu.memory_space<vmem>>
    %dma_wait3A_211 = tpu.memref_squeeze %dma_wait3A_210 : memref<1x80x128xf32, #tpu.memory_space<vmem>> -> memref<80x128xf32, #tpu.memory_space<vmem>>
    %dma_wait3A_212 = arith.constant 0 : i32
    %dma_wait3A_213 = tpu.memref_slice %arg2[%mul3A_2, %dma_wait3A_212] : memref<320000x128xf32, #tpu.memory_space<hbm>> -> memref<80x128xf32, #tpu.memory_space<hbm>>
    tpu.wait_dma2 semaphore(%arg8 : memref<!tpu.dma_semaphore, #tpu.memory_space<semaphore_mem>>) src(%dma_wait3A_213 : memref<80x128xf32, #tpu.memory_space<hbm>>) dst(%dma_wait3A_211 : memref<80x128xf32, #tpu.memory_space<vmem>>)
    %run_scoped3A_214 = arith.constant 0 : i32
    %run_scoped3A_215 = arith.constant 124 : i32
    "tpu.region"() ({
      %run_scoped3A_221 = tpu.sem_alloc : memref<!tpu.dma_semaphore, #tpu.memory_space<semaphore_mem>>
      %dma_start3A_222 = arith.constant 0 : i32
      %dma_start3A_223 = arith.constant 0 : i32
      %dma_start3A_224 = tpu.memref_slice %arg6[%run_scoped3A_214, %dma_start3A_222, %dma_start3A_223] : memref<2x80x128xf32, #tpu.memory_space<vmem>> -> memref<1x80x128xf32, #tpu.memory_space<vmem>>
      %dma_start3A_225 = tpu.memref_squeeze %dma_start3A_224 : memref<1x80x128xf32, #tpu.memory_space<vmem>> -> memref<80x128xf32, #tpu.memory_space<vmem>>
      %dma_start3A_226 = arith.constant 0 : i32
      %dma_start3A_227 = tpu.memref_slice %arg5[%run_scoped3A_215, %dma_start3A_226] : memref<125x80xi32, #tpu.memory_space<vmem>> -> memref<1x80xi32, #tpu.memory_space<vmem>>
      %dma_start3A_228 = tpu.memref_squeeze %dma_start3A_227 : memref<1x80xi32, #tpu.memory_space<vmem>> -> memref<80xi32, #tpu.memory_space<vmem>>
      %dma_start3A_229 = arith.constant 0 : i32
      %dma_start3A_230 = arith.constant 0 : i32
      %dma_start3A_231 = tpu.memref_slice %arg7[%dma_start3A_229, %dma_start3A_230] : memref<10240x128xf32, #tpu.memory_space<vmem_shared>> -> memref<10240x128xf32, #tpu.memory_space<vmem_shared>>
      tpu.enqueue_indirect_dma source(%dma_start3A_225 : memref<80x128xf32, #tpu.memory_space<vmem>>) target(%dma_start3A_231 : memref<10240x128xf32, #tpu.memory_space<vmem_shared>>) offsets(%dma_start3A_228 : memref<80xi32, #tpu.memory_space<vmem>>) semaphore(%run_scoped3A_221 : memref<!tpu.dma_semaphore, #tpu.memory_space<semaphore_mem>>) {add = true}
      %dma_wait3A_232 = arith.constant 0 : i32
      %dma_wait3A_233 = arith.constant 0 : i32
      %dma_wait3A_234 = tpu.memref_slice %arg6[%run_scoped3A_214, %dma_wait3A_232, %dma_wait3A_233] : memref<2x80x128xf32, #tpu.memory_space<vmem>> -> memref<1x80x128xf32, #tpu.memory_space<vmem>>
      %dma_wait3A_235 = tpu.memref_squeeze %dma_wait3A_234 : memref<1x80x128xf32, #tpu.memory_space<vmem>> -> memref<80x128xf32, #tpu.memory_space<vmem>>
      %dma_wait3A_236 = arith.constant 0 : i32
      %dma_wait3A_237 = tpu.memref_slice %arg5[%run_scoped3A_215, %dma_wait3A_236] : memref<125x80xi32, #tpu.memory_space<vmem>> -> memref<1x80xi32, #tpu.memory_space<vmem>>
      %dma_wait3A_238 = tpu.memref_squeeze %dma_wait3A_237 : memref<1x80xi32, #tpu.memory_space<vmem>> -> memref<80xi32, #tpu.memory_space<vmem>>
      %dma_wait3A_239 = arith.constant 0 : i32
      %dma_wait3A_240 = arith.constant 0 : i32
      %dma_wait3A_241 = tpu.memref_slice %arg7[%dma_wait3A_239, %dma_wait3A_240] : memref<10240x128xf32, #tpu.memory_space<vmem_shared>> -> memref<10240x128xf32, #tpu.memory_space<vmem_shared>>
      tpu.wait_indirect_dma semaphore(%run_scoped3A_221 : memref<!tpu.dma_semaphore, #tpu.memory_space<semaphore_mem>>) src(%dma_wait3A_235 : memref<80x128xf32, #tpu.memory_space<vmem>>) dst(%dma_wait3A_241 : memref<10240x128xf32, #tpu.memory_space<vmem_shared>>)
      tpu.yield
    }) : () -> ()
    %barrier3A_216 = arith.constant 0 : index
    tpu.barrier barrier_id(%barrier3A_216)
    %mul3A_217 = arith.constant 640 : i32
    %mul3A_218 = arith.muli %arg1, %mul3A_217 : i32
    %mul3A_219 = arith.constant 640 : i32
    %mul3A_220 = arith.muli %arg1, %mul3A_219 : i32
    "tpu.region"() ({
      %run_scoped3A_221 = tpu.sem_alloc : memref<!tpu.dma_semaphore, #tpu.memory_space<semaphore_mem>>
      %dma_start3A_222 = arith.constant 0 : i32
      %dma_start3A_223 = tpu.memref_slice %arg4[%arg0, %mul3A_220, %dma_start3A_222] : memref<2x10240x128xf32, #tpu.memory_space<hbm>> -> memref<1x640x128xf32, #tpu.memory_space<hbm>>
      %dma_start3A_224 = tpu.memref_squeeze %dma_start3A_223 : memref<1x640x128xf32, #tpu.memory_space<hbm>> -> memref<640x128xf32, #tpu.memory_space<hbm>>
      %dma_start3A_225 = arith.constant 0 : i32
      %dma_start3A_226 = tpu.memref_slice %arg7[%mul3A_218, %dma_start3A_225] : memref<10240x128xf32, #tpu.memory_space<vmem_shared>> -> memref<640x128xf32, #tpu.memory_space<vmem_shared>>
      tpu.enqueue_dma source(%dma_start3A_226 : memref<640x128xf32, #tpu.memory_space<vmem_shared>>) target(%dma_start3A_224 : memref<640x128xf32, #tpu.memory_space<hbm>>) target_semaphore(%run_scoped3A_221 : memref<!tpu.dma_semaphore, #tpu.memory_space<semaphore_mem>>)
      %dma_wait3A_227 = arith.constant 0 : i32
      %dma_wait3A_228 = tpu.memref_slice %arg4[%arg0, %mul3A_220, %dma_wait3A_227] : memref<2x10240x128xf32, #tpu.memory_space<hbm>> -> memref<1x640x128xf32, #tpu.memory_space<hbm>>
      %dma_wait3A_229 = tpu.memref_squeeze %dma_wait3A_228 : memref<1x640x128xf32, #tpu.memory_space<hbm>> -> memref<640x128xf32, #tpu.memory_space<hbm>>
      %dma_wait3A_230 = arith.constant 0 : i32
      %dma_wait3A_231 = tpu.memref_slice %arg7[%mul3A_218, %dma_wait3A_230] : memref<10240x128xf32, #tpu.memory_space<vmem_shared>> -> memref<640x128xf32, #tpu.memory_space<vmem_shared>>
      tpu.wait_dma2 semaphore(%run_scoped3A_221 : memref<!tpu.dma_semaphore, #tpu.memory_space<semaphore_mem>>) src(%dma_wait3A_231 : memref<640x128xf32, #tpu.memory_space<vmem_shared>>) dst(%dma_wait3A_229 : memref<640x128xf32, #tpu.memory_space<hbm>>)
      tpu.yield
    }) : () -> ()
    return
  }
}

module attributes {stable_mosaic.version = 14 : i64} {
  func.func @_pre_body(%arg0: i32, %arg1: memref<2000x128xf32, #tpu.memory_space<vmem>>, %arg2: memref<128x128xf32, #tpu.memory_space<vmem>>, %arg3: memref<128x128xf32, #tpu.memory_space<vmem>>, %arg4: memref<1x128xf32, #tpu.memory_space<vmem>>, %arg5: memref<2000x128xf32, #tpu.memory_space<vmem>>, %arg6: memref<2000x128xf32, #tpu.memory_space<vmem>>) attributes {dimension_semantics = [#tpu.dimension_semantics<arbitrary>], iteration_bounds = array<i64: 5>, scalar_prefetch = 0 : i64, scratch_operands = 0 : i64, tpu.core_type = #tpu.core_type<tc>, window_params = [{transform_indices = @transform_0, window_bounds = array<i64: 2000, 128>}, {pipeline_mode = #tpu.pipeline_mode<synchronous>, transform_indices = @transform_1, window_bounds = array<i64: 128, 128>}, {pipeline_mode = #tpu.pipeline_mode<synchronous>, transform_indices = @transform_2, window_bounds = array<i64: 128, 128>}, {pipeline_mode = #tpu.pipeline_mode<synchronous>, transform_indices = @transform_3, window_bounds = array<i64: 1, 128>}, {transform_indices = @transform_4, window_bounds = array<i64: 2000, 128>}, {transform_indices = @transform_5, window_bounds = array<i64: 2000, 128>}]} {
    %get3A = arith.constant 0 : index
    %get3A_0 = arith.constant 0 : index
    %get3A_1 = vector.load %arg1[%get3A, %get3A_0] : memref<2000x128xf32, #tpu.memory_space<vmem>>, vector<2000x128xf32>
    %get3A_2 = arith.constant 0 : index
    %get3A_3 = arith.constant 0 : index
    %get3A_4 = vector.load %arg2[%get3A_2, %get3A_3] : memref<128x128xf32, #tpu.memory_space<vmem>>, vector<128x128xf32>
    %convert_element_type3A = arith.truncf %get3A_1 : vector<2000x128xf32> to vector<2000x128xbf16>
    %convert_element_type3A_5 = arith.truncf %get3A_4 : vector<128x128xf32> to vector<128x128xbf16>
    %dot_general3A = arith.constant dense<0.000000e+00> : vector<2000x128xf32>
    %dot_general3A_6 = tpu.matmul %convert_element_type3A, %convert_element_type3A_5, %dot_general3A {dimension_numbers = #tpu.dot_dimension_numbers<[1], [0], [0], [1], [0, 0, 1, 1], [], []>, transpose_lhs_hint = false} : vector<2000x128xbf16>, vector<128x128xbf16>, vector<2000x128xf32> -> vector<2000x128xf32>
    %get3A_7 = arith.constant 0 : index
    %get3A_8 = arith.constant 0 : index
    %get3A_9 = vector.load %arg4[%get3A_7, %get3A_8] : memref<1x128xf32, #tpu.memory_space<vmem>>, vector<1x128xf32>
    %add3A = vector.broadcast %get3A_9 : vector<1x128xf32> to vector<2000x128xf32>
    %add3A_10 = arith.addf %dot_general3A_6, %add3A : vector<2000x128xf32>
    %swap3A = arith.constant 0 : index
    %swap3A_11 = arith.constant 0 : index
    %swap3A_12 = vector.load %arg5[%swap3A, %swap3A_11] : memref<2000x128xf32, #tpu.memory_space<vmem>>, vector<2000x128xf32>
    tpu.vector_store %arg5[%swap3A, %swap3A_11], %add3A_10 {strides = array<i32>} : memref<2000x128xf32, #tpu.memory_space<vmem>>, vector<2000x128xf32>,
    %get3A_13 = arith.constant 0 : index
    %get3A_14 = arith.constant 0 : index
    %get3A_15 = vector.load %arg3[%get3A_13, %get3A_14] : memref<128x128xf32, #tpu.memory_space<vmem>>, vector<128x128xf32>
    %convert_element_type3A_16 = arith.truncf %get3A_1 : vector<2000x128xf32> to vector<2000x128xbf16>
    %convert_element_type3A_17 = arith.truncf %get3A_15 : vector<128x128xf32> to vector<128x128xbf16>
    %dot_general3A_18 = arith.constant dense<0.000000e+00> : vector<2000x128xf32>
    %dot_general3A_19 = tpu.matmul %convert_element_type3A_16, %convert_element_type3A_17, %dot_general3A_18 {dimension_numbers = #tpu.dot_dimension_numbers<[1], [0], [0], [1], [0, 0, 1, 1], [], []>, transpose_lhs_hint = false} : vector<2000x128xbf16>, vector<128x128xbf16>, vector<2000x128xf32> -> vector<2000x128xf32>
    %swap3A_20 = arith.constant 0 : index
    %swap3A_21 = arith.constant 0 : index
    %swap3A_22 = vector.load %arg6[%swap3A_20, %swap3A_21] : memref<2000x128xf32, #tpu.memory_space<vmem>>, vector<2000x128xf32>
    tpu.vector_store %arg6[%swap3A_20, %swap3A_21], %dot_general3A_19 {strides = array<i32>} : memref<2000x128xf32, #tpu.memory_space<vmem>>, vector<2000x128xf32>,
    return
  }
  func.func @transform_0(%arg0: i32) -> (i32, i32) {
    %c0_i32 = arith.constant 0 : i32
    %c0_i32_0 = arith.constant 0 : i32
    return %arg0, %c0_i32 : i32, i32
  }
  func.func @transform_1(%arg0: i32) -> (i32, i32) {
    %c0_i32 = arith.constant 0 : i32
    %c0_i32_0 = arith.constant 0 : i32
    %c0_i32_1 = arith.constant 0 : i32
    return %c0_i32, %c0_i32_0 : i32, i32
  }
  func.func @transform_2(%arg0: i32) -> (i32, i32) {
    %c0_i32 = arith.constant 0 : i32
    %c0_i32_0 = arith.constant 0 : i32
    %c0_i32_1 = arith.constant 0 : i32
    return %c0_i32, %c0_i32_0 : i32, i32
  }
  func.func @transform_3(%arg0: i32) -> (i32, i32) {
    %c0_i32 = arith.constant 0 : i32
    %c0_i32_0 = arith.constant 0 : i32
    %c0_i32_1 = arith.constant 0 : i32
    return %c0_i32, %c0_i32_0 : i32, i32
  }
  func.func @transform_4(%arg0: i32) -> (i32, i32) {
    %c0_i32 = arith.constant 0 : i32
    %c0_i32_0 = arith.constant 0 : i32
    return %arg0, %c0_i32 : i32, i32
  }
  func.func @transform_5(%arg0: i32) -> (i32, i32) {
    %c0_i32 = arith.constant 0 : i32
    %c0_i32_0 = arith.constant 0 : i32
    return %arg0, %c0_i32 : i32, i32
  }
}

module attributes {stable_mosaic.version = 14 : i64} {
  func.func @_edge_body(%arg0: i32, %arg1: memref<8000x128xf32, #tpu.memory_space<vmem>>, %arg2: memref<8000x128xf32, #tpu.memory_space<vmem>>, %arg3: memref<128x128xf32, #tpu.memory_space<vmem>>, %arg4: memref<128x128xf32, #tpu.memory_space<vmem>>, %arg5: memref<1x128xf32, #tpu.memory_space<vmem>>, %arg6: memref<1x128xf32, #tpu.memory_space<vmem>>, %arg7: memref<1x128xf32, #tpu.memory_space<vmem>>, %arg8: memref<8000x128xf32, #tpu.memory_space<vmem>>) attributes {dimension_semantics = [#tpu.dimension_semantics<arbitrary>], iteration_bounds = array<i64: 40>, scalar_prefetch = 0 : i64, scratch_operands = 0 : i64, tpu.core_type = #tpu.core_type<tc>, window_params = [{transform_indices = @transform_0, window_bounds = array<i64: 8000, 128>}, {transform_indices = @transform_1, window_bounds = array<i64: 8000, 128>}, {pipeline_mode = #tpu.pipeline_mode<synchronous>, transform_indices = @transform_2, window_bounds = array<i64: 128, 128>}, {pipeline_mode = #tpu.pipeline_mode<synchronous>, transform_indices = @transform_3, window_bounds = array<i64: 128, 128>}, {pipeline_mode = #tpu.pipeline_mode<synchronous>, transform_indices = @transform_4, window_bounds = array<i64: 1, 128>}, {pipeline_mode = #tpu.pipeline_mode<synchronous>, transform_indices = @transform_5, window_bounds = array<i64: 1, 128>}, {pipeline_mode = #tpu.pipeline_mode<synchronous>, transform_indices = @transform_6, window_bounds = array<i64: 1, 128>}, {transform_indices = @transform_7, window_bounds = array<i64: 8000, 128>}]} {
    %get3A = arith.constant 0 : index
    %get3A_0 = arith.constant 0 : index
    %get3A_1 = vector.load %arg2[%get3A, %get3A_0] : memref<8000x128xf32, #tpu.memory_space<vmem>>, vector<8000x128xf32>
    %get3A_2 = arith.constant 0 : index
    %get3A_3 = arith.constant 0 : index
    %get3A_4 = vector.load %arg1[%get3A_2, %get3A_3] : memref<8000x128xf32, #tpu.memory_space<vmem>>, vector<8000x128xf32>
    %get3A_5 = arith.constant 0 : index
    %get3A_6 = arith.constant 0 : index
    %get3A_7 = vector.load %arg3[%get3A_5, %get3A_6] : memref<128x128xf32, #tpu.memory_space<vmem>>, vector<128x128xf32>
    %convert_element_type3A = arith.truncf %get3A_1 : vector<8000x128xf32> to vector<8000x128xbf16>
    %convert_element_type3A_8 = arith.truncf %get3A_7 : vector<128x128xf32> to vector<128x128xbf16>
    %dot_general3A = arith.constant dense<0.000000e+00> : vector<8000x128xf32>
    %dot_general3A_9 = tpu.matmul %convert_element_type3A, %convert_element_type3A_8, %dot_general3A {dimension_numbers = #tpu.dot_dimension_numbers<[1], [0], [0], [1], [0, 0, 1, 1], [], []>, transpose_lhs_hint = false} : vector<8000x128xbf16>, vector<128x128xbf16>, vector<8000x128xf32> -> vector<8000x128xf32>
    %add3A = arith.addf %get3A_4, %dot_general3A_9 : vector<8000x128xf32>
    %max3A = arith.constant 0.000000e+00 : f32
    %max3A_10 = vector.broadcast %max3A : f32 to vector<8000x128xf32>
    %max3A_11 = arith.maximumf %add3A, %max3A_10 : vector<8000x128xf32>
    %get3A_12 = arith.constant 0 : index
    %get3A_13 = arith.constant 0 : index
    %get3A_14 = vector.load %arg4[%get3A_12, %get3A_13] : memref<128x128xf32, #tpu.memory_space<vmem>>, vector<128x128xf32>
    %convert_element_type3A_15 = arith.truncf %max3A_11 : vector<8000x128xf32> to vector<8000x128xbf16>
    %convert_element_type3A_16 = arith.truncf %get3A_14 : vector<128x128xf32> to vector<128x128xbf16>
    %dot_general3A_17 = arith.constant dense<0.000000e+00> : vector<8000x128xf32>
    %dot_general3A_18 = tpu.matmul %convert_element_type3A_15, %convert_element_type3A_16, %dot_general3A_17 {dimension_numbers = #tpu.dot_dimension_numbers<[1], [0], [0], [1], [0, 0, 1, 1], [], []>, transpose_lhs_hint = false} : vector<8000x128xbf16>, vector<128x128xbf16>, vector<8000x128xf32> -> vector<8000x128xf32>
    %get3A_19 = arith.constant 0 : index
    %get3A_20 = arith.constant 0 : index
    %get3A_21 = vector.load %arg5[%get3A_19, %get3A_20] : memref<1x128xf32, #tpu.memory_space<vmem>>, vector<1x128xf32>
    %add3A_22 = vector.broadcast %get3A_21 : vector<1x128xf32> to vector<8000x128xf32>
    %add3A_23 = arith.addf %dot_general3A_18, %add3A_22 : vector<8000x128xf32>
    %reduce_sum3A = arith.constant dense<0.000000e+00> : vector<8000xf32>
    %reduce_sum3A_24 = vector.multi_reduction <add>, %add3A_23, %reduce_sum3A [1] : vector<8000x128xf32> to vector<8000xf32>
    %broadcast_in_dim3A = vector.shape_cast %reduce_sum3A_24 : vector<8000xf32> to vector<8000x1xf32>
    %div3A = arith.constant 1.280000e+02 : f32
    %div3A_25 = vector.broadcast %div3A : f32 to vector<8000x1xf32>
    %div3A_26 = arith.divf %broadcast_in_dim3A, %div3A_25 : vector<8000x1xf32>
    %sub3A = vector.broadcast %div3A_26 : vector<8000x1xf32> to vector<8000x128xf32>
    %sub3A_27 = arith.subf %add3A_23, %sub3A : vector<8000x128xf32>
    %integer_pow3A = arith.mulf %sub3A_27, %sub3A_27 : vector<8000x128xf32>
    %reduce_sum3A_28 = arith.constant dense<0.000000e+00> : vector<8000xf32>
    %reduce_sum3A_29 = vector.multi_reduction <add>, %integer_pow3A, %reduce_sum3A_28 [1] : vector<8000x128xf32> to vector<8000xf32>
    %broadcast_in_dim3A_30 = vector.shape_cast %reduce_sum3A_29 : vector<8000xf32> to vector<8000x1xf32>
    %div3A_31 = arith.constant 1.280000e+02 : f32
    %div3A_32 = vector.broadcast %div3A_31 : f32 to vector<8000x1xf32>
    %div3A_33 = arith.divf %broadcast_in_dim3A_30, %div3A_32 : vector<8000x1xf32>
    %sub3A_34 = vector.broadcast %div3A_26 : vector<8000x1xf32> to vector<8000x128xf32>
    %sub3A_35 = arith.subf %add3A_23, %sub3A_34 : vector<8000x128xf32>
    %add3A_36 = arith.constant 9.99999974E-6 : f32
    %add3A_37 = vector.broadcast %add3A_36 : f32 to vector<8000x1xf32>
    %add3A_38 = arith.addf %div3A_33, %add3A_37 : vector<8000x1xf32>
    %rsqrt3A = math.rsqrt %add3A_38 : vector<8000x1xf32>
    %mul3A = vector.broadcast %rsqrt3A : vector<8000x1xf32> to vector<8000x128xf32>
    %mul3A_39 = arith.mulf %sub3A_35, %mul3A : vector<8000x128xf32>
    %get3A_40 = arith.constant 0 : index
    %get3A_41 = arith.constant 0 : index
    %get3A_42 = vector.load %arg6[%get3A_40, %get3A_41] : memref<1x128xf32, #tpu.memory_space<vmem>>, vector<1x128xf32>
    %mul3A_43 = vector.broadcast %get3A_42 : vector<1x128xf32> to vector<8000x128xf32>
    %mul3A_44 = arith.mulf %mul3A_39, %mul3A_43 : vector<8000x128xf32>
    %get3A_45 = arith.constant 0 : index
    %get3A_46 = arith.constant 0 : index
    %get3A_47 = vector.load %arg7[%get3A_45, %get3A_46] : memref<1x128xf32, #tpu.memory_space<vmem>>, vector<1x128xf32>
    %add3A_48 = vector.broadcast %get3A_47 : vector<1x128xf32> to vector<8000x128xf32>
    %add3A_49 = arith.addf %mul3A_44, %add3A_48 : vector<8000x128xf32>
    %add3A_50 = arith.addf %get3A_1, %add3A_49 : vector<8000x128xf32>
    %swap3A = arith.constant 0 : index
    %swap3A_51 = arith.constant 0 : index
    %swap3A_52 = vector.load %arg8[%swap3A, %swap3A_51] : memref<8000x128xf32, #tpu.memory_space<vmem>>, vector<8000x128xf32>
    tpu.vector_store %arg8[%swap3A, %swap3A_51], %add3A_50 {strides = array<i32>} : memref<8000x128xf32, #tpu.memory_space<vmem>>, vector<8000x128xf32>,
    return
  }
  func.func @transform_0(%arg0: i32) -> (i32, i32) {
    %c0_i32 = arith.constant 0 : i32
    %c0_i32_0 = arith.constant 0 : i32
    return %arg0, %c0_i32 : i32, i32
  }
  func.func @transform_1(%arg0: i32) -> (i32, i32) {
    %c0_i32 = arith.constant 0 : i32
    %c0_i32_0 = arith.constant 0 : i32
    return %arg0, %c0_i32 : i32, i32
  }
  func.func @transform_2(%arg0: i32) -> (i32, i32) {
    %c0_i32 = arith.constant 0 : i32
    %c0_i32_0 = arith.constant 0 : i32
    %c0_i32_1 = arith.constant 0 : i32
    return %c0_i32, %c0_i32_0 : i32, i32
  }
  func.func @transform_3(%arg0: i32) -> (i32, i32) {
    %c0_i32 = arith.constant 0 : i32
    %c0_i32_0 = arith.constant 0 : i32
    %c0_i32_1 = arith.constant 0 : i32
    return %c0_i32, %c0_i32_0 : i32, i32
  }
  func.func @transform_4(%arg0: i32) -> (i32, i32) {
    %c0_i32 = arith.constant 0 : i32
    %c0_i32_0 = arith.constant 0 : i32
    %c0_i32_1 = arith.constant 0 : i32
    return %c0_i32, %c0_i32_0 : i32, i32
  }
  func.func @transform_5(%arg0: i32) -> (i32, i32) {
    %c0_i32 = arith.constant 0 : i32
    %c0_i32_0 = arith.constant 0 : i32
    %c0_i32_1 = arith.constant 0 : i32
    return %c0_i32, %c0_i32_0 : i32, i32
  }
  func.func @transform_6(%arg0: i32) -> (i32, i32) {
    %c0_i32 = arith.constant 0 : i32
    %c0_i32_0 = arith.constant 0 : i32
    %c0_i32_1 = arith.constant 0 : i32
    return %c0_i32, %c0_i32_0 : i32, i32
  }
  func.func @transform_7(%arg0: i32) -> (i32, i32) {
    %c0_i32 = arith.constant 0 : i32
    %c0_i32_0 = arith.constant 0 : i32
    return %arg0, %c0_i32 : i32, i32
  }
}

module attributes {stable_mosaic.version = 14 : i64} {
  func.func @_node_body(%arg0: i32, %arg1: memref<2000x128xf32, #tpu.memory_space<vmem>>, %arg2: memref<2000x128xf32, #tpu.memory_space<vmem>>, %arg3: memref<2000x128xf32, #tpu.memory_space<vmem>>, %arg4: memref<128x128xf32, #tpu.memory_space<vmem>>, %arg5: memref<128x128xf32, #tpu.memory_space<vmem>>, %arg6: memref<1x128xf32, #tpu.memory_space<vmem>>, %arg7: memref<128x128xf32, #tpu.memory_space<vmem>>, %arg8: memref<1x128xf32, #tpu.memory_space<vmem>>, %arg9: memref<1x128xf32, #tpu.memory_space<vmem>>, %arg10: memref<1x128xf32, #tpu.memory_space<vmem>>, %arg11: memref<2000x128xf32, #tpu.memory_space<vmem>>) attributes {dimension_semantics = [#tpu.dimension_semantics<arbitrary>], iteration_bounds = array<i64: 5>, scalar_prefetch = 0 : i64, scratch_operands = 0 : i64, tpu.core_type = #tpu.core_type<tc>, window_params = [{transform_indices = @transform_0, window_bounds = array<i64: 2000, 128>}, {transform_indices = @transform_1, window_bounds = array<i64: 2000, 128>}, {transform_indices = @transform_2, window_bounds = array<i64: 2000, 128>}, {pipeline_mode = #tpu.pipeline_mode<synchronous>, transform_indices = @transform_3, window_bounds = array<i64: 128, 128>}, {pipeline_mode = #tpu.pipeline_mode<synchronous>, transform_indices = @transform_4, window_bounds = array<i64: 128, 128>}, {pipeline_mode = #tpu.pipeline_mode<synchronous>, transform_indices = @transform_5, window_bounds = array<i64: 1, 128>}, {pipeline_mode = #tpu.pipeline_mode<synchronous>, transform_indices = @transform_6, window_bounds = array<i64: 128, 128>}, {pipeline_mode = #tpu.pipeline_mode<synchronous>, transform_indices = @transform_7, window_bounds = array<i64: 1, 128>}, {pipeline_mode = #tpu.pipeline_mode<synchronous>, transform_indices = @transform_8, window_bounds = array<i64: 1, 128>}, {pipeline_mode = #tpu.pipeline_mode<synchronous>, transform_indices = @transform_9, window_bounds = array<i64: 1, 128>}, {transform_indices = @transform_10, window_bounds = array<i64: 2000, 128>}]} {
    %get3A = arith.constant 0 : index
    %get3A_0 = arith.constant 0 : index
    %get3A_1 = vector.load %arg1[%get3A, %get3A_0] : memref<2000x128xf32, #tpu.memory_space<vmem>>, vector<2000x128xf32>
    %get3A_2 = arith.constant 0 : index
    %get3A_3 = arith.constant 0 : index
    %get3A_4 = vector.load %arg2[%get3A_2, %get3A_3] : memref<2000x128xf32, #tpu.memory_space<vmem>>, vector<2000x128xf32>
    %get3A_5 = arith.constant 0 : index
    %get3A_6 = arith.constant 0 : index
    %get3A_7 = vector.load %arg3[%get3A_5, %get3A_6] : memref<2000x128xf32, #tpu.memory_space<vmem>>, vector<2000x128xf32>
    %add3A = arith.addf %get3A_4, %get3A_7 : vector<2000x128xf32>
    %get3A_8 = arith.constant 0 : index
    %get3A_9 = arith.constant 0 : index
    %get3A_10 = vector.load %arg4[%get3A_8, %get3A_9] : memref<128x128xf32, #tpu.memory_space<vmem>>, vector<128x128xf32>
    %convert_element_type3A = arith.truncf %get3A_1 : vector<2000x128xf32> to vector<2000x128xbf16>
    %convert_element_type3A_11 = arith.truncf %get3A_10 : vector<128x128xf32> to vector<128x128xbf16>
    %dot_general3A = arith.constant dense<0.000000e+00> : vector<2000x128xf32>
    %dot_general3A_12 = tpu.matmul %convert_element_type3A, %convert_element_type3A_11, %dot_general3A {dimension_numbers = #tpu.dot_dimension_numbers<[1], [0], [0], [1], [0, 0, 1, 1], [], []>, transpose_lhs_hint = false} : vector<2000x128xbf16>, vector<128x128xbf16>, vector<2000x128xf32> -> vector<2000x128xf32>
    %get3A_13 = arith.constant 0 : index
    %get3A_14 = arith.constant 0 : index
    %get3A_15 = vector.load %arg5[%get3A_13, %get3A_14] : memref<128x128xf32, #tpu.memory_space<vmem>>, vector<128x128xf32>
    %convert_element_type3A_16 = arith.truncf %add3A : vector<2000x128xf32> to vector<2000x128xbf16>
    %convert_element_type3A_17 = arith.truncf %get3A_15 : vector<128x128xf32> to vector<128x128xbf16>
    %dot_general3A_18 = arith.constant dense<0.000000e+00> : vector<2000x128xf32>
    %dot_general3A_19 = tpu.matmul %convert_element_type3A_16, %convert_element_type3A_17, %dot_general3A_18 {dimension_numbers = #tpu.dot_dimension_numbers<[1], [0], [0], [1], [0, 0, 1, 1], [], []>, transpose_lhs_hint = false} : vector<2000x128xbf16>, vector<128x128xbf16>, vector<2000x128xf32> -> vector<2000x128xf32>
    %add3A_20 = arith.addf %dot_general3A_12, %dot_general3A_19 : vector<2000x128xf32>
    %get3A_21 = arith.constant 0 : index
    %get3A_22 = arith.constant 0 : index
    %get3A_23 = vector.load %arg6[%get3A_21, %get3A_22] : memref<1x128xf32, #tpu.memory_space<vmem>>, vector<1x128xf32>
    %add3A_24 = vector.broadcast %get3A_23 : vector<1x128xf32> to vector<2000x128xf32>
    %add3A_25 = arith.addf %add3A_20, %add3A_24 : vector<2000x128xf32>
    %max3A = arith.constant 0.000000e+00 : f32
    %max3A_26 = vector.broadcast %max3A : f32 to vector<2000x128xf32>
    %max3A_27 = arith.maximumf %add3A_25, %max3A_26 : vector<2000x128xf32>
    %get3A_28 = arith.constant 0 : index
    %get3A_29 = arith.constant 0 : index
    %get3A_30 = vector.load %arg7[%get3A_28, %get3A_29] : memref<128x128xf32, #tpu.memory_space<vmem>>, vector<128x128xf32>
    %convert_element_type3A_31 = arith.truncf %max3A_27 : vector<2000x128xf32> to vector<2000x128xbf16>
    %convert_element_type3A_32 = arith.truncf %get3A_30 : vector<128x128xf32> to vector<128x128xbf16>
    %dot_general3A_33 = arith.constant dense<0.000000e+00> : vector<2000x128xf32>
    %dot_general3A_34 = tpu.matmul %convert_element_type3A_31, %convert_element_type3A_32, %dot_general3A_33 {dimension_numbers = #tpu.dot_dimension_numbers<[1], [0], [0], [1], [0, 0, 1, 1], [], []>, transpose_lhs_hint = false} : vector<2000x128xbf16>, vector<128x128xbf16>, vector<2000x128xf32> -> vector<2000x128xf32>
    %get3A_35 = arith.constant 0 : index
    %get3A_36 = arith.constant 0 : index
    %get3A_37 = vector.load %arg8[%get3A_35, %get3A_36] : memref<1x128xf32, #tpu.memory_space<vmem>>, vector<1x128xf32>
    %add3A_38 = vector.broadcast %get3A_37 : vector<1x128xf32> to vector<2000x128xf32>
    %add3A_39 = arith.addf %dot_general3A_34, %add3A_38 : vector<2000x128xf32>
    %reduce_sum3A = arith.constant dense<0.000000e+00> : vector<2000xf32>
    %reduce_sum3A_40 = vector.multi_reduction <add>, %add3A_39, %reduce_sum3A [1] : vector<2000x128xf32> to vector<2000xf32>
    %broadcast_in_dim3A = vector.shape_cast %reduce_sum3A_40 : vector<2000xf32> to vector<2000x1xf32>
    %div3A = arith.constant 1.280000e+02 : f32
    %div3A_41 = vector.broadcast %div3A : f32 to vector<2000x1xf32>
    %div3A_42 = arith.divf %broadcast_in_dim3A, %div3A_41 : vector<2000x1xf32>
    %sub3A = vector.broadcast %div3A_42 : vector<2000x1xf32> to vector<2000x128xf32>
    %sub3A_43 = arith.subf %add3A_39, %sub3A : vector<2000x128xf32>
    %integer_pow3A = arith.mulf %sub3A_43, %sub3A_43 : vector<2000x128xf32>
    %reduce_sum3A_44 = arith.constant dense<0.000000e+00> : vector<2000xf32>
    %reduce_sum3A_45 = vector.multi_reduction <add>, %integer_pow3A, %reduce_sum3A_44 [1] : vector<2000x128xf32> to vector<2000xf32>
    %broadcast_in_dim3A_46 = vector.shape_cast %reduce_sum3A_45 : vector<2000xf32> to vector<2000x1xf32>
    %div3A_47 = arith.constant 1.280000e+02 : f32
    %div3A_48 = vector.broadcast %div3A_47 : f32 to vector<2000x1xf32>
    %div3A_49 = arith.divf %broadcast_in_dim3A_46, %div3A_48 : vector<2000x1xf32>
    %sub3A_50 = vector.broadcast %div3A_42 : vector<2000x1xf32> to vector<2000x128xf32>
    %sub3A_51 = arith.subf %add3A_39, %sub3A_50 : vector<2000x128xf32>
    %add3A_52 = arith.constant 9.99999974E-6 : f32
    %add3A_53 = vector.broadcast %add3A_52 : f32 to vector<2000x1xf32>
    %add3A_54 = arith.addf %div3A_49, %add3A_53 : vector<2000x1xf32>
    %rsqrt3A = math.rsqrt %add3A_54 : vector<2000x1xf32>
    %mul3A = vector.broadcast %rsqrt3A : vector<2000x1xf32> to vector<2000x128xf32>
    %mul3A_55 = arith.mulf %sub3A_51, %mul3A : vector<2000x128xf32>
    %get3A_56 = arith.constant 0 : index
    %get3A_57 = arith.constant 0 : index
    %get3A_58 = vector.load %arg9[%get3A_56, %get3A_57] : memref<1x128xf32, #tpu.memory_space<vmem>>, vector<1x128xf32>
    %mul3A_59 = vector.broadcast %get3A_58 : vector<1x128xf32> to vector<2000x128xf32>
    %mul3A_60 = arith.mulf %mul3A_55, %mul3A_59 : vector<2000x128xf32>
    %add3A_61 = arith.addf %get3A_1, %mul3A_60 : vector<2000x128xf32>
    %get3A_62 = arith.constant 0 : index
    %get3A_63 = arith.constant 0 : index
    %get3A_64 = vector.load %arg10[%get3A_62, %get3A_63] : memref<1x128xf32, #tpu.memory_space<vmem>>, vector<1x128xf32>
    %add3A_65 = vector.broadcast %get3A_64 : vector<1x128xf32> to vector<2000x128xf32>
    %add3A_66 = arith.addf %add3A_61, %add3A_65 : vector<2000x128xf32>
    %swap3A = arith.constant 0 : index
    %swap3A_67 = arith.constant 0 : index
    %swap3A_68 = vector.load %arg11[%swap3A, %swap3A_67] : memref<2000x128xf32, #tpu.memory_space<vmem>>, vector<2000x128xf32>
    tpu.vector_store %arg11[%swap3A, %swap3A_67], %add3A_66 {strides = array<i32>} : memref<2000x128xf32, #tpu.memory_space<vmem>>, vector<2000x128xf32>,
    return
  }
  func.func @transform_0(%arg0: i32) -> (i32, i32) {
    %c0_i32 = arith.constant 0 : i32
    %c0_i32_0 = arith.constant 0 : i32
    return %arg0, %c0_i32 : i32, i32
  }
  func.func @transform_1(%arg0: i32) -> (i32, i32) {
    %c0_i32 = arith.constant 0 : i32
    %c0_i32_0 = arith.constant 0 : i32
    return %arg0, %c0_i32 : i32, i32
  }
  func.func @transform_2(%arg0: i32) -> (i32, i32) {
    %c0_i32 = arith.constant 0 : i32
    %c0_i32_0 = arith.constant 0 : i32
    return %arg0, %c0_i32 : i32, i32
  }
  func.func @transform_3(%arg0: i32) -> (i32, i32) {
    %c0_i32 = arith.constant 0 : i32
    %c0_i32_0 = arith.constant 0 : i32
    %c0_i32_1 = arith.constant 0 : i32
    return %c0_i32, %c0_i32_0 : i32, i32
  }
  func.func @transform_4(%arg0: i32) -> (i32, i32) {
    %c0_i32 = arith.constant 0 : i32
    %c0_i32_0 = arith.constant 0 : i32
    %c0_i32_1 = arith.constant 0 : i32
    return %c0_i32, %c0_i32_0 : i32, i32
  }
  func.func @transform_5(%arg0: i32) -> (i32, i32) {
    %c0_i32 = arith.constant 0 : i32
    %c0_i32_0 = arith.constant 0 : i32
    %c0_i32_1 = arith.constant 0 : i32
    return %c0_i32, %c0_i32_0 : i32, i32
  }
  func.func @transform_6(%arg0: i32) -> (i32, i32) {
    %c0_i32 = arith.constant 0 : i32
    %c0_i32_0 = arith.constant 0 : i32
    %c0_i32_1 = arith.constant 0 : i32
    return %c0_i32, %c0_i32_0 : i32, i32
  }
  func.func @transform_7(%arg0: i32) -> (i32, i32) {
    %c0_i32 = arith.constant 0 : i32
    %c0_i32_0 = arith.constant 0 : i32
    %c0_i32_1 = arith.constant 0 : i32
    return %c0_i32, %c0_i32_0 : i32, i32
  }
  func.func @transform_8(%arg0: i32) -> (i32, i32) {
    %c0_i32 = arith.constant 0 : i32
    %c0_i32_0 = arith.constant 0 : i32
    %c0_i32_1 = arith.constant 0 : i32
    return %c0_i32, %c0_i32_0 : i32, i32
  }
  func.func @transform_9(%arg0: i32) -> (i32, i32) {
    %c0_i32 = arith.constant 0 : i32
    %c0_i32_0 = arith.constant 0 : i32
    %c0_i32_1 = arith.constant 0 : i32
    return %c0_i32, %c0_i32_0 : i32, i32
  }
  func.func @transform_10(%arg0: i32) -> (i32, i32) {
    %c0_i32 = arith.constant 0 : i32
    %c0_i32_0 = arith.constant 0 : i32
    return %arg0, %c0_i32 : i32, i32
  }
}

</mosaic_0001>

<sc_bundles>
// kernel: kernel.10.cloned.1.call-start
scs
__scs_entry_jumppad:
0x0: {  	(pc) =	sbr.rel $0x88, $3  }
0x1: {  	(tag) =	ssettag $0x0;
	lr =	simm.s32 $0x1  }
0x2: {  	[smem:$0x3F92] =	sst lr;
	_ =	strace $0xD0000000  }
0x3: {  	_ = 	snop  }
0x4: {  	_ = 	snop  }
0x5: {  	_ = 	snop  }
0x6: {  	_ = 	snop  }
0x7: {  	_ = 	snop  }
__scs_overlays_trampoline_lowered:
0x8: {  	[smem:$0x3FA1] =	sst s0  }
0x9: {  	[smem:$0x3FA2] =	sst s1  }
0xa: {  	[smem:$0x3FA3] =	sst s2  }
0xb: {  	[smem:$0x3FA4] =	sst s3  }
0xc: {  	[smem:$0x3FA5] =	sst s4  }
0xd: {  	[smem:$0x3FA6] =	sst s5  }
0xe: {  	[smem:$0x3FA7] =	sst s6  }
0xf: {  	[smem:$0x3FA8] =	sst s7  }
0x10: {  	[smem:$0x3FA9] =	sst s8  }
0x11: {  	[smem:$0x3FAA] =	sst s9;
	s0 =	simm.s32 @!p0 $0x0  }
0x12: {  	s1 =	sld [smem:$0x3F90];
	s0 =	simm.s32 @p0 $0x1  }
0x13: {  	[smem:$0x3FAB] =	sst s0;
	s0 =	simm.s32 @!p1 $0x0  }
0x14: {  	s2 =	sld [smem:$0x3F8F];
	s0 =	simm.s32 @p1 $0x1  }
0x15: {  	[smem:$0x3FAC] =	sst s0;
	s0 =	simm.s32 @!p2 $0x0  }
0x16: {  	s3 =	sld [smem:$0x3FDB];
	s0 =	simm.s32 @p2 $0x1  }
0x17: {  	s4 =	simm.s32 $0x1BF5;
	[smem:$0x3FAE] =	sst s0  }
0x18: {  	s0 =	sld [smem:$0x3F91];
	_ =	swait.ge [sflag:s4], $0x0  }
0x19: {  	s7 =	sld [smem:$0x3F92]  }
0x1a: {  	s8 =	sadd.s32 $0xFFFFE003, lr  }
0x1b: {  	s9 =	sadd.s32 $0xFFFFFEF7, lr;
	s5 =	simm.s32 $0xFFFFFFFF;
	p2 =	slt.u32 s8, $0xFFFFF086  }
0x1c: {  	p1 =	slt.u32 s9, $0xF7A;
	s5 =	simm.s32 @!p2 $0x0  }
0x1d: {  	s5 =	simm.s32 @p1 $0x1;
	p0 =	seq.s32 s7, s2  }
0x1e: {  	s7 =	smul.u32 @!p0 $0xF7A, s2;
	p2 =	seq.s32 @!p0 s5, $0x0  }
0x1f: {  	s9 =	smul.u32 $0xF7A, s1;
	s8 =	simm.s32 @!p0 $0x1BF5;
	p2 =	por !p2, p0  }
0x20: {  	[sflag:s8] =	ssyncset.s32 @!p0 $0xFFFFF086;
	s6 =	sadd.s32 @!p0 s3, s7;
	s7 =	simm.s32 @!p0 $0x108  }
0x21: {  	s3 =	sadd.s32 s3, s9;
	s6 =	sadd.s32 @!p0 $0x88, s6;
	s7 =	simm.s32 @p2 $0x1082  }
0x22: {  	[simem:s7], [sflag:s8] =	dma.local @!p0 [hbm:s6], $0xF7A  }
0x23: {  	s9 =	sor.u32 $0xD0000000, s2;
	s6 =	simm.s32 $0x108;
	_ =	swait.ge @!p0 [sflag:s8], $0x0  }
0x24: {  	s3 =	sadd.s32 $0x88, s3;
	s6 =	simm.s32 @!p1 $0x1082;
	[sflag:s4] =	ssyncset.s32 $0xFFFFF086  }
0x25: {  	[simem:s6], [sflag:s4] =	dma.local [hbm:s3], $0xF7A  }
0x26: {  	[smem:$0x3F92] =	sst s1;
	(tag) =	ssettag s2;
	_ =	strace s9  }
0x27: {  	s1 =	sld [smem:$0x3FA2]  }
0x28: {  	s2 =	sld [smem:$0x3FA3]  }
0x29: {  	s4 =	sld [smem:$0x3FA5]  }
0x2a: {  	p0 =	seq.s32 s5, $0x0;
	s5 =	sld [smem:$0x3FA6]  }
0x2b: {  	s6 =	sld [smem:$0x3FA7]  }
0x2c: {  	s7 =	sld [smem:$0x3FA8]  }
0x2d: {  	s3 =	simm.s32 $0x108;
	s8 =	sld [smem:$0x3FA9]  }
0x2e: {  	s3 =	simm.s32 @!p0 $0x1082;
	s9 =	sld [smem:$0x3FAA]  }
0x2f: {  	lr =	sadd.s32 s0, s3;
	s0 =	sld [smem:$0x3FA1]  }
0x30: {  	s3 =	sld [smem:$0x3FA4]  }
0x31: {  	[smem:$0x3FAD] =	sst s10  }
0x32: {  	s10 =	sld [smem:$0x3FAB];
	_ =	sdelay $0x3  }
0x33: {  	p0 =	seq.s32 s10, $0x1;
	s10 =	sld [smem:$0x3FAD];
	_ =	sdelay $0x3  }
0x34: {  	[smem:$0x3FAD] =	sst s10  }
0x35: {  	s10 =	sld [smem:$0x3FAC];
	_ =	sdelay $0x3  }
0x36: {  	p1 =	seq.s32 s10, $0x1;
	s10 =	sld [smem:$0x3FAD];
	_ =	sdelay $0x3  }
0x37: {  	[smem:$0x3FAD] =	sst s10  }
0x38: {  	s10 =	sld [smem:$0x3FAE]  }
0x39: {  	_ = 	snop;
	(pc) =	sbr.ind lr, $3  }
0x3a: {  	_ = 	snop  }
0x3b: {  	_ = 	snop  }
0x3c: {  	p2 =	seq.s32 s10, $0x1;
	s10 =	sld [smem:$0x3FAD]  }
0x3d: {  	_ =	shalt  }
0x3e: {  	_ =	shalt  }
0x3f: {  	_ =	shalt  }
0x40: {  	_ =	shalt  }
0x41: {  	_ =	shalt  }
0x42: {  	_ =	shalt  }
0x43: {  	_ =	shalt  }
0x44: {  	_ =	shalt  }
0x45: {  	_ =	shalt  }
0x46: {  	_ =	shalt  }
0x47: {  	_ =	shalt  }
0x48: {  	_ =	shalt  }
0x49: {  	_ =	shalt  }
0x4a: {  	_ =	shalt  }
0x4b: {  	_ =	shalt  }
0x4c: {  	_ =	shalt  }
0x4d: {  	_ =	shalt  }
0x4e: {  	_ =	shalt  }
0x4f: {  	_ =	shalt  }
0x50: {  	_ =	shalt  }
0x51: {  	_ =	shalt  }
0x52: {  	_ =	shalt  }
0x53: {  	_ =	shalt  }
0x54: {  	_ =	shalt  }
0x55: {  	_ =	shalt  }
0x56: {  	_ =	shalt  }
0x57: {  	_ =	shalt  }
0x58: {  	_ =	shalt  }
0x59: {  	_ =	shalt  }
0x5a: {  	_ =	shalt  }
0x5b: {  	_ =	shalt  }
0x5c: {  	_ =	shalt  }
0x5d: {  	_ =	shalt  }
0x5e: {  	_ =	shalt  }
0x5f: {  	_ =	shalt  }
0x60: {  	_ =	shalt  }
0x61: {  	_ =	shalt  }
0x62: {  	_ =	shalt  }
0x63: {  	_ =	shalt  }
0x64: {  	_ =	shalt  }
0x65: {  	_ =	shalt  }
0x66: {  	_ =	shalt  }
0x67: {  	_ =	shalt  }
0x68: {  	_ =	shalt  }
0x69: {  	_ =	shalt  }
0x6a: {  	_ =	shalt  }
0x6b: {  	_ =	shalt  }
0x6c: {  	_ =	shalt  }
0x6d: {  	_ =	shalt  }
0x6e: {  	_ =	shalt  }
0x6f: {  	_ =	shalt  }
0x70: {  	_ =	shalt  }
0x71: {  	_ =	shalt  }
0x72: {  	_ =	shalt  }
0x73: {  	_ =	shalt  }
0x74: {  	_ =	shalt  }
0x75: {  	_ =	shalt  }
0x76: {  	_ =	shalt  }
0x77: {  	_ =	shalt  }
0x78: {  	_ =	shalt  }
0x79: {  	_ =	shalt  }
0x7a: {  	_ =	shalt  }
0x7b: {  	_ =	shalt  }
0x7c: {  	_ =	shalt  }
0x7d: {  	_ =	shalt  }
0x7e: {  	_ =	shalt  }
0x7f: {  	_ =	shalt  }
0x80: {  	_ =	shalt  }
0x81: {  	_ =	shalt  }
0x82: {  	_ =	shalt  }
0x83: {  	_ =	shalt  }
0x84: {  	_ =	shalt  }
0x85: {  	_ =	shalt  }
0x86: {  	_ =	shalt  }
0x87: {  	_ =	shalt  }
.Lfunc_end0:
.L_simem_size_0:
called_computation.1_lowered:
.L_overlay_start_0:
0x88: {  	s2 =	sld [smem:$0x3FD9]  }
0x89: {  	s3 =	sld [smem:$0x3FFE];
	_ =	sdelay $0x1  }
0x8a: {  	s1 =	srdreg.scid  }
0x8b: {  	s0 =	sand.u32 $0x1, s1  }
0x8c: {  	s14 =	sshll.u32 s0, $0xA;
	s2 =	sadd.s32 s3, s2  }
0x8d: {  	s2 =	sadd.s32 s2, s14  }
0x8e: {  	[smem:$0x3FB9] =	sst s2  }
0x8f: {  	_ = 	snop  }
0x90: {  	s2 =	sld [smem:$0x3FD0];
	_ =	sdelay $0x2  }
0x91: {  	s15 =	simm.s32 $0xA;
	s4 =	simm.s32 $0x10  }
0x92: {  	[smem:s4], [sflag:s15] =	dma.local [hbm:s2], $0x1  }
0x93: {  	_ =	swait.eq [sflag:s15], $0x1  }
0x94: {  	[sflag:s15] =	ssyncset.done $0x0  }
0x95: {  	[sflag:s15] =	ssyncadd.s32 $0xFFFFFFFF  }
0x96: {  	s16 =	sld [smem:$0x11];
	(tm) =	ssettm $0x1  }
0x97: {  	s17 =	sld [smem:$0x3FFB];
	_ =	sdelay $0x3  }
0x98: {  	_ =	strace s17  }
0x99: {  	s3 =	sld [smem:$0x3FFC];
	_ =	sdelay $0x3  }
0x9a: {  	_ =	strace s3  }
0x9b: {  	s3 =	sld [smem:$0x3FFD];
	_ =	sdelay $0x3  }
0x9c: {  	_ =	strace s3  }
0x9d: {  	_ =	strace $0x8FFFFFFF  }
0x9e: {  	s18 =	sld [smem:$0x3FDB];
	_ =	sdelay $0x1  }
0x9f: {  	s19 =	simm.s32 $_scs_section_size  }
0xa0: {  	s5 =	simm.s32 $_size__tile_overlayer_lowered;
	s6 =	simm.s32 $_tile_overlayer_lowered  }
0xa1: {  	s22 =	simm.s32 $0x1BFF;
	s21 =	sshll.u32 s6, $0x1;
	s3 =	sadd.s32 s19, s18  }
0xa2: {  	s7 =	simm.s32 $0x0;
	s20 =	sshll.u32 s5, $0x1;
	s5 =	sadd.s32 s21, s3  }
0xa3: {  	[timem:s7], [sflag:s22] =	dma.local [hbm:s5], s20  }
0xa4: {  	_ =	swait.ge [sflag:s22], s20  }
0xa5: {  	s4 =	ssub.s32 $0x0, s20;
	[sflag:s22] =	ssyncset.done $0x0  }
0xa6: {  	[sflag:s22] =	ssyncadd.s32 s4;
	_ =	sdelay $0x1  }
0xa7: {  	s23 =	simm.s32 $0x1B8B  }
0xa8: {  	_ =	swait.ge [sflag:s23], $0x1  }
0xa9: {  	[sflag:s23] =	ssyncset.done $0x0  }
0xaa: {  	s25 =	simm.s32 $0x1B8E;
	s24 =	sld [smem:$0x3FFE];
	[sflag:s23] =	ssyncadd.s32 $0xFFFFFFFF  }
0xab: {  	s26 =	simm.s32 $execute0_lowered;
	[smem:$0x3FD2] =	sst s25  }
0xac: {  	s5 =	sshll.u32 s26, $0x1;
	_ =	strace $0x80000049;
	[dreg:$0x1] =	wrdreg $0xFFFFFFFF  }
0xad: {  	s28 =	simm.s32 $_size_execute0_lowered;
	s3 =	sadd.s32 s3, s5;
	[dreg:$0x0] =	wrdreg $0x0  }
0xae: {  	s5 =	sshll.u32 s28, $0x1;
	[dreg:$0x2] =	wrdreg s3  }
0xaf: {  	[dreg:$0x3] =	wrdreg s5  }
0xb0: {  	[dreg:$0x4] =	wrdreg $0xC0  }
0xb1: {  	_ =	task [dreg:s7], $0x5FFFF  }
0xb2: {  	[dreg:$0x1] =	wrdreg $0xFFFFFFFF  }
0xb3: {  	[dreg:$0x0] =	wrdreg $0x60  }
0xb4: {  	[dreg:$0x2] =	wrdreg s16  }
0xb5: {  	[dreg:$0x3] =	wrdreg s24  }
0xb6: {  	[dreg:$0x4] =	wrdreg $0x90000  }
0xb7: {  	[dreg:$0x5] =	wrdreg $0x9  }
0xb8: {  	_ =	task.clear_ibuf [dreg:s7], $0x6FFFF;
	_ =	strace $0x90000049  }
0xb9: {  	s29 =	simm.s32 $0x9;
	_ =	strace $0x8000004B  }
0xba: {  	_ =	swait.ge [sflag:s29], $0x1  }
0xbb: {  	[sflag:s29] =	ssyncadd.s32 $0xFFFFFFFF  }
0xbc: {  	_ =	strace $0x9000004B  }
0xbd: {  	_ =	sfence  }
0xbe: {  	s30 =	sld [smem:$0x0];
	_ =	sdelay $0x2  }
0xbf: {  	s31 =	sshll.u32 s1, $0xD;
	s1 =	sshrl.u32 s1, $0x2  }
0xc0: {  	s3 =	sand.u32 $0x4000, s31;
	s1 =	sadd.s32 s1, s30  }
0xc1: {  	s0 =	sor.u32 s3, s0;
	s1 =	sshll.u32 s1, $0x11  }
0xc2: {  	s0 =	sor.u32 s1, s0  }
0xc3: {  	s0 =	sadd.s32 $0x8F2B, s0  }
0xc4: {  	[sflag:s0] =	ssyncadd.remote.s32 $0x1  }
0xc5: {  	_ =	sfence.sel $0xFFFF  }
0xc6: {  	[dreg:$0x0] =	wrdreg $0xFFFFFFFF;
	(pc) =	sbr.abs _section_cstart, $3  }
0xc7: {  	[dreg:$0x1] =	wrdreg $0xFFFFFFFF  }
0xc8: {  	_ =	task.clear_ibuf [dreg:s7], $0x2FFFF;
	_ =	strace $0x9FFFFFFF  }
0xc9: {  	(tm) =	ssettm $0x7FFFFFFF  }
tec
execute0_lowered:
.L_overlay_start_1:
0x0: {  	(tag) =	ssettag $0x1  }
0x1: {  	s0 =	rddreg [dreg:$0x0]  }
0x2: {  	s1 =	rddreg [dreg:$0x1]  }
0x3: {  	s3 =	srdreg.scid;
	s2 =	rddreg [dreg:$0x2]  }
0x4: {  	s18 =	stileid.u32;
	s21 =	simm.s32 $0x4000;
	s22 =	simm.s32 $0x4  }
0x5: {  	s23 =	simm.s32 $0x3;
	s24 =	simm.s32 $0x6800;
	s30 =	smul.u32 $0x14000, s18  }
0x6: {  	s25 =	simm.s32 $0x1;
	s26 =	simm.s32 $0x50;
	s7 =	smul.u32 $0x50000, s18  }
0x7: {  	s16 =	sand.u32 $0x1, s3;
	s4 =	sshll.u32 s18, $0x1;
	s18 =	smul.u32 $0x4E200, s18  }
0x8: {  	s28 =	simm.s32 $0x2;
	s3 =	simm.s32 $0x0;
	s5 =	smul.u32 $0x140000, s16  }
0x9: {  	s11 =	sor.u32 s16, s4;
	[smem:$0x7FF] =	sst s3;
	s31 =	ssub.s32 $0x2, s16  }
0xa: {  	s20 =	smul.u32 $0x27100, s16;
	s6 =	sshll.u32 s11, $0xB;
	_ =	strace $0x8000004A  }
0xb: {  	s7 =	sshrl.u32 s7, $0x2;
	s8 =	sshrl.u32 s31, $0x1;
	s13 =	smul.u32 $0x138800, s11  }
0xc: {  	s14 =	smul.u32 $0x27100, s11;
	s6 =	sadd.s32 s6, s1;
	s4 =	sadd.s32 s30, s5  }
0xd: {  	s19 =	ssub.s32 s31, s8;
	s4 =	sshrl.u32 s4, $0x3;
	s5 =	sadd.s32 $0x3600, s6  }
0xe: {  	s15 =	sshrl.u32 s13, $0x3;
	s13 =	sadd.s32 s0, s14;
	s19 =	smax.u32 s19, $0x1  }
0xf: {  	s1 =	sadd.s32 s4, s1;
	s4 =	sadd.s32 s7, s2;
	s17 =	sadd.s32 s0, s15  }
0x10: {  	s0 =	sadd.s32 s18, s0;
	s6 =	sadd.s32 $0x2800, s4;
	s7 =	sadd.s32 $0x5000, s4  }
0x11: {  	s8 =	sadd.s32 $0x7800, s4;
	s9 =	sadd.s32 $0xA000, s4;
	s10 =	sadd.s32 $0xC800, s4  }
0x12: {  	s11 =	sadd.s32 $0xF000, s4;
	s12 =	sadd.s32 $0x11800, s4;
	s14 =	sadd.s32 $0x500, s17  }
0x13: {  	s15 =	sadd.s32 $0xA00, s17;
	s16 =	sadd.s32 $0xF00, s17;
	s17 =	sadd.s32 $0x26C00, s17  }
0x14: {  	v0 =	vimm.f32 $0.0e+00;
	s18 =	sadd.s32 $0x13600, s1;
	s20 =	sadd.s32 s20, s0;
	s1 =	simm.s32 $0x0  }
.LBB2_1:
0x15: {  	[tilespmem:s3], [sflag:$0x3] =	stream.linear.gather [hbm4b:s5+s3], $0x3E80, $0x38;
	[tilespmem:$0x1D000] =	vst v63  }
0x16: {  	s29 =	simm.s32 $0x0;
	s30 =	simm.s32 $0x200  }
.LBB2_2:
0x17: {  	p0 =	sne.s32 s30, $0x9E00;
	[tilespmem:s29+$0x4070] =	vst v0  }
0x18: {  	[tilespmem:s29+$0x4000] =	vst v0  }
0x19: {  	[tilespmem:s29+$0x4010] =	vst v0  }
.Ltmp0:
0x1a: {  	[tilespmem:s29+$0x4020] =	vst v0;
	(pc) =	sbr.rel @p0 .LBB2_2-.Ltmp0, $4  }
0x1b: {  	[tilespmem:s29+$0x4030] =	vst v0  }
0x1c: {  	[tilespmem:s29+$0x4040] =	vst v0  }
0x1d: {  	[tilespmem:s29+$0x4050] =	vst v0  }
0x1e: {  	[tilespmem:s29+$0x4060] =	vst v0;
	s29 =	sshra.s32 s30, $0x2;
	s30 =	sadd.s32 $0x200, s30  }
0x1f: {  	[tilespmem:s29+$0x4070] =	vst v0  }
0x20: {  	[tilespmem:s29+$0x4000] =	vst v0  }
0x21: {  	[tilespmem:s29+$0x4010] =	vst v0  }
0x22: {  	[tilespmem:s29+$0x4020] =	vst v0  }
0x23: {  	[tilespmem:s29+$0x4030] =	vst v0  }
0x24: {  	[tilespmem:s29+$0x4040] =	vst v0  }
0x25: {  	[tilespmem:s29+$0x4050] =	vst v0  }
0x26: {  	[tilespmem:s29+$0x4060] =	vst v0  }
0x27: {  	[spmem:s4] =	stream.linear.scatter [tilespmem:s21], [sflag:$0x4], $0x2800, $0x38;
	[tilespmem:$0x1D000] =	vst v63  }
0x28: {  	_ =	swait.ge [sflag:s22], $0x2800  }
0x29: {  	[sflag:s22] =	ssyncset.done $0x0  }
0x2a: {  	[sflag:s22] =	ssyncadd.s32 $0xFFFFD800  }
0x2b: {  	[spmem:s6] =	stream.linear.scatter [tilespmem:s21], [sflag:$0x4], $0x2800, $0x38;
	[tilespmem:$0x1D000] =	vst v63  }
0x2c: {  	_ =	swait.ge [sflag:s22], $0x2800  }
0x2d: {  	[sflag:s22] =	ssyncset.done $0x0  }
0x2e: {  	[sflag:s22] =	ssyncadd.s32 $0xFFFFD800  }
0x2f: {  	[spmem:s7] =	stream.linear.scatter [tilespmem:s21], [sflag:$0x4], $0x2800, $0x38;
	[tilespmem:$0x1D000] =	vst v63  }
0x30: {  	_ =	swait.ge [sflag:s22], $0x2800  }
0x31: {  	[sflag:s22] =	ssyncset.done $0x0  }
0x32: {  	[sflag:s22] =	ssyncadd.s32 $0xFFFFD800  }
0x33: {  	[spmem:s8] =	stream.linear.scatter [tilespmem:s21], [sflag:$0x4], $0x2800, $0x38;
	[tilespmem:$0x1D000] =	vst v63  }
0x34: {  	_ =	swait.ge [sflag:s22], $0x2800  }
0x35: {  	[sflag:s22] =	ssyncset.done $0x0  }
0x36: {  	[sflag:s22] =	ssyncadd.s32 $0xFFFFD800  }
0x37: {  	[spmem:s9] =	stream.linear.scatter [tilespmem:s21], [sflag:$0x4], $0x2800, $0x38;
	[tilespmem:$0x1D000] =	vst v63  }
0x38: {  	_ =	swait.ge [sflag:s22], $0x2800  }
0x39: {  	[sflag:s22] =	ssyncset.done $0x0  }
0x3a: {  	[sflag:s22] =	ssyncadd.s32 $0xFFFFD800  }
0x3b: {  	[spmem:s10] =	stream.linear.scatter [tilespmem:s21], [sflag:$0x4], $0x2800, $0x38;
	[tilespmem:$0x1D000] =	vst v63  }
0x3c: {  	_ =	swait.ge [sflag:s22], $0x2800  }
0x3d: {  	[sflag:s22] =	ssyncset.done $0x0  }
0x3e: {  	[sflag:s22] =	ssyncadd.s32 $0xFFFFD800  }
0x3f: {  	[spmem:s11] =	stream.linear.scatter [tilespmem:s21], [sflag:$0x4], $0x2800, $0x38;
	[tilespmem:$0x1D000] =	vst v63  }
0x40: {  	_ =	swait.ge [sflag:s22], $0x2800  }
0x41: {  	[sflag:s22] =	ssyncset.done $0x0  }
0x42: {  	[sflag:s22] =	ssyncadd.s32 $0xFFFFD800  }
0x43: {  	[spmem:s12] =	stream.linear.scatter [tilespmem:s21], [sflag:$0x4], $0x2800, $0x38;
	[tilespmem:$0x1D000] =	vst v63  }
0x44: {  	_ =	swait.ge [sflag:s22], $0x2800  }
0x45: {  	[sflag:s22] =	ssyncset.done $0x0  }
0x46: {  	[sflag:s22] =	ssyncadd.s32 $0xFFFFD800  }
0x47: {  	_ =	swait.ge [sflag:s23], $0x3E80  }
0x48: {  	[sflag:s23] =	ssyncset.done $0x0  }
0x49: {  	[sflag:s23] =	ssyncadd.s32 $0xFFFFC180  }
0x4a: {  	s29 =	simm.s32 $0x0;
	[bflag:$0x0] =	sbarrier.arrive $0xFFFF  }
0x4b: {  	[tilespmem:s21], [sflag:$0x1] =	stream.linear.gather [hbm4b:s13+s29], $0x2800, $0x38;
	[tilespmem:$0x1D000] =	vst v63  }
0x4c: {  	_ = 	snop  }
0x4d: {  	[tilespmem:s24], [sflag:$0x2] =	stream.linear.gather [hbm4b:s14+s29], $0x2800, $0x38;
	[tilespmem:$0x1D000] =	vst v63  }
0x4e: {  	_ =	swait.ge [sflag:s25], $0x2800  }
0x4f: {  	[sflag:s25] =	ssyncset.done $0x0  }
0x50: {  	[sflag:s25] =	ssyncadd.s32 $0xFFFFD800  }
0x51: {  	[spmem:s2] =	stream.indirect.scatter.add.f32 [tilespmem:s21], [sflag:$0x4], $0x80, s29, s26, $0xb8;
	[tilespmem:$0x1D000] =	vst v63  }
0x52: {  	_ =	swait.ge [sflag:s22], $0x2800  }
0x53: {  	[sflag:s22] =	ssyncset.done $0x0  }
0x54: {  	[sflag:s22] =	ssyncadd.s32 $0xFFFFD800  }
0x55: {  	[tilespmem:s21], [sflag:$0x1] =	stream.linear.gather [hbm4b:s15+s29], $0x2800, $0x38;
	[tilespmem:$0x1D000] =	vst v63  }
0x56: {  	_ =	swait.ge [sflag:s28], $0x2800  }
0x57: {  	[sflag:s28] =	ssyncset.done $0x0  }
0x58: {  	s0 =	simm.s32 $0x80;
	[sflag:s28] =	ssyncadd.s32 $0xFFFFD800  }
0x59: {  	[spmem:s2] =	stream.indirect.scatter.add.f32 [tilespmem:s24], [sflag:$0x4], $0x80, s0, s26, $0xb8;
	[tilespmem:$0x1D000] =	vst v63  }
0x5a: {  	_ =	swait.ge [sflag:s22], $0x2800  }
0x5b: {  	[sflag:s22] =	ssyncset.done $0x0  }
0x5c: {  	[sflag:s22] =	ssyncadd.s32 $0xFFFFD800  }
0x5d: {  	[tilespmem:s24], [sflag:$0x2] =	stream.linear.gather [hbm4b:s16+s29], $0x2800, $0x38;
	[tilespmem:$0x1D000] =	vst v63  }
0x5e: {  	_ =	swait.ge [sflag:s25], $0x2800  }
0x5f: {  	[sflag:s25] =	ssyncset.done $0x0  }
0x60: {  	s29 =	simm.s32 $0x100;
	[sflag:s25] =	ssyncadd.s32 $0xFFFFD800  }
0x61: {  	[spmem:s2] =	stream.indirect.scatter.add.f32 [tilespmem:s21], [sflag:$0x4], $0x80, s29, s26, $0xb8;
	[tilespmem:$0x1D000] =	vst v63  }
0x62: {  	_ =	swait.ge [sflag:s22], $0x2800  }
0x63: {  	s30 =	sadd.s32 $0x0, s20;
	[sflag:s22] =	ssyncset.done $0x0  }
0x64: {  	s29 =	sadd.s32 $0x1400, s30;
	[sflag:s22] =	ssyncadd.s32 $0xFFFFD800  }
0x65: {  	[tilespmem:s21], [sflag:$0x1] =	stream.linear.gather [hbm4b:s29+s3], $0x2800, $0x38;
	[tilespmem:$0x1D000] =	vst v63  }
0x66: {  	_ =	swait.ge [sflag:s28], $0x2800  }
0x67: {  	[sflag:s28] =	ssyncset.done $0x0  }
0x68: {  	s29 =	simm.s32 $0x180;
	[sflag:s28] =	ssyncadd.s32 $0xFFFFD800  }
0x69: {  	[spmem:s2] =	stream.indirect.scatter.add.f32 [tilespmem:s24], [sflag:$0x4], $0x80, s29, s26, $0xb8;
	[tilespmem:$0x1D000] =	vst v63  }
0x6a: {  	_ =	swait.ge [sflag:s22], $0x2800  }
0x6b: {  	s31 =	sadd.s32 $0x1900, s30;
	[sflag:s22] =	ssyncset.done $0x0  }
0x6c: {  	s30 =	simm.s32 $0x280;
	s29 =	simm.s32 $0xA00;
	[sflag:s22] =	ssyncadd.s32 $0xFFFFD800  }
.LBB2_4:
0x6d: {  	[tilespmem:s24], [sflag:$0x2] =	stream.linear.gather [hbm4b:s31+s3], $0x2800, $0x38;
	[tilespmem:$0x1D000] =	vst v63  }
0x6e: {  	s31 =	smov.u32 s29  }
0x6f: {  	p0 =	sne.s32 s29, $0x24E00;
	s29 =	sadd.s32 $0xA00, s29;
	_ =	swait.ge [sflag:s25], $0x2800  }
0x70: {  	[sflag:s25] =	ssyncset.done $0x0  }
0x71: {  	s0 =	sadd.s32 $0xFFFFFF80, s30;
	[sflag:s25] =	ssyncadd.s32 $0xFFFFD800  }
0x72: {  	[spmem:s2] =	stream.indirect.scatter.add.f32 [tilespmem:s21], [sflag:$0x4], $0x80, s0, s26, $0xb8;
	[tilespmem:$0x1D000] =	vst v63  }
0x73: {  	_ =	swait.ge [sflag:s22], $0x2800  }
0x74: {  	s0 =	sadd.s32 s31, s20;
	[sflag:s22] =	ssyncset.done $0x0  }
0x75: {  	s31 =	sadd.s32 $0x1400, s0;
	[sflag:s22] =	ssyncadd.s32 $0xFFFFD800  }
0x76: {  	[tilespmem:s21], [sflag:$0x1] =	stream.linear.gather [hbm4b:s31+s3], $0x2800, $0x38;
	[tilespmem:$0x1D000] =	vst v63  }
0x77: {  	_ =	swait.ge [sflag:s28], $0x2800  }
0x78: {  	[sflag:s28] =	ssyncset.done $0x0  }
.Ltmp1:
0x79: {  	[sflag:s28] =	ssyncadd.s32 $0xFFFFD800;
	(pc) =	sbr.rel @p0 .LBB2_4-.Ltmp1, $4  }
0x7a: {  	[spmem:s2] =	stream.indirect.scatter.add.f32 [tilespmem:s24], [sflag:$0x4], $0x80, s30, s26, $0xb8;
	[tilespmem:$0x1D000] =	vst v63  }
0x7b: {  	_ =	swait.ge [sflag:s22], $0x2800  }
0x7c: {  	[sflag:s22] =	ssyncset.done $0x0  }
0x7d: {  	s31 =	sadd.s32 $0x1900, s0;
	s30 =	sadd.s32 $0x100, s30;
	[sflag:s22] =	ssyncadd.s32 $0xFFFFD800  }
0x7e: {  	[tilespmem:s24], [sflag:$0x2] =	stream.linear.gather [hbm4b:s31+s3], $0x2800, $0x38;
	[tilespmem:$0x1D000] =	vst v63  }
0x7f: {  	_ =	swait.ge [sflag:s25], $0x2800  }
0x80: {  	[sflag:s25] =	ssyncset.done $0x0  }
0x81: {  	s0 =	simm.s32 $0x3D00;
	[sflag:s25] =	ssyncadd.s32 $0xFFFFD800  }
0x82: {  	[spmem:s2] =	stream.indirect.scatter.add.f32 [tilespmem:s21], [sflag:$0x4], $0x80, s0, s26, $0xb8;
	[tilespmem:$0x1D000] =	vst v63  }
0x83: {  	_ =	swait.ge [sflag:s22], $0x2800  }
0x84: {  	[sflag:s22] =	ssyncset.done $0x0  }
0x85: {  	[sflag:s22] =	ssyncadd.s32 $0xFFFFD800  }
0x86: {  	[tilespmem:s21], [sflag:$0x1] =	stream.linear.gather [hbm4b:s17+s3], $0x2800, $0x38;
	[tilespmem:$0x1D000] =	vst v63  }
0x87: {  	_ =	swait.ge [sflag:s28], $0x2800  }
0x88: {  	[sflag:s28] =	ssyncset.done $0x0  }
0x89: {  	s29 =	simm.s32 $0x3D80;
	[sflag:s28] =	ssyncadd.s32 $0xFFFFD800  }
0x8a: {  	[spmem:s2] =	stream.indirect.scatter.add.f32 [tilespmem:s24], [sflag:$0x4], $0x80, s29, s26, $0xb8;
	[tilespmem:$0x1D000] =	vst v63  }
0x8b: {  	_ =	swait.ge [sflag:s22], $0x2800  }
0x8c: {  	[sflag:s22] =	ssyncset.done $0x0  }
0x8d: {  	[sflag:s22] =	ssyncadd.s32 $0xFFFFD800  }
0x8e: {  	_ =	swait.ge [sflag:s25], $0x2800  }
0x8f: {  	[sflag:s25] =	ssyncset.done $0x0  }
0x90: {  	s30 =	simm.s32 $0x3E00;
	[sflag:s25] =	ssyncadd.s32 $0xFFFFD800  }
0x91: {  	[spmem:s2] =	stream.indirect.scatter.add.f32 [tilespmem:s21], [sflag:$0x4], $0x80, s30, s26, $0xb8;
	[tilespmem:$0x1D000] =	vst v63  }
0x92: {  	s31 =	stileid.u32;
	_ =	swait.ge [sflag:s22], $0x2800  }
0x93: {  	s1 =	sadd.s32 $0x1, s1;
	s0 =	sshll.u32 s31, $0x6;
	[sflag:s22] =	ssyncset.done $0x0  }
0x94: {  	p0 =	sne.s32 s1, s19;
	s0 =	sor.u32 $0x1C04, s0;
	[sflag:s22] =	ssyncadd.s32 $0xFFFFD800  }
.Ltmp2:
0x95: {  	s29 =	sshrl.u32 s4, $0x3;
	[bflag:$0x0] =	sbarrier.arrive $0xFFFF;
	(pc) =	sbr.rel @p0 .LBB2_1-.Ltmp2, $4  }
0x96: {  	[hbm:s18], [sflag:s0] =	dma.local [spmem:s29], $0x2800  }
0x97: {  	_ =	swait.ge [sflag:s22], $0x2800  }
0x98: {  	[sflag:s22] =	ssyncset.done $0x0  }
0x99: {  	[sflag:s22] =	ssyncadd.s32 $0xFFFFD800  }
0x9a: {  	_ =	sfence.sel $0x180000  }
0x9b: {  	[bflag:$0x0] =	sbarrier.arrive $0xFFFF  }
0x9c: {  	_ =	strace $0x9000004A  }
0x9d: {  	s0 =	stileid.u32;
	[bflag:$0x2] =	sbarrier.arrive $0xFFFF  }
0x9e: {  	p0 =	sne.s32 s0, $0x0;
	s0 =	rddreg [dreg:$0x3]  }
0x9f: {  	s0 =	sadd.s32 @!p0 $0x100000, s0  }
0xa0: {  	[sflag:s0] =	ssyncadd.tile.s32 @!p0 $0x1;
	_ =	shalt  }
.Lfunc_end2:
_tile_overlayer_lowered:
.L_overlay_start_2:
0xa1: {  	(tag) =	ssettag $0x2  }
0xa2: {  	s0 =	rddreg [dreg:$0x0];
	s2 =	stileid.u32  }
0xa3: {  	s1 =	rddreg [dreg:$0x1];
	p0 =	sne.s32 s2, $0x0  }
0xa4: {  	s3 =	rddreg [dreg:$0x2];
	[bflag:$0x3] =	sbarrier.arrive $0xFFFF;
	s2 =	simm.s32 @!p0 $0x1C04  }
0xa5: {  	[timem:s3], [sflag:s2] =	dma.local @!p0 [hbm:s0], s1  }
0xa6: {  	s0 =	simm.s32 @!p0 $0x4  }
0xa7: {  	_ =	swait.ge @!p0 [sflag:s0], s1  }
0xa8: {  	s1 =	ssub.s32 @!p0 $0x0, s1;
	[sflag:s0] =	ssyncset.done @!p0 $0x0  }
0xa9: {  	[sflag:s0] =	ssyncadd.s32 @!p0 s1  }
0xaa: {  	[bflag:$0x3] =	sbarrier.arrive $0xFFFF  }
0xab: {  	_ =	shalt  }

// kernel: kernel.7.cloned.1.call-start
scs
__scs_entry_jumppad:
0x0: {  	(pc) =	sbr.rel $0x88, $3  }
0x1: {  	(tag) =	ssettag $0x0;
	lr =	simm.s32 $0x1  }
0x2: {  	[smem:$0x3F92] =	sst lr;
	_ =	strace $0xD0000000  }
0x3: {  	_ = 	snop  }
0x4: {  	_ = 	snop  }
0x5: {  	_ = 	snop  }
0x6: {  	_ = 	snop  }
0x7: {  	_ = 	snop  }
__scs_overlays_trampoline_lowered:
0x8: {  	[smem:$0x3FA1] =	sst s0  }
0x9: {  	[smem:$0x3FA2] =	sst s1  }
0xa: {  	[smem:$0x3FA3] =	sst s2  }
0xb: {  	[smem:$0x3FA4] =	sst s3  }
0xc: {  	[smem:$0x3FA5] =	sst s4  }
0xd: {  	[smem:$0x3FA6] =	sst s5  }
0xe: {  	[smem:$0x3FA7] =	sst s6  }
0xf: {  	[smem:$0x3FA8] =	sst s7  }
0x10: {  	[smem:$0x3FA9] =	sst s8  }
0x11: {  	[smem:$0x3FAA] =	sst s9;
	s0 =	simm.s32 @!p0 $0x0  }
0x12: {  	s1 =	sld [smem:$0x3F90];
	s0 =	simm.s32 @p0 $0x1  }
0x13: {  	[smem:$0x3FAB] =	sst s0;
	s0 =	simm.s32 @!p1 $0x0  }
0x14: {  	s2 =	sld [smem:$0x3F8F];
	s0 =	simm.s32 @p1 $0x1  }
0x15: {  	[smem:$0x3FAC] =	sst s0;
	s0 =	simm.s32 @!p2 $0x0  }
0x16: {  	s3 =	sld [smem:$0x3FDB];
	s0 =	simm.s32 @p2 $0x1  }
0x17: {  	s4 =	simm.s32 $0x1BF5;
	[smem:$0x3FAE] =	sst s0  }
0x18: {  	s0 =	sld [smem:$0x3F91];
	_ =	swait.ge [sflag:s4], $0x0  }
0x19: {  	s7 =	sld [smem:$0x3F92]  }
0x1a: {  	s8 =	sadd.s32 $0xFFFFE003, lr  }
0x1b: {  	s9 =	sadd.s32 $0xFFFFFEF7, lr;
	s5 =	simm.s32 $0xFFFFFFFF;
	p2 =	slt.u32 s8, $0xFFFFF086  }
0x1c: {  	p1 =	slt.u32 s9, $0xF7A;
	s5 =	simm.s32 @!p2 $0x0  }
0x1d: {  	s5 =	simm.s32 @p1 $0x1;
	p0 =	seq.s32 s7, s2  }
0x1e: {  	s7 =	smul.u32 @!p0 $0xF7A, s2;
	p2 =	seq.s32 @!p0 s5, $0x0  }
0x1f: {  	s9 =	smul.u32 $0xF7A, s1;
	s8 =	simm.s32 @!p0 $0x1BF5;
	p2 =	por !p2, p0  }
0x20: {  	[sflag:s8] =	ssyncset.s32 @!p0 $0xFFFFF086;
	s6 =	sadd.s32 @!p0 s3, s7;
	s7 =	simm.s32 @!p0 $0x108  }
0x21: {  	s3 =	sadd.s32 s3, s9;
	s6 =	sadd.s32 @!p0 $0x88, s6;
	s7 =	simm.s32 @p2 $0x1082  }
0x22: {  	[simem:s7], [sflag:s8] =	dma.local @!p0 [hbm:s6], $0xF7A  }
0x23: {  	s9 =	sor.u32 $0xD0000000, s2;
	s6 =	simm.s32 $0x108;
	_ =	swait.ge @!p0 [sflag:s8], $0x0  }
0x24: {  	s3 =	sadd.s32 $0x88, s3;
	s6 =	simm.s32 @!p1 $0x1082;
	[sflag:s4] =	ssyncset.s32 $0xFFFFF086  }
0x25: {  	[simem:s6], [sflag:s4] =	dma.local [hbm:s3], $0xF7A  }
0x26: {  	[smem:$0x3F92] =	sst s1;
	(tag) =	ssettag s2;
	_ =	strace s9  }
0x27: {  	s1 =	sld [smem:$0x3FA2]  }
0x28: {  	s2 =	sld [smem:$0x3FA3]  }
0x29: {  	s4 =	sld [smem:$0x3FA5]  }
0x2a: {  	p0 =	seq.s32 s5, $0x0;
	s5 =	sld [smem:$0x3FA6]  }
0x2b: {  	s6 =	sld [smem:$0x3FA7]  }
0x2c: {  	s7 =	sld [smem:$0x3FA8]  }
0x2d: {  	s3 =	simm.s32 $0x108;
	s8 =	sld [smem:$0x3FA9]  }
0x2e: {  	s3 =	simm.s32 @!p0 $0x1082;
	s9 =	sld [smem:$0x3FAA]  }
0x2f: {  	lr =	sadd.s32 s0, s3;
	s0 =	sld [smem:$0x3FA1]  }
0x30: {  	s3 =	sld [smem:$0x3FA4]  }
0x31: {  	[smem:$0x3FAD] =	sst s10  }
0x32: {  	s10 =	sld [smem:$0x3FAB];
	_ =	sdelay $0x3  }
0x33: {  	p0 =	seq.s32 s10, $0x1;
	s10 =	sld [smem:$0x3FAD];
	_ =	sdelay $0x3  }
0x34: {  	[smem:$0x3FAD] =	sst s10  }
0x35: {  	s10 =	sld [smem:$0x3FAC];
	_ =	sdelay $0x3  }
0x36: {  	p1 =	seq.s32 s10, $0x1;
	s10 =	sld [smem:$0x3FAD];
	_ =	sdelay $0x3  }
0x37: {  	[smem:$0x3FAD] =	sst s10  }
0x38: {  	s10 =	sld [smem:$0x3FAE]  }
0x39: {  	_ = 	snop;
	(pc) =	sbr.ind lr, $3  }
0x3a: {  	_ = 	snop  }
0x3b: {  	_ = 	snop  }
0x3c: {  	p2 =	seq.s32 s10, $0x1;
	s10 =	sld [smem:$0x3FAD]  }
0x3d: {  	_ =	shalt  }
0x3e: {  	_ =	shalt  }
0x3f: {  	_ =	shalt  }
0x40: {  	_ =	shalt  }
0x41: {  	_ =	shalt  }
0x42: {  	_ =	shalt  }
0x43: {  	_ =	shalt  }
0x44: {  	_ =	shalt  }
0x45: {  	_ =	shalt  }
0x46: {  	_ =	shalt  }
0x47: {  	_ =	shalt  }
0x48: {  	_ =	shalt  }
0x49: {  	_ =	shalt  }
0x4a: {  	_ =	shalt  }
0x4b: {  	_ =	shalt  }
0x4c: {  	_ =	shalt  }
0x4d: {  	_ =	shalt  }
0x4e: {  	_ =	shalt  }
0x4f: {  	_ =	shalt  }
0x50: {  	_ =	shalt  }
0x51: {  	_ =	shalt  }
0x52: {  	_ =	shalt  }
0x53: {  	_ =	shalt  }
0x54: {  	_ =	shalt  }
0x55: {  	_ =	shalt  }
0x56: {  	_ =	shalt  }
0x57: {  	_ =	shalt  }
0x58: {  	_ =	shalt  }
0x59: {  	_ =	shalt  }
0x5a: {  	_ =	shalt  }
0x5b: {  	_ =	shalt  }
0x5c: {  	_ =	shalt  }
0x5d: {  	_ =	shalt  }
0x5e: {  	_ =	shalt  }
0x5f: {  	_ =	shalt  }
0x60: {  	_ =	shalt  }
0x61: {  	_ =	shalt  }
0x62: {  	_ =	shalt  }
0x63: {  	_ =	shalt  }
0x64: {  	_ =	shalt  }
0x65: {  	_ =	shalt  }
0x66: {  	_ =	shalt  }
0x67: {  	_ =	shalt  }
0x68: {  	_ =	shalt  }
0x69: {  	_ =	shalt  }
0x6a: {  	_ =	shalt  }
0x6b: {  	_ =	shalt  }
0x6c: {  	_ =	shalt  }
0x6d: {  	_ =	shalt  }
0x6e: {  	_ =	shalt  }
0x6f: {  	_ =	shalt  }
0x70: {  	_ =	shalt  }
0x71: {  	_ =	shalt  }
0x72: {  	_ =	shalt  }
0x73: {  	_ =	shalt  }
0x74: {  	_ =	shalt  }
0x75: {  	_ =	shalt  }
0x76: {  	_ =	shalt  }
0x77: {  	_ =	shalt  }
0x78: {  	_ =	shalt  }
0x79: {  	_ =	shalt  }
0x7a: {  	_ =	shalt  }
0x7b: {  	_ =	shalt  }
0x7c: {  	_ =	shalt  }
0x7d: {  	_ =	shalt  }
0x7e: {  	_ =	shalt  }
0x7f: {  	_ =	shalt  }
0x80: {  	_ =	shalt  }
0x81: {  	_ =	shalt  }
0x82: {  	_ =	shalt  }
0x83: {  	_ =	shalt  }
0x84: {  	_ =	shalt  }
0x85: {  	_ =	shalt  }
0x86: {  	_ =	shalt  }
0x87: {  	_ =	shalt  }
.Lfunc_end0:
.L_simem_size_0:
called_computation_lowered:
.L_overlay_start_0:
0x88: {  	s2 =	sld [smem:$0x3FD9]  }
0x89: {  	s3 =	sld [smem:$0x3FFE];
	_ =	sdelay $0x1  }
0x8a: {  	s1 =	srdreg.scid  }
0x8b: {  	s0 =	sand.u32 $0x1, s1  }
0x8c: {  	s14 =	sshll.u32 s0, $0xA;
	s2 =	sadd.s32 s3, s2  }
0x8d: {  	s2 =	sadd.s32 s2, s14  }
0x8e: {  	[smem:$0x3FB9] =	sst s2  }
0x8f: {  	_ = 	snop  }
0x90: {  	s2 =	sld [smem:$0x3FD0];
	_ =	sdelay $0x2  }
0x91: {  	s15 =	simm.s32 $0xA;
	s4 =	simm.s32 $0x10  }
0x92: {  	[smem:s4], [sflag:s15] =	dma.local [hbm:s2], $0x1  }
0x93: {  	_ =	swait.eq [sflag:s15], $0x1  }
0x94: {  	[sflag:s15] =	ssyncset.done $0x0  }
0x95: {  	s16 =	sld [smem:$0x10];
	[sflag:s15] =	ssyncadd.s32 $0xFFFFFFFF  }
0x96: {  	s17 =	sld [smem:$0x11];
	(tm) =	ssettm $0x1  }
0x97: {  	s18 =	sld [smem:$0x3FFB];
	_ =	sdelay $0x3  }
0x98: {  	_ =	strace s18  }
0x99: {  	s4 =	sld [smem:$0x3FFC];
	_ =	sdelay $0x3  }
0x9a: {  	_ =	strace s4  }
0x9b: {  	s4 =	sld [smem:$0x3FFD];
	_ =	sdelay $0x3  }
0x9c: {  	_ =	strace s4  }
0x9d: {  	_ =	strace $0x8FFFFFFF  }
0x9e: {  	s19 =	sld [smem:$0x3FDB];
	_ =	sdelay $0x1  }
0x9f: {  	s5 =	simm.s32 $_scs_section_size  }
0xa0: {  	s6 =	simm.s32 $_size__tile_overlayer_lowered;
	s7 =	simm.s32 $_tile_overlayer_lowered  }
0xa1: {  	s22 =	simm.s32 $0x1BFF;
	s21 =	sshll.u32 s7, $0x1;
	s4 =	sadd.s32 s5, s19  }
0xa2: {  	s8 =	simm.s32 $0x0;
	s20 =	sshll.u32 s6, $0x1;
	s6 =	sadd.s32 s21, s4  }
0xa3: {  	[timem:s8], [sflag:s22] =	dma.local [hbm:s6], s20  }
0xa4: {  	_ =	swait.ge [sflag:s22], s20  }
0xa5: {  	s5 =	ssub.s32 $0x0, s20;
	[sflag:s22] =	ssyncset.done $0x0  }
0xa6: {  	[sflag:s22] =	ssyncadd.s32 s5;
	_ =	sdelay $0x1  }
0xa7: {  	s23 =	simm.s32 $0x1B8B  }
0xa8: {  	_ =	swait.ge [sflag:s23], $0x1  }
0xa9: {  	[sflag:s23] =	ssyncset.done $0x0  }
0xaa: {  	s25 =	simm.s32 $0x1B8E;
	s24 =	sld [smem:$0x3FFE];
	[sflag:s23] =	ssyncadd.s32 $0xFFFFFFFF  }
0xab: {  	s26 =	simm.s32 $execute0_lowered;
	[smem:$0x3FD2] =	sst s25  }
0xac: {  	s6 =	sshll.u32 s26, $0x1;
	_ =	strace $0x80000046;
	[dreg:$0x1] =	wrdreg $0xFFFFFFFF  }
0xad: {  	s28 =	simm.s32 $_size_execute0_lowered;
	s4 =	sadd.s32 s4, s6;
	[dreg:$0x0] =	wrdreg $0x0  }
0xae: {  	s6 =	sshll.u32 s28, $0x1;
	[dreg:$0x2] =	wrdreg s4  }
0xaf: {  	[dreg:$0x3] =	wrdreg s6  }
0xb0: {  	[dreg:$0x4] =	wrdreg $0xC0  }
0xb1: {  	_ =	task [dreg:s8], $0x5FFFF  }
0xb2: {  	[dreg:$0x1] =	wrdreg $0xFFFFFFFF  }
0xb3: {  	[dreg:$0x0] =	wrdreg $0x60  }
0xb4: {  	[dreg:$0x2] =	wrdreg s16  }
0xb5: {  	[dreg:$0x3] =	wrdreg s17  }
0xb6: {  	[dreg:$0x4] =	wrdreg s24  }
0xb7: {  	[dreg:$0x5] =	wrdreg $0x9  }
0xb8: {  	_ =	task.clear_ibuf [dreg:s8], $0x6FFFF;
	_ =	strace $0x90000046  }
0xb9: {  	s29 =	simm.s32 $0x9;
	_ =	strace $0x80000048  }
0xba: {  	_ =	swait.ge [sflag:s29], $0x1  }
0xbb: {  	[sflag:s29] =	ssyncadd.s32 $0xFFFFFFFF  }
0xbc: {  	_ =	strace $0x90000048  }
0xbd: {  	_ =	sfence  }
0xbe: {  	s30 =	sld [smem:$0x0];
	_ =	sdelay $0x2  }
0xbf: {  	s31 =	sshll.u32 s1, $0xD;
	s1 =	sshrl.u32 s1, $0x2  }
0xc0: {  	s3 =	sand.u32 $0x4000, s31;
	s1 =	sadd.s32 s1, s30  }
0xc1: {  	s0 =	sor.u32 s3, s0;
	s1 =	sshll.u32 s1, $0x11  }
0xc2: {  	s0 =	sor.u32 s1, s0  }
0xc3: {  	s0 =	sadd.s32 $0x8F2B, s0  }
0xc4: {  	[sflag:s0] =	ssyncadd.remote.s32 $0x1  }
0xc5: {  	_ =	sfence.sel $0xFFFF  }
0xc6: {  	[dreg:$0x0] =	wrdreg $0xFFFFFFFF;
	(pc) =	sbr.abs _section_cstart, $3  }
0xc7: {  	[dreg:$0x1] =	wrdreg $0xFFFFFFFF  }
0xc8: {  	_ =	task.clear_ibuf [dreg:s8], $0x2FFFF;
	_ =	strace $0x9FFFFFFF  }
0xc9: {  	(tm) =	ssettm $0x7FFFFFFF  }
tec
execute0_lowered:
.L_overlay_start_1:
0x0: {  	(tag) =	ssettag $0x1  }
0x1: {  	s1 =	rddreg [dreg:$0x0]  }
0x2: {  	s2 =	rddreg [dreg:$0x1]  }
0x3: {  	s0 =	rddreg [dreg:$0x2];
	s4 =	simm.s32 $0x0  }
0x4: {  	s3 =	srdreg.scid;
	s5 =	stileid.u32;
	s17 =	simm.s32 $0x5  }
0x5: {  	s18 =	simm.s32 $0x50;
	s19 =	simm.s32 $0x8000;
	s20 =	simm.s32 $0xD000  }
0x6: {  	s22 =	simm.s32 $0xA800;
	s24 =	simm.s32 $0xF800;
	s25 =	simm.s32 $0x1  }
0x7: {  	s26 =	simm.s32 $0x12000;
	s30 =	simm.s32 $0x2;
	s31 =	simm.s32 $0x14800  }
0x8: {  	s21 =	simm.s32 $0x3;
	s3 =	sand.u32 $0x1, s3;
	s5 =	sshll.u32 s5, $0x1  }
0x9: {  	s23 =	simm.s32 $0x4;
	[smem:$0x7FF] =	sst s4;
	s6 =	sor.u32 s3, s5  }
0xa: {  	_ =	strace $0x80000047;
	s3 =	ssub.s32 $0x2, s3;
	s7 =	smul.u32 $0x138800, s6  }
0xb: {  	s5 =	sshll.u32 s6, $0xB;
	s28 =	sshrl.u32 s3, $0x1;
	s29 =	smul.u32 $0x27100, s6  }
0xc: {  	s6 =	smul.u32 $0x2710, s6;
	s8 =	sadd.s32 s5, s0;
	s5 =	sadd.s32 $0x23600, s0  }
0xd: {  	s0 =	ssub.s32 s3, s28;
	s7 =	sshrl.u32 s7, $0x3;
	s9 =	sadd.s32 $0x3600, s8  }
0xe: {  	s8 =	sadd.s32 $0x13600, s8;
	s11 =	sadd.s32 $0x50, s6;
	s15 =	smax.u32 s0, $0x1  }
0xf: {  	s0 =	simm.s32 $0x0;
	[dreg:$0x4] =	wrdreg s9;
	s7 =	sadd.s32 s5, s7  }
0x10: {  	[dreg:$0x5] =	wrdreg s8;
	s9 =	sadd.s32 s5, s29;
	s10 =	sadd.s32 $0x500, s7  }
0x11: {  	s12 =	sadd.s32 $0x26200, s7;
	s13 =	sadd.s32 $0x26700, s7;
	s14 =	sadd.s32 $0x26C00, s7  }
.LBB2_1:
0x12: {  	s3 =	rddreg [dreg:$0x4]  }
0x13: {  	[tilespmem:s4], [sflag:$0x5] =	stream.linear.gather [hbm4b:s3+s4], $0x3E80, $0x38;
	[tilespmem:$0x17000] =	vst v63  }
0x14: {  	s16 =	rddreg [dreg:$0x5];
	s7 =	simm.s32 $0x4000  }
0x15: {  	[tilespmem:s7], [sflag:$0x5] =	stream.linear.gather [hbm4b:s16+s4], $0x3E80, $0x38;
	[tilespmem:$0x17000] =	vst v63  }
0x16: {  	_ =	swait.ge [sflag:s17], $0x3E80  }
0x17: {  	[sflag:s17] =	ssyncset.done $0x0  }
0x18: {  	[sflag:s17] =	ssyncadd.s32 $0xFFFFC180  }
0x19: {  	_ =	swait.ge [sflag:s17], $0x3E80  }
0x1a: {  	[sflag:s17] =	ssyncset.done $0x0  }
0x1b: {  	[sflag:s17] =	ssyncadd.s32 $0xFFFFC180  }
0x1c: {  	[tilespmem:s19], [sflag:$0x1] =	stream.indirect.gather [hbm4b:s1+s18], $0x80, s4, s18, $0xb8;
	[tilespmem:$0x17000] =	vst v63  }
0x1d: {  	_ = 	snop  }
0x1e: {  	[tilespmem:s20], [sflag:$0x1] =	stream.indirect.gather [hbm4b:s2+s18], $0x80, s7, s18, $0xb8;
	[tilespmem:$0x17000] =	vst v63  }
0x1f: {  	s28 =	simm.s32 $0x80  }
0x20: {  	[tilespmem:s22], [sflag:$0x2] =	stream.indirect.gather [hbm4b:s1+s18], $0x80, s28, s18, $0xb8;
	[tilespmem:$0x17000] =	vst v63  }
0x21: {  	s29 =	simm.s32 $0x4080  }
0x22: {  	[tilespmem:s24], [sflag:$0x2] =	stream.indirect.gather [hbm4b:s2+s18], $0x80, s29, s18, $0xb8;
	[tilespmem:$0x17000] =	vst v63  }
0x23: {  	_ =	swait.ge [sflag:s25], $0x2800  }
0x24: {  	[sflag:s25] =	ssyncset.done $0x0  }
0x25: {  	[sflag:s25] =	ssyncadd.s32 $0xFFFFD800  }
0x26: {  	_ =	swait.ge [sflag:s25], $0x2800  }
0x27: {  	[sflag:s25] =	ssyncset.done $0x0  }
0x28: {  	s3 =	simm.s32 $0x0;
	[sflag:s25] =	ssyncadd.s32 $0xFFFFD800  }
0x29: {  	v0 =	vld [tilespmem:s3+$0x8070]  }
0x2a: {  	v1 =	vld [tilespmem:s3+$0xD070]  }
0x2b: {  	v2 =	vld [tilespmem:s3+$0x8000]  }
0x2c: {  	v3 =	vld [tilespmem:s3+$0xD000]  }
0x2d: {  	v4 =	vld [tilespmem:s3+$0x8010]  }
0x2e: {  	v5 =	vld [tilespmem:s3+$0xD010]  }
0x2f: {  	v6 =	vld [tilespmem:s3+$0x8020]  }
0x30: {  	v7 =	vld [tilespmem:s3+$0x8030]  }
0x31: {  	v0 =	vadd.f32 v1, v0;
	v1 =	vld [tilespmem:s3+$0xD020]  }
0x32: {  	v2 =	vadd.f32 v3, v2;
	v3 =	vld [tilespmem:s3+$0xD030]  }
0x33: {  	v8 =	vld [tilespmem:s3+$0xD040]  }
0x34: {  	[tilespmem:s3+$0x12070] =	vst v0;
	v0 =	vadd.f32 v5, v4;
	v4 =	vld [tilespmem:s3+$0x8040]  }
0x35: {  	[tilespmem:s3+$0x12000] =	vst v2;
	v2 =	vld [tilespmem:s3+$0xD050]  }
0x36: {  	[tilespmem:s3+$0x12010] =	vst v0;
	v0 =	vld [tilespmem:s3+$0x8050];
	v1 =	vadd.f32 v1, v6  }
0x37: {  	v6 =	vadd.f32 v3, v7;
	v3 =	vld [tilespmem:s3+$0xD060]  }
0x38: {  	s7 =	simm.s32 $0x80;
	[tilespmem:s3+$0x12020] =	vst v1;
	v1 =	vld [tilespmem:s3+$0x8060]  }
0x39: {  	s16 =	simm.s32 $0x400;
	v5 =	vld [tilespmem:s7+$0x8070];
	[tilespmem:s3+$0x12030] =	vst v6;
	v4 =	vadd.f32 v8, v4  }
.LBB2_2:
0x3a: {  	p0 =	sne.s32 s16, $0x9E00;
	v6 =	vld [tilespmem:s7+$0xD070]  }
0x3b: {  	v7 =	vld [tilespmem:s7+$0x8000];
	[tilespmem:s3+$0x12040] =	vst v4;
	v0 =	vadd.f32 v2, v0  }
0x3c: {  	v2 =	vld [tilespmem:s7+$0xD000]  }
0x3d: {  	v4 =	vld [tilespmem:s7+$0x8010];
	[tilespmem:s3+$0x12050] =	vst v0;
	v0 =	vadd.f32 v3, v1  }
0x3e: {  	v1 =	vld [tilespmem:s7+$0xD010]  }
0x3f: {  	v3 =	vld [tilespmem:s7+$0x8020];
	v5 =	vadd.f32 v6, v5;
	[tilespmem:s3+$0x12060] =	vst v0;
	s3 =	smov.u32 s7  }
0x40: {  	v0 =	vld [tilespmem:s3+$0xD020]  }
0x41: {  	v2 =	vadd.f32 v2, v7;
	v6 =	vld [tilespmem:s3+$0x8030];
	[tilespmem:s3+$0x12070] =	vst v5  }
0x42: {  	v5 =	vld [tilespmem:s3+$0xD030]  }
0x43: {  	[tilespmem:s3+$0x12000] =	vst v2;
	v1 =	vadd.f32 v1, v4;
	v4 =	vld [tilespmem:s3+$0x8040]  }
0x44: {  	v7 =	vld [tilespmem:s3+$0xD040]  }
.Ltmp0:
0x45: {  	[tilespmem:s3+$0x12010] =	vst v1;
	v1 =	vadd.f32 v0, v3;
	v0 =	vld [tilespmem:s3+$0x8050];
	(pc) =	sbr.rel @p0 .LBB2_2-.Ltmp0, $4  }
0x46: {  	v2 =	vld [tilespmem:s3+$0xD050]  }
0x47: {  	[tilespmem:s3+$0x12020] =	vst v1;
	v6 =	vadd.f32 v5, v6;
	v1 =	vld [tilespmem:s3+$0x8060]  }
0x48: {  	s7 =	sshra.s32 s16, $0x2;
	v3 =	vld [tilespmem:s3+$0xD060]  }
0x49: {  	s16 =	sadd.s32 $0x200, s16;
	v5 =	vld [tilespmem:s7+$0x8070];
	[tilespmem:s3+$0x12030] =	vst v6;
	v4 =	vadd.f32 v7, v4  }
0x4a: {  	v6 =	vld [tilespmem:s7+$0xD070]  }
0x4b: {  	v7 =	vld [tilespmem:s7+$0x8000]  }
0x4c: {  	v8 =	vld [tilespmem:s7+$0xD000]  }
0x4d: {  	v9 =	vld [tilespmem:s7+$0x8010]  }
0x4e: {  	v10 =	vld [tilespmem:s7+$0xD010]  }
0x4f: {  	v11 =	vld [tilespmem:s7+$0x8020]  }
0x50: {  	v12 =	vld [tilespmem:s7+$0x8030]  }
0x51: {  	v5 =	vadd.f32 v6, v5;
	v6 =	vld [tilespmem:s7+$0xD020]  }
0x52: {  	v60 =	vld [tilespmem:s7+$0x8040]  }
0x53: {  	v61 =	vld [tilespmem:s7+$0xD040];
	v7 =	vadd.f32 v8, v7  }
0x54: {  	v62 =	vld [tilespmem:s7+$0xD050];
	[tilespmem:s7+$0x12070] =	vst v5  }
0x55: {  	v5 =	vld [tilespmem:s7+$0xD030];
	[tilespmem:s7+$0x12000] =	vst v7;
	v7 =	vadd.f32 v10, v9  }
0x56: {  	v0 =	vadd.f32 v2, v0;
	v2 =	vld [tilespmem:s7+$0xD060];
	v6 =	vadd.f32 v6, v11  }
0x57: {  	[tilespmem:s7+$0x12010] =	vst v7;
	v7 =	vld [tilespmem:s7+$0x8050]  }
0x58: {  	[tilespmem:s7+$0x12020] =	vst v6;
	v6 =	vld [tilespmem:s7+$0x8060]  }
0x59: {  	[tilespmem:s3+$0x12040] =	vst v4;
	v1 =	vadd.f32 v3, v1  }
0x5a: {  	[tilespmem:s3+$0x12050] =	vst v0;
	v0 =	vadd.f32 v5, v12  }
0x5b: {  	[tilespmem:s3+$0x12060] =	vst v1;
	v1 =	vadd.f32 v61, v60  }
0x5c: {  	[tilespmem:s7+$0x12030] =	vst v0;
	v0 =	vadd.f32 v62, v7  }
0x5d: {  	[tilespmem:s7+$0x12040] =	vst v1;
	v1 =	vadd.f32 v2, v6  }
0x5e: {  	[tilespmem:s7+$0x12050] =	vst v0  }
0x5f: {  	s16 =	simm.s32 $0x0;
	[tilespmem:s7+$0x12060] =	vst v1  }
0x60: {  	[hbm4b:s9+s16] =	stream.linear.scatter [tilespmem:s26], [sflag:$0x3], $0x2800, $0x38;
	[tilespmem:$0x17000] =	vst v63  }
0x61: {  	s28 =	simm.s32 $0x100  }
0x62: {  	[tilespmem:s19], [sflag:$0x1] =	stream.indirect.gather [hbm4b:s1+s18], $0x80, s28, s18, $0xb8;
	[tilespmem:$0x17000] =	vst v63  }
0x63: {  	s29 =	simm.s32 $0x4100  }
0x64: {  	[tilespmem:s20], [sflag:$0x1] =	stream.indirect.gather [hbm4b:s2+s18], $0x80, s29, s18, $0xb8;
	[tilespmem:$0x17000] =	vst v63  }
0x65: {  	_ =	swait.ge [sflag:s30], $0x2800  }
0x66: {  	[sflag:s30] =	ssyncset.done $0x0  }
0x67: {  	[sflag:s30] =	ssyncadd.s32 $0xFFFFD800  }
0x68: {  	_ =	swait.ge [sflag:s30], $0x2800  }
0x69: {  	[sflag:s30] =	ssyncset.done $0x0  }
0x6a: {  	s3 =	simm.s32 $0x0;
	[sflag:s30] =	ssyncadd.s32 $0xFFFFD800  }
0x6b: {  	v0 =	vld [tilespmem:s3+$0xA870]  }
0x6c: {  	v1 =	vld [tilespmem:s3+$0xF870]  }
0x6d: {  	v2 =	vld [tilespmem:s3+$0xA800]  }
0x6e: {  	v3 =	vld [tilespmem:s3+$0xF800]  }
0x6f: {  	v4 =	vld [tilespmem:s3+$0xA810]  }
0x70: {  	v5 =	vld [tilespmem:s3+$0xF810]  }
0x71: {  	v6 =	vld [tilespmem:s3+$0xA820]  }
0x72: {  	v7 =	vld [tilespmem:s3+$0xA830]  }
0x73: {  	v0 =	vadd.f32 v1, v0;
	v1 =	vld [tilespmem:s3+$0xF820]  }
0x74: {  	v2 =	vadd.f32 v3, v2;
	v3 =	vld [tilespmem:s3+$0xF830]  }
0x75: {  	v63 =	vld [tilespmem:s3+$0xF840]  }
0x76: {  	[tilespmem:s3+$0x14870] =	vst v0;
	v0 =	vadd.f32 v5, v4;
	v4 =	vld [tilespmem:s3+$0xA840]  }
0x77: {  	[tilespmem:s3+$0x14800] =	vst v2;
	v2 =	vld [tilespmem:s3+$0xF850]  }
0x78: {  	[tilespmem:s3+$0x14810] =	vst v0;
	v0 =	vld [tilespmem:s3+$0xA850];
	v1 =	vadd.f32 v1, v6  }
0x79: {  	v6 =	vadd.f32 v3, v7;
	v3 =	vld [tilespmem:s3+$0xF860]  }
0x7a: {  	s7 =	simm.s32 $0x80;
	[tilespmem:s3+$0x14820] =	vst v1;
	v1 =	vld [tilespmem:s3+$0xA860]  }
0x7b: {  	s16 =	simm.s32 $0x400;
	v5 =	vld [tilespmem:s7+$0xA870];
	[tilespmem:s3+$0x14830] =	vst v6;
	v4 =	vadd.f32 v63, v4  }
.LBB2_4:
0x7c: {  	p0 =	sne.s32 s16, $0x9E00;
	v6 =	vld [tilespmem:s7+$0xF870]  }
0x7d: {  	v7 =	vld [tilespmem:s7+$0xA800];
	[tilespmem:s3+$0x14840] =	vst v4;
	v0 =	vadd.f32 v2, v0  }
0x7e: {  	v2 =	vld [tilespmem:s7+$0xF800]  }
0x7f: {  	v4 =	vld [tilespmem:s7+$0xA810];
	[tilespmem:s3+$0x14850] =	vst v0;
	v0 =	vadd.f32 v3, v1  }
0x80: {  	v1 =	vld [tilespmem:s7+$0xF810]  }
0x81: {  	v3 =	vld [tilespmem:s7+$0xA820];
	v5 =	vadd.f32 v6, v5;
	[tilespmem:s3+$0x14860] =	vst v0;
	s3 =	smov.u32 s7  }
0x82: {  	v0 =	vld [tilespmem:s3+$0xF820]  }
0x83: {  	v2 =	vadd.f32 v2, v7;
	v6 =	vld [tilespmem:s3+$0xA830];
	[tilespmem:s3+$0x14870] =	vst v5  }
0x84: {  	v5 =	vld [tilespmem:s3+$0xF830]  }
0x85: {  	[tilespmem:s3+$0x14800] =	vst v2;
	v1 =	vadd.f32 v1, v4;
	v4 =	vld [tilespmem:s3+$0xA840]  }
0x86: {  	v7 =	vld [tilespmem:s3+$0xF840]  }
.Ltmp1:
0x87: {  	[tilespmem:s3+$0x14810] =	vst v1;
	v1 =	vadd.f32 v0, v3;
	v0 =	vld [tilespmem:s3+$0xA850];
	(pc) =	sbr.rel @p0 .LBB2_4-.Ltmp1, $4  }
0x88: {  	v2 =	vld [tilespmem:s3+$0xF850]  }
0x89: {  	[tilespmem:s3+$0x14820] =	vst v1;
	v6 =	vadd.f32 v5, v6;
	v1 =	vld [tilespmem:s3+$0xA860]  }
0x8a: {  	s7 =	sshra.s32 s16, $0x2;
	v3 =	vld [tilespmem:s3+$0xF860]  }
0x8b: {  	s16 =	sadd.s32 $0x200, s16;
	v5 =	vld [tilespmem:s7+$0xA870];
	[tilespmem:s3+$0x14830] =	vst v6;
	v4 =	vadd.f32 v7, v4  }
0x8c: {  	v6 =	vld [tilespmem:s7+$0xF870]  }
0x8d: {  	v7 =	vld [tilespmem:s7+$0xA800]  }
0x8e: {  	v8 =	vld [tilespmem:s7+$0xF800]  }
0x8f: {  	v9 =	vld [tilespmem:s7+$0xA810]  }
0x90: {  	v10 =	vld [tilespmem:s7+$0xF810]  }
0x91: {  	v11 =	vld [tilespmem:s7+$0xA820]  }
0x92: {  	v51 =	vld [tilespmem:s7+$0xF820]  }
0x93: {  	v12 =	vld [tilespmem:s7+$0xA830]  }
0x94: {  	v52 =	vld [tilespmem:s7+$0xF830]  }
0x95: {  	v54 =	vld [tilespmem:s7+$0xA840]  }
0x96: {  	v55 =	vld [tilespmem:s7+$0xF840];
	v0 =	vadd.f32 v2, v0  }
0x97: {  	v56 =	vld [tilespmem:s7+$0xA850];
	[tilespmem:s3+$0x14840] =	vst v4;
	v1 =	vadd.f32 v3, v1  }
0x98: {  	v57 =	vld [tilespmem:s7+$0xF850];
	[tilespmem:s3+$0x14850] =	vst v0;
	v5 =	vadd.f32 v6, v5  }
0x99: {  	v58 =	vld [tilespmem:s7+$0xA860];
	v7 =	vadd.f32 v8, v7;
	[tilespmem:s3+$0x14860] =	vst v1  }
0x9a: {  	v59 =	vld [tilespmem:s7+$0xF860];
	v53 =	vadd.f32 v10, v9;
	[tilespmem:s7+$0x14870] =	vst v5  }
0x9b: {  	v6 =	vadd.f32 v51, v11;
	[tilespmem:s7+$0x14800] =	vst v7  }
0x9c: {  	v60 =	vadd.f32 v52, v12;
	[tilespmem:s7+$0x14810] =	vst v53  }
0x9d: {  	v61 =	vadd.f32 v55, v54;
	[tilespmem:s7+$0x14820] =	vst v6  }
0x9e: {  	v62 =	vadd.f32 v57, v56;
	[tilespmem:s7+$0x14830] =	vst v60  }
0x9f: {  	v63 =	vadd.f32 v59, v58;
	[tilespmem:s7+$0x14840] =	vst v61  }
0xa0: {  	[tilespmem:s7+$0x14850] =	vst v62  }
0xa1: {  	s3 =	simm.s32 $0x0;
	[tilespmem:s7+$0x14860] =	vst v63  }
0xa2: {  	[hbm4b:s10+s3] =	stream.linear.scatter [tilespmem:s31], [sflag:$0x4], $0x2800, $0x38;
	[tilespmem:$0x17000] =	vst v63  }
0xa3: {  	s28 =	simm.s32 $0x180  }
0xa4: {  	[tilespmem:s22], [sflag:$0x2] =	stream.indirect.gather [hbm4b:s1+s18], $0x80, s28, s18, $0xb8;
	[tilespmem:$0x17000] =	vst v63  }
0xa5: {  	s29 =	simm.s32 $0x4180  }
0xa6: {  	[tilespmem:s24], [sflag:$0x2] =	stream.indirect.gather [hbm4b:s2+s18], $0x80, s29, s18, $0xb8;
	[tilespmem:$0x17000] =	vst v63  }
.LBB2_6:
0xa7: {  	_ =	swait.ge [sflag:s25], $0x2800  }
0xa8: {  	[sflag:s25] =	ssyncset.done $0x0  }
0xa9: {  	[sflag:s25] =	ssyncadd.s32 $0xFFFFD800  }
0xaa: {  	_ =	swait.ge [sflag:s25], $0x2800  }
0xab: {  	[sflag:s25] =	ssyncset.done $0x0  }
0xac: {  	[sflag:s25] =	ssyncadd.s32 $0xFFFFD800  }
0xad: {  	_ =	swait.ge [sflag:s21], $0x2800  }
0xae: {  	[sflag:s21] =	ssyncset.done $0x0  }
0xaf: {  	s28 =	simm.s32 $0x0;
	[sflag:s21] =	ssyncadd.s32 $0xFFFFD800  }
0xb0: {  	v0 =	vld [tilespmem:s28+$0x8070]  }
0xb1: {  	v1 =	vld [tilespmem:s28+$0xD070]  }
0xb2: {  	v2 =	vld [tilespmem:s28+$0x8000]  }
0xb3: {  	v3 =	vld [tilespmem:s28+$0xD000]  }
0xb4: {  	v4 =	vld [tilespmem:s28+$0x8010]  }
0xb5: {  	v5 =	vld [tilespmem:s28+$0xD010]  }
0xb6: {  	v6 =	vld [tilespmem:s28+$0x8020]  }
0xb7: {  	v7 =	vld [tilespmem:s28+$0x8030]  }
0xb8: {  	v0 =	vadd.f32 v1, v0;
	v1 =	vld [tilespmem:s28+$0xD020]  }
0xb9: {  	v2 =	vadd.f32 v3, v2;
	v3 =	vld [tilespmem:s28+$0xD030]  }
0xba: {  	v8 =	vld [tilespmem:s28+$0xD040]  }
0xbb: {  	[tilespmem:s28+$0x12070] =	vst v0;
	v0 =	vadd.f32 v5, v4;
	v4 =	vld [tilespmem:s28+$0x8040]  }
0xbc: {  	[tilespmem:s28+$0x12000] =	vst v2;
	v2 =	vld [tilespmem:s28+$0xD050]  }
0xbd: {  	[tilespmem:s28+$0x12010] =	vst v0;
	v0 =	vld [tilespmem:s28+$0x8050];
	v1 =	vadd.f32 v1, v6  }
0xbe: {  	v6 =	vadd.f32 v3, v7;
	v3 =	vld [tilespmem:s28+$0xD060]  }
0xbf: {  	s16 =	simm.s32 $0x80;
	[tilespmem:s28+$0x12020] =	vst v1;
	v1 =	vld [tilespmem:s28+$0x8060]  }
0xc0: {  	s7 =	simm.s32 $0x400;
	v5 =	vld [tilespmem:s16+$0x8070];
	[tilespmem:s28+$0x12030] =	vst v6;
	v4 =	vadd.f32 v8, v4  }
.LBB2_7:
0xc1: {  	p0 =	sne.s32 s7, $0x9E00;
	v6 =	vld [tilespmem:s16+$0xD070]  }
0xc2: {  	v7 =	vld [tilespmem:s16+$0x8000];
	[tilespmem:s28+$0x12040] =	vst v4;
	v0 =	vadd.f32 v2, v0  }
0xc3: {  	v2 =	vld [tilespmem:s16+$0xD000]  }
0xc4: {  	v4 =	vld [tilespmem:s16+$0x8010];
	[tilespmem:s28+$0x12050] =	vst v0;
	v0 =	vadd.f32 v3, v1  }
0xc5: {  	v1 =	vld [tilespmem:s16+$0xD010]  }
0xc6: {  	v3 =	vld [tilespmem:s16+$0x8020];
	v5 =	vadd.f32 v6, v5;
	[tilespmem:s28+$0x12060] =	vst v0;
	s28 =	smov.u32 s16  }
0xc7: {  	v0 =	vld [tilespmem:s28+$0xD020]  }
0xc8: {  	v2 =	vadd.f32 v2, v7;
	v6 =	vld [tilespmem:s28+$0x8030];
	[tilespmem:s28+$0x12070] =	vst v5  }
0xc9: {  	v5 =	vld [tilespmem:s28+$0xD030]  }
0xca: {  	[tilespmem:s28+$0x12000] =	vst v2;
	v1 =	vadd.f32 v1, v4;
	v4 =	vld [tilespmem:s28+$0x8040]  }
0xcb: {  	v7 =	vld [tilespmem:s28+$0xD040]  }
.Ltmp2:
0xcc: {  	[tilespmem:s28+$0x12010] =	vst v1;
	v1 =	vadd.f32 v0, v3;
	v0 =	vld [tilespmem:s28+$0x8050];
	(pc) =	sbr.rel @p0 .LBB2_7-.Ltmp2, $4  }
0xcd: {  	v2 =	vld [tilespmem:s28+$0xD050]  }
0xce: {  	[tilespmem:s28+$0x12020] =	vst v1;
	v6 =	vadd.f32 v5, v6;
	v1 =	vld [tilespmem:s28+$0x8060]  }
0xcf: {  	s16 =	sshra.s32 s7, $0x2;
	v3 =	vld [tilespmem:s28+$0xD060]  }
0xd0: {  	s7 =	sadd.s32 $0x200, s7;
	v5 =	vld [tilespmem:s16+$0x8070];
	[tilespmem:s28+$0x12030] =	vst v6;
	v4 =	vadd.f32 v7, v4  }
0xd1: {  	v6 =	vld [tilespmem:s16+$0xD070]  }
0xd2: {  	v7 =	vld [tilespmem:s16+$0x8000]  }
0xd3: {  	v8 =	vld [tilespmem:s16+$0xD000]  }
0xd4: {  	v9 =	vld [tilespmem:s16+$0x8010]  }
0xd5: {  	v10 =	vld [tilespmem:s16+$0xD010]  }
0xd6: {  	v11 =	vld [tilespmem:s16+$0x8020]  }
0xd7: {  	v12 =	vld [tilespmem:s16+$0x8030]  }
0xd8: {  	v5 =	vadd.f32 v6, v5;
	v6 =	vld [tilespmem:s16+$0xD020]  }
0xd9: {  	v60 =	vld [tilespmem:s16+$0x8040]  }
0xda: {  	v61 =	vld [tilespmem:s16+$0xD040];
	v7 =	vadd.f32 v8, v7  }
0xdb: {  	v62 =	vld [tilespmem:s16+$0xD050];
	[tilespmem:s16+$0x12070] =	vst v5  }
0xdc: {  	v5 =	vld [tilespmem:s16+$0xD030];
	[tilespmem:s16+$0x12000] =	vst v7;
	v7 =	vadd.f32 v10, v9  }
0xdd: {  	v0 =	vadd.f32 v2, v0;
	v2 =	vld [tilespmem:s16+$0xD060];
	v6 =	vadd.f32 v6, v11  }
0xde: {  	[tilespmem:s16+$0x12010] =	vst v7;
	v7 =	vld [tilespmem:s16+$0x8050]  }
0xdf: {  	[tilespmem:s16+$0x12020] =	vst v6;
	v6 =	vld [tilespmem:s16+$0x8060]  }
0xe0: {  	[tilespmem:s28+$0x12040] =	vst v4;
	v1 =	vadd.f32 v3, v1  }
0xe1: {  	s3 =	sadd.s32 $0x1, s3;
	[tilespmem:s28+$0x12050] =	vst v0;
	v0 =	vadd.f32 v5, v12  }
0xe2: {  	[tilespmem:s28+$0x12060] =	vst v1;
	v1 =	vadd.f32 v61, v60;
	s28 =	smul.u32 $0xA0, s3  }
0xe3: {  	[tilespmem:s16+$0x12030] =	vst v0;
	v0 =	vadd.f32 v62, v7  }
0xe4: {  	[tilespmem:s16+$0x12040] =	vst v1;
	s7 =	sadd.s32 s6, s28;
	v1 =	vadd.f32 v2, v6  }
0xe5: {  	s7 =	sshll.u32 s7, $0x4;
	[tilespmem:s16+$0x12050] =	vst v0  }
0xe6: {  	s8 =	simm.s32 $0x0;
	s29 =	sshll.u32 s3, $0x8;
	s7 =	sadd.s32 s5, s7;
	[tilespmem:s16+$0x12060] =	vst v1  }
0xe7: {  	[hbm4b:s7+s8] =	stream.linear.scatter [tilespmem:s26], [sflag:$0x3], $0x2800, $0x38;
	[tilespmem:$0x17000] =	vst v63  }
0xe8: {  	s8 =	sadd.s32 $0x100, s29  }
0xe9: {  	[tilespmem:s19], [sflag:$0x1] =	stream.indirect.gather [hbm4b:s1+s18], $0x80, s8, s18, $0xb8;
	[tilespmem:$0x17000] =	vst v63  }
0xea: {  	s16 =	sadd.s32 $0x4100, s29  }
0xeb: {  	[tilespmem:s20], [sflag:$0x1] =	stream.indirect.gather [hbm4b:s2+s18], $0x80, s16, s18, $0xb8;
	[tilespmem:$0x17000] =	vst v63  }
0xec: {  	_ =	swait.ge [sflag:s30], $0x2800  }
0xed: {  	[sflag:s30] =	ssyncset.done $0x0  }
0xee: {  	[sflag:s30] =	ssyncadd.s32 $0xFFFFD800  }
0xef: {  	_ =	swait.ge [sflag:s30], $0x2800  }
0xf0: {  	[sflag:s30] =	ssyncset.done $0x0  }
0xf1: {  	[sflag:s30] =	ssyncadd.s32 $0xFFFFD800  }
0xf2: {  	_ =	swait.ge [sflag:s23], $0x2800  }
0xf3: {  	[sflag:s23] =	ssyncset.done $0x0  }
0xf4: {  	s16 =	simm.s32 $0x0;
	[sflag:s23] =	ssyncadd.s32 $0xFFFFD800  }
0xf5: {  	v0 =	vld [tilespmem:s16+$0xA870]  }
0xf6: {  	v1 =	vld [tilespmem:s16+$0xF870]  }
0xf7: {  	v2 =	vld [tilespmem:s16+$0xA800]  }
0xf8: {  	v3 =	vld [tilespmem:s16+$0xF800]  }
0xf9: {  	v4 =	vld [tilespmem:s16+$0xA810]  }
0xfa: {  	v5 =	vld [tilespmem:s16+$0xF810]  }
0xfb: {  	v6 =	vld [tilespmem:s16+$0xA820]  }
0xfc: {  	v7 =	vld [tilespmem:s16+$0xA830]  }
0xfd: {  	v0 =	vadd.f32 v1, v0;
	v1 =	vld [tilespmem:s16+$0xF820]  }
0xfe: {  	v2 =	vadd.f32 v3, v2;
	v3 =	vld [tilespmem:s16+$0xF830]  }
0xff: {  	v63 =	vld [tilespmem:s16+$0xF840]  }
0x100: {  	[tilespmem:s16+$0x14870] =	vst v0;
	v0 =	vadd.f32 v5, v4;
	v4 =	vld [tilespmem:s16+$0xA840]  }
0x101: {  	[tilespmem:s16+$0x14800] =	vst v2;
	v2 =	vld [tilespmem:s16+$0xF850]  }
0x102: {  	[tilespmem:s16+$0x14810] =	vst v0;
	v0 =	vld [tilespmem:s16+$0xA850];
	v1 =	vadd.f32 v1, v6  }
0x103: {  	v6 =	vadd.f32 v3, v7;
	v3 =	vld [tilespmem:s16+$0xF860]  }
0x104: {  	s7 =	simm.s32 $0x80;
	[tilespmem:s16+$0x14820] =	vst v1;
	v1 =	vld [tilespmem:s16+$0xA860]  }
0x105: {  	s8 =	simm.s32 $0x400;
	v5 =	vld [tilespmem:s7+$0xA870];
	[tilespmem:s16+$0x14830] =	vst v6;
	v4 =	vadd.f32 v63, v4  }
.LBB2_9:
0x106: {  	p0 =	sne.s32 s8, $0x9E00;
	v6 =	vld [tilespmem:s7+$0xF870]  }
0x107: {  	v7 =	vld [tilespmem:s7+$0xA800];
	[tilespmem:s16+$0x14840] =	vst v4;
	v0 =	vadd.f32 v2, v0  }
0x108: {  	v2 =	vld [tilespmem:s7+$0xF800]  }
0x109: {  	v4 =	vld [tilespmem:s7+$0xA810];
	[tilespmem:s16+$0x14850] =	vst v0;
	v0 =	vadd.f32 v3, v1  }
0x10a: {  	v1 =	vld [tilespmem:s7+$0xF810]  }
0x10b: {  	v3 =	vld [tilespmem:s7+$0xA820];
	v5 =	vadd.f32 v6, v5;
	[tilespmem:s16+$0x14860] =	vst v0;
	s16 =	smov.u32 s7  }
0x10c: {  	v0 =	vld [tilespmem:s16+$0xF820]  }
0x10d: {  	v2 =	vadd.f32 v2, v7;
	v6 =	vld [tilespmem:s16+$0xA830];
	[tilespmem:s16+$0x14870] =	vst v5  }
0x10e: {  	v5 =	vld [tilespmem:s16+$0xF830]  }
0x10f: {  	[tilespmem:s16+$0x14800] =	vst v2;
	v1 =	vadd.f32 v1, v4;
	v4 =	vld [tilespmem:s16+$0xA840]  }
0x110: {  	v7 =	vld [tilespmem:s16+$0xF840]  }
.Ltmp3:
0x111: {  	[tilespmem:s16+$0x14810] =	vst v1;
	v1 =	vadd.f32 v0, v3;
	v0 =	vld [tilespmem:s16+$0xA850];
	(pc) =	sbr.rel @p0 .LBB2_9-.Ltmp3, $4  }
0x112: {  	v2 =	vld [tilespmem:s16+$0xF850]  }
0x113: {  	[tilespmem:s16+$0x14820] =	vst v1;
	v6 =	vadd.f32 v5, v6;
	v1 =	vld [tilespmem:s16+$0xA860]  }
0x114: {  	s7 =	sshra.s32 s8, $0x2;
	v3 =	vld [tilespmem:s16+$0xF860]  }
0x115: {  	s8 =	sadd.s32 $0x200, s8;
	v5 =	vld [tilespmem:s7+$0xA870];
	[tilespmem:s16+$0x14830] =	vst v6;
	v4 =	vadd.f32 v7, v4  }
0x116: {  	v6 =	vld [tilespmem:s7+$0xF870]  }
0x117: {  	v7 =	vld [tilespmem:s7+$0xA800]  }
0x118: {  	v8 =	vld [tilespmem:s7+$0xF800]  }
0x119: {  	v9 =	vld [tilespmem:s7+$0xA810]  }
0x11a: {  	v10 =	vld [tilespmem:s7+$0xF810]  }
0x11b: {  	v11 =	vld [tilespmem:s7+$0xA820]  }
0x11c: {  	v51 =	vld [tilespmem:s7+$0xF820]  }
0x11d: {  	v12 =	vld [tilespmem:s7+$0xA830]  }
0x11e: {  	v52 =	vld [tilespmem:s7+$0xF830]  }
0x11f: {  	v54 =	vld [tilespmem:s7+$0xA840]  }
0x120: {  	v55 =	vld [tilespmem:s7+$0xF840];
	v0 =	vadd.f32 v2, v0  }
0x121: {  	v56 =	vld [tilespmem:s7+$0xA850];
	[tilespmem:s16+$0x14840] =	vst v4;
	v1 =	vadd.f32 v3, v1  }
0x122: {  	v57 =	vld [tilespmem:s7+$0xF850];
	[tilespmem:s16+$0x14850] =	vst v0;
	v5 =	vadd.f32 v6, v5  }
0x123: {  	v58 =	vld [tilespmem:s7+$0xA860];
	v7 =	vadd.f32 v8, v7;
	[tilespmem:s16+$0x14860] =	vst v1  }
0x124: {  	v59 =	vld [tilespmem:s7+$0xF860];
	v53 =	vadd.f32 v10, v9;
	[tilespmem:s7+$0x14870] =	vst v5  }
0x125: {  	v6 =	vadd.f32 v51, v11;
	[tilespmem:s7+$0x14800] =	vst v7  }
0x126: {  	v60 =	vadd.f32 v52, v12;
	[tilespmem:s7+$0x14810] =	vst v53  }
0x127: {  	v61 =	vadd.f32 v55, v54;
	[tilespmem:s7+$0x14820] =	vst v6  }
0x128: {  	v62 =	vadd.f32 v57, v56;
	[tilespmem:s7+$0x14830] =	vst v60  }
0x129: {  	s8 =	sadd.s32 s28, s11;
	v63 =	vadd.f32 v59, v58;
	[tilespmem:s7+$0x14840] =	vst v61  }
0x12a: {  	s8 =	sshll.u32 s8, $0x4;
	[tilespmem:s7+$0x14850] =	vst v62  }
0x12b: {  	p0 =	sne.s32 s3, $0x3C;
	s16 =	sadd.s32 s5, s8;
	[tilespmem:s7+$0x14860] =	vst v63  }
0x12c: {  	[hbm4b:s16+s4] =	stream.linear.scatter [tilespmem:s31], [sflag:$0x4], $0x2800, $0x38;
	[tilespmem:$0x17000] =	vst v63  }
.Ltmp4:
0x12d: {  	_ = 	snop;
	(pc) =	sbr.rel @p0 .LBB2_6-.Ltmp4, $4  }
0x12e: {  	s28 =	sadd.s32 $0x180, s29  }
0x12f: {  	[tilespmem:s22], [sflag:$0x2] =	stream.indirect.gather [hbm4b:s1+s18], $0x80, s28, s18, $0xb8;
	[tilespmem:$0x17000] =	vst v63  }
0x130: {  	s29 =	sadd.s32 $0x4180, s29  }
0x131: {  	[tilespmem:s24], [sflag:$0x2] =	stream.indirect.gather [hbm4b:s2+s18], $0x80, s29, s18, $0xb8;
	[tilespmem:$0x17000] =	vst v63  }
0x132: {  	_ =	swait.ge [sflag:s25], $0x2800  }
0x133: {  	[sflag:s25] =	ssyncset.done $0x0  }
0x134: {  	[sflag:s25] =	ssyncadd.s32 $0xFFFFD800  }
0x135: {  	_ =	swait.ge [sflag:s25], $0x2800  }
0x136: {  	[sflag:s25] =	ssyncset.done $0x0  }
0x137: {  	[sflag:s25] =	ssyncadd.s32 $0xFFFFD800  }
0x138: {  	_ =	swait.ge [sflag:s21], $0x2800  }
0x139: {  	[sflag:s21] =	ssyncset.done $0x0  }
0x13a: {  	s3 =	simm.s32 $0x0;
	[sflag:s21] =	ssyncadd.s32 $0xFFFFD800  }
0x13b: {  	v0 =	vld [tilespmem:s3+$0x8070]  }
0x13c: {  	v1 =	vld [tilespmem:s3+$0xD070]  }
0x13d: {  	v2 =	vld [tilespmem:s3+$0x8000]  }
0x13e: {  	v3 =	vld [tilespmem:s3+$0xD000]  }
0x13f: {  	v4 =	vld [tilespmem:s3+$0x8010]  }
0x140: {  	v5 =	vld [tilespmem:s3+$0xD010]  }
0x141: {  	v6 =	vld [tilespmem:s3+$0x8020]  }
0x142: {  	v7 =	vld [tilespmem:s3+$0x8030]  }
0x143: {  	v0 =	vadd.f32 v1, v0;
	v1 =	vld [tilespmem:s3+$0xD020]  }
0x144: {  	v2 =	vadd.f32 v3, v2;
	v3 =	vld [tilespmem:s3+$0xD030]  }
0x145: {  	v8 =	vld [tilespmem:s3+$0xD040]  }
0x146: {  	[tilespmem:s3+$0x12070] =	vst v0;
	v0 =	vadd.f32 v5, v4;
	v4 =	vld [tilespmem:s3+$0x8040]  }
0x147: {  	[tilespmem:s3+$0x12000] =	vst v2;
	v2 =	vld [tilespmem:s3+$0xD050]  }
0x148: {  	[tilespmem:s3+$0x12010] =	vst v0;
	v0 =	vld [tilespmem:s3+$0x8050];
	v1 =	vadd.f32 v1, v6  }
0x149: {  	v6 =	vadd.f32 v3, v7;
	v3 =	vld [tilespmem:s3+$0xD060]  }
0x14a: {  	s7 =	simm.s32 $0x80;
	[tilespmem:s3+$0x12020] =	vst v1;
	v1 =	vld [tilespmem:s3+$0x8060]  }
0x14b: {  	s8 =	simm.s32 $0x400;
	v5 =	vld [tilespmem:s7+$0x8070];
	[tilespmem:s3+$0x12030] =	vst v6;
	v4 =	vadd.f32 v8, v4  }
.LBB2_12:
0x14c: {  	p0 =	sne.s32 s8, $0x9E00;
	v6 =	vld [tilespmem:s7+$0xD070]  }
0x14d: {  	v7 =	vld [tilespmem:s7+$0x8000];
	[tilespmem:s3+$0x12040] =	vst v4;
	v0 =	vadd.f32 v2, v0  }
0x14e: {  	v2 =	vld [tilespmem:s7+$0xD000]  }
0x14f: {  	v4 =	vld [tilespmem:s7+$0x8010];
	[tilespmem:s3+$0x12050] =	vst v0;
	v0 =	vadd.f32 v3, v1  }
0x150: {  	v1 =	vld [tilespmem:s7+$0xD010]  }
0x151: {  	v3 =	vld [tilespmem:s7+$0x8020];
	v5 =	vadd.f32 v6, v5;
	[tilespmem:s3+$0x12060] =	vst v0;
	s3 =	smov.u32 s7  }
0x152: {  	v0 =	vld [tilespmem:s3+$0xD020]  }
0x153: {  	v2 =	vadd.f32 v2, v7;
	v6 =	vld [tilespmem:s3+$0x8030];
	[tilespmem:s3+$0x12070] =	vst v5  }
0x154: {  	v5 =	vld [tilespmem:s3+$0xD030]  }
0x155: {  	[tilespmem:s3+$0x12000] =	vst v2;
	v1 =	vadd.f32 v1, v4;
	v4 =	vld [tilespmem:s3+$0x8040]  }
0x156: {  	v7 =	vld [tilespmem:s3+$0xD040]  }
.Ltmp5:
0x157: {  	[tilespmem:s3+$0x12010] =	vst v1;
	v1 =	vadd.f32 v0, v3;
	v0 =	vld [tilespmem:s3+$0x8050];
	(pc) =	sbr.rel @p0 .LBB2_12-.Ltmp5, $4  }
0x158: {  	v2 =	vld [tilespmem:s3+$0xD050]  }
0x159: {  	[tilespmem:s3+$0x12020] =	vst v1;
	v6 =	vadd.f32 v5, v6;
	v1 =	vld [tilespmem:s3+$0x8060]  }
0x15a: {  	s7 =	sshra.s32 s8, $0x2;
	v3 =	vld [tilespmem:s3+$0xD060]  }
0x15b: {  	s8 =	sadd.s32 $0x200, s8;
	v5 =	vld [tilespmem:s7+$0x8070];
	[tilespmem:s3+$0x12030] =	vst v6;
	v4 =	vadd.f32 v7, v4  }
0x15c: {  	v6 =	vld [tilespmem:s7+$0xD070]  }
0x15d: {  	v7 =	vld [tilespmem:s7+$0x8000]  }
0x15e: {  	v8 =	vld [tilespmem:s7+$0xD000]  }
0x15f: {  	v9 =	vld [tilespmem:s7+$0x8010]  }
0x160: {  	v10 =	vld [tilespmem:s7+$0xD010]  }
0x161: {  	v11 =	vld [tilespmem:s7+$0x8020]  }
0x162: {  	v12 =	vld [tilespmem:s7+$0x8030]  }
0x163: {  	v5 =	vadd.f32 v6, v5;
	v6 =	vld [tilespmem:s7+$0xD020]  }
0x164: {  	v60 =	vld [tilespmem:s7+$0x8040]  }
0x165: {  	v61 =	vld [tilespmem:s7+$0xD040];
	v7 =	vadd.f32 v8, v7  }
0x166: {  	v62 =	vld [tilespmem:s7+$0xD050];
	[tilespmem:s7+$0x12070] =	vst v5  }
0x167: {  	v5 =	vld [tilespmem:s7+$0xD030];
	[tilespmem:s7+$0x12000] =	vst v7;
	v7 =	vadd.f32 v10, v9  }
0x168: {  	v0 =	vadd.f32 v2, v0;
	v2 =	vld [tilespmem:s7+$0xD060];
	v6 =	vadd.f32 v6, v11  }
0x169: {  	[tilespmem:s7+$0x12010] =	vst v7;
	v7 =	vld [tilespmem:s7+$0x8050]  }
0x16a: {  	[tilespmem:s7+$0x12020] =	vst v6;
	v6 =	vld [tilespmem:s7+$0x8060]  }
0x16b: {  	[tilespmem:s3+$0x12040] =	vst v4;
	v1 =	vadd.f32 v3, v1  }
0x16c: {  	[tilespmem:s3+$0x12050] =	vst v0;
	v0 =	vadd.f32 v5, v12  }
0x16d: {  	[tilespmem:s3+$0x12060] =	vst v1;
	v1 =	vadd.f32 v61, v60  }
0x16e: {  	[tilespmem:s7+$0x12030] =	vst v0;
	v0 =	vadd.f32 v62, v7  }
0x16f: {  	[tilespmem:s7+$0x12040] =	vst v1;
	v1 =	vadd.f32 v2, v6  }
0x170: {  	[tilespmem:s7+$0x12050] =	vst v0  }
0x171: {  	s16 =	simm.s32 $0x0;
	[tilespmem:s7+$0x12060] =	vst v1  }
0x172: {  	[hbm4b:s12+s16] =	stream.linear.scatter [tilespmem:s26], [sflag:$0x3], $0x2800, $0x38;
	[tilespmem:$0x17000] =	vst v63  }
0x173: {  	s28 =	simm.s32 $0x3E00  }
0x174: {  	[tilespmem:s19], [sflag:$0x1] =	stream.indirect.gather [hbm4b:s1+s18], $0x80, s28, s18, $0xb8;
	[tilespmem:$0x17000] =	vst v63  }
0x175: {  	s29 =	simm.s32 $0x7E00  }
0x176: {  	[tilespmem:s20], [sflag:$0x1] =	stream.indirect.gather [hbm4b:s2+s18], $0x80, s29, s18, $0xb8;
	[tilespmem:$0x17000] =	vst v63  }
0x177: {  	_ =	swait.ge [sflag:s30], $0x2800  }
0x178: {  	[sflag:s30] =	ssyncset.done $0x0  }
0x179: {  	[sflag:s30] =	ssyncadd.s32 $0xFFFFD800  }
0x17a: {  	_ =	swait.ge [sflag:s30], $0x2800  }
0x17b: {  	[sflag:s30] =	ssyncset.done $0x0  }
0x17c: {  	[sflag:s30] =	ssyncadd.s32 $0xFFFFD800  }
0x17d: {  	_ =	swait.ge [sflag:s23], $0x2800  }
0x17e: {  	[sflag:s23] =	ssyncset.done $0x0  }
0x17f: {  	s3 =	simm.s32 $0x0;
	[sflag:s23] =	ssyncadd.s32 $0xFFFFD800  }
0x180: {  	v0 =	vld [tilespmem:s3+$0xA870]  }
0x181: {  	v1 =	vld [tilespmem:s3+$0xF870]  }
0x182: {  	v2 =	vld [tilespmem:s3+$0xA800]  }
0x183: {  	v3 =	vld [tilespmem:s3+$0xF800]  }
0x184: {  	v4 =	vld [tilespmem:s3+$0xA810]  }
0x185: {  	v5 =	vld [tilespmem:s3+$0xF810]  }
0x186: {  	v6 =	vld [tilespmem:s3+$0xA820]  }
0x187: {  	v7 =	vld [tilespmem:s3+$0xA830]  }
0x188: {  	v0 =	vadd.f32 v1, v0;
	v1 =	vld [tilespmem:s3+$0xF820]  }
0x189: {  	v2 =	vadd.f32 v3, v2;
	v3 =	vld [tilespmem:s3+$0xF830]  }
0x18a: {  	v63 =	vld [tilespmem:s3+$0xF840]  }
0x18b: {  	[tilespmem:s3+$0x14870] =	vst v0;
	v0 =	vadd.f32 v5, v4;
	v4 =	vld [tilespmem:s3+$0xA840]  }
0x18c: {  	[tilespmem:s3+$0x14800] =	vst v2;
	v2 =	vld [tilespmem:s3+$0xF850]  }
0x18d: {  	[tilespmem:s3+$0x14810] =	vst v0;
	v0 =	vld [tilespmem:s3+$0xA850];
	v1 =	vadd.f32 v1, v6  }
0x18e: {  	v6 =	vadd.f32 v3, v7;
	v3 =	vld [tilespmem:s3+$0xF860]  }
0x18f: {  	s7 =	simm.s32 $0x80;
	[tilespmem:s3+$0x14820] =	vst v1;
	v1 =	vld [tilespmem:s3+$0xA860]  }
0x190: {  	s8 =	simm.s32 $0x400;
	v5 =	vld [tilespmem:s7+$0xA870];
	[tilespmem:s3+$0x14830] =	vst v6;
	v4 =	vadd.f32 v63, v4  }
.LBB2_14:
0x191: {  	p0 =	sne.s32 s8, $0x9E00;
	v6 =	vld [tilespmem:s7+$0xF870]  }
0x192: {  	v7 =	vld [tilespmem:s7+$0xA800];
	[tilespmem:s3+$0x14840] =	vst v4;
	v0 =	vadd.f32 v2, v0  }
0x193: {  	v2 =	vld [tilespmem:s7+$0xF800]  }
0x194: {  	v4 =	vld [tilespmem:s7+$0xA810];
	[tilespmem:s3+$0x14850] =	vst v0;
	v0 =	vadd.f32 v3, v1  }
0x195: {  	v1 =	vld [tilespmem:s7+$0xF810]  }
0x196: {  	v3 =	vld [tilespmem:s7+$0xA820];
	v5 =	vadd.f32 v6, v5;
	[tilespmem:s3+$0x14860] =	vst v0;
	s3 =	smov.u32 s7  }
0x197: {  	v0 =	vld [tilespmem:s3+$0xF820]  }
0x198: {  	v2 =	vadd.f32 v2, v7;
	v6 =	vld [tilespmem:s3+$0xA830];
	[tilespmem:s3+$0x14870] =	vst v5  }
0x199: {  	v5 =	vld [tilespmem:s3+$0xF830]  }
0x19a: {  	[tilespmem:s3+$0x14800] =	vst v2;
	v1 =	vadd.f32 v1, v4;
	v4 =	vld [tilespmem:s3+$0xA840]  }
0x19b: {  	v7 =	vld [tilespmem:s3+$0xF840]  }
.Ltmp6:
0x19c: {  	[tilespmem:s3+$0x14810] =	vst v1;
	v1 =	vadd.f32 v0, v3;
	v0 =	vld [tilespmem:s3+$0xA850];
	(pc) =	sbr.rel @p0 .LBB2_14-.Ltmp6, $4  }
0x19d: {  	v2 =	vld [tilespmem:s3+$0xF850]  }
0x19e: {  	[tilespmem:s3+$0x14820] =	vst v1;
	v6 =	vadd.f32 v5, v6;
	v1 =	vld [tilespmem:s3+$0xA860]  }
0x19f: {  	s7 =	sshra.s32 s8, $0x2;
	v3 =	vld [tilespmem:s3+$0xF860]  }
0x1a0: {  	s8 =	sadd.s32 $0x200, s8;
	v5 =	vld [tilespmem:s7+$0xA870];
	[tilespmem:s3+$0x14830] =	vst v6;
	v4 =	vadd.f32 v7, v4  }
0x1a1: {  	v6 =	vld [tilespmem:s7+$0xF870]  }
0x1a2: {  	v7 =	vld [tilespmem:s7+$0xA800]  }
0x1a3: {  	v8 =	vld [tilespmem:s7+$0xF800]  }
0x1a4: {  	v9 =	vld [tilespmem:s7+$0xA810]  }
0x1a5: {  	v10 =	vld [tilespmem:s7+$0xF810]  }
0x1a6: {  	v11 =	vld [tilespmem:s7+$0xA820]  }
0x1a7: {  	v12 =	vld [tilespmem:s7+$0xA830]  }
0x1a8: {  	v5 =	vadd.f32 v6, v5;
	v6 =	vld [tilespmem:s7+$0xF820]  }
0x1a9: {  	v60 =	vld [tilespmem:s7+$0xA840]  }
0x1aa: {  	v61 =	vld [tilespmem:s7+$0xF840];
	v7 =	vadd.f32 v8, v7  }
0x1ab: {  	v62 =	vld [tilespmem:s7+$0xF850];
	[tilespmem:s7+$0x14870] =	vst v5  }
0x1ac: {  	v5 =	vld [tilespmem:s7+$0xF830];
	[tilespmem:s7+$0x14800] =	vst v7;
	v7 =	vadd.f32 v10, v9  }
0x1ad: {  	v0 =	vadd.f32 v2, v0;
	v2 =	vld [tilespmem:s7+$0xF860];
	v6 =	vadd.f32 v6, v11  }
0x1ae: {  	[tilespmem:s7+$0x14810] =	vst v7;
	v7 =	vld [tilespmem:s7+$0xA850]  }
0x1af: {  	[tilespmem:s7+$0x14820] =	vst v6;
	v6 =	vld [tilespmem:s7+$0xA860]  }
0x1b0: {  	[tilespmem:s3+$0x14840] =	vst v4;
	v1 =	vadd.f32 v3, v1  }
0x1b1: {  	[tilespmem:s3+$0x14850] =	vst v0;
	v0 =	vadd.f32 v5, v12  }
0x1b2: {  	[tilespmem:s3+$0x14860] =	vst v1;
	v1 =	vadd.f32 v61, v60  }
0x1b3: {  	[tilespmem:s7+$0x14830] =	vst v0;
	v0 =	vadd.f32 v62, v7  }
0x1b4: {  	[tilespmem:s7+$0x14840] =	vst v1;
	v1 =	vadd.f32 v2, v6  }
0x1b5: {  	[tilespmem:s7+$0x14850] =	vst v0  }
0x1b6: {  	s29 =	simm.s32 $0x0;
	[tilespmem:s7+$0x14860] =	vst v1  }
0x1b7: {  	[hbm4b:s13+s29] =	stream.linear.scatter [tilespmem:s31], [sflag:$0x4], $0x2800, $0x38;
	[tilespmem:$0x17000] =	vst v63  }
0x1b8: {  	_ =	swait.ge [sflag:s25], $0x2800  }
0x1b9: {  	[sflag:s25] =	ssyncset.done $0x0  }
0x1ba: {  	[sflag:s25] =	ssyncadd.s32 $0xFFFFD800  }
0x1bb: {  	_ =	swait.ge [sflag:s25], $0x2800  }
0x1bc: {  	[sflag:s25] =	ssyncset.done $0x0  }
0x1bd: {  	[sflag:s25] =	ssyncadd.s32 $0xFFFFD800  }
0x1be: {  	_ =	swait.ge [sflag:s21], $0x2800  }
0x1bf: {  	[sflag:s21] =	ssyncset.done $0x0  }
0x1c0: {  	s3 =	simm.s32 $0x0;
	[sflag:s21] =	ssyncadd.s32 $0xFFFFD800  }
0x1c1: {  	v0 =	vld [tilespmem:s3+$0x8070]  }
0x1c2: {  	v1 =	vld [tilespmem:s3+$0xD070]  }
0x1c3: {  	v2 =	vld [tilespmem:s3+$0x8000]  }
0x1c4: {  	v3 =	vld [tilespmem:s3+$0xD000]  }
0x1c5: {  	v4 =	vld [tilespmem:s3+$0x8010]  }
0x1c6: {  	v5 =	vld [tilespmem:s3+$0xD010]  }
0x1c7: {  	v6 =	vld [tilespmem:s3+$0x8020]  }
0x1c8: {  	v7 =	vld [tilespmem:s3+$0x8030]  }
0x1c9: {  	v0 =	vadd.f32 v1, v0;
	v1 =	vld [tilespmem:s3+$0xD020]  }
0x1ca: {  	v2 =	vadd.f32 v3, v2;
	v3 =	vld [tilespmem:s3+$0xD030]  }
0x1cb: {  	v63 =	vld [tilespmem:s3+$0xD040]  }
0x1cc: {  	[tilespmem:s3+$0x12070] =	vst v0;
	v0 =	vadd.f32 v5, v4;
	v4 =	vld [tilespmem:s3+$0x8040]  }
0x1cd: {  	[tilespmem:s3+$0x12000] =	vst v2;
	v2 =	vld [tilespmem:s3+$0xD050]  }
0x1ce: {  	[tilespmem:s3+$0x12010] =	vst v0;
	v0 =	vld [tilespmem:s3+$0x8050];
	v1 =	vadd.f32 v1, v6  }
0x1cf: {  	v6 =	vadd.f32 v3, v7;
	v3 =	vld [tilespmem:s3+$0xD060]  }
0x1d0: {  	s7 =	simm.s32 $0x80;
	[tilespmem:s3+$0x12020] =	vst v1;
	v1 =	vld [tilespmem:s3+$0x8060]  }
0x1d1: {  	s8 =	simm.s32 $0x400;
	v5 =	vld [tilespmem:s7+$0x8070];
	[tilespmem:s3+$0x12030] =	vst v6;
	v4 =	vadd.f32 v63, v4  }
.LBB2_16:
0x1d2: {  	p0 =	sne.s32 s8, $0x9E00;
	v6 =	vld [tilespmem:s7+$0xD070]  }
0x1d3: {  	v7 =	vld [tilespmem:s7+$0x8000];
	[tilespmem:s3+$0x12040] =	vst v4;
	v0 =	vadd.f32 v2, v0  }
0x1d4: {  	v2 =	vld [tilespmem:s7+$0xD000]  }
0x1d5: {  	v4 =	vld [tilespmem:s7+$0x8010];
	[tilespmem:s3+$0x12050] =	vst v0;
	v0 =	vadd.f32 v3, v1  }
0x1d6: {  	v1 =	vld [tilespmem:s7+$0xD010]  }
0x1d7: {  	v3 =	vld [tilespmem:s7+$0x8020];
	v5 =	vadd.f32 v6, v5;
	[tilespmem:s3+$0x12060] =	vst v0;
	s3 =	smov.u32 s7  }
0x1d8: {  	v0 =	vld [tilespmem:s3+$0xD020]  }
0x1d9: {  	v2 =	vadd.f32 v2, v7;
	v6 =	vld [tilespmem:s3+$0x8030];
	[tilespmem:s3+$0x12070] =	vst v5  }
0x1da: {  	v5 =	vld [tilespmem:s3+$0xD030]  }
0x1db: {  	[tilespmem:s3+$0x12000] =	vst v2;
	v1 =	vadd.f32 v1, v4;
	v4 =	vld [tilespmem:s3+$0x8040]  }
0x1dc: {  	v7 =	vld [tilespmem:s3+$0xD040]  }
.Ltmp7:
0x1dd: {  	[tilespmem:s3+$0x12010] =	vst v1;
	v1 =	vadd.f32 v0, v3;
	v0 =	vld [tilespmem:s3+$0x8050];
	(pc) =	sbr.rel @p0 .LBB2_16-.Ltmp7, $4  }
0x1de: {  	v2 =	vld [tilespmem:s3+$0xD050]  }
0x1df: {  	[tilespmem:s3+$0x12020] =	vst v1;
	v6 =	vadd.f32 v5, v6;
	v1 =	vld [tilespmem:s3+$0x8060]  }
0x1e0: {  	s7 =	sshra.s32 s8, $0x2;
	v3 =	vld [tilespmem:s3+$0xD060]  }
0x1e1: {  	s8 =	sadd.s32 $0x200, s8;
	v5 =	vld [tilespmem:s7+$0x8070];
	[tilespmem:s3+$0x12030] =	vst v6;
	v4 =	vadd.f32 v7, v4  }
0x1e2: {  	v6 =	vld [tilespmem:s7+$0xD070]  }
0x1e3: {  	v7 =	vld [tilespmem:s7+$0x8000]  }
0x1e4: {  	v8 =	vld [tilespmem:s7+$0xD000]  }
0x1e5: {  	v9 =	vld [tilespmem:s7+$0x8010]  }
0x1e6: {  	v10 =	vld [tilespmem:s7+$0xD010]  }
0x1e7: {  	v11 =	vld [tilespmem:s7+$0x8020]  }
0x1e8: {  	v51 =	vld [tilespmem:s7+$0xD020]  }
0x1e9: {  	v12 =	vld [tilespmem:s7+$0x8030]  }
0x1ea: {  	v52 =	vld [tilespmem:s7+$0xD030]  }
0x1eb: {  	v54 =	vld [tilespmem:s7+$0x8040]  }
0x1ec: {  	v55 =	vld [tilespmem:s7+$0xD040];
	v0 =	vadd.f32 v2, v0  }
0x1ed: {  	v56 =	vld [tilespmem:s7+$0x8050];
	[tilespmem:s3+$0x12040] =	vst v4;
	v1 =	vadd.f32 v3, v1  }
0x1ee: {  	v57 =	vld [tilespmem:s7+$0xD050];
	[tilespmem:s3+$0x12050] =	vst v0;
	v5 =	vadd.f32 v6, v5  }
0x1ef: {  	v58 =	vld [tilespmem:s7+$0x8060];
	v7 =	vadd.f32 v8, v7;
	[tilespmem:s3+$0x12060] =	vst v1  }
0x1f0: {  	v59 =	vld [tilespmem:s7+$0xD060];
	v53 =	vadd.f32 v10, v9;
	[tilespmem:s7+$0x12070] =	vst v5  }
0x1f1: {  	v6 =	vadd.f32 v51, v11;
	[tilespmem:s7+$0x12000] =	vst v7  }
0x1f2: {  	v60 =	vadd.f32 v52, v12;
	[tilespmem:s7+$0x12010] =	vst v53  }
0x1f3: {  	v61 =	vadd.f32 v55, v54;
	[tilespmem:s7+$0x12020] =	vst v6  }
0x1f4: {  	v62 =	vadd.f32 v57, v56;
	[tilespmem:s7+$0x12030] =	vst v60  }
0x1f5: {  	v63 =	vadd.f32 v59, v58;
	[tilespmem:s7+$0x12040] =	vst v61  }
0x1f6: {  	[tilespmem:s7+$0x12050] =	vst v62  }
0x1f7: {  	s0 =	sadd.s32 $0x1, s0;
	[tilespmem:s7+$0x12060] =	vst v63  }
0x1f8: {  	[hbm4b:s14+s4] =	stream.linear.scatter [tilespmem:s26], [sflag:$0x3], $0x2800, $0x38;
	[tilespmem:$0x17000] =	vst v63  }
0x1f9: {  	p0 =	sne.s32 s0, s15;
	_ =	swait.ge [sflag:s21], $0x2800  }
.Ltmp8:
0x1fa: {  	[sflag:s21] =	ssyncset.done $0x0;
	(pc) =	sbr.rel @p0 .LBB2_1-.Ltmp8, $4  }
0x1fb: {  	[sflag:s21] =	ssyncadd.s32 $0xFFFFD800  }
0x1fc: {  	_ =	swait.ge [sflag:s23], $0x2800  }
0x1fd: {  	[sflag:s23] =	ssyncset.done $0x0  }
0x1fe: {  	[sflag:s23] =	ssyncadd.s32 $0xFFFFD800  }
0x1ff: {  	_ =	sfence.sel $0x180000  }
0x200: {  	[bflag:$0x0] =	sbarrier.arrive $0xFFFF  }
0x201: {  	_ =	strace $0x90000047  }
0x202: {  	s0 =	stileid.u32;
	[bflag:$0x2] =	sbarrier.arrive $0xFFFF  }
0x203: {  	p0 =	sne.s32 s0, $0x0;
	s0 =	rddreg [dreg:$0x3]  }
0x204: {  	s0 =	sadd.s32 @!p0 $0x100000, s0  }
0x205: {  	[sflag:s0] =	ssyncadd.tile.s32 @!p0 $0x1;
	_ =	shalt  }
.Lfunc_end2:
_tile_overlayer_lowered:
.L_overlay_start_2:
0x206: {  	(tag) =	ssettag $0x2  }
0x207: {  	s0 =	rddreg [dreg:$0x0];
	s2 =	stileid.u32  }
0x208: {  	s1 =	rddreg [dreg:$0x1];
	p0 =	sne.s32 s2, $0x0  }
0x209: {  	s3 =	rddreg [dreg:$0x2];
	[bflag:$0x3] =	sbarrier.arrive $0xFFFF;
	s2 =	simm.s32 @!p0 $0x1C06  }
0x20a: {  	[timem:s3], [sflag:s2] =	dma.local @!p0 [hbm:s0], s1  }
0x20b: {  	s0 =	simm.s32 @!p0 $0x6  }
0x20c: {  	_ =	swait.ge @!p0 [sflag:s0], s1  }
0x20d: {  	s1 =	ssub.s32 @!p0 $0x0, s1;
	[sflag:s0] =	ssyncset.done @!p0 $0x0  }
0x20e: {  	[sflag:s0] =	ssyncadd.s32 @!p0 s1  }
0x20f: {  	[bflag:$0x3] =	sbarrier.arrive $0xFFFF  }
0x210: {  	_ =	shalt  }

</sc_bundles>
